<compile_context>
chip_gen: v7x
topology: tpu7x:2x2x1
jax: 0.10.2.dev20260603
libtpu: 0.0.44.dev20260713+nightly
codegen_flags: <defaults>
</compile_context>

<pallas_src>
import functools

import jax
import jax.numpy as jnp
from jax import lax
from jax.experimental import pallas as pl
from jax.experimental.pallas import tpu as pltpu
from jax.experimental.pallas import tpu_sc as plsc

_NB = 8
_RB = 16
_CAP = 700
_NBKT = 248


def _lane(vec, l):
    lv = jnp.broadcast_to(jnp.int32(l), (16,))
    return jnp.take_along_axis(
        vec, lv, axis=0, mode=lax.GatherScatterMode.PROMISE_IN_BOUNDS
    )[0]


def _make_gather(B: int, D: int):
    mesh = plsc.VectorSubcoreMesh(core_axis_name="c", subcore_axis_name="s")
    n_vec = B // 16

    @functools.partial(
        pl.kernel,
        mesh=mesh,
        out_type=jax.ShapeDtypeStruct((B * D,), jnp.float32),
        scratch_types=[
            pltpu.VMEM((B,), jnp.int32),
            pltpu.VMEM((256,), jnp.int32),
            pltpu.VMEM((16,), jnp.int32),
            pltpu.VMEM((16,), jnp.int32),
            pltpu.VMEM((_NB, D, 128), jnp.float32),
            pltpu.VMEM((_RB, D), jnp.float32),
            pltpu.VMEM((272,), jnp.int32),
            pltpu.SMEM((_CAP,), jnp.int32),
            pltpu.SMEM((_CAP,), jnp.int32),
            pltpu.SMEM((258,), jnp.int32),
            pltpu.SemaphoreType.DMA((_NB,)),
            pltpu.SemaphoreType.DMA((_RB,)),
        ],
        compiler_params=pltpu.CompilerParams(
            use_tc_tiling_on_sc=True, needs_layout_passes=False
        ),
    )
    def gather_kernel(
        idx_hbm, tab_t_hbm, out_hbm, idx_vm, counts_vm, stage_u, stage_p,
        blk_v, row_v, starts_vm, grp_u, grp_p, cursors, fsems, rsems,
    ):
        num_cores = lax.axis_size("c")
        wid = lax.axis_index("s") * num_cores + lax.axis_index("c")
        widv = jnp.broadcast_to(wid, (16,))
        zeros = jnp.zeros((16,), jnp.int32)
        ones = jnp.ones((16,), jnp.int32)
        iota = lax.iota(jnp.int32, 16)

        def fetch(b, t):
            tc = jnp.minimum(32 * b + wid, 7812)
            g = pl.multiple_of(tc << 7, 128)
            pltpu.async_copy(
                tab_t_hbm.at[:, pl.ds(g, 128)], blk_v.at[t], fsems.at[t]
            )

        for t in range(_NB):
            fetch(t, t)

        pltpu.sync_copy(idx_hbm, idx_vm)

        for z in range(16):
            counts_vm[pl.ds(16 * z, 16)] = zeros

        def hist_body(v, carry):
            for q in range(4):
                vec = idx_vm[pl.ds(pl.multiple_of(16 * (4 * v + q), 16), 16)]
                own = ((vec >> 7) & 31) == widv
                plsc.addupdate_scatter(
                    counts_vm.at[pl.ds(0, 256)], [vec >> 12], ones, mask=own
                )
            return carry

        lax.fori_loop(0, n_vec // 4, hist_body, 0)

        carry = jnp.int32(0)
        for z in range(16):
            c = counts_vm[pl.ds(16 * z, 16)]
            cum = plsc.cumsum(c)
            excl = (cum - c) + carry
            starts_vm[pl.ds(16 * z, 16)] = excl
            carry = carry + _lane(cum, 15)
        starts_vm[pl.ds(256, 16)] = jnp.broadcast_to(carry, (16,))
        total = carry

        def read_start(b):
            base = pl.multiple_of((b >> 4) << 4, 16)
            return _lane(starts_vm[pl.ds(base, 16)], b & 15)

        def reinit_cursors():
            def cinit(i, carry2):
                cursors[i] = read_start(i)
                return carry2

            lax.fori_loop(0, 258, cinit, 0)

        reinit_cursors()

        def place_body(v, carry2):
            for q in range(2):
                vec = idx_vm[pl.ds(pl.multiple_of(16 * (2 * v + q), 16), 16)]
                own = ((vec >> 7) & 31) == widv
                cnt = _lane(plsc.all_reduce_population_count(own), 0)

                @pl.when(cnt > 0)
                def _():
                    plsc.store_compressed(
                        stage_u.at[pl.ds(0, 16)], vec, mask=own
                    )
                    plsc.store_compressed(
                        stage_p.at[pl.ds(0, 16)],
                        iota + 16 * (2 * v + q),
                        mask=own,
                    )
                    su = stage_u[...]
                    sp = stage_p[...]

                    def put(k, carry3):
                        u = _lane(su, k)
                        b = u >> 12
                        o = cursors[b]
                        cursors[b] = o + 1

                        @pl.when(o < _CAP)
                        def _():
                            grp_u[o] = u
                            grp_p[o] = _lane(sp, k)

                        return carry3

                    lax.fori_loop(0, cnt, put, 0)

            return carry2

        lax.fori_loop(0, n_vec // 2, place_body, 0)

        def extract_row(blkref, u, r):
            cidx = jnp.broadcast_to(u & 127, (16,))
            for k in range(D // 16):
                ridx = lax.iota(jnp.int32, 16) + (16 * k)
                vals = plsc.load_gather(blkref, [ridx, cidx])
                row_v[r, pl.ds(16 * k, 16)] = vals

        def write_row(r, p):
            pltpu.async_copy(
                row_v.at[r], out_hbm.at[pl.ds(p * D, D)], rsems.at[r]
            )

        def drain_row(r):
            pltpu.make_async_copy(
                row_v.at[r], out_hbm.at[pl.ds(0, D)], rsems.at[r]
            ).wait()

        capped = jnp.minimum(total, _CAP)

        def bucket_outer(b0, carry2):
            for t in range(_NB):
                b = _NB * b0 + t
                pltpu.make_async_copy(
                    tab_t_hbm.at[:, pl.ds(0, 128)], blk_v.at[t], fsems.at[t]
                ).wait()
                s0 = jnp.minimum(read_start(b), _CAP)
                s1 = jnp.minimum(read_start(b + 1), _CAP)

                def emit(e, carry3):
                    r = e & (_RB - 1)

                    @pl.when(e >= _RB)
                    def _():
                        drain_row(r)

                    u = grp_u[e]
                    extract_row(blk_v.at[t], u, r)
                    write_row(r, grp_p[e])
                    return carry3

                lax.fori_loop(s0, s1, emit, 0)

                @pl.when(b + _NB < _NBKT)
                def _():
                    fetch(b + _NB, t)

            return carry2

        lax.fori_loop(0, _NBKT // _NB, bucket_outer, 0)

        def final_drain(j, carry2):
            drain_row(j & (_RB - 1))
            return carry2

        lax.fori_loop(0, jnp.minimum(capped, _RB), final_drain, 0)

        @pl.when(total > _CAP)
        def _():
            reinit_cursors()

            def scan_body(v, carry2):
                vec = idx_vm[pl.ds(pl.multiple_of(16 * v, 16), 16)]
                own = ((vec >> 7) & 31) == widv
                cnt = _lane(plsc.all_reduce_population_count(own), 0)

                @pl.when(cnt > 0)
                def _():
                    plsc.store_compressed(stage_u.at[pl.ds(0, 16)], vec, mask=own)
                    plsc.store_compressed(stage_p.at[pl.ds(0, 16)], iota + 16 * v, mask=own)
                    su = stage_u[...]
                    sp = stage_p[...]

                    def put(k, carry3):
                        u = _lane(su, k)
                        b = u >> 12
                        o = cursors[b]
                        cursors[b] = o + 1

                        @pl.when(o >= _CAP)
                        def _():
                            g = pl.multiple_of((u >> 7) << 7, 128)
                            pltpu.async_copy(
                                tab_t_hbm.at[:, pl.ds(g, 128)],
                                blk_v.at[0],
                                fsems.at[0],
                            ).wait()
                            extract_row(blk_v.at[0], u, 0)
                            write_row(0, _lane(sp, k))
                            drain_row(0)

                        return carry3

                    lax.fori_loop(0, cnt, put, 0)

                return carry2

            lax.fori_loop(0, n_vec, scan_body, 0)

    return gather_kernel


def kernel(UserIdx, embed_user_MLP):
    (B,) = UserIdx.shape
    V, D = embed_user_MLP.shape
    idx = UserIdx.astype(jnp.int32)
    tab_t = embed_user_MLP.T
    fn = _make_gather(B, D)
    out = fn(idx, tab_t)
    return out.reshape(B, D)

# --- scband reference (transcript-rebuilt; emitter-appended) ---
"""Pipeline reference for scband-slice-user-embedding-64424509440754 (READ-ONLY COPY).

The authoritative reference and input builder live on the scoring server;
editing this copy changes nothing except your own understanding.
"""

import jax, jax.numpy as jnp
import numpy as np

N_USERS = 1000000
DIM = 64
BATCH = 16384


def setup_inputs(seed: int = 0) -> dict:
    key = jax.random.key(seed)
    k_idx, k_tab = jax.random.split(key)
    UserIdx = jax.random.randint(k_idx, (BATCH,), 0, N_USERS, dtype=jnp.int64) if jax.config.jax_enable_x64 else jax.random.randint(k_idx, (BATCH,), 0, N_USERS, dtype=jnp.int32)
    embed_user_MLP = jax.random.normal(k_tab, (N_USERS, DIM), dtype=jnp.float32)
    return {"UserIdx": UserIdx, "embed_user_MLP": embed_user_MLP}


def reference(UserIdx, embed_user_MLP):
    # Faithful translation of torch.nn.Embedding lookup: table[idx]
    return jnp.take(embed_user_MLP, UserIdx, axis=0)

if __name__ == "__main__":
    import jax
    _d = setup_inputs()
    print(jax.jit(kernel)(*tuple(_d.values())))

</pallas_src>

<mosaic_0001>
#map = affine_map<(d0, d1) -> (0)>
#map1 = affine_map<(d0, d1) -> (0, 0)>
module attributes {stable_mosaic.version = 14 : i64} {
  func.func @gather_kernel(%arg0: i32, %arg1: i32, %arg2: memref<16384xi32, #tpu.memory_space<hbm>>, %arg3: memref<64x1000000xf32, #tpu.memory_space<hbm>>, %arg4: memref<1048576xf32, #tpu.memory_space<hbm>>, %arg5: memref<16384xi32, #tpu.memory_space<vmem>>, %arg6: memref<256xi32, #tpu.memory_space<vmem>>, %arg7: memref<16xi32, #tpu.memory_space<vmem>>, %arg8: memref<16xi32, #tpu.memory_space<vmem>>, %arg9: memref<8x64x128xf32, #tpu.memory_space<vmem>>, %arg10: memref<16x64xf32, #tpu.memory_space<vmem>>, %arg11: memref<272xi32, #tpu.memory_space<vmem>>, %arg12: memref<700xi32, #tpu.memory_space<smem>>, %arg13: memref<700xi32, #tpu.memory_space<smem>>, %arg14: memref<258xi32, #tpu.memory_space<smem>>, %arg15: memref<8x!tpu.dma_semaphore, #tpu.memory_space<semaphore_mem>>, %arg16: memref<16x!tpu.dma_semaphore, #tpu.memory_space<semaphore_mem>>) attributes {dimension_semantics = [#tpu.dimension_semantics<core_parallel>, #tpu.dimension_semantics<subcore_parallel>], iteration_bounds = array<i64: 2, 16>, scalar_prefetch = 0 : i64, scratch_operands = 12 : i64, tpu.core_type = #tpu.core_type<sc_vector_subcore>, window_params = [{transform_indices = #map}, {transform_indices = #map1}, {transform_indices = #map}]} {
    %mul3A = arith.constant 2 : i32
    %mul3A_0 = arith.muli %arg1, %mul3A : i32
    %add3A = arith.addi %mul3A_0, %arg0 : i32
    %broadcast_in_dim3A = vector.broadcast %add3A : i32 to vector<16xi32>
    %broadcast_in_dim3A_1 = arith.constant 0 : i32
    %broadcast_in_dim3A_2 = vector.broadcast %broadcast_in_dim3A_1 : i32 to vector<16xi32>
    %broadcast_in_dim3A_3 = arith.constant 1 : i32
    %broadcast_in_dim3A_4 = vector.broadcast %broadcast_in_dim3A_3 : i32 to vector<16xi32>
    %iota3A = tpu.iota {dimensions = array<i32: 0>} : vector<16xi32>
    %add3A_5 = arith.constant 0 : i32
    %add3A_6 = arith.addi %add3A_5, %add3A : i32
    %min3A = arith.constant 7812 : i32
    %min3A_7 = arith.minsi %add3A_6, %min3A : i32
    %shift_left3A = arith.constant 7 : i32
    %shift_left3A_8 = arith.shli %min3A_7, %shift_left3A : i32
    %multiple_of3A = tpu.assume_multiple %shift_left3A_8, 128 : i32
    %dma_start3A = arith.constant 0 : i32
    %dma_start3A_9 = arith.constant 0 : i32
    %dma_start3A_10 = arith.constant 0 : i32
    %dma_start3A_11 = arith.constant 0 : i32
    %dma_start3A_12 = tpu.memref_slice %arg9[%dma_start3A, %dma_start3A_10, %dma_start3A_11] : memref<8x64x128xf32, #tpu.memory_space<vmem>> -> memref<1x64x128xf32, #tpu.memory_space<vmem>>
    %dma_start3A_13 = tpu.memref_squeeze %dma_start3A_12 : memref<1x64x128xf32, #tpu.memory_space<vmem>> -> memref<64x128xf32, #tpu.memory_space<vmem>>
    %dma_start3A_14 = arith.constant 0 : i32
    %dma_start3A_15 = tpu.memref_slice %arg3[%dma_start3A_14, %multiple_of3A] : memref<64x1000000xf32, #tpu.memory_space<hbm>> -> memref<64x128xf32, #tpu.memory_space<hbm>>
    %dma_start3A_16 = tpu.memref_slice %arg15[%dma_start3A_9] : memref<8x!tpu.dma_semaphore, #tpu.memory_space<semaphore_mem>> -> memref<1x!tpu.dma_semaphore, #tpu.memory_space<semaphore_mem>>
    %dma_start3A_17 = tpu.memref_squeeze %dma_start3A_16 : memref<1x!tpu.dma_semaphore, #tpu.memory_space<semaphore_mem>> -> memref<!tpu.dma_semaphore, #tpu.memory_space<semaphore_mem>>
    %dma_start3A_18 = arith.constant 0 : i32
    %dma_start3A_19 = arith.constant 0 : i32
    %dma_start3A_20 = tpu.memref_slice %arg9[%dma_start3A, %dma_start3A_18, %dma_start3A_19] : memref<8x64x128xf32, #tpu.memory_space<vmem>> -> memref<1x64x128xf32, #tpu.memory_space<vmem>>
    %dma_start3A_21 = tpu.memref_squeeze %dma_start3A_20 : memref<1x64x128xf32, #tpu.memory_space<vmem>> -> memref<64x128xf32, #tpu.memory_space<vmem>>
    %dma_start3A_22 = arith.constant 0 : i32
    %dma_start3A_23 = tpu.memref_slice %arg3[%dma_start3A_22, %multiple_of3A] : memref<64x1000000xf32, #tpu.memory_space<hbm>> -> memref<64x128xf32, #tpu.memory_space<hbm>>
    tpu.enqueue_dma source(%dma_start3A_23 : memref<64x128xf32, #tpu.memory_space<hbm>>) target(%dma_start3A_21 : memref<64x128xf32, #tpu.memory_space<vmem>>) target_semaphore(%dma_start3A_17 : memref<!tpu.dma_semaphore, #tpu.memory_space<semaphore_mem>>)
    %add3A_24 = arith.constant 32 : i32
    %add3A_25 = arith.addi %add3A_24, %add3A : i32
    %min3A_26 = arith.constant 7812 : i32
    %min3A_27 = arith.minsi %add3A_25, %min3A_26 : i32
    %shift_left3A_28 = arith.constant 7 : i32
    %shift_left3A_29 = arith.shli %min3A_27, %shift_left3A_28 : i32
    %multiple_of3A_30 = tpu.assume_multiple %shift_left3A_29, 128 : i32
    %dma_start3A_31 = arith.constant 1 : i32
    %dma_start3A_32 = arith.constant 1 : i32
    %dma_start3A_33 = arith.constant 0 : i32
    %dma_start3A_34 = arith.constant 0 : i32
    %dma_start3A_35 = tpu.memref_slice %arg9[%dma_start3A_31, %dma_start3A_33, %dma_start3A_34] : memref<8x64x128xf32, #tpu.memory_space<vmem>> -> memref<1x64x128xf32, #tpu.memory_space<vmem>>
    %dma_start3A_36 = tpu.memref_squeeze %dma_start3A_35 : memref<1x64x128xf32, #tpu.memory_space<vmem>> -> memref<64x128xf32, #tpu.memory_space<vmem>>
    %dma_start3A_37 = arith.constant 0 : i32
    %dma_start3A_38 = tpu.memref_slice %arg3[%dma_start3A_37, %multiple_of3A_30] : memref<64x1000000xf32, #tpu.memory_space<hbm>> -> memref<64x128xf32, #tpu.memory_space<hbm>>
    %dma_start3A_39 = tpu.memref_slice %arg15[%dma_start3A_32] : memref<8x!tpu.dma_semaphore, #tpu.memory_space<semaphore_mem>> -> memref<1x!tpu.dma_semaphore, #tpu.memory_space<semaphore_mem>>
    %dma_start3A_40 = tpu.memref_squeeze %dma_start3A_39 : memref<1x!tpu.dma_semaphore, #tpu.memory_space<semaphore_mem>> -> memref<!tpu.dma_semaphore, #tpu.memory_space<semaphore_mem>>
    %dma_start3A_41 = arith.constant 0 : i32
    %dma_start3A_42 = arith.constant 0 : i32
    %dma_start3A_43 = tpu.memref_slice %arg9[%dma_start3A_31, %dma_start3A_41, %dma_start3A_42] : memref<8x64x128xf32, #tpu.memory_space<vmem>> -> memref<1x64x128xf32, #tpu.memory_space<vmem>>
    %dma_start3A_44 = tpu.memref_squeeze %dma_start3A_43 : memref<1x64x128xf32, #tpu.memory_space<vmem>> -> memref<64x128xf32, #tpu.memory_space<vmem>>
    %dma_start3A_45 = arith.constant 0 : i32
    %dma_start3A_46 = tpu.memref_slice %arg3[%dma_start3A_45, %multiple_of3A_30] : memref<64x1000000xf32, #tpu.memory_space<hbm>> -> memref<64x128xf32, #tpu.memory_space<hbm>>
    tpu.enqueue_dma source(%dma_start3A_46 : memref<64x128xf32, #tpu.memory_space<hbm>>) target(%dma_start3A_44 : memref<64x128xf32, #tpu.memory_space<vmem>>) target_semaphore(%dma_start3A_40 : memref<!tpu.dma_semaphore, #tpu.memory_space<semaphore_mem>>)
    %add3A_47 = arith.constant 64 : i32
    %add3A_48 = arith.addi %add3A_47, %add3A : i32
    %min3A_49 = arith.constant 7812 : i32
    %min3A_50 = arith.minsi %add3A_48, %min3A_49 : i32
    %shift_left3A_51 = arith.constant 7 : i32
    %shift_left3A_52 = arith.shli %min3A_50, %shift_left3A_51 : i32
    %multiple_of3A_53 = tpu.assume_multiple %shift_left3A_52, 128 : i32
    %dma_start3A_54 = arith.constant 2 : i32
    %dma_start3A_55 = arith.constant 2 : i32
    %dma_start3A_56 = arith.constant 0 : i32
    %dma_start3A_57 = arith.constant 0 : i32
    %dma_start3A_58 = tpu.memref_slice %arg9[%dma_start3A_54, %dma_start3A_56, %dma_start3A_57] : memref<8x64x128xf32, #tpu.memory_space<vmem>> -> memref<1x64x128xf32, #tpu.memory_space<vmem>>
    %dma_start3A_59 = tpu.memref_squeeze %dma_start3A_58 : memref<1x64x128xf32, #tpu.memory_space<vmem>> -> memref<64x128xf32, #tpu.memory_space<vmem>>
    %dma_start3A_60 = arith.constant 0 : i32
    %dma_start3A_61 = tpu.memref_slice %arg3[%dma_start3A_60, %multiple_of3A_53] : memref<64x1000000xf32, #tpu.memory_space<hbm>> -> memref<64x128xf32, #tpu.memory_space<hbm>>
    %dma_start3A_62 = tpu.memref_slice %arg15[%dma_start3A_55] : memref<8x!tpu.dma_semaphore, #tpu.memory_space<semaphore_mem>> -> memref<1x!tpu.dma_semaphore, #tpu.memory_space<semaphore_mem>>
    %dma_start3A_63 = tpu.memref_squeeze %dma_start3A_62 : memref<1x!tpu.dma_semaphore, #tpu.memory_space<semaphore_mem>> -> memref<!tpu.dma_semaphore, #tpu.memory_space<semaphore_mem>>
    %dma_start3A_64 = arith.constant 0 : i32
    %dma_start3A_65 = arith.constant 0 : i32
    %dma_start3A_66 = tpu.memref_slice %arg9[%dma_start3A_54, %dma_start3A_64, %dma_start3A_65] : memref<8x64x128xf32, #tpu.memory_space<vmem>> -> memref<1x64x128xf32, #tpu.memory_space<vmem>>
    %dma_start3A_67 = tpu.memref_squeeze %dma_start3A_66 : memref<1x64x128xf32, #tpu.memory_space<vmem>> -> memref<64x128xf32, #tpu.memory_space<vmem>>
    %dma_start3A_68 = arith.constant 0 : i32
    %dma_start3A_69 = tpu.memref_slice %arg3[%dma_start3A_68, %multiple_of3A_53] : memref<64x1000000xf32, #tpu.memory_space<hbm>> -> memref<64x128xf32, #tpu.memory_space<hbm>>
    tpu.enqueue_dma source(%dma_start3A_69 : memref<64x128xf32, #tpu.memory_space<hbm>>) target(%dma_start3A_67 : memref<64x128xf32, #tpu.memory_space<vmem>>) target_semaphore(%dma_start3A_63 : memref<!tpu.dma_semaphore, #tpu.memory_space<semaphore_mem>>)
    %add3A_70 = arith.constant 96 : i32
    %add3A_71 = arith.addi %add3A_70, %add3A : i32
    %min3A_72 = arith.constant 7812 : i32
    %min3A_73 = arith.minsi %add3A_71, %min3A_72 : i32
    %shift_left3A_74 = arith.constant 7 : i32
    %shift_left3A_75 = arith.shli %min3A_73, %shift_left3A_74 : i32
    %multiple_of3A_76 = tpu.assume_multiple %shift_left3A_75, 128 : i32
    %dma_start3A_77 = arith.constant 3 : i32
    %dma_start3A_78 = arith.constant 3 : i32
    %dma_start3A_79 = arith.constant 0 : i32
    %dma_start3A_80 = arith.constant 0 : i32
    %dma_start3A_81 = tpu.memref_slice %arg9[%dma_start3A_77, %dma_start3A_79, %dma_start3A_80] : memref<8x64x128xf32, #tpu.memory_space<vmem>> -> memref<1x64x128xf32, #tpu.memory_space<vmem>>
    %dma_start3A_82 = tpu.memref_squeeze %dma_start3A_81 : memref<1x64x128xf32, #tpu.memory_space<vmem>> -> memref<64x128xf32, #tpu.memory_space<vmem>>
    %dma_start3A_83 = arith.constant 0 : i32
    %dma_start3A_84 = tpu.memref_slice %arg3[%dma_start3A_83, %multiple_of3A_76] : memref<64x1000000xf32, #tpu.memory_space<hbm>> -> memref<64x128xf32, #tpu.memory_space<hbm>>
    %dma_start3A_85 = tpu.memref_slice %arg15[%dma_start3A_78] : memref<8x!tpu.dma_semaphore, #tpu.memory_space<semaphore_mem>> -> memref<1x!tpu.dma_semaphore, #tpu.memory_space<semaphore_mem>>
    %dma_start3A_86 = tpu.memref_squeeze %dma_start3A_85 : memref<1x!tpu.dma_semaphore, #tpu.memory_space<semaphore_mem>> -> memref<!tpu.dma_semaphore, #tpu.memory_space<semaphore_mem>>
    %dma_start3A_87 = arith.constant 0 : i32
    %dma_start3A_88 = arith.constant 0 : i32
    %dma_start3A_89 = tpu.memref_slice %arg9[%dma_start3A_77, %dma_start3A_87, %dma_start3A_88] : memref<8x64x128xf32, #tpu.memory_space<vmem>> -> memref<1x64x128xf32, #tpu.memory_space<vmem>>
    %dma_start3A_90 = tpu.memref_squeeze %dma_start3A_89 : memref<1x64x128xf32, #tpu.memory_space<vmem>> -> memref<64x128xf32, #tpu.memory_space<vmem>>
    %dma_start3A_91 = arith.constant 0 : i32
    %dma_start3A_92 = tpu.memref_slice %arg3[%dma_start3A_91, %multiple_of3A_76] : memref<64x1000000xf32, #tpu.memory_space<hbm>> -> memref<64x128xf32, #tpu.memory_space<hbm>>
    tpu.enqueue_dma source(%dma_start3A_92 : memref<64x128xf32, #tpu.memory_space<hbm>>) target(%dma_start3A_90 : memref<64x128xf32, #tpu.memory_space<vmem>>) target_semaphore(%dma_start3A_86 : memref<!tpu.dma_semaphore, #tpu.memory_space<semaphore_mem>>)
    %add3A_93 = arith.constant 128 : i32
    %add3A_94 = arith.addi %add3A_93, %add3A : i32
    %min3A_95 = arith.constant 7812 : i32
    %min3A_96 = arith.minsi %add3A_94, %min3A_95 : i32
    %shift_left3A_97 = arith.constant 7 : i32
    %shift_left3A_98 = arith.shli %min3A_96, %shift_left3A_97 : i32
    %multiple_of3A_99 = tpu.assume_multiple %shift_left3A_98, 128 : i32
    %dma_start3A_100 = arith.constant 4 : i32
    %dma_start3A_101 = arith.constant 4 : i32
    %dma_start3A_102 = arith.constant 0 : i32
    %dma_start3A_103 = arith.constant 0 : i32
    %dma_start3A_104 = tpu.memref_slice %arg9[%dma_start3A_100, %dma_start3A_102, %dma_start3A_103] : memref<8x64x128xf32, #tpu.memory_space<vmem>> -> memref<1x64x128xf32, #tpu.memory_space<vmem>>
    %dma_start3A_105 = tpu.memref_squeeze %dma_start3A_104 : memref<1x64x128xf32, #tpu.memory_space<vmem>> -> memref<64x128xf32, #tpu.memory_space<vmem>>
    %dma_start3A_106 = arith.constant 0 : i32
    %dma_start3A_107 = tpu.memref_slice %arg3[%dma_start3A_106, %multiple_of3A_99] : memref<64x1000000xf32, #tpu.memory_space<hbm>> -> memref<64x128xf32, #tpu.memory_space<hbm>>
    %dma_start3A_108 = tpu.memref_slice %arg15[%dma_start3A_101] : memref<8x!tpu.dma_semaphore, #tpu.memory_space<semaphore_mem>> -> memref<1x!tpu.dma_semaphore, #tpu.memory_space<semaphore_mem>>
    %dma_start3A_109 = tpu.memref_squeeze %dma_start3A_108 : memref<1x!tpu.dma_semaphore, #tpu.memory_space<semaphore_mem>> -> memref<!tpu.dma_semaphore, #tpu.memory_space<semaphore_mem>>
    %dma_start3A_110 = arith.constant 0 : i32
    %dma_start3A_111 = arith.constant 0 : i32
    %dma_start3A_112 = tpu.memref_slice %arg9[%dma_start3A_100, %dma_start3A_110, %dma_start3A_111] : memref<8x64x128xf32, #tpu.memory_space<vmem>> -> memref<1x64x128xf32, #tpu.memory_space<vmem>>
    %dma_start3A_113 = tpu.memref_squeeze %dma_start3A_112 : memref<1x64x128xf32, #tpu.memory_space<vmem>> -> memref<64x128xf32, #tpu.memory_space<vmem>>
    %dma_start3A_114 = arith.constant 0 : i32
    %dma_start3A_115 = tpu.memref_slice %arg3[%dma_start3A_114, %multiple_of3A_99] : memref<64x1000000xf32, #tpu.memory_space<hbm>> -> memref<64x128xf32, #tpu.memory_space<hbm>>
    tpu.enqueue_dma source(%dma_start3A_115 : memref<64x128xf32, #tpu.memory_space<hbm>>) target(%dma_start3A_113 : memref<64x128xf32, #tpu.memory_space<vmem>>) target_semaphore(%dma_start3A_109 : memref<!tpu.dma_semaphore, #tpu.memory_space<semaphore_mem>>)
    %add3A_116 = arith.constant 160 : i32
    %add3A_117 = arith.addi %add3A_116, %add3A : i32
    %min3A_118 = arith.constant 7812 : i32
    %min3A_119 = arith.minsi %add3A_117, %min3A_118 : i32
    %shift_left3A_120 = arith.constant 7 : i32
    %shift_left3A_121 = arith.shli %min3A_119, %shift_left3A_120 : i32
    %multiple_of3A_122 = tpu.assume_multiple %shift_left3A_121, 128 : i32
    %dma_start3A_123 = arith.constant 5 : i32
    %dma_start3A_124 = arith.constant 5 : i32
    %dma_start3A_125 = arith.constant 0 : i32
    %dma_start3A_126 = arith.constant 0 : i32
    %dma_start3A_127 = tpu.memref_slice %arg9[%dma_start3A_123, %dma_start3A_125, %dma_start3A_126] : memref<8x64x128xf32, #tpu.memory_space<vmem>> -> memref<1x64x128xf32, #tpu.memory_space<vmem>>
    %dma_start3A_128 = tpu.memref_squeeze %dma_start3A_127 : memref<1x64x128xf32, #tpu.memory_space<vmem>> -> memref<64x128xf32, #tpu.memory_space<vmem>>
    %dma_start3A_129 = arith.constant 0 : i32
    %dma_start3A_130 = tpu.memref_slice %arg3[%dma_start3A_129, %multiple_of3A_122] : memref<64x1000000xf32, #tpu.memory_space<hbm>> -> memref<64x128xf32, #tpu.memory_space<hbm>>
    %dma_start3A_131 = tpu.memref_slice %arg15[%dma_start3A_124] : memref<8x!tpu.dma_semaphore, #tpu.memory_space<semaphore_mem>> -> memref<1x!tpu.dma_semaphore, #tpu.memory_space<semaphore_mem>>
    %dma_start3A_132 = tpu.memref_squeeze %dma_start3A_131 : memref<1x!tpu.dma_semaphore, #tpu.memory_space<semaphore_mem>> -> memref<!tpu.dma_semaphore, #tpu.memory_space<semaphore_mem>>
    %dma_start3A_133 = arith.constant 0 : i32
    %dma_start3A_134 = arith.constant 0 : i32
    %dma_start3A_135 = tpu.memref_slice %arg9[%dma_start3A_123, %dma_start3A_133, %dma_start3A_134] : memref<8x64x128xf32, #tpu.memory_space<vmem>> -> memref<1x64x128xf32, #tpu.memory_space<vmem>>
    %dma_start3A_136 = tpu.memref_squeeze %dma_start3A_135 : memref<1x64x128xf32, #tpu.memory_space<vmem>> -> memref<64x128xf32, #tpu.memory_space<vmem>>
    %dma_start3A_137 = arith.constant 0 : i32
    %dma_start3A_138 = tpu.memref_slice %arg3[%dma_start3A_137, %multiple_of3A_122] : memref<64x1000000xf32, #tpu.memory_space<hbm>> -> memref<64x128xf32, #tpu.memory_space<hbm>>
    tpu.enqueue_dma source(%dma_start3A_138 : memref<64x128xf32, #tpu.memory_space<hbm>>) target(%dma_start3A_136 : memref<64x128xf32, #tpu.memory_space<vmem>>) target_semaphore(%dma_start3A_132 : memref<!tpu.dma_semaphore, #tpu.memory_space<semaphore_mem>>)
    %add3A_139 = arith.constant 192 : i32
    %add3A_140 = arith.addi %add3A_139, %add3A : i32
    %min3A_141 = arith.constant 7812 : i32
    %min3A_142 = arith.minsi %add3A_140, %min3A_141 : i32
    %shift_left3A_143 = arith.constant 7 : i32
    %shift_left3A_144 = arith.shli %min3A_142, %shift_left3A_143 : i32
    %multiple_of3A_145 = tpu.assume_multiple %shift_left3A_144, 128 : i32
    %dma_start3A_146 = arith.constant 6 : i32
    %dma_start3A_147 = arith.constant 6 : i32
    %dma_start3A_148 = arith.constant 0 : i32
    %dma_start3A_149 = arith.constant 0 : i32
    %dma_start3A_150 = tpu.memref_slice %arg9[%dma_start3A_146, %dma_start3A_148, %dma_start3A_149] : memref<8x64x128xf32, #tpu.memory_space<vmem>> -> memref<1x64x128xf32, #tpu.memory_space<vmem>>
    %dma_start3A_151 = tpu.memref_squeeze %dma_start3A_150 : memref<1x64x128xf32, #tpu.memory_space<vmem>> -> memref<64x128xf32, #tpu.memory_space<vmem>>
    %dma_start3A_152 = arith.constant 0 : i32
    %dma_start3A_153 = tpu.memref_slice %arg3[%dma_start3A_152, %multiple_of3A_145] : memref<64x1000000xf32, #tpu.memory_space<hbm>> -> memref<64x128xf32, #tpu.memory_space<hbm>>
    %dma_start3A_154 = tpu.memref_slice %arg15[%dma_start3A_147] : memref<8x!tpu.dma_semaphore, #tpu.memory_space<semaphore_mem>> -> memref<1x!tpu.dma_semaphore, #tpu.memory_space<semaphore_mem>>
    %dma_start3A_155 = tpu.memref_squeeze %dma_start3A_154 : memref<1x!tpu.dma_semaphore, #tpu.memory_space<semaphore_mem>> -> memref<!tpu.dma_semaphore, #tpu.memory_space<semaphore_mem>>
    %dma_start3A_156 = arith.constant 0 : i32
    %dma_start3A_157 = arith.constant 0 : i32
    %dma_start3A_158 = tpu.memref_slice %arg9[%dma_start3A_146, %dma_start3A_156, %dma_start3A_157] : memref<8x64x128xf32, #tpu.memory_space<vmem>> -> memref<1x64x128xf32, #tpu.memory_space<vmem>>
    %dma_start3A_159 = tpu.memref_squeeze %dma_start3A_158 : memref<1x64x128xf32, #tpu.memory_space<vmem>> -> memref<64x128xf32, #tpu.memory_space<vmem>>
    %dma_start3A_160 = arith.constant 0 : i32
    %dma_start3A_161 = tpu.memref_slice %arg3[%dma_start3A_160, %multiple_of3A_145] : memref<64x1000000xf32, #tpu.memory_space<hbm>> -> memref<64x128xf32, #tpu.memory_space<hbm>>
    tpu.enqueue_dma source(%dma_start3A_161 : memref<64x128xf32, #tpu.memory_space<hbm>>) target(%dma_start3A_159 : memref<64x128xf32, #tpu.memory_space<vmem>>) target_semaphore(%dma_start3A_155 : memref<!tpu.dma_semaphore, #tpu.memory_space<semaphore_mem>>)
    %add3A_162 = arith.constant 224 : i32
    %add3A_163 = arith.addi %add3A_162, %add3A : i32
    %min3A_164 = arith.constant 7812 : i32
    %min3A_165 = arith.minsi %add3A_163, %min3A_164 : i32
    %shift_left3A_166 = arith.constant 7 : i32
    %shift_left3A_167 = arith.shli %min3A_165, %shift_left3A_166 : i32
    %multiple_of3A_168 = tpu.assume_multiple %shift_left3A_167, 128 : i32
    %dma_start3A_169 = arith.constant 7 : i32
    %dma_start3A_170 = arith.constant 7 : i32
    %dma_start3A_171 = arith.constant 0 : i32
    %dma_start3A_172 = arith.constant 0 : i32
    %dma_start3A_173 = tpu.memref_slice %arg9[%dma_start3A_169, %dma_start3A_171, %dma_start3A_172] : memref<8x64x128xf32, #tpu.memory_space<vmem>> -> memref<1x64x128xf32, #tpu.memory_space<vmem>>
    %dma_start3A_174 = tpu.memref_squeeze %dma_start3A_173 : memref<1x64x128xf32, #tpu.memory_space<vmem>> -> memref<64x128xf32, #tpu.memory_space<vmem>>
    %dma_start3A_175 = arith.constant 0 : i32
    %dma_start3A_176 = tpu.memref_slice %arg3[%dma_start3A_175, %multiple_of3A_168] : memref<64x1000000xf32, #tpu.memory_space<hbm>> -> memref<64x128xf32, #tpu.memory_space<hbm>>
    %dma_start3A_177 = tpu.memref_slice %arg15[%dma_start3A_170] : memref<8x!tpu.dma_semaphore, #tpu.memory_space<semaphore_mem>> -> memref<1x!tpu.dma_semaphore, #tpu.memory_space<semaphore_mem>>
    %dma_start3A_178 = tpu.memref_squeeze %dma_start3A_177 : memref<1x!tpu.dma_semaphore, #tpu.memory_space<semaphore_mem>> -> memref<!tpu.dma_semaphore, #tpu.memory_space<semaphore_mem>>
    %dma_start3A_179 = arith.constant 0 : i32
    %dma_start3A_180 = arith.constant 0 : i32
    %dma_start3A_181 = tpu.memref_slice %arg9[%dma_start3A_169, %dma_start3A_179, %dma_start3A_180] : memref<8x64x128xf32, #tpu.memory_space<vmem>> -> memref<1x64x128xf32, #tpu.memory_space<vmem>>
    %dma_start3A_182 = tpu.memref_squeeze %dma_start3A_181 : memref<1x64x128xf32, #tpu.memory_space<vmem>> -> memref<64x128xf32, #tpu.memory_space<vmem>>
    %dma_start3A_183 = arith.constant 0 : i32
    %dma_start3A_184 = tpu.memref_slice %arg3[%dma_start3A_183, %multiple_of3A_168] : memref<64x1000000xf32, #tpu.memory_space<hbm>> -> memref<64x128xf32, #tpu.memory_space<hbm>>
    tpu.enqueue_dma source(%dma_start3A_184 : memref<64x128xf32, #tpu.memory_space<hbm>>) target(%dma_start3A_182 : memref<64x128xf32, #tpu.memory_space<vmem>>) target_semaphore(%dma_start3A_178 : memref<!tpu.dma_semaphore, #tpu.memory_space<semaphore_mem>>)
    "tpu.region"() ({
      %run_scoped3A = tpu.sem_alloc : memref<!tpu.dma_semaphore, #tpu.memory_space<semaphore_mem>>
      tpu.enqueue_dma source(%arg2 : memref<16384xi32, #tpu.memory_space<hbm>>) target(%arg5 : memref<16384xi32, #tpu.memory_space<vmem>>) target_semaphore(%run_scoped3A : memref<!tpu.dma_semaphore, #tpu.memory_space<semaphore_mem>>)
      tpu.wait_dma2 semaphore(%run_scoped3A : memref<!tpu.dma_semaphore, #tpu.memory_space<semaphore_mem>>) src(%arg2 : memref<16384xi32, #tpu.memory_space<hbm>>) dst(%arg5 : memref<16384xi32, #tpu.memory_space<vmem>>)
      tpu.yield
    }) : () -> ()
    %swap3A = arith.constant 0 : index
    %swap3A_185 = tpu.vector_load %arg6[%swap3A] {strides = array<i32>} : memref<256xi32, #tpu.memory_space<vmem>>, vector<16xi32>,
    tpu.vector_store %arg6[%swap3A], %broadcast_in_dim3A_2 {strides = array<i32>} : memref<256xi32, #tpu.memory_space<vmem>>, vector<16xi32>,
    %swap3A_186 = arith.constant 16 : index
    %swap3A_187 = tpu.vector_load %arg6[%swap3A_186] {strides = array<i32>} : memref<256xi32, #tpu.memory_space<vmem>>, vector<16xi32>,
    tpu.vector_store %arg6[%swap3A_186], %broadcast_in_dim3A_2 {strides = array<i32>} : memref<256xi32, #tpu.memory_space<vmem>>, vector<16xi32>,
    %swap3A_188 = arith.constant 32 : index
    %swap3A_189 = tpu.vector_load %arg6[%swap3A_188] {strides = array<i32>} : memref<256xi32, #tpu.memory_space<vmem>>, vector<16xi32>,
    tpu.vector_store %arg6[%swap3A_188], %broadcast_in_dim3A_2 {strides = array<i32>} : memref<256xi32, #tpu.memory_space<vmem>>, vector<16xi32>,
    %swap3A_190 = arith.constant 48 : index
    %swap3A_191 = tpu.vector_load %arg6[%swap3A_190] {strides = array<i32>} : memref<256xi32, #tpu.memory_space<vmem>>, vector<16xi32>,
    tpu.vector_store %arg6[%swap3A_190], %broadcast_in_dim3A_2 {strides = array<i32>} : memref<256xi32, #tpu.memory_space<vmem>>, vector<16xi32>,
    %swap3A_192 = arith.constant 64 : index
    %swap3A_193 = tpu.vector_load %arg6[%swap3A_192] {strides = array<i32>} : memref<256xi32, #tpu.memory_space<vmem>>, vector<16xi32>,
    tpu.vector_store %arg6[%swap3A_192], %broadcast_in_dim3A_2 {strides = array<i32>} : memref<256xi32, #tpu.memory_space<vmem>>, vector<16xi32>,
    %swap3A_194 = arith.constant 80 : index
    %swap3A_195 = tpu.vector_load %arg6[%swap3A_194] {strides = array<i32>} : memref<256xi32, #tpu.memory_space<vmem>>, vector<16xi32>,
    tpu.vector_store %arg6[%swap3A_194], %broadcast_in_dim3A_2 {strides = array<i32>} : memref<256xi32, #tpu.memory_space<vmem>>, vector<16xi32>,
    %swap3A_196 = arith.constant 96 : index
    %swap3A_197 = tpu.vector_load %arg6[%swap3A_196] {strides = array<i32>} : memref<256xi32, #tpu.memory_space<vmem>>, vector<16xi32>,
    tpu.vector_store %arg6[%swap3A_196], %broadcast_in_dim3A_2 {strides = array<i32>} : memref<256xi32, #tpu.memory_space<vmem>>, vector<16xi32>,
    %swap3A_198 = arith.constant 112 : index
    %swap3A_199 = tpu.vector_load %arg6[%swap3A_198] {strides = array<i32>} : memref<256xi32, #tpu.memory_space<vmem>>, vector<16xi32>,
    tpu.vector_store %arg6[%swap3A_198], %broadcast_in_dim3A_2 {strides = array<i32>} : memref<256xi32, #tpu.memory_space<vmem>>, vector<16xi32>,
    %swap3A_200 = arith.constant 128 : index
    %swap3A_201 = tpu.vector_load %arg6[%swap3A_200] {strides = array<i32>} : memref<256xi32, #tpu.memory_space<vmem>>, vector<16xi32>,
    tpu.vector_store %arg6[%swap3A_200], %broadcast_in_dim3A_2 {strides = array<i32>} : memref<256xi32, #tpu.memory_space<vmem>>, vector<16xi32>,
    %swap3A_202 = arith.constant 144 : index
    %swap3A_203 = tpu.vector_load %arg6[%swap3A_202] {strides = array<i32>} : memref<256xi32, #tpu.memory_space<vmem>>, vector<16xi32>,
    tpu.vector_store %arg6[%swap3A_202], %broadcast_in_dim3A_2 {strides = array<i32>} : memref<256xi32, #tpu.memory_space<vmem>>, vector<16xi32>,
    %swap3A_204 = arith.constant 160 : index
    %swap3A_205 = tpu.vector_load %arg6[%swap3A_204] {strides = array<i32>} : memref<256xi32, #tpu.memory_space<vmem>>, vector<16xi32>,
    tpu.vector_store %arg6[%swap3A_204], %broadcast_in_dim3A_2 {strides = array<i32>} : memref<256xi32, #tpu.memory_space<vmem>>, vector<16xi32>,
    %swap3A_206 = arith.constant 176 : index
    %swap3A_207 = tpu.vector_load %arg6[%swap3A_206] {strides = array<i32>} : memref<256xi32, #tpu.memory_space<vmem>>, vector<16xi32>,
    tpu.vector_store %arg6[%swap3A_206], %broadcast_in_dim3A_2 {strides = array<i32>} : memref<256xi32, #tpu.memory_space<vmem>>, vector<16xi32>,
    %swap3A_208 = arith.constant 192 : index
    %swap3A_209 = tpu.vector_load %arg6[%swap3A_208] {strides = array<i32>} : memref<256xi32, #tpu.memory_space<vmem>>, vector<16xi32>,
    tpu.vector_store %arg6[%swap3A_208], %broadcast_in_dim3A_2 {strides = array<i32>} : memref<256xi32, #tpu.memory_space<vmem>>, vector<16xi32>,
    %swap3A_210 = arith.constant 208 : index
    %swap3A_211 = tpu.vector_load %arg6[%swap3A_210] {strides = array<i32>} : memref<256xi32, #tpu.memory_space<vmem>>, vector<16xi32>,
    tpu.vector_store %arg6[%swap3A_210], %broadcast_in_dim3A_2 {strides = array<i32>} : memref<256xi32, #tpu.memory_space<vmem>>, vector<16xi32>,
    %swap3A_212 = arith.constant 224 : index
    %swap3A_213 = tpu.vector_load %arg6[%swap3A_212] {strides = array<i32>} : memref<256xi32, #tpu.memory_space<vmem>>, vector<16xi32>,
    tpu.vector_store %arg6[%swap3A_212], %broadcast_in_dim3A_2 {strides = array<i32>} : memref<256xi32, #tpu.memory_space<vmem>>, vector<16xi32>,
    %swap3A_214 = arith.constant 240 : index
    %swap3A_215 = tpu.vector_load %arg6[%swap3A_214] {strides = array<i32>} : memref<256xi32, #tpu.memory_space<vmem>>, vector<16xi32>,
    tpu.vector_store %arg6[%swap3A_214], %broadcast_in_dim3A_2 {strides = array<i32>} : memref<256xi32, #tpu.memory_space<vmem>>, vector<16xi32>,
    %scan3A = arith.constant 0 : i32
    %scan3A_216 = arith.constant 0 : i32
    %scan3A_217 = arith.constant 256 : i32
    %scan3A_218 = arith.addi %scan3A_216, %scan3A_217 : i32
    %scan3A_219 = arith.constant 1 : i32
    scf.for %scan3A_650 = %scan3A_216 to %scan3A_218 step %scan3A_219  : i32 {
      %mul3A_651 = arith.constant 4 : i32
      %mul3A_652 = arith.muli %mul3A_651, %scan3A_650 : i32
      %add3A_653 = arith.constant 0 : i32
      %add3A_654 = arith.addi %mul3A_652, %add3A_653 : i32
      %mul3A_655 = arith.constant 16 : i32
      %mul3A_656 = arith.muli %mul3A_655, %add3A_654 : i32
      %multiple_of3A_657 = tpu.assume_multiple %mul3A_656, 16 : i32
      %get3A_658 = arith.index_cast %multiple_of3A_657 : i32 to index
      %get3A_659 = tpu.vector_load %arg5[%get3A_658] {strides = array<i32>} : memref<16384xi32, #tpu.memory_space<vmem>>, vector<16xi32>,
      %shift_right_arithmetic3A = arith.constant 7 : i32
      %shift_right_arithmetic3A_660 = vector.broadcast %shift_right_arithmetic3A : i32 to vector<16xi32>
      %shift_right_arithmetic3A_661 = arith.shrsi %get3A_659, %shift_right_arithmetic3A_660 : vector<16xi32>
      %and3A = arith.constant 31 : i32
      %and3A_662 = vector.broadcast %and3A : i32 to vector<16xi32>
      %and3A_663 = arith.andi %shift_right_arithmetic3A_661, %and3A_662 : vector<16xi32>
      %eq3A = arith.cmpi eq, %and3A_663, %broadcast_in_dim3A : vector<16xi32>
      %shift_right_arithmetic3A_664 = arith.constant 12 : i32
      %shift_right_arithmetic3A_665 = vector.broadcast %shift_right_arithmetic3A_664 : i32 to vector<16xi32>
      %shift_right_arithmetic3A_666 = arith.shrsi %get3A_659, %shift_right_arithmetic3A_665 : vector<16xi32>
      %scatter3A = arith.constant 0 : i32
      %scatter3A_667 = tpu.memref_slice %arg6[%scatter3A] : memref<256xi32, #tpu.memory_space<vmem>> -> memref<256xi32, #tpu.memory_space<vmem>>
      tpu.vector_store_idx %scatter3A_667[%shift_right_arithmetic3A_666], %broadcast_in_dim3A_4 masked %eq3A {add = true} : memref<256xi32, #tpu.memory_space<vmem>>[vector<16xi32>], vector<16xi32>, vector<16xi1>
      %mul3A_668 = arith.constant 4 : i32
      %mul3A_669 = arith.muli %mul3A_668, %scan3A_650 : i32
      %add3A_670 = arith.constant 1 : i32
      %add3A_671 = arith.addi %mul3A_669, %add3A_670 : i32
      %mul3A_672 = arith.constant 16 : i32
      %mul3A_673 = arith.muli %mul3A_672, %add3A_671 : i32
      %multiple_of3A_674 = tpu.assume_multiple %mul3A_673, 16 : i32
      %get3A_675 = arith.index_cast %multiple_of3A_674 : i32 to index
      %get3A_676 = tpu.vector_load %arg5[%get3A_675] {strides = array<i32>} : memref<16384xi32, #tpu.memory_space<vmem>>, vector<16xi32>,
      %shift_right_arithmetic3A_677 = arith.constant 7 : i32
      %shift_right_arithmetic3A_678 = vector.broadcast %shift_right_arithmetic3A_677 : i32 to vector<16xi32>
      %shift_right_arithmetic3A_679 = arith.shrsi %get3A_676, %shift_right_arithmetic3A_678 : vector<16xi32>
      %and3A_680 = arith.constant 31 : i32
      %and3A_681 = vector.broadcast %and3A_680 : i32 to vector<16xi32>
      %and3A_682 = arith.andi %shift_right_arithmetic3A_679, %and3A_681 : vector<16xi32>
      %eq3A_683 = arith.cmpi eq, %and3A_682, %broadcast_in_dim3A : vector<16xi32>
      %shift_right_arithmetic3A_684 = arith.constant 12 : i32
      %shift_right_arithmetic3A_685 = vector.broadcast %shift_right_arithmetic3A_684 : i32 to vector<16xi32>
      %shift_right_arithmetic3A_686 = arith.shrsi %get3A_676, %shift_right_arithmetic3A_685 : vector<16xi32>
      %scatter3A_687 = arith.constant 0 : i32
      %scatter3A_688 = tpu.memref_slice %arg6[%scatter3A_687] : memref<256xi32, #tpu.memory_space<vmem>> -> memref<256xi32, #tpu.memory_space<vmem>>
      tpu.vector_store_idx %scatter3A_688[%shift_right_arithmetic3A_686], %broadcast_in_dim3A_4 masked %eq3A_683 {add = true} : memref<256xi32, #tpu.memory_space<vmem>>[vector<16xi32>], vector<16xi32>, vector<16xi1>
      %mul3A_689 = arith.constant 4 : i32
      %mul3A_690 = arith.muli %mul3A_689, %scan3A_650 : i32
      %add3A_691 = arith.constant 2 : i32
      %add3A_692 = arith.addi %mul3A_690, %add3A_691 : i32
      %mul3A_693 = arith.constant 16 : i32
      %mul3A_694 = arith.muli %mul3A_693, %add3A_692 : i32
      %multiple_of3A_695 = tpu.assume_multiple %mul3A_694, 16 : i32
      %get3A_696 = arith.index_cast %multiple_of3A_695 : i32 to index
      %get3A_697 = tpu.vector_load %arg5[%get3A_696] {strides = array<i32>} : memref<16384xi32, #tpu.memory_space<vmem>>, vector<16xi32>,
      %shift_right_arithmetic3A_698 = arith.constant 7 : i32
      %shift_right_arithmetic3A_699 = vector.broadcast %shift_right_arithmetic3A_698 : i32 to vector<16xi32>
      %shift_right_arithmetic3A_700 = arith.shrsi %get3A_697, %shift_right_arithmetic3A_699 : vector<16xi32>
      %and3A_701 = arith.constant 31 : i32
      %and3A_702 = vector.broadcast %and3A_701 : i32 to vector<16xi32>
      %and3A_703 = arith.andi %shift_right_arithmetic3A_700, %and3A_702 : vector<16xi32>
      %eq3A_704 = arith.cmpi eq, %and3A_703, %broadcast_in_dim3A : vector<16xi32>
      %shift_right_arithmetic3A_705 = arith.constant 12 : i32
      %shift_right_arithmetic3A_706 = vector.broadcast %shift_right_arithmetic3A_705 : i32 to vector<16xi32>
      %shift_right_arithmetic3A_707 = arith.shrsi %get3A_697, %shift_right_arithmetic3A_706 : vector<16xi32>
      %scatter3A_708 = arith.constant 0 : i32
      %scatter3A_709 = tpu.memref_slice %arg6[%scatter3A_708] : memref<256xi32, #tpu.memory_space<vmem>> -> memref<256xi32, #tpu.memory_space<vmem>>
      tpu.vector_store_idx %scatter3A_709[%shift_right_arithmetic3A_707], %broadcast_in_dim3A_4 masked %eq3A_704 {add = true} : memref<256xi32, #tpu.memory_space<vmem>>[vector<16xi32>], vector<16xi32>, vector<16xi1>
      %mul3A_710 = arith.constant 4 : i32
      %mul3A_711 = arith.muli %mul3A_710, %scan3A_650 : i32
      %add3A_712 = arith.constant 3 : i32
      %add3A_713 = arith.addi %mul3A_711, %add3A_712 : i32
      %mul3A_714 = arith.constant 16 : i32
      %mul3A_715 = arith.muli %mul3A_714, %add3A_713 : i32
      %multiple_of3A_716 = tpu.assume_multiple %mul3A_715, 16 : i32
      %get3A_717 = arith.index_cast %multiple_of3A_716 : i32 to index
      %get3A_718 = tpu.vector_load %arg5[%get3A_717] {strides = array<i32>} : memref<16384xi32, #tpu.memory_space<vmem>>, vector<16xi32>,
      %shift_right_arithmetic3A_719 = arith.constant 7 : i32
      %shift_right_arithmetic3A_720 = vector.broadcast %shift_right_arithmetic3A_719 : i32 to vector<16xi32>
      %shift_right_arithmetic3A_721 = arith.shrsi %get3A_718, %shift_right_arithmetic3A_720 : vector<16xi32>
      %and3A_722 = arith.constant 31 : i32
      %and3A_723 = vector.broadcast %and3A_722 : i32 to vector<16xi32>
      %and3A_724 = arith.andi %shift_right_arithmetic3A_721, %and3A_723 : vector<16xi32>
      %eq3A_725 = arith.cmpi eq, %and3A_724, %broadcast_in_dim3A : vector<16xi32>
      %shift_right_arithmetic3A_726 = arith.constant 12 : i32
      %shift_right_arithmetic3A_727 = vector.broadcast %shift_right_arithmetic3A_726 : i32 to vector<16xi32>
      %shift_right_arithmetic3A_728 = arith.shrsi %get3A_718, %shift_right_arithmetic3A_727 : vector<16xi32>
      %scatter3A_729 = arith.constant 0 : i32
      %scatter3A_730 = tpu.memref_slice %arg6[%scatter3A_729] : memref<256xi32, #tpu.memory_space<vmem>> -> memref<256xi32, #tpu.memory_space<vmem>>
      tpu.vector_store_idx %scatter3A_730[%shift_right_arithmetic3A_728], %broadcast_in_dim3A_4 masked %eq3A_725 {add = true} : memref<256xi32, #tpu.memory_space<vmem>>[vector<16xi32>], vector<16xi32>, vector<16xi1>
    }
    %scan3A_220 = arith.constant 256 : i32
    %get3A = arith.constant 0 : index
    %get3A_221 = tpu.vector_load %arg6[%get3A] {strides = array<i32>} : memref<256xi32, #tpu.memory_space<vmem>>, vector<16xi32>,
    %broadcast_in_dim3A_222 = arith.constant true
    %broadcast_in_dim3A_223 = vector.broadcast %broadcast_in_dim3A_222 : i1 to vector<16xi1>
    %masked_cumsum3A = tpu.scan <sum>, %get3A_221 masked %broadcast_in_dim3A_223 : vector<16xi32>, vector<16xi1> -> vector<16xi32>
    %sub3A = arith.subi %masked_cumsum3A, %get3A_221 : vector<16xi32>
    %add3A_224 = arith.constant 0 : i32
    %add3A_225 = vector.broadcast %add3A_224 : i32 to vector<16xi32>
    %add3A_226 = arith.addi %sub3A, %add3A_225 : vector<16xi32>
    %swap3A_227 = arith.constant 0 : index
    %swap3A_228 = tpu.vector_load %arg11[%swap3A_227] {strides = array<i32>} : memref<272xi32, #tpu.memory_space<vmem>>, vector<16xi32>,
    tpu.vector_store %arg11[%swap3A_227], %add3A_226 {strides = array<i32>} : memref<272xi32, #tpu.memory_space<vmem>>, vector<16xi32>,
    %broadcast_in_dim3A_229 = arith.constant 15 : i32
    %broadcast_in_dim3A_230 = vector.broadcast %broadcast_in_dim3A_229 : i32 to vector<16xi32>
    %lt3A = arith.constant 0 : i32
    %lt3A_231 = vector.broadcast %lt3A : i32 to vector<16xi32>
    %lt3A_232 = arith.cmpi slt, %broadcast_in_dim3A_230, %lt3A_231 : vector<16xi32>
    %add3A_233 = arith.constant 16 : i32
    %add3A_234 = vector.broadcast %add3A_233 : i32 to vector<16xi32>
    %add3A_235 = arith.addi %broadcast_in_dim3A_230, %add3A_234 : vector<16xi32>
    %select_n3A = arith.select %lt3A_232, %add3A_235, %broadcast_in_dim3A_230 : vector<16xi1>, vector<16xi32>
    %reshape3A = vector.shape_cast %select_n3A : vector<16xi32> to vector<16x1xi32>
    %gather3A = vector.shape_cast %reshape3A : vector<16x1xi32> to vector<16xi32>
    %gather3A_236 = tpu.dynamic_gather %masked_cumsum3A[%gather3A] in [0] : vector<16xi32>, vector<16xi32> -> vector<16xi32>
    %slice3A = vector.extract_strided_slice %gather3A_236 {offsets = [0], sizes = [1], strides = [1]} : vector<16xi32> to vector<1xi32>
    %squeeze3A = vector.extract %slice3A[0] : i32 from vector<1xi32>
    %add3A_237 = arith.constant 0 : i32
    %add3A_238 = arith.addi %add3A_237, %squeeze3A : i32
    %get3A_239 = arith.constant 16 : index
    %get3A_240 = tpu.vector_load %arg6[%get3A_239] {strides = array<i32>} : memref<256xi32, #tpu.memory_space<vmem>>, vector<16xi32>,
    %broadcast_in_dim3A_241 = arith.constant true
    %broadcast_in_dim3A_242 = vector.broadcast %broadcast_in_dim3A_241 : i1 to vector<16xi1>
    %masked_cumsum3A_243 = tpu.scan <sum>, %get3A_240 masked %broadcast_in_dim3A_242 : vector<16xi32>, vector<16xi1> -> vector<16xi32>
    %sub3A_244 = arith.subi %masked_cumsum3A_243, %get3A_240 : vector<16xi32>
    %add3A_245 = vector.broadcast %add3A_238 : i32 to vector<16xi32>
    %add3A_246 = arith.addi %sub3A_244, %add3A_245 : vector<16xi32>
    %swap3A_247 = arith.constant 16 : index
    %swap3A_248 = tpu.vector_load %arg11[%swap3A_247] {strides = array<i32>} : memref<272xi32, #tpu.memory_space<vmem>>, vector<16xi32>,
    tpu.vector_store %arg11[%swap3A_247], %add3A_246 {strides = array<i32>} : memref<272xi32, #tpu.memory_space<vmem>>, vector<16xi32>,
    %broadcast_in_dim3A_249 = arith.constant 15 : i32
    %broadcast_in_dim3A_250 = vector.broadcast %broadcast_in_dim3A_249 : i32 to vector<16xi32>
    %lt3A_251 = arith.constant 0 : i32
    %lt3A_252 = vector.broadcast %lt3A_251 : i32 to vector<16xi32>
    %lt3A_253 = arith.cmpi slt, %broadcast_in_dim3A_250, %lt3A_252 : vector<16xi32>
    %add3A_254 = arith.constant 16 : i32
    %add3A_255 = vector.broadcast %add3A_254 : i32 to vector<16xi32>
    %add3A_256 = arith.addi %broadcast_in_dim3A_250, %add3A_255 : vector<16xi32>
    %select_n3A_257 = arith.select %lt3A_253, %add3A_256, %broadcast_in_dim3A_250 : vector<16xi1>, vector<16xi32>
    %reshape3A_258 = vector.shape_cast %select_n3A_257 : vector<16xi32> to vector<16x1xi32>
    %gather3A_259 = vector.shape_cast %reshape3A_258 : vector<16x1xi32> to vector<16xi32>
    %gather3A_260 = tpu.dynamic_gather %masked_cumsum3A_243[%gather3A_259] in [0] : vector<16xi32>, vector<16xi32> -> vector<16xi32>
    %slice3A_261 = vector.extract_strided_slice %gather3A_260 {offsets = [0], sizes = [1], strides = [1]} : vector<16xi32> to vector<1xi32>
    %squeeze3A_262 = vector.extract %slice3A_261[0] : i32 from vector<1xi32>
    %add3A_263 = arith.addi %add3A_238, %squeeze3A_262 : i32
    %get3A_264 = arith.constant 32 : index
    %get3A_265 = tpu.vector_load %arg6[%get3A_264] {strides = array<i32>} : memref<256xi32, #tpu.memory_space<vmem>>, vector<16xi32>,
    %broadcast_in_dim3A_266 = arith.constant true
    %broadcast_in_dim3A_267 = vector.broadcast %broadcast_in_dim3A_266 : i1 to vector<16xi1>
    %masked_cumsum3A_268 = tpu.scan <sum>, %get3A_265 masked %broadcast_in_dim3A_267 : vector<16xi32>, vector<16xi1> -> vector<16xi32>
    %sub3A_269 = arith.subi %masked_cumsum3A_268, %get3A_265 : vector<16xi32>
    %add3A_270 = vector.broadcast %add3A_263 : i32 to vector<16xi32>
    %add3A_271 = arith.addi %sub3A_269, %add3A_270 : vector<16xi32>
    %swap3A_272 = arith.constant 32 : index
    %swap3A_273 = tpu.vector_load %arg11[%swap3A_272] {strides = array<i32>} : memref<272xi32, #tpu.memory_space<vmem>>, vector<16xi32>,
    tpu.vector_store %arg11[%swap3A_272], %add3A_271 {strides = array<i32>} : memref<272xi32, #tpu.memory_space<vmem>>, vector<16xi32>,
    %broadcast_in_dim3A_274 = arith.constant 15 : i32
    %broadcast_in_dim3A_275 = vector.broadcast %broadcast_in_dim3A_274 : i32 to vector<16xi32>
    %lt3A_276 = arith.constant 0 : i32
    %lt3A_277 = vector.broadcast %lt3A_276 : i32 to vector<16xi32>
    %lt3A_278 = arith.cmpi slt, %broadcast_in_dim3A_275, %lt3A_277 : vector<16xi32>
    %add3A_279 = arith.constant 16 : i32
    %add3A_280 = vector.broadcast %add3A_279 : i32 to vector<16xi32>
    %add3A_281 = arith.addi %broadcast_in_dim3A_275, %add3A_280 : vector<16xi32>
    %select_n3A_282 = arith.select %lt3A_278, %add3A_281, %broadcast_in_dim3A_275 : vector<16xi1>, vector<16xi32>
    %reshape3A_283 = vector.shape_cast %select_n3A_282 : vector<16xi32> to vector<16x1xi32>
    %gather3A_284 = vector.shape_cast %reshape3A_283 : vector<16x1xi32> to vector<16xi32>
    %gather3A_285 = tpu.dynamic_gather %masked_cumsum3A_268[%gather3A_284] in [0] : vector<16xi32>, vector<16xi32> -> vector<16xi32>
    %slice3A_286 = vector.extract_strided_slice %gather3A_285 {offsets = [0], sizes = [1], strides = [1]} : vector<16xi32> to vector<1xi32>
    %squeeze3A_287 = vector.extract %slice3A_286[0] : i32 from vector<1xi32>
    %add3A_288 = arith.addi %add3A_263, %squeeze3A_287 : i32
    %get3A_289 = arith.constant 48 : index
    %get3A_290 = tpu.vector_load %arg6[%get3A_289] {strides = array<i32>} : memref<256xi32, #tpu.memory_space<vmem>>, vector<16xi32>,
    %broadcast_in_dim3A_291 = arith.constant true
    %broadcast_in_dim3A_292 = vector.broadcast %broadcast_in_dim3A_291 : i1 to vector<16xi1>
    %masked_cumsum3A_293 = tpu.scan <sum>, %get3A_290 masked %broadcast_in_dim3A_292 : vector<16xi32>, vector<16xi1> -> vector<16xi32>
    %sub3A_294 = arith.subi %masked_cumsum3A_293, %get3A_290 : vector<16xi32>
    %add3A_295 = vector.broadcast %add3A_288 : i32 to vector<16xi32>
    %add3A_296 = arith.addi %sub3A_294, %add3A_295 : vector<16xi32>
    %swap3A_297 = arith.constant 48 : index
    %swap3A_298 = tpu.vector_load %arg11[%swap3A_297] {strides = array<i32>} : memref<272xi32, #tpu.memory_space<vmem>>, vector<16xi32>,
    tpu.vector_store %arg11[%swap3A_297], %add3A_296 {strides = array<i32>} : memref<272xi32, #tpu.memory_space<vmem>>, vector<16xi32>,
    %broadcast_in_dim3A_299 = arith.constant 15 : i32
    %broadcast_in_dim3A_300 = vector.broadcast %broadcast_in_dim3A_299 : i32 to vector<16xi32>
    %lt3A_301 = arith.constant 0 : i32
    %lt3A_302 = vector.broadcast %lt3A_301 : i32 to vector<16xi32>
    %lt3A_303 = arith.cmpi slt, %broadcast_in_dim3A_300, %lt3A_302 : vector<16xi32>
    %add3A_304 = arith.constant 16 : i32
    %add3A_305 = vector.broadcast %add3A_304 : i32 to vector<16xi32>
    %add3A_306 = arith.addi %broadcast_in_dim3A_300, %add3A_305 : vector<16xi32>
    %select_n3A_307 = arith.select %lt3A_303, %add3A_306, %broadcast_in_dim3A_300 : vector<16xi1>, vector<16xi32>
    %reshape3A_308 = vector.shape_cast %select_n3A_307 : vector<16xi32> to vector<16x1xi32>
    %gather3A_309 = vector.shape_cast %reshape3A_308 : vector<16x1xi32> to vector<16xi32>
    %gather3A_310 = tpu.dynamic_gather %masked_cumsum3A_293[%gather3A_309] in [0] : vector<16xi32>, vector<16xi32> -> vector<16xi32>
    %slice3A_311 = vector.extract_strided_slice %gather3A_310 {offsets = [0], sizes = [1], strides = [1]} : vector<16xi32> to vector<1xi32>
    %squeeze3A_312 = vector.extract %slice3A_311[0] : i32 from vector<1xi32>
    %add3A_313 = arith.addi %add3A_288, %squeeze3A_312 : i32
    %get3A_314 = arith.constant 64 : index
    %get3A_315 = tpu.vector_load %arg6[%get3A_314] {strides = array<i32>} : memref<256xi32, #tpu.memory_space<vmem>>, vector<16xi32>,
    %broadcast_in_dim3A_316 = arith.constant true
    %broadcast_in_dim3A_317 = vector.broadcast %broadcast_in_dim3A_316 : i1 to vector<16xi1>
    %masked_cumsum3A_318 = tpu.scan <sum>, %get3A_315 masked %broadcast_in_dim3A_317 : vector<16xi32>, vector<16xi1> -> vector<16xi32>
    %sub3A_319 = arith.subi %masked_cumsum3A_318, %get3A_315 : vector<16xi32>
    %add3A_320 = vector.broadcast %add3A_313 : i32 to vector<16xi32>
    %add3A_321 = arith.addi %sub3A_319, %add3A_320 : vector<16xi32>
    %swap3A_322 = arith.constant 64 : index
    %swap3A_323 = tpu.vector_load %arg11[%swap3A_322] {strides = array<i32>} : memref<272xi32, #tpu.memory_space<vmem>>, vector<16xi32>,
    tpu.vector_store %arg11[%swap3A_322], %add3A_321 {strides = array<i32>} : memref<272xi32, #tpu.memory_space<vmem>>, vector<16xi32>,
    %broadcast_in_dim3A_324 = arith.constant 15 : i32
    %broadcast_in_dim3A_325 = vector.broadcast %broadcast_in_dim3A_324 : i32 to vector<16xi32>
    %lt3A_326 = arith.constant 0 : i32
    %lt3A_327 = vector.broadcast %lt3A_326 : i32 to vector<16xi32>
    %lt3A_328 = arith.cmpi slt, %broadcast_in_dim3A_325, %lt3A_327 : vector<16xi32>
    %add3A_329 = arith.constant 16 : i32
    %add3A_330 = vector.broadcast %add3A_329 : i32 to vector<16xi32>
    %add3A_331 = arith.addi %broadcast_in_dim3A_325, %add3A_330 : vector<16xi32>
    %select_n3A_332 = arith.select %lt3A_328, %add3A_331, %broadcast_in_dim3A_325 : vector<16xi1>, vector<16xi32>
    %reshape3A_333 = vector.shape_cast %select_n3A_332 : vector<16xi32> to vector<16x1xi32>
    %gather3A_334 = vector.shape_cast %reshape3A_333 : vector<16x1xi32> to vector<16xi32>
    %gather3A_335 = tpu.dynamic_gather %masked_cumsum3A_318[%gather3A_334] in [0] : vector<16xi32>, vector<16xi32> -> vector<16xi32>
    %slice3A_336 = vector.extract_strided_slice %gather3A_335 {offsets = [0], sizes = [1], strides = [1]} : vector<16xi32> to vector<1xi32>
    %squeeze3A_337 = vector.extract %slice3A_336[0] : i32 from vector<1xi32>
    %add3A_338 = arith.addi %add3A_313, %squeeze3A_337 : i32
    %get3A_339 = arith.constant 80 : index
    %get3A_340 = tpu.vector_load %arg6[%get3A_339] {strides = array<i32>} : memref<256xi32, #tpu.memory_space<vmem>>, vector<16xi32>,
    %broadcast_in_dim3A_341 = arith.constant true
    %broadcast_in_dim3A_342 = vector.broadcast %broadcast_in_dim3A_341 : i1 to vector<16xi1>
    %masked_cumsum3A_343 = tpu.scan <sum>, %get3A_340 masked %broadcast_in_dim3A_342 : vector<16xi32>, vector<16xi1> -> vector<16xi32>
    %sub3A_344 = arith.subi %masked_cumsum3A_343, %get3A_340 : vector<16xi32>
    %add3A_345 = vector.broadcast %add3A_338 : i32 to vector<16xi32>
    %add3A_346 = arith.addi %sub3A_344, %add3A_345 : vector<16xi32>
    %swap3A_347 = arith.constant 80 : index
    %swap3A_348 = tpu.vector_load %arg11[%swap3A_347] {strides = array<i32>} : memref<272xi32, #tpu.memory_space<vmem>>, vector<16xi32>,
    tpu.vector_store %arg11[%swap3A_347], %add3A_346 {strides = array<i32>} : memref<272xi32, #tpu.memory_space<vmem>>, vector<16xi32>,
    %broadcast_in_dim3A_349 = arith.constant 15 : i32
    %broadcast_in_dim3A_350 = vector.broadcast %broadcast_in_dim3A_349 : i32 to vector<16xi32>
    %lt3A_351 = arith.constant 0 : i32
    %lt3A_352 = vector.broadcast %lt3A_351 : i32 to vector<16xi32>
    %lt3A_353 = arith.cmpi slt, %broadcast_in_dim3A_350, %lt3A_352 : vector<16xi32>
    %add3A_354 = arith.constant 16 : i32
    %add3A_355 = vector.broadcast %add3A_354 : i32 to vector<16xi32>
    %add3A_356 = arith.addi %broadcast_in_dim3A_350, %add3A_355 : vector<16xi32>
    %select_n3A_357 = arith.select %lt3A_353, %add3A_356, %broadcast_in_dim3A_350 : vector<16xi1>, vector<16xi32>
    %reshape3A_358 = vector.shape_cast %select_n3A_357 : vector<16xi32> to vector<16x1xi32>
    %gather3A_359 = vector.shape_cast %reshape3A_358 : vector<16x1xi32> to vector<16xi32>
    %gather3A_360 = tpu.dynamic_gather %masked_cumsum3A_343[%gather3A_359] in [0] : vector<16xi32>, vector<16xi32> -> vector<16xi32>
    %slice3A_361 = vector.extract_strided_slice %gather3A_360 {offsets = [0], sizes = [1], strides = [1]} : vector<16xi32> to vector<1xi32>
    %squeeze3A_362 = vector.extract %slice3A_361[0] : i32 from vector<1xi32>
    %add3A_363 = arith.addi %add3A_338, %squeeze3A_362 : i32
    %get3A_364 = arith.constant 96 : index
    %get3A_365 = tpu.vector_load %arg6[%get3A_364] {strides = array<i32>} : memref<256xi32, #tpu.memory_space<vmem>>, vector<16xi32>,
    %broadcast_in_dim3A_366 = arith.constant true
    %broadcast_in_dim3A_367 = vector.broadcast %broadcast_in_dim3A_366 : i1 to vector<16xi1>
    %masked_cumsum3A_368 = tpu.scan <sum>, %get3A_365 masked %broadcast_in_dim3A_367 : vector<16xi32>, vector<16xi1> -> vector<16xi32>
    %sub3A_369 = arith.subi %masked_cumsum3A_368, %get3A_365 : vector<16xi32>
    %add3A_370 = vector.broadcast %add3A_363 : i32 to vector<16xi32>
    %add3A_371 = arith.addi %sub3A_369, %add3A_370 : vector<16xi32>
    %swap3A_372 = arith.constant 96 : index
    %swap3A_373 = tpu.vector_load %arg11[%swap3A_372] {strides = array<i32>} : memref<272xi32, #tpu.memory_space<vmem>>, vector<16xi32>,
    tpu.vector_store %arg11[%swap3A_372], %add3A_371 {strides = array<i32>} : memref<272xi32, #tpu.memory_space<vmem>>, vector<16xi32>,
    %broadcast_in_dim3A_374 = arith.constant 15 : i32
    %broadcast_in_dim3A_375 = vector.broadcast %broadcast_in_dim3A_374 : i32 to vector<16xi32>
    %lt3A_376 = arith.constant 0 : i32
    %lt3A_377 = vector.broadcast %lt3A_376 : i32 to vector<16xi32>
    %lt3A_378 = arith.cmpi slt, %broadcast_in_dim3A_375, %lt3A_377 : vector<16xi32>
    %add3A_379 = arith.constant 16 : i32
    %add3A_380 = vector.broadcast %add3A_379 : i32 to vector<16xi32>
    %add3A_381 = arith.addi %broadcast_in_dim3A_375, %add3A_380 : vector<16xi32>
    %select_n3A_382 = arith.select %lt3A_378, %add3A_381, %broadcast_in_dim3A_375 : vector<16xi1>, vector<16xi32>
    %reshape3A_383 = vector.shape_cast %select_n3A_382 : vector<16xi32> to vector<16x1xi32>
    %gather3A_384 = vector.shape_cast %reshape3A_383 : vector<16x1xi32> to vector<16xi32>
    %gather3A_385 = tpu.dynamic_gather %masked_cumsum3A_368[%gather3A_384] in [0] : vector<16xi32>, vector<16xi32> -> vector<16xi32>
    %slice3A_386 = vector.extract_strided_slice %gather3A_385 {offsets = [0], sizes = [1], strides = [1]} : vector<16xi32> to vector<1xi32>
    %squeeze3A_387 = vector.extract %slice3A_386[0] : i32 from vector<1xi32>
    %add3A_388 = arith.addi %add3A_363, %squeeze3A_387 : i32
    %get3A_389 = arith.constant 112 : index
    %get3A_390 = tpu.vector_load %arg6[%get3A_389] {strides = array<i32>} : memref<256xi32, #tpu.memory_space<vmem>>, vector<16xi32>,
    %broadcast_in_dim3A_391 = arith.constant true
    %broadcast_in_dim3A_392 = vector.broadcast %broadcast_in_dim3A_391 : i1 to vector<16xi1>
    %masked_cumsum3A_393 = tpu.scan <sum>, %get3A_390 masked %broadcast_in_dim3A_392 : vector<16xi32>, vector<16xi1> -> vector<16xi32>
    %sub3A_394 = arith.subi %masked_cumsum3A_393, %get3A_390 : vector<16xi32>
    %add3A_395 = vector.broadcast %add3A_388 : i32 to vector<16xi32>
    %add3A_396 = arith.addi %sub3A_394, %add3A_395 : vector<16xi32>
    %swap3A_397 = arith.constant 112 : index
    %swap3A_398 = tpu.vector_load %arg11[%swap3A_397] {strides = array<i32>} : memref<272xi32, #tpu.memory_space<vmem>>, vector<16xi32>,
    tpu.vector_store %arg11[%swap3A_397], %add3A_396 {strides = array<i32>} : memref<272xi32, #tpu.memory_space<vmem>>, vector<16xi32>,
    %broadcast_in_dim3A_399 = arith.constant 15 : i32
    %broadcast_in_dim3A_400 = vector.broadcast %broadcast_in_dim3A_399 : i32 to vector<16xi32>
    %lt3A_401 = arith.constant 0 : i32
    %lt3A_402 = vector.broadcast %lt3A_401 : i32 to vector<16xi32>
    %lt3A_403 = arith.cmpi slt, %broadcast_in_dim3A_400, %lt3A_402 : vector<16xi32>
    %add3A_404 = arith.constant 16 : i32
    %add3A_405 = vector.broadcast %add3A_404 : i32 to vector<16xi32>
    %add3A_406 = arith.addi %broadcast_in_dim3A_400, %add3A_405 : vector<16xi32>
    %select_n3A_407 = arith.select %lt3A_403, %add3A_406, %broadcast_in_dim3A_400 : vector<16xi1>, vector<16xi32>
    %reshape3A_408 = vector.shape_cast %select_n3A_407 : vector<16xi32> to vector<16x1xi32>
    %gather3A_409 = vector.shape_cast %reshape3A_408 : vector<16x1xi32> to vector<16xi32>
    %gather3A_410 = tpu.dynamic_gather %masked_cumsum3A_393[%gather3A_409] in [0] : vector<16xi32>, vector<16xi32> -> vector<16xi32>
    %slice3A_411 = vector.extract_strided_slice %gather3A_410 {offsets = [0], sizes = [1], strides = [1]} : vector<16xi32> to vector<1xi32>
    %squeeze3A_412 = vector.extract %slice3A_411[0] : i32 from vector<1xi32>
    %add3A_413 = arith.addi %add3A_388, %squeeze3A_412 : i32
    %get3A_414 = arith.constant 128 : index
    %get3A_415 = tpu.vector_load %arg6[%get3A_414] {strides = array<i32>} : memref<256xi32, #tpu.memory_space<vmem>>, vector<16xi32>,
    %broadcast_in_dim3A_416 = arith.constant true
    %broadcast_in_dim3A_417 = vector.broadcast %broadcast_in_dim3A_416 : i1 to vector<16xi1>
    %masked_cumsum3A_418 = tpu.scan <sum>, %get3A_415 masked %broadcast_in_dim3A_417 : vector<16xi32>, vector<16xi1> -> vector<16xi32>
    %sub3A_419 = arith.subi %masked_cumsum3A_418, %get3A_415 : vector<16xi32>
    %add3A_420 = vector.broadcast %add3A_413 : i32 to vector<16xi32>
    %add3A_421 = arith.addi %sub3A_419, %add3A_420 : vector<16xi32>
    %swap3A_422 = arith.constant 128 : index
    %swap3A_423 = tpu.vector_load %arg11[%swap3A_422] {strides = array<i32>} : memref<272xi32, #tpu.memory_space<vmem>>, vector<16xi32>,
    tpu.vector_store %arg11[%swap3A_422], %add3A_421 {strides = array<i32>} : memref<272xi32, #tpu.memory_space<vmem>>, vector<16xi32>,
    %broadcast_in_dim3A_424 = arith.constant 15 : i32
    %broadcast_in_dim3A_425 = vector.broadcast %broadcast_in_dim3A_424 : i32 to vector<16xi32>
    %lt3A_426 = arith.constant 0 : i32
    %lt3A_427 = vector.broadcast %lt3A_426 : i32 to vector<16xi32>
    %lt3A_428 = arith.cmpi slt, %broadcast_in_dim3A_425, %lt3A_427 : vector<16xi32>
    %add3A_429 = arith.constant 16 : i32
    %add3A_430 = vector.broadcast %add3A_429 : i32 to vector<16xi32>
    %add3A_431 = arith.addi %broadcast_in_dim3A_425, %add3A_430 : vector<16xi32>
    %select_n3A_432 = arith.select %lt3A_428, %add3A_431, %broadcast_in_dim3A_425 : vector<16xi1>, vector<16xi32>
    %reshape3A_433 = vector.shape_cast %select_n3A_432 : vector<16xi32> to vector<16x1xi32>
    %gather3A_434 = vector.shape_cast %reshape3A_433 : vector<16x1xi32> to vector<16xi32>
    %gather3A_435 = tpu.dynamic_gather %masked_cumsum3A_418[%gather3A_434] in [0] : vector<16xi32>, vector<16xi32> -> vector<16xi32>
    %slice3A_436 = vector.extract_strided_slice %gather3A_435 {offsets = [0], sizes = [1], strides = [1]} : vector<16xi32> to vector<1xi32>
    %squeeze3A_437 = vector.extract %slice3A_436[0] : i32 from vector<1xi32>
    %add3A_438 = arith.addi %add3A_413, %squeeze3A_437 : i32
    %get3A_439 = arith.constant 144 : index
    %get3A_440 = tpu.vector_load %arg6[%get3A_439] {strides = array<i32>} : memref<256xi32, #tpu.memory_space<vmem>>, vector<16xi32>,
    %broadcast_in_dim3A_441 = arith.constant true
    %broadcast_in_dim3A_442 = vector.broadcast %broadcast_in_dim3A_441 : i1 to vector<16xi1>
    %masked_cumsum3A_443 = tpu.scan <sum>, %get3A_440 masked %broadcast_in_dim3A_442 : vector<16xi32>, vector<16xi1> -> vector<16xi32>
    %sub3A_444 = arith.subi %masked_cumsum3A_443, %get3A_440 : vector<16xi32>
    %add3A_445 = vector.broadcast %add3A_438 : i32 to vector<16xi32>
    %add3A_446 = arith.addi %sub3A_444, %add3A_445 : vector<16xi32>
    %swap3A_447 = arith.constant 144 : index
    %swap3A_448 = tpu.vector_load %arg11[%swap3A_447] {strides = array<i32>} : memref<272xi32, #tpu.memory_space<vmem>>, vector<16xi32>,
    tpu.vector_store %arg11[%swap3A_447], %add3A_446 {strides = array<i32>} : memref<272xi32, #tpu.memory_space<vmem>>, vector<16xi32>,
    %broadcast_in_dim3A_449 = arith.constant 15 : i32
    %broadcast_in_dim3A_450 = vector.broadcast %broadcast_in_dim3A_449 : i32 to vector<16xi32>
    %lt3A_451 = arith.constant 0 : i32
    %lt3A_452 = vector.broadcast %lt3A_451 : i32 to vector<16xi32>
    %lt3A_453 = arith.cmpi slt, %broadcast_in_dim3A_450, %lt3A_452 : vector<16xi32>
    %add3A_454 = arith.constant 16 : i32
    %add3A_455 = vector.broadcast %add3A_454 : i32 to vector<16xi32>
    %add3A_456 = arith.addi %broadcast_in_dim3A_450, %add3A_455 : vector<16xi32>
    %select_n3A_457 = arith.select %lt3A_453, %add3A_456, %broadcast_in_dim3A_450 : vector<16xi1>, vector<16xi32>
    %reshape3A_458 = vector.shape_cast %select_n3A_457 : vector<16xi32> to vector<16x1xi32>
    %gather3A_459 = vector.shape_cast %reshape3A_458 : vector<16x1xi32> to vector<16xi32>
    %gather3A_460 = tpu.dynamic_gather %masked_cumsum3A_443[%gather3A_459] in [0] : vector<16xi32>, vector<16xi32> -> vector<16xi32>
    %slice3A_461 = vector.extract_strided_slice %gather3A_460 {offsets = [0], sizes = [1], strides = [1]} : vector<16xi32> to vector<1xi32>
    %squeeze3A_462 = vector.extract %slice3A_461[0] : i32 from vector<1xi32>
    %add3A_463 = arith.addi %add3A_438, %squeeze3A_462 : i32
    %get3A_464 = arith.constant 160 : index
    %get3A_465 = tpu.vector_load %arg6[%get3A_464] {strides = array<i32>} : memref<256xi32, #tpu.memory_space<vmem>>, vector<16xi32>,
    %broadcast_in_dim3A_466 = arith.constant true
    %broadcast_in_dim3A_467 = vector.broadcast %broadcast_in_dim3A_466 : i1 to vector<16xi1>
    %masked_cumsum3A_468 = tpu.scan <sum>, %get3A_465 masked %broadcast_in_dim3A_467 : vector<16xi32>, vector<16xi1> -> vector<16xi32>
    %sub3A_469 = arith.subi %masked_cumsum3A_468, %get3A_465 : vector<16xi32>
    %add3A_470 = vector.broadcast %add3A_463 : i32 to vector<16xi32>
    %add3A_471 = arith.addi %sub3A_469, %add3A_470 : vector<16xi32>
    %swap3A_472 = arith.constant 160 : index
    %swap3A_473 = tpu.vector_load %arg11[%swap3A_472] {strides = array<i32>} : memref<272xi32, #tpu.memory_space<vmem>>, vector<16xi32>,
    tpu.vector_store %arg11[%swap3A_472], %add3A_471 {strides = array<i32>} : memref<272xi32, #tpu.memory_space<vmem>>, vector<16xi32>,
    %broadcast_in_dim3A_474 = arith.constant 15 : i32
    %broadcast_in_dim3A_475 = vector.broadcast %broadcast_in_dim3A_474 : i32 to vector<16xi32>
    %lt3A_476 = arith.constant 0 : i32
    %lt3A_477 = vector.broadcast %lt3A_476 : i32 to vector<16xi32>
    %lt3A_478 = arith.cmpi slt, %broadcast_in_dim3A_475, %lt3A_477 : vector<16xi32>
    %add3A_479 = arith.constant 16 : i32
    %add3A_480 = vector.broadcast %add3A_479 : i32 to vector<16xi32>
    %add3A_481 = arith.addi %broadcast_in_dim3A_475, %add3A_480 : vector<16xi32>
    %select_n3A_482 = arith.select %lt3A_478, %add3A_481, %broadcast_in_dim3A_475 : vector<16xi1>, vector<16xi32>
    %reshape3A_483 = vector.shape_cast %select_n3A_482 : vector<16xi32> to vector<16x1xi32>
    %gather3A_484 = vector.shape_cast %reshape3A_483 : vector<16x1xi32> to vector<16xi32>
    %gather3A_485 = tpu.dynamic_gather %masked_cumsum3A_468[%gather3A_484] in [0] : vector<16xi32>, vector<16xi32> -> vector<16xi32>
    %slice3A_486 = vector.extract_strided_slice %gather3A_485 {offsets = [0], sizes = [1], strides = [1]} : vector<16xi32> to vector<1xi32>
    %squeeze3A_487 = vector.extract %slice3A_486[0] : i32 from vector<1xi32>
    %add3A_488 = arith.addi %add3A_463, %squeeze3A_487 : i32
    %get3A_489 = arith.constant 176 : index
    %get3A_490 = tpu.vector_load %arg6[%get3A_489] {strides = array<i32>} : memref<256xi32, #tpu.memory_space<vmem>>, vector<16xi32>,
    %broadcast_in_dim3A_491 = arith.constant true
    %broadcast_in_dim3A_492 = vector.broadcast %broadcast_in_dim3A_491 : i1 to vector<16xi1>
    %masked_cumsum3A_493 = tpu.scan <sum>, %get3A_490 masked %broadcast_in_dim3A_492 : vector<16xi32>, vector<16xi1> -> vector<16xi32>
    %sub3A_494 = arith.subi %masked_cumsum3A_493, %get3A_490 : vector<16xi32>
    %add3A_495 = vector.broadcast %add3A_488 : i32 to vector<16xi32>
    %add3A_496 = arith.addi %sub3A_494, %add3A_495 : vector<16xi32>
    %swap3A_497 = arith.constant 176 : index
    %swap3A_498 = tpu.vector_load %arg11[%swap3A_497] {strides = array<i32>} : memref<272xi32, #tpu.memory_space<vmem>>, vector<16xi32>,
    tpu.vector_store %arg11[%swap3A_497], %add3A_496 {strides = array<i32>} : memref<272xi32, #tpu.memory_space<vmem>>, vector<16xi32>,
    %broadcast_in_dim3A_499 = arith.constant 15 : i32
    %broadcast_in_dim3A_500 = vector.broadcast %broadcast_in_dim3A_499 : i32 to vector<16xi32>
    %lt3A_501 = arith.constant 0 : i32
    %lt3A_502 = vector.broadcast %lt3A_501 : i32 to vector<16xi32>
    %lt3A_503 = arith.cmpi slt, %broadcast_in_dim3A_500, %lt3A_502 : vector<16xi32>
    %add3A_504 = arith.constant 16 : i32
    %add3A_505 = vector.broadcast %add3A_504 : i32 to vector<16xi32>
    %add3A_506 = arith.addi %broadcast_in_dim3A_500, %add3A_505 : vector<16xi32>
    %select_n3A_507 = arith.select %lt3A_503, %add3A_506, %broadcast_in_dim3A_500 : vector<16xi1>, vector<16xi32>
    %reshape3A_508 = vector.shape_cast %select_n3A_507 : vector<16xi32> to vector<16x1xi32>
    %gather3A_509 = vector.shape_cast %reshape3A_508 : vector<16x1xi32> to vector<16xi32>
    %gather3A_510 = tpu.dynamic_gather %masked_cumsum3A_493[%gather3A_509] in [0] : vector<16xi32>, vector<16xi32> -> vector<16xi32>
    %slice3A_511 = vector.extract_strided_slice %gather3A_510 {offsets = [0], sizes = [1], strides = [1]} : vector<16xi32> to vector<1xi32>
    %squeeze3A_512 = vector.extract %slice3A_511[0] : i32 from vector<1xi32>
    %add3A_513 = arith.addi %add3A_488, %squeeze3A_512 : i32
    %get3A_514 = arith.constant 192 : index
    %get3A_515 = tpu.vector_load %arg6[%get3A_514] {strides = array<i32>} : memref<256xi32, #tpu.memory_space<vmem>>, vector<16xi32>,
    %broadcast_in_dim3A_516 = arith.constant true
    %broadcast_in_dim3A_517 = vector.broadcast %broadcast_in_dim3A_516 : i1 to vector<16xi1>
    %masked_cumsum3A_518 = tpu.scan <sum>, %get3A_515 masked %broadcast_in_dim3A_517 : vector<16xi32>, vector<16xi1> -> vector<16xi32>
    %sub3A_519 = arith.subi %masked_cumsum3A_518, %get3A_515 : vector<16xi32>
    %add3A_520 = vector.broadcast %add3A_513 : i32 to vector<16xi32>
    %add3A_521 = arith.addi %sub3A_519, %add3A_520 : vector<16xi32>
    %swap3A_522 = arith.constant 192 : index
    %swap3A_523 = tpu.vector_load %arg11[%swap3A_522] {strides = array<i32>} : memref<272xi32, #tpu.memory_space<vmem>>, vector<16xi32>,
    tpu.vector_store %arg11[%swap3A_522], %add3A_521 {strides = array<i32>} : memref<272xi32, #tpu.memory_space<vmem>>, vector<16xi32>,
    %broadcast_in_dim3A_524 = arith.constant 15 : i32
    %broadcast_in_dim3A_525 = vector.broadcast %broadcast_in_dim3A_524 : i32 to vector<16xi32>
    %lt3A_526 = arith.constant 0 : i32
    %lt3A_527 = vector.broadcast %lt3A_526 : i32 to vector<16xi32>
    %lt3A_528 = arith.cmpi slt, %broadcast_in_dim3A_525, %lt3A_527 : vector<16xi32>
    %add3A_529 = arith.constant 16 : i32
    %add3A_530 = vector.broadcast %add3A_529 : i32 to vector<16xi32>
    %add3A_531 = arith.addi %broadcast_in_dim3A_525, %add3A_530 : vector<16xi32>
    %select_n3A_532 = arith.select %lt3A_528, %add3A_531, %broadcast_in_dim3A_525 : vector<16xi1>, vector<16xi32>
    %reshape3A_533 = vector.shape_cast %select_n3A_532 : vector<16xi32> to vector<16x1xi32>
    %gather3A_534 = vector.shape_cast %reshape3A_533 : vector<16x1xi32> to vector<16xi32>
    %gather3A_535 = tpu.dynamic_gather %masked_cumsum3A_518[%gather3A_534] in [0] : vector<16xi32>, vector<16xi32> -> vector<16xi32>
    %slice3A_536 = vector.extract_strided_slice %gather3A_535 {offsets = [0], sizes = [1], strides = [1]} : vector<16xi32> to vector<1xi32>
    %squeeze3A_537 = vector.extract %slice3A_536[0] : i32 from vector<1xi32>
    %add3A_538 = arith.addi %add3A_513, %squeeze3A_537 : i32
    %get3A_539 = arith.constant 208 : index
    %get3A_540 = tpu.vector_load %arg6[%get3A_539] {strides = array<i32>} : memref<256xi32, #tpu.memory_space<vmem>>, vector<16xi32>,
    %broadcast_in_dim3A_541 = arith.constant true
    %broadcast_in_dim3A_542 = vector.broadcast %broadcast_in_dim3A_541 : i1 to vector<16xi1>
    %masked_cumsum3A_543 = tpu.scan <sum>, %get3A_540 masked %broadcast_in_dim3A_542 : vector<16xi32>, vector<16xi1> -> vector<16xi32>
    %sub3A_544 = arith.subi %masked_cumsum3A_543, %get3A_540 : vector<16xi32>
    %add3A_545 = vector.broadcast %add3A_538 : i32 to vector<16xi32>
    %add3A_546 = arith.addi %sub3A_544, %add3A_545 : vector<16xi32>
    %swap3A_547 = arith.constant 208 : index
    %swap3A_548 = tpu.vector_load %arg11[%swap3A_547] {strides = array<i32>} : memref<272xi32, #tpu.memory_space<vmem>>, vector<16xi32>,
    tpu.vector_store %arg11[%swap3A_547], %add3A_546 {strides = array<i32>} : memref<272xi32, #tpu.memory_space<vmem>>, vector<16xi32>,
    %broadcast_in_dim3A_549 = arith.constant 15 : i32
    %broadcast_in_dim3A_550 = vector.broadcast %broadcast_in_dim3A_549 : i32 to vector<16xi32>
    %lt3A_551 = arith.constant 0 : i32
    %lt3A_552 = vector.broadcast %lt3A_551 : i32 to vector<16xi32>
    %lt3A_553 = arith.cmpi slt, %broadcast_in_dim3A_550, %lt3A_552 : vector<16xi32>
    %add3A_554 = arith.constant 16 : i32
    %add3A_555 = vector.broadcast %add3A_554 : i32 to vector<16xi32>
    %add3A_556 = arith.addi %broadcast_in_dim3A_550, %add3A_555 : vector<16xi32>
    %select_n3A_557 = arith.select %lt3A_553, %add3A_556, %broadcast_in_dim3A_550 : vector<16xi1>, vector<16xi32>
    %reshape3A_558 = vector.shape_cast %select_n3A_557 : vector<16xi32> to vector<16x1xi32>
    %gather3A_559 = vector.shape_cast %reshape3A_558 : vector<16x1xi32> to vector<16xi32>
    %gather3A_560 = tpu.dynamic_gather %masked_cumsum3A_543[%gather3A_559] in [0] : vector<16xi32>, vector<16xi32> -> vector<16xi32>
    %slice3A_561 = vector.extract_strided_slice %gather3A_560 {offsets = [0], sizes = [1], strides = [1]} : vector<16xi32> to vector<1xi32>
    %squeeze3A_562 = vector.extract %slice3A_561[0] : i32 from vector<1xi32>
    %add3A_563 = arith.addi %add3A_538, %squeeze3A_562 : i32
    %get3A_564 = arith.constant 224 : index
    %get3A_565 = tpu.vector_load %arg6[%get3A_564] {strides = array<i32>} : memref<256xi32, #tpu.memory_space<vmem>>, vector<16xi32>,
    %broadcast_in_dim3A_566 = arith.constant true
    %broadcast_in_dim3A_567 = vector.broadcast %broadcast_in_dim3A_566 : i1 to vector<16xi1>
    %masked_cumsum3A_568 = tpu.scan <sum>, %get3A_565 masked %broadcast_in_dim3A_567 : vector<16xi32>, vector<16xi1> -> vector<16xi32>
    %sub3A_569 = arith.subi %masked_cumsum3A_568, %get3A_565 : vector<16xi32>
    %add3A_570 = vector.broadcast %add3A_563 : i32 to vector<16xi32>
    %add3A_571 = arith.addi %sub3A_569, %add3A_570 : vector<16xi32>
    %swap3A_572 = arith.constant 224 : index
    %swap3A_573 = tpu.vector_load %arg11[%swap3A_572] {strides = array<i32>} : memref<272xi32, #tpu.memory_space<vmem>>, vector<16xi32>,
    tpu.vector_store %arg11[%swap3A_572], %add3A_571 {strides = array<i32>} : memref<272xi32, #tpu.memory_space<vmem>>, vector<16xi32>,
    %broadcast_in_dim3A_574 = arith.constant 15 : i32
    %broadcast_in_dim3A_575 = vector.broadcast %broadcast_in_dim3A_574 : i32 to vector<16xi32>
    %lt3A_576 = arith.constant 0 : i32
    %lt3A_577 = vector.broadcast %lt3A_576 : i32 to vector<16xi32>
    %lt3A_578 = arith.cmpi slt, %broadcast_in_dim3A_575, %lt3A_577 : vector<16xi32>
    %add3A_579 = arith.constant 16 : i32
    %add3A_580 = vector.broadcast %add3A_579 : i32 to vector<16xi32>
    %add3A_581 = arith.addi %broadcast_in_dim3A_575, %add3A_580 : vector<16xi32>
    %select_n3A_582 = arith.select %lt3A_578, %add3A_581, %broadcast_in_dim3A_575 : vector<16xi1>, vector<16xi32>
    %reshape3A_583 = vector.shape_cast %select_n3A_582 : vector<16xi32> to vector<16x1xi32>
    %gather3A_584 = vector.shape_cast %reshape3A_583 : vector<16x1xi32> to vector<16xi32>
    %gather3A_585 = tpu.dynamic_gather %masked_cumsum3A_568[%gather3A_584] in [0] : vector<16xi32>, vector<16xi32> -> vector<16xi32>
    %slice3A_586 = vector.extract_strided_slice %gather3A_585 {offsets = [0], sizes = [1], strides = [1]} : vector<16xi32> to vector<1xi32>
    %squeeze3A_587 = vector.extract %slice3A_586[0] : i32 from vector<1xi32>
    %add3A_588 = arith.addi %add3A_563, %squeeze3A_587 : i32
    %get3A_589 = arith.constant 240 : index
    %get3A_590 = tpu.vector_load %arg6[%get3A_589] {strides = array<i32>} : memref<256xi32, #tpu.memory_space<vmem>>, vector<16xi32>,
    %broadcast_in_dim3A_591 = arith.constant true
    %broadcast_in_dim3A_592 = vector.broadcast %broadcast_in_dim3A_591 : i1 to vector<16xi1>
    %masked_cumsum3A_593 = tpu.scan <sum>, %get3A_590 masked %broadcast_in_dim3A_592 : vector<16xi32>, vector<16xi1> -> vector<16xi32>
    %sub3A_594 = arith.subi %masked_cumsum3A_593, %get3A_590 : vector<16xi32>
    %add3A_595 = vector.broadcast %add3A_588 : i32 to vector<16xi32>
    %add3A_596 = arith.addi %sub3A_594, %add3A_595 : vector<16xi32>
    %swap3A_597 = arith.constant 240 : index
    %swap3A_598 = tpu.vector_load %arg11[%swap3A_597] {strides = array<i32>} : memref<272xi32, #tpu.memory_space<vmem>>, vector<16xi32>,
    tpu.vector_store %arg11[%swap3A_597], %add3A_596 {strides = array<i32>} : memref<272xi32, #tpu.memory_space<vmem>>, vector<16xi32>,
    %broadcast_in_dim3A_599 = arith.constant 15 : i32
    %broadcast_in_dim3A_600 = vector.broadcast %broadcast_in_dim3A_599 : i32 to vector<16xi32>
    %lt3A_601 = arith.constant 0 : i32
    %lt3A_602 = vector.broadcast %lt3A_601 : i32 to vector<16xi32>
    %lt3A_603 = arith.cmpi slt, %broadcast_in_dim3A_600, %lt3A_602 : vector<16xi32>
    %add3A_604 = arith.constant 16 : i32
    %add3A_605 = vector.broadcast %add3A_604 : i32 to vector<16xi32>
    %add3A_606 = arith.addi %broadcast_in_dim3A_600, %add3A_605 : vector<16xi32>
    %select_n3A_607 = arith.select %lt3A_603, %add3A_606, %broadcast_in_dim3A_600 : vector<16xi1>, vector<16xi32>
    %reshape3A_608 = vector.shape_cast %select_n3A_607 : vector<16xi32> to vector<16x1xi32>
    %gather3A_609 = vector.shape_cast %reshape3A_608 : vector<16x1xi32> to vector<16xi32>
    %gather3A_610 = tpu.dynamic_gather %masked_cumsum3A_593[%gather3A_609] in [0] : vector<16xi32>, vector<16xi32> -> vector<16xi32>
    %slice3A_611 = vector.extract_strided_slice %gather3A_610 {offsets = [0], sizes = [1], strides = [1]} : vector<16xi32> to vector<1xi32>
    %squeeze3A_612 = vector.extract %slice3A_611[0] : i32 from vector<1xi32>
    %add3A_613 = arith.addi %add3A_588, %squeeze3A_612 : i32
    %broadcast_in_dim3A_614 = vector.broadcast %add3A_613 : i32 to vector<16xi32>
    %swap3A_615 = arith.constant 256 : index
    %swap3A_616 = tpu.vector_load %arg11[%swap3A_615] {strides = array<i32>} : memref<272xi32, #tpu.memory_space<vmem>>, vector<16xi32>,
    tpu.vector_store %arg11[%swap3A_615], %broadcast_in_dim3A_614 {strides = array<i32>} : memref<272xi32, #tpu.memory_space<vmem>>, vector<16xi32>,
    %scan3A_617 = arith.constant 0 : i32
    %scan3A_618 = arith.constant 0 : i32
    %scan3A_619 = arith.constant 258 : i32
    %scan3A_620 = arith.addi %scan3A_618, %scan3A_619 : i32
    %scan3A_621 = arith.constant 1 : i32
    scf.for %scan3A_650 = %scan3A_618 to %scan3A_620 step %scan3A_621  : i32 {
      %shift_right_arithmetic3A = arith.constant 4 : i32
      %shift_right_arithmetic3A_651 = arith.shrsi %scan3A_650, %shift_right_arithmetic3A : i32
      %shift_left3A_652 = arith.constant 4 : i32
      %shift_left3A_653 = arith.shli %shift_right_arithmetic3A_651, %shift_left3A_652 : i32
      %multiple_of3A_654 = tpu.assume_multiple %shift_left3A_653, 16 : i32
      %get3A_655 = arith.index_cast %multiple_of3A_654 : i32 to index
      %get3A_656 = tpu.vector_load %arg11[%get3A_655] {strides = array<i32>} : memref<272xi32, #tpu.memory_space<vmem>>, vector<16xi32>,
      %and3A = arith.constant 15 : i32
      %and3A_657 = arith.andi %scan3A_650, %and3A : i32
      %broadcast_in_dim3A_658 = vector.broadcast %and3A_657 : i32 to vector<16xi32>
      %lt3A_659 = arith.constant 0 : i32
      %lt3A_660 = vector.broadcast %lt3A_659 : i32 to vector<16xi32>
      %lt3A_661 = arith.cmpi slt, %broadcast_in_dim3A_658, %lt3A_660 : vector<16xi32>
      %add3A_662 = arith.constant 16 : i32
      %add3A_663 = vector.broadcast %add3A_662 : i32 to vector<16xi32>
      %add3A_664 = arith.addi %broadcast_in_dim3A_658, %add3A_663 : vector<16xi32>
      %select_n3A_665 = arith.select %lt3A_661, %add3A_664, %broadcast_in_dim3A_658 : vector<16xi1>, vector<16xi32>
      %reshape3A_666 = vector.shape_cast %select_n3A_665 : vector<16xi32> to vector<16x1xi32>
      %gather3A_667 = vector.shape_cast %reshape3A_666 : vector<16x1xi32> to vector<16xi32>
      %gather3A_668 = tpu.dynamic_gather %get3A_656[%gather3A_667] in [0] : vector<16xi32>, vector<16xi32> -> vector<16xi32>
      %slice3A_669 = vector.extract_strided_slice %gather3A_668 {offsets = [0], sizes = [1], strides = [1]} : vector<16xi32> to vector<1xi32>
      %squeeze3A_670 = vector.extract %slice3A_669[0] : i32 from vector<1xi32>
      %swap3A_671 = arith.index_cast %scan3A_650 : i32 to index
      %swap3A_672 = memref.load %arg14[%swap3A_671] : memref<258xi32, #tpu.memory_space<smem>>
      memref.store %squeeze3A_670, %arg14[%swap3A_671] : memref<258xi32, #tpu.memory_space<smem>>
    }
    %scan3A_622 = arith.constant 258 : i32
    %scan3A_623 = arith.constant 0 : i32
    %scan3A_624 = arith.constant 0 : i32
    %scan3A_625 = arith.constant 512 : i32
    %scan3A_626 = arith.addi %scan3A_624, %scan3A_625 : i32
    %scan3A_627 = arith.constant 1 : i32
    scf.for %scan3A_650 = %scan3A_624 to %scan3A_626 step %scan3A_627  : i32 {
      %mul3A_651 = arith.constant 2 : i32
      %mul3A_652 = arith.muli %mul3A_651, %scan3A_650 : i32
      %add3A_653 = arith.constant 0 : i32
      %add3A_654 = arith.addi %mul3A_652, %add3A_653 : i32
      %mul3A_655 = arith.constant 16 : i32
      %mul3A_656 = arith.muli %mul3A_655, %add3A_654 : i32
      %multiple_of3A_657 = tpu.assume_multiple %mul3A_656, 16 : i32
      %get3A_658 = arith.index_cast %multiple_of3A_657 : i32 to index
      %get3A_659 = tpu.vector_load %arg5[%get3A_658] {strides = array<i32>} : memref<16384xi32, #tpu.memory_space<vmem>>, vector<16xi32>,
      %shift_right_arithmetic3A = arith.constant 7 : i32
      %shift_right_arithmetic3A_660 = vector.broadcast %shift_right_arithmetic3A : i32 to vector<16xi32>
      %shift_right_arithmetic3A_661 = arith.shrsi %get3A_659, %shift_right_arithmetic3A_660 : vector<16xi32>
      %and3A = arith.constant 31 : i32
      %and3A_662 = vector.broadcast %and3A : i32 to vector<16xi32>
      %and3A_663 = arith.andi %shift_right_arithmetic3A_661, %and3A_662 : vector<16xi32>
      %eq3A = arith.cmpi eq, %and3A_663, %broadcast_in_dim3A : vector<16xi32>
      %all_reduce_population_count3A = tpu.all_reduce %eq3A {dim = 0 : i64, kind = #tpu.reduction_kind<sum>} : vector<16xi1> -> vector<16xi32>
      %broadcast_in_dim3A_664 = arith.constant 0 : i32
      %broadcast_in_dim3A_665 = vector.broadcast %broadcast_in_dim3A_664 : i32 to vector<16xi32>
      %lt3A_666 = arith.constant 0 : i32
      %lt3A_667 = vector.broadcast %lt3A_666 : i32 to vector<16xi32>
      %lt3A_668 = arith.cmpi slt, %broadcast_in_dim3A_665, %lt3A_667 : vector<16xi32>
      %add3A_669 = arith.constant 16 : i32
      %add3A_670 = vector.broadcast %add3A_669 : i32 to vector<16xi32>
      %add3A_671 = arith.addi %broadcast_in_dim3A_665, %add3A_670 : vector<16xi32>
      %select_n3A_672 = arith.select %lt3A_668, %add3A_671, %broadcast_in_dim3A_665 : vector<16xi1>, vector<16xi32>
      %reshape3A_673 = vector.shape_cast %select_n3A_672 : vector<16xi32> to vector<16x1xi32>
      %gather3A_674 = vector.shape_cast %reshape3A_673 : vector<16x1xi32> to vector<16xi32>
      %gather3A_675 = tpu.dynamic_gather %all_reduce_population_count3A[%gather3A_674] in [0] : vector<16xi32>, vector<16xi32> -> vector<16xi32>
      %slice3A_676 = vector.extract_strided_slice %gather3A_675 {offsets = [0], sizes = [1], strides = [1]} : vector<16xi32> to vector<1xi32>
      %squeeze3A_677 = vector.extract %slice3A_676[0] : i32 from vector<1xi32>
      %gt3A_678 = arith.constant 0 : i32
      %gt3A_679 = arith.cmpi sgt, %squeeze3A_677, %gt3A_678 : i32
      %convert_element_type3A_680 = arith.extui %gt3A_679 : i1 to i32
      %cond3A_681 = arith.constant 0 : i32
      %cond3A_682 = arith.cmpi ne, %convert_element_type3A_680, %cond3A_681 : i32
      scf.if %cond3A_682 {
        %swap3A_719 = arith.constant 0 : index
        %swap3A_720 = tpu.vector_load %arg7[%swap3A_719] masked %eq3A {strides = array<i32>} : memref<16xi32, #tpu.memory_space<vmem>>, vector<16xi32>, vector<16xi1>
        tpu.vector_store %arg7[%swap3A_719], %get3A_659 masked %eq3A {strides = array<i32>} : memref<16xi32, #tpu.memory_space<vmem>>, vector<16xi32>, vector<16xi1>
        %mul3A_721 = arith.constant 2 : i32
        %mul3A_722 = arith.muli %mul3A_721, %scan3A_650 : i32
        %add3A_723 = arith.constant 0 : i32
        %add3A_724 = arith.addi %mul3A_722, %add3A_723 : i32
        %mul3A_725 = arith.constant 16 : i32
        %mul3A_726 = arith.muli %mul3A_725, %add3A_724 : i32
        %add3A_727 = vector.broadcast %mul3A_726 : i32 to vector<16xi32>
        %add3A_728 = arith.addi %iota3A, %add3A_727 : vector<16xi32>
        %swap3A_729 = arith.constant 0 : index
        %swap3A_730 = tpu.vector_load %arg8[%swap3A_729] masked %eq3A {strides = array<i32>} : memref<16xi32, #tpu.memory_space<vmem>>, vector<16xi32>, vector<16xi1>
        tpu.vector_store %arg8[%swap3A_729], %add3A_728 masked %eq3A {strides = array<i32>} : memref<16xi32, #tpu.memory_space<vmem>>, vector<16xi32>, vector<16xi1>
        %get3A_731 = arith.constant 0 : index
        %get3A_732 = tpu.vector_load %arg7[%get3A_731] {strides = array<i32>} : memref<16xi32, #tpu.memory_space<vmem>>, vector<16xi32>,
        %get3A_733 = arith.constant 0 : index
        %get3A_734 = tpu.vector_load %arg8[%get3A_733] {strides = array<i32>} : memref<16xi32, #tpu.memory_space<vmem>>, vector<16xi32>,
        %while3A_735 = arith.constant 0 : i32
        %while3A_736 = arith.constant 0 : i32
        %while3A_737 = arith.subi %squeeze3A_677, %while3A_736 : i32
        %while3A_738 = arith.addi %while3A_736, %while3A_737 : i32
        %while3A_739 = arith.constant 1 : i32
        %while3A_740 = arith.divsi %while3A_737, %while3A_739 : i32
        %while3A_741 = arith.muli %while3A_740, %while3A_739 : i32
        %while3A_742 = arith.addi %while3A_736, %while3A_741 : i32
        %while3A_743 = arith.constant 1 : i32
        scf.for %while3A_745 = %while3A_736 to %while3A_742 step %while3A_743  : i32 {
          %broadcast_in_dim3A_746 = vector.broadcast %while3A_745 : i32 to vector<16xi32>
          %lt3A_747 = arith.constant 0 : i32
          %lt3A_748 = vector.broadcast %lt3A_747 : i32 to vector<16xi32>
          %lt3A_749 = arith.cmpi slt, %broadcast_in_dim3A_746, %lt3A_748 : vector<16xi32>
          %add3A_750 = arith.constant 16 : i32
          %add3A_751 = vector.broadcast %add3A_750 : i32 to vector<16xi32>
          %add3A_752 = arith.addi %broadcast_in_dim3A_746, %add3A_751 : vector<16xi32>
          %select_n3A_753 = arith.select %lt3A_749, %add3A_752, %broadcast_in_dim3A_746 : vector<16xi1>, vector<16xi32>
          %reshape3A_754 = vector.shape_cast %select_n3A_753 : vector<16xi32> to vector<16x1xi32>
          %gather3A_755 = vector.shape_cast %reshape3A_754 : vector<16x1xi32> to vector<16xi32>
          %gather3A_756 = tpu.dynamic_gather %get3A_732[%gather3A_755] in [0] : vector<16xi32>, vector<16xi32> -> vector<16xi32>
          %slice3A_757 = vector.extract_strided_slice %gather3A_756 {offsets = [0], sizes = [1], strides = [1]} : vector<16xi32> to vector<1xi32>
          %squeeze3A_758 = vector.extract %slice3A_757[0] : i32 from vector<1xi32>
          %shift_right_arithmetic3A_759 = arith.constant 12 : i32
          %shift_right_arithmetic3A_760 = arith.shrsi %squeeze3A_758, %shift_right_arithmetic3A_759 : i32
          %get3A_761 = arith.index_cast %shift_right_arithmetic3A_760 : i32 to index
          %get3A_762 = memref.load %arg14[%get3A_761] : memref<258xi32, #tpu.memory_space<smem>>
          %add3A_763 = arith.constant 1 : i32
          %add3A_764 = arith.addi %get3A_762, %add3A_763 : i32
          %swap3A_765 = arith.index_cast %shift_right_arithmetic3A_760 : i32 to index
          %swap3A_766 = memref.load %arg14[%swap3A_765] : memref<258xi32, #tpu.memory_space<smem>>
          memref.store %add3A_764, %arg14[%swap3A_765] : memref<258xi32, #tpu.memory_space<smem>>
          %lt3A_767 = arith.constant 700 : i32
          %lt3A_768 = arith.cmpi slt, %get3A_762, %lt3A_767 : i32
          %convert_element_type3A_769 = arith.extui %lt3A_768 : i1 to i32
          %cond3A_770 = arith.constant 0 : i32
          %cond3A_771 = arith.cmpi ne, %convert_element_type3A_769, %cond3A_770 : i32
          scf.if %cond3A_771 {
            %swap3A_772 = arith.index_cast %get3A_762 : i32 to index
            %swap3A_773 = memref.load %arg12[%swap3A_772] : memref<700xi32, #tpu.memory_space<smem>>
            memref.store %squeeze3A_758, %arg12[%swap3A_772] : memref<700xi32, #tpu.memory_space<smem>>
            %broadcast_in_dim3A_774 = vector.broadcast %while3A_745 : i32 to vector<16xi32>
            %lt3A_775 = arith.constant 0 : i32
            %lt3A_776 = vector.broadcast %lt3A_775 : i32 to vector<16xi32>
            %lt3A_777 = arith.cmpi slt, %broadcast_in_dim3A_774, %lt3A_776 : vector<16xi32>
            %add3A_778 = arith.constant 16 : i32
            %add3A_779 = vector.broadcast %add3A_778 : i32 to vector<16xi32>
            %add3A_780 = arith.addi %broadcast_in_dim3A_774, %add3A_779 : vector<16xi32>
            %select_n3A_781 = arith.select %lt3A_777, %add3A_780, %broadcast_in_dim3A_774 : vector<16xi1>, vector<16xi32>
            %reshape3A_782 = vector.shape_cast %select_n3A_781 : vector<16xi32> to vector<16x1xi32>
            %gather3A_783 = vector.shape_cast %reshape3A_782 : vector<16x1xi32> to vector<16xi32>
            %gather3A_784 = tpu.dynamic_gather %get3A_734[%gather3A_783] in [0] : vector<16xi32>, vector<16xi32> -> vector<16xi32>
            %slice3A_785 = vector.extract_strided_slice %gather3A_784 {offsets = [0], sizes = [1], strides = [1]} : vector<16xi32> to vector<1xi32>
            %squeeze3A_786 = vector.extract %slice3A_785[0] : i32 from vector<1xi32>
            %swap3A_787 = arith.index_cast %get3A_762 : i32 to index
            %swap3A_788 = memref.load %arg13[%swap3A_787] : memref<700xi32, #tpu.memory_space<smem>>
            memref.store %squeeze3A_786, %arg13[%swap3A_787] : memref<700xi32, #tpu.memory_space<smem>>
          } else {
          }
        }
        %while3A_744 = arith.constant 1 : i32
        scf.for %while3A_745 = %while3A_742 to %while3A_738 step %while3A_744  : i32 {
          %broadcast_in_dim3A_746 = vector.broadcast %while3A_745 : i32 to vector<16xi32>
          %lt3A_747 = arith.constant 0 : i32
          %lt3A_748 = vector.broadcast %lt3A_747 : i32 to vector<16xi32>
          %lt3A_749 = arith.cmpi slt, %broadcast_in_dim3A_746, %lt3A_748 : vector<16xi32>
          %add3A_750 = arith.constant 16 : i32
          %add3A_751 = vector.broadcast %add3A_750 : i32 to vector<16xi32>
          %add3A_752 = arith.addi %broadcast_in_dim3A_746, %add3A_751 : vector<16xi32>
          %select_n3A_753 = arith.select %lt3A_749, %add3A_752, %broadcast_in_dim3A_746 : vector<16xi1>, vector<16xi32>
          %reshape3A_754 = vector.shape_cast %select_n3A_753 : vector<16xi32> to vector<16x1xi32>
          %gather3A_755 = vector.shape_cast %reshape3A_754 : vector<16x1xi32> to vector<16xi32>
          %gather3A_756 = tpu.dynamic_gather %get3A_732[%gather3A_755] in [0] : vector<16xi32>, vector<16xi32> -> vector<16xi32>
          %slice3A_757 = vector.extract_strided_slice %gather3A_756 {offsets = [0], sizes = [1], strides = [1]} : vector<16xi32> to vector<1xi32>
          %squeeze3A_758 = vector.extract %slice3A_757[0] : i32 from vector<1xi32>
          %shift_right_arithmetic3A_759 = arith.constant 12 : i32
          %shift_right_arithmetic3A_760 = arith.shrsi %squeeze3A_758, %shift_right_arithmetic3A_759 : i32
          %get3A_761 = arith.index_cast %shift_right_arithmetic3A_760 : i32 to index
          %get3A_762 = memref.load %arg14[%get3A_761] : memref<258xi32, #tpu.memory_space<smem>>
          %add3A_763 = arith.constant 1 : i32
          %add3A_764 = arith.addi %get3A_762, %add3A_763 : i32
          %swap3A_765 = arith.index_cast %shift_right_arithmetic3A_760 : i32 to index
          %swap3A_766 = memref.load %arg14[%swap3A_765] : memref<258xi32, #tpu.memory_space<smem>>
          memref.store %add3A_764, %arg14[%swap3A_765] : memref<258xi32, #tpu.memory_space<smem>>
          %lt3A_767 = arith.constant 700 : i32
          %lt3A_768 = arith.cmpi slt, %get3A_762, %lt3A_767 : i32
          %convert_element_type3A_769 = arith.extui %lt3A_768 : i1 to i32
          %cond3A_770 = arith.constant 0 : i32
          %cond3A_771 = arith.cmpi ne, %convert_element_type3A_769, %cond3A_770 : i32
          scf.if %cond3A_771 {
            %swap3A_772 = arith.index_cast %get3A_762 : i32 to index
            %swap3A_773 = memref.load %arg12[%swap3A_772] : memref<700xi32, #tpu.memory_space<smem>>
            memref.store %squeeze3A_758, %arg12[%swap3A_772] : memref<700xi32, #tpu.memory_space<smem>>
            %broadcast_in_dim3A_774 = vector.broadcast %while3A_745 : i32 to vector<16xi32>
            %lt3A_775 = arith.constant 0 : i32
            %lt3A_776 = vector.broadcast %lt3A_775 : i32 to vector<16xi32>
            %lt3A_777 = arith.cmpi slt, %broadcast_in_dim3A_774, %lt3A_776 : vector<16xi32>
            %add3A_778 = arith.constant 16 : i32
            %add3A_779 = vector.broadcast %add3A_778 : i32 to vector<16xi32>
            %add3A_780 = arith.addi %broadcast_in_dim3A_774, %add3A_779 : vector<16xi32>
            %select_n3A_781 = arith.select %lt3A_777, %add3A_780, %broadcast_in_dim3A_774 : vector<16xi1>, vector<16xi32>
            %reshape3A_782 = vector.shape_cast %select_n3A_781 : vector<16xi32> to vector<16x1xi32>
            %gather3A_783 = vector.shape_cast %reshape3A_782 : vector<16x1xi32> to vector<16xi32>
            %gather3A_784 = tpu.dynamic_gather %get3A_734[%gather3A_783] in [0] : vector<16xi32>, vector<16xi32> -> vector<16xi32>
            %slice3A_785 = vector.extract_strided_slice %gather3A_784 {offsets = [0], sizes = [1], strides = [1]} : vector<16xi32> to vector<1xi32>
            %squeeze3A_786 = vector.extract %slice3A_785[0] : i32 from vector<1xi32>
            %swap3A_787 = arith.index_cast %get3A_762 : i32 to index
            %swap3A_788 = memref.load %arg13[%swap3A_787] : memref<700xi32, #tpu.memory_space<smem>>
            memref.store %squeeze3A_786, %arg13[%swap3A_787] : memref<700xi32, #tpu.memory_space<smem>>
          } else {
          }
        }
      } else {
      }
      %mul3A_683 = arith.constant 2 : i32
      %mul3A_684 = arith.muli %mul3A_683, %scan3A_650 : i32
      %add3A_685 = arith.constant 1 : i32
      %add3A_686 = arith.addi %mul3A_684, %add3A_685 : i32
      %mul3A_687 = arith.constant 16 : i32
      %mul3A_688 = arith.muli %mul3A_687, %add3A_686 : i32
      %multiple_of3A_689 = tpu.assume_multiple %mul3A_688, 16 : i32
      %get3A_690 = arith.index_cast %multiple_of3A_689 : i32 to index
      %get3A_691 = tpu.vector_load %arg5[%get3A_690] {strides = array<i32>} : memref<16384xi32, #tpu.memory_space<vmem>>, vector<16xi32>,
      %shift_right_arithmetic3A_692 = arith.constant 7 : i32
      %shift_right_arithmetic3A_693 = vector.broadcast %shift_right_arithmetic3A_692 : i32 to vector<16xi32>
      %shift_right_arithmetic3A_694 = arith.shrsi %get3A_691, %shift_right_arithmetic3A_693 : vector<16xi32>
      %and3A_695 = arith.constant 31 : i32
      %and3A_696 = vector.broadcast %and3A_695 : i32 to vector<16xi32>
      %and3A_697 = arith.andi %shift_right_arithmetic3A_694, %and3A_696 : vector<16xi32>
      %eq3A_698 = arith.cmpi eq, %and3A_697, %broadcast_in_dim3A : vector<16xi32>
      %all_reduce_population_count3A_699 = tpu.all_reduce %eq3A_698 {dim = 0 : i64, kind = #tpu.reduction_kind<sum>} : vector<16xi1> -> vector<16xi32>
      %broadcast_in_dim3A_700 = arith.constant 0 : i32
      %broadcast_in_dim3A_701 = vector.broadcast %broadcast_in_dim3A_700 : i32 to vector<16xi32>
      %lt3A_702 = arith.constant 0 : i32
      %lt3A_703 = vector.broadcast %lt3A_702 : i32 to vector<16xi32>
      %lt3A_704 = arith.cmpi slt, %broadcast_in_dim3A_701, %lt3A_703 : vector<16xi32>
      %add3A_705 = arith.constant 16 : i32
      %add3A_706 = vector.broadcast %add3A_705 : i32 to vector<16xi32>
      %add3A_707 = arith.addi %broadcast_in_dim3A_701, %add3A_706 : vector<16xi32>
      %select_n3A_708 = arith.select %lt3A_704, %add3A_707, %broadcast_in_dim3A_701 : vector<16xi1>, vector<16xi32>
      %reshape3A_709 = vector.shape_cast %select_n3A_708 : vector<16xi32> to vector<16x1xi32>
      %gather3A_710 = vector.shape_cast %reshape3A_709 : vector<16x1xi32> to vector<16xi32>
      %gather3A_711 = tpu.dynamic_gather %all_reduce_population_count3A_699[%gather3A_710] in [0] : vector<16xi32>, vector<16xi32> -> vector<16xi32>
      %slice3A_712 = vector.extract_strided_slice %gather3A_711 {offsets = [0], sizes = [1], strides = [1]} : vector<16xi32> to vector<1xi32>
      %squeeze3A_713 = vector.extract %slice3A_712[0] : i32 from vector<1xi32>
      %gt3A_714 = arith.constant 0 : i32
      %gt3A_715 = arith.cmpi sgt, %squeeze3A_713, %gt3A_714 : i32
      %convert_element_type3A_716 = arith.extui %gt3A_715 : i1 to i32
      %cond3A_717 = arith.constant 0 : i32
      %cond3A_718 = arith.cmpi ne, %convert_element_type3A_716, %cond3A_717 : i32
      scf.if %cond3A_718 {
        %swap3A_719 = arith.constant 0 : index
        %swap3A_720 = tpu.vector_load %arg7[%swap3A_719] masked %eq3A_698 {strides = array<i32>} : memref<16xi32, #tpu.memory_space<vmem>>, vector<16xi32>, vector<16xi1>
        tpu.vector_store %arg7[%swap3A_719], %get3A_691 masked %eq3A_698 {strides = array<i32>} : memref<16xi32, #tpu.memory_space<vmem>>, vector<16xi32>, vector<16xi1>
        %mul3A_721 = arith.constant 2 : i32
        %mul3A_722 = arith.muli %mul3A_721, %scan3A_650 : i32
        %add3A_723 = arith.constant 1 : i32
        %add3A_724 = arith.addi %mul3A_722, %add3A_723 : i32
        %mul3A_725 = arith.constant 16 : i32
        %mul3A_726 = arith.muli %mul3A_725, %add3A_724 : i32
        %add3A_727 = vector.broadcast %mul3A_726 : i32 to vector<16xi32>
        %add3A_728 = arith.addi %iota3A, %add3A_727 : vector<16xi32>
        %swap3A_729 = arith.constant 0 : index
        %swap3A_730 = tpu.vector_load %arg8[%swap3A_729] masked %eq3A_698 {strides = array<i32>} : memref<16xi32, #tpu.memory_space<vmem>>, vector<16xi32>, vector<16xi1>
        tpu.vector_store %arg8[%swap3A_729], %add3A_728 masked %eq3A_698 {strides = array<i32>} : memref<16xi32, #tpu.memory_space<vmem>>, vector<16xi32>, vector<16xi1>
        %get3A_731 = arith.constant 0 : index
        %get3A_732 = tpu.vector_load %arg7[%get3A_731] {strides = array<i32>} : memref<16xi32, #tpu.memory_space<vmem>>, vector<16xi32>,
        %get3A_733 = arith.constant 0 : index
        %get3A_734 = tpu.vector_load %arg8[%get3A_733] {strides = array<i32>} : memref<16xi32, #tpu.memory_space<vmem>>, vector<16xi32>,
        %while3A_735 = arith.constant 0 : i32
        %while3A_736 = arith.constant 0 : i32
        %while3A_737 = arith.subi %squeeze3A_713, %while3A_736 : i32
        %while3A_738 = arith.addi %while3A_736, %while3A_737 : i32
        %while3A_739 = arith.constant 1 : i32
        %while3A_740 = arith.divsi %while3A_737, %while3A_739 : i32
        %while3A_741 = arith.muli %while3A_740, %while3A_739 : i32
        %while3A_742 = arith.addi %while3A_736, %while3A_741 : i32
        %while3A_743 = arith.constant 1 : i32
        scf.for %while3A_745 = %while3A_736 to %while3A_742 step %while3A_743  : i32 {
          %broadcast_in_dim3A_746 = vector.broadcast %while3A_745 : i32 to vector<16xi32>
          %lt3A_747 = arith.constant 0 : i32
          %lt3A_748 = vector.broadcast %lt3A_747 : i32 to vector<16xi32>
          %lt3A_749 = arith.cmpi slt, %broadcast_in_dim3A_746, %lt3A_748 : vector<16xi32>
          %add3A_750 = arith.constant 16 : i32
          %add3A_751 = vector.broadcast %add3A_750 : i32 to vector<16xi32>
          %add3A_752 = arith.addi %broadcast_in_dim3A_746, %add3A_751 : vector<16xi32>
          %select_n3A_753 = arith.select %lt3A_749, %add3A_752, %broadcast_in_dim3A_746 : vector<16xi1>, vector<16xi32>
          %reshape3A_754 = vector.shape_cast %select_n3A_753 : vector<16xi32> to vector<16x1xi32>
          %gather3A_755 = vector.shape_cast %reshape3A_754 : vector<16x1xi32> to vector<16xi32>
          %gather3A_756 = tpu.dynamic_gather %get3A_732[%gather3A_755] in [0] : vector<16xi32>, vector<16xi32> -> vector<16xi32>
          %slice3A_757 = vector.extract_strided_slice %gather3A_756 {offsets = [0], sizes = [1], strides = [1]} : vector<16xi32> to vector<1xi32>
          %squeeze3A_758 = vector.extract %slice3A_757[0] : i32 from vector<1xi32>
          %shift_right_arithmetic3A_759 = arith.constant 12 : i32
          %shift_right_arithmetic3A_760 = arith.shrsi %squeeze3A_758, %shift_right_arithmetic3A_759 : i32
          %get3A_761 = arith.index_cast %shift_right_arithmetic3A_760 : i32 to index
          %get3A_762 = memref.load %arg14[%get3A_761] : memref<258xi32, #tpu.memory_space<smem>>
          %add3A_763 = arith.constant 1 : i32
          %add3A_764 = arith.addi %get3A_762, %add3A_763 : i32
          %swap3A_765 = arith.index_cast %shift_right_arithmetic3A_760 : i32 to index
          %swap3A_766 = memref.load %arg14[%swap3A_765] : memref<258xi32, #tpu.memory_space<smem>>
          memref.store %add3A_764, %arg14[%swap3A_765] : memref<258xi32, #tpu.memory_space<smem>>
          %lt3A_767 = arith.constant 700 : i32
          %lt3A_768 = arith.cmpi slt, %get3A_762, %lt3A_767 : i32
          %convert_element_type3A_769 = arith.extui %lt3A_768 : i1 to i32
          %cond3A_770 = arith.constant 0 : i32
          %cond3A_771 = arith.cmpi ne, %convert_element_type3A_769, %cond3A_770 : i32
          scf.if %cond3A_771 {
            %swap3A_772 = arith.index_cast %get3A_762 : i32 to index
            %swap3A_773 = memref.load %arg12[%swap3A_772] : memref<700xi32, #tpu.memory_space<smem>>
            memref.store %squeeze3A_758, %arg12[%swap3A_772] : memref<700xi32, #tpu.memory_space<smem>>
            %broadcast_in_dim3A_774 = vector.broadcast %while3A_745 : i32 to vector<16xi32>
            %lt3A_775 = arith.constant 0 : i32
            %lt3A_776 = vector.broadcast %lt3A_775 : i32 to vector<16xi32>
            %lt3A_777 = arith.cmpi slt, %broadcast_in_dim3A_774, %lt3A_776 : vector<16xi32>
            %add3A_778 = arith.constant 16 : i32
            %add3A_779 = vector.broadcast %add3A_778 : i32 to vector<16xi32>
            %add3A_780 = arith.addi %broadcast_in_dim3A_774, %add3A_779 : vector<16xi32>
            %select_n3A_781 = arith.select %lt3A_777, %add3A_780, %broadcast_in_dim3A_774 : vector<16xi1>, vector<16xi32>
            %reshape3A_782 = vector.shape_cast %select_n3A_781 : vector<16xi32> to vector<16x1xi32>
            %gather3A_783 = vector.shape_cast %reshape3A_782 : vector<16x1xi32> to vector<16xi32>
            %gather3A_784 = tpu.dynamic_gather %get3A_734[%gather3A_783] in [0] : vector<16xi32>, vector<16xi32> -> vector<16xi32>
            %slice3A_785 = vector.extract_strided_slice %gather3A_784 {offsets = [0], sizes = [1], strides = [1]} : vector<16xi32> to vector<1xi32>
            %squeeze3A_786 = vector.extract %slice3A_785[0] : i32 from vector<1xi32>
            %swap3A_787 = arith.index_cast %get3A_762 : i32 to index
            %swap3A_788 = memref.load %arg13[%swap3A_787] : memref<700xi32, #tpu.memory_space<smem>>
            memref.store %squeeze3A_786, %arg13[%swap3A_787] : memref<700xi32, #tpu.memory_space<smem>>
          } else {
          }
        }
        %while3A_744 = arith.constant 1 : i32
        scf.for %while3A_745 = %while3A_742 to %while3A_738 step %while3A_744  : i32 {
          %broadcast_in_dim3A_746 = vector.broadcast %while3A_745 : i32 to vector<16xi32>
          %lt3A_747 = arith.constant 0 : i32
          %lt3A_748 = vector.broadcast %lt3A_747 : i32 to vector<16xi32>
          %lt3A_749 = arith.cmpi slt, %broadcast_in_dim3A_746, %lt3A_748 : vector<16xi32>
          %add3A_750 = arith.constant 16 : i32
          %add3A_751 = vector.broadcast %add3A_750 : i32 to vector<16xi32>
          %add3A_752 = arith.addi %broadcast_in_dim3A_746, %add3A_751 : vector<16xi32>
          %select_n3A_753 = arith.select %lt3A_749, %add3A_752, %broadcast_in_dim3A_746 : vector<16xi1>, vector<16xi32>
          %reshape3A_754 = vector.shape_cast %select_n3A_753 : vector<16xi32> to vector<16x1xi32>
          %gather3A_755 = vector.shape_cast %reshape3A_754 : vector<16x1xi32> to vector<16xi32>
          %gather3A_756 = tpu.dynamic_gather %get3A_732[%gather3A_755] in [0] : vector<16xi32>, vector<16xi32> -> vector<16xi32>
          %slice3A_757 = vector.extract_strided_slice %gather3A_756 {offsets = [0], sizes = [1], strides = [1]} : vector<16xi32> to vector<1xi32>
          %squeeze3A_758 = vector.extract %slice3A_757[0] : i32 from vector<1xi32>
          %shift_right_arithmetic3A_759 = arith.constant 12 : i32
          %shift_right_arithmetic3A_760 = arith.shrsi %squeeze3A_758, %shift_right_arithmetic3A_759 : i32
          %get3A_761 = arith.index_cast %shift_right_arithmetic3A_760 : i32 to index
          %get3A_762 = memref.load %arg14[%get3A_761] : memref<258xi32, #tpu.memory_space<smem>>
          %add3A_763 = arith.constant 1 : i32
          %add3A_764 = arith.addi %get3A_762, %add3A_763 : i32
          %swap3A_765 = arith.index_cast %shift_right_arithmetic3A_760 : i32 to index
          %swap3A_766 = memref.load %arg14[%swap3A_765] : memref<258xi32, #tpu.memory_space<smem>>
          memref.store %add3A_764, %arg14[%swap3A_765] : memref<258xi32, #tpu.memory_space<smem>>
          %lt3A_767 = arith.constant 700 : i32
          %lt3A_768 = arith.cmpi slt, %get3A_762, %lt3A_767 : i32
          %convert_element_type3A_769 = arith.extui %lt3A_768 : i1 to i32
          %cond3A_770 = arith.constant 0 : i32
          %cond3A_771 = arith.cmpi ne, %convert_element_type3A_769, %cond3A_770 : i32
          scf.if %cond3A_771 {
            %swap3A_772 = arith.index_cast %get3A_762 : i32 to index
            %swap3A_773 = memref.load %arg12[%swap3A_772] : memref<700xi32, #tpu.memory_space<smem>>
            memref.store %squeeze3A_758, %arg12[%swap3A_772] : memref<700xi32, #tpu.memory_space<smem>>
            %broadcast_in_dim3A_774 = vector.broadcast %while3A_745 : i32 to vector<16xi32>
            %lt3A_775 = arith.constant 0 : i32
            %lt3A_776 = vector.broadcast %lt3A_775 : i32 to vector<16xi32>
            %lt3A_777 = arith.cmpi slt, %broadcast_in_dim3A_774, %lt3A_776 : vector<16xi32>
            %add3A_778 = arith.constant 16 : i32
            %add3A_779 = vector.broadcast %add3A_778 : i32 to vector<16xi32>
            %add3A_780 = arith.addi %broadcast_in_dim3A_774, %add3A_779 : vector<16xi32>
            %select_n3A_781 = arith.select %lt3A_777, %add3A_780, %broadcast_in_dim3A_774 : vector<16xi1>, vector<16xi32>
            %reshape3A_782 = vector.shape_cast %select_n3A_781 : vector<16xi32> to vector<16x1xi32>
            %gather3A_783 = vector.shape_cast %reshape3A_782 : vector<16x1xi32> to vector<16xi32>
            %gather3A_784 = tpu.dynamic_gather %get3A_734[%gather3A_783] in [0] : vector<16xi32>, vector<16xi32> -> vector<16xi32>
            %slice3A_785 = vector.extract_strided_slice %gather3A_784 {offsets = [0], sizes = [1], strides = [1]} : vector<16xi32> to vector<1xi32>
            %squeeze3A_786 = vector.extract %slice3A_785[0] : i32 from vector<1xi32>
            %swap3A_787 = arith.index_cast %get3A_762 : i32 to index
            %swap3A_788 = memref.load %arg13[%swap3A_787] : memref<700xi32, #tpu.memory_space<smem>>
            memref.store %squeeze3A_786, %arg13[%swap3A_787] : memref<700xi32, #tpu.memory_space<smem>>
          } else {
          }
        }
      } else {
      }
    }
    %scan3A_628 = arith.constant 512 : i32
    %min3A_629 = arith.constant 700 : i32
    %min3A_630 = arith.minsi %add3A_613, %min3A_629 : i32
    %scan3A_631 = arith.constant 0 : i32
    %scan3A_632 = arith.constant 0 : i32
    %scan3A_633 = arith.constant 31 : i32
    %scan3A_634 = arith.addi %scan3A_632, %scan3A_633 : i32
    %scan3A_635 = arith.constant 1 : i32
    scf.for %scan3A_650 = %scan3A_632 to %scan3A_634 step %scan3A_635  : i32 {
      %mul3A_651 = arith.constant 8 : i32
      %mul3A_652 = arith.muli %mul3A_651, %scan3A_650 : i32
      %add3A_653 = arith.constant 0 : i32
      %add3A_654 = arith.addi %mul3A_652, %add3A_653 : i32
      %dma_wait3A = arith.constant 0 : i32
      %dma_wait3A_655 = arith.constant 0 : i32
      %dma_wait3A_656 = arith.constant 0 : i32
      %dma_wait3A_657 = arith.constant 0 : i32
      %dma_wait3A_658 = tpu.memref_slice %arg9[%dma_wait3A, %dma_wait3A_656, %dma_wait3A_657] : memref<8x64x128xf32, #tpu.memory_space<vmem>> -> memref<1x64x128xf32, #tpu.memory_space<vmem>>
      %dma_wait3A_659 = tpu.memref_squeeze %dma_wait3A_658 : memref<1x64x128xf32, #tpu.memory_space<vmem>> -> memref<64x128xf32, #tpu.memory_space<vmem>>
      %dma_wait3A_660 = arith.constant 0 : i32
      %dma_wait3A_661 = arith.constant 0 : i32
      %dma_wait3A_662 = tpu.memref_slice %arg3[%dma_wait3A_660, %dma_wait3A_661] : memref<64x1000000xf32, #tpu.memory_space<hbm>> -> memref<64x128xf32, #tpu.memory_space<hbm>>
      %dma_wait3A_663 = tpu.memref_slice %arg15[%dma_wait3A_655] : memref<8x!tpu.dma_semaphore, #tpu.memory_space<semaphore_mem>> -> memref<1x!tpu.dma_semaphore, #tpu.memory_space<semaphore_mem>>
      %dma_wait3A_664 = tpu.memref_squeeze %dma_wait3A_663 : memref<1x!tpu.dma_semaphore, #tpu.memory_space<semaphore_mem>> -> memref<!tpu.dma_semaphore, #tpu.memory_space<semaphore_mem>>
      %dma_wait3A_665 = arith.constant 0 : i32
      %dma_wait3A_666 = arith.constant 0 : i32
      %dma_wait3A_667 = tpu.memref_slice %arg9[%dma_wait3A, %dma_wait3A_665, %dma_wait3A_666] : memref<8x64x128xf32, #tpu.memory_space<vmem>> -> memref<1x64x128xf32, #tpu.memory_space<vmem>>
      %dma_wait3A_668 = tpu.memref_squeeze %dma_wait3A_667 : memref<1x64x128xf32, #tpu.memory_space<vmem>> -> memref<64x128xf32, #tpu.memory_space<vmem>>
      %dma_wait3A_669 = arith.constant 0 : i32
      %dma_wait3A_670 = arith.constant 0 : i32
      %dma_wait3A_671 = tpu.memref_slice %arg3[%dma_wait3A_669, %dma_wait3A_670] : memref<64x1000000xf32, #tpu.memory_space<hbm>> -> memref<64x128xf32, #tpu.memory_space<hbm>>
      tpu.wait_dma2 semaphore(%dma_wait3A_664 : memref<!tpu.dma_semaphore, #tpu.memory_space<semaphore_mem>>) src(%dma_wait3A_671 : memref<64x128xf32, #tpu.memory_space<hbm>>) dst(%dma_wait3A_668 : memref<64x128xf32, #tpu.memory_space<vmem>>)
      %shift_right_arithmetic3A = arith.constant 4 : i32
      %shift_right_arithmetic3A_672 = arith.shrsi %add3A_654, %shift_right_arithmetic3A : i32
      %shift_left3A_673 = arith.constant 4 : i32
      %shift_left3A_674 = arith.shli %shift_right_arithmetic3A_672, %shift_left3A_673 : i32
      %multiple_of3A_675 = tpu.assume_multiple %shift_left3A_674, 16 : i32
      %get3A_676 = arith.index_cast %multiple_of3A_675 : i32 to index
      %get3A_677 = tpu.vector_load %arg11[%get3A_676] {strides = array<i32>} : memref<272xi32, #tpu.memory_space<vmem>>, vector<16xi32>,
      %and3A = arith.constant 15 : i32
      %and3A_678 = arith.andi %add3A_654, %and3A : i32
      %broadcast_in_dim3A_679 = vector.broadcast %and3A_678 : i32 to vector<16xi32>
      %lt3A_680 = arith.constant 0 : i32
      %lt3A_681 = vector.broadcast %lt3A_680 : i32 to vector<16xi32>
      %lt3A_682 = arith.cmpi slt, %broadcast_in_dim3A_679, %lt3A_681 : vector<16xi32>
      %add3A_683 = arith.constant 16 : i32
      %add3A_684 = vector.broadcast %add3A_683 : i32 to vector<16xi32>
      %add3A_685 = arith.addi %broadcast_in_dim3A_679, %add3A_684 : vector<16xi32>
      %select_n3A_686 = arith.select %lt3A_682, %add3A_685, %broadcast_in_dim3A_679 : vector<16xi1>, vector<16xi32>
      %reshape3A_687 = vector.shape_cast %select_n3A_686 : vector<16xi32> to vector<16x1xi32>
      %gather3A_688 = vector.shape_cast %reshape3A_687 : vector<16x1xi32> to vector<16xi32>
      %gather3A_689 = tpu.dynamic_gather %get3A_677[%gather3A_688] in [0] : vector<16xi32>, vector<16xi32> -> vector<16xi32>
      %slice3A_690 = vector.extract_strided_slice %gather3A_689 {offsets = [0], sizes = [1], strides = [1]} : vector<16xi32> to vector<1xi32>
      %squeeze3A_691 = vector.extract %slice3A_690[0] : i32 from vector<1xi32>
      %min3A_692 = arith.constant 700 : i32
      %min3A_693 = arith.minsi %squeeze3A_691, %min3A_692 : i32
      %add3A_694 = arith.constant 1 : i32
      %add3A_695 = arith.addi %add3A_654, %add3A_694 : i32
      %shift_right_arithmetic3A_696 = arith.constant 4 : i32
      %shift_right_arithmetic3A_697 = arith.shrsi %add3A_695, %shift_right_arithmetic3A_696 : i32
      %shift_left3A_698 = arith.constant 4 : i32
      %shift_left3A_699 = arith.shli %shift_right_arithmetic3A_697, %shift_left3A_698 : i32
      %multiple_of3A_700 = tpu.assume_multiple %shift_left3A_699, 16 : i32
      %get3A_701 = arith.index_cast %multiple_of3A_700 : i32 to index
      %get3A_702 = tpu.vector_load %arg11[%get3A_701] {strides = array<i32>} : memref<272xi32, #tpu.memory_space<vmem>>, vector<16xi32>,
      %and3A_703 = arith.constant 15 : i32
      %and3A_704 = arith.andi %add3A_695, %and3A_703 : i32
      %broadcast_in_dim3A_705 = vector.broadcast %and3A_704 : i32 to vector<16xi32>
      %lt3A_706 = arith.constant 0 : i32
      %lt3A_707 = vector.broadcast %lt3A_706 : i32 to vector<16xi32>
      %lt3A_708 = arith.cmpi slt, %broadcast_in_dim3A_705, %lt3A_707 : vector<16xi32>
      %add3A_709 = arith.constant 16 : i32
      %add3A_710 = vector.broadcast %add3A_709 : i32 to vector<16xi32>
      %add3A_711 = arith.addi %broadcast_in_dim3A_705, %add3A_710 : vector<16xi32>
      %select_n3A_712 = arith.select %lt3A_708, %add3A_711, %broadcast_in_dim3A_705 : vector<16xi1>, vector<16xi32>
      %reshape3A_713 = vector.shape_cast %select_n3A_712 : vector<16xi32> to vector<16x1xi32>
      %gather3A_714 = vector.shape_cast %reshape3A_713 : vector<16x1xi32> to vector<16xi32>
      %gather3A_715 = tpu.dynamic_gather %get3A_702[%gather3A_714] in [0] : vector<16xi32>, vector<16xi32> -> vector<16xi32>
      %slice3A_716 = vector.extract_strided_slice %gather3A_715 {offsets = [0], sizes = [1], strides = [1]} : vector<16xi32> to vector<1xi32>
      %squeeze3A_717 = vector.extract %slice3A_716[0] : i32 from vector<1xi32>
      %min3A_718 = arith.constant 700 : i32
      %min3A_719 = arith.minsi %squeeze3A_717, %min3A_718 : i32
      %while3A_720 = arith.constant 0 : i32
      %while3A_721 = arith.subi %min3A_719, %min3A_693 : i32
      %while3A_722 = arith.addi %min3A_693, %while3A_721 : i32
      %while3A_723 = arith.constant 1 : i32
      %while3A_724 = arith.divsi %while3A_721, %while3A_723 : i32
      %while3A_725 = arith.muli %while3A_724, %while3A_723 : i32
      %while3A_726 = arith.addi %min3A_693, %while3A_725 : i32
      %while3A_727 = arith.constant 1 : i32
      scf.for %while3A_1352 = %min3A_693 to %while3A_726 step %while3A_727  : i32 {
        %and3A_1353 = arith.constant 15 : i32
        %and3A_1354 = arith.andi %while3A_1352, %and3A_1353 : i32
        %ge3A = arith.constant 16 : i32
        %ge3A_1355 = arith.cmpi sge, %while3A_1352, %ge3A : i32
        %convert_element_type3A_1356 = arith.extui %ge3A_1355 : i1 to i32
        %cond3A_1357 = arith.constant 0 : i32
        %cond3A_1358 = arith.cmpi ne, %convert_element_type3A_1356, %cond3A_1357 : i32
        scf.if %cond3A_1358 {
          %dma_wait3A_1430 = arith.constant 0 : i32
          %dma_wait3A_1431 = tpu.memref_slice %arg10[%and3A_1354, %dma_wait3A_1430] : memref<16x64xf32, #tpu.memory_space<vmem>> -> memref<1x64xf32, #tpu.memory_space<vmem>>
          %dma_wait3A_1432 = tpu.memref_squeeze %dma_wait3A_1431 : memref<1x64xf32, #tpu.memory_space<vmem>> -> memref<64xf32, #tpu.memory_space<vmem>>
          %dma_wait3A_1433 = arith.constant 0 : i32
          %dma_wait3A_1434 = tpu.memref_slice %arg4[%dma_wait3A_1433] : memref<1048576xf32, #tpu.memory_space<hbm>> -> memref<64xf32, #tpu.memory_space<hbm>>
          %dma_wait3A_1435 = tpu.memref_slice %arg16[%and3A_1354] : memref<16x!tpu.dma_semaphore, #tpu.memory_space<semaphore_mem>> -> memref<1x!tpu.dma_semaphore, #tpu.memory_space<semaphore_mem>>
          %dma_wait3A_1436 = tpu.memref_squeeze %dma_wait3A_1435 : memref<1x!tpu.dma_semaphore, #tpu.memory_space<semaphore_mem>> -> memref<!tpu.dma_semaphore, #tpu.memory_space<semaphore_mem>>
          %dma_wait3A_1437 = arith.constant 0 : i32
          %dma_wait3A_1438 = tpu.memref_slice %arg4[%dma_wait3A_1437] : memref<1048576xf32, #tpu.memory_space<hbm>> -> memref<64xf32, #tpu.memory_space<hbm>>
          %dma_wait3A_1439 = arith.constant 0 : i32
          %dma_wait3A_1440 = tpu.memref_slice %arg10[%and3A_1354, %dma_wait3A_1439] : memref<16x64xf32, #tpu.memory_space<vmem>> -> memref<1x64xf32, #tpu.memory_space<vmem>>
          %dma_wait3A_1441 = tpu.memref_squeeze %dma_wait3A_1440 : memref<1x64xf32, #tpu.memory_space<vmem>> -> memref<64xf32, #tpu.memory_space<vmem>>
          tpu.wait_dma2 semaphore(%dma_wait3A_1436 : memref<!tpu.dma_semaphore, #tpu.memory_space<semaphore_mem>>) src(%dma_wait3A_1441 : memref<64xf32, #tpu.memory_space<vmem>>) dst(%dma_wait3A_1438 : memref<64xf32, #tpu.memory_space<hbm>>)
        } else {
        }
        %get3A_1359 = arith.index_cast %while3A_1352 : i32 to index
        %get3A_1360 = memref.load %arg12[%get3A_1359] : memref<700xi32, #tpu.memory_space<smem>>
        %and3A_1361 = arith.constant 127 : i32
        %and3A_1362 = arith.andi %get3A_1360, %and3A_1361 : i32
        %broadcast_in_dim3A_1363 = vector.broadcast %and3A_1362 : i32 to vector<16xi32>
        %iota3A_1364 = tpu.iota {dimensions = array<i32: 0>} : vector<16xi32>
        %add3A_1365 = arith.constant 0 : i32
        %add3A_1366 = vector.broadcast %add3A_1365 : i32 to vector<16xi32>
        %add3A_1367 = arith.addi %iota3A_1364, %add3A_1366 : vector<16xi32>
        %gather3A_1368 = arith.constant 0 : i32
        %gather3A_1369 = arith.constant 0 : i32
        %gather3A_1370 = arith.constant 0 : i32
        %gather3A_1371 = tpu.memref_slice %arg9[%gather3A_1368, %gather3A_1369, %gather3A_1370] : memref<8x64x128xf32, #tpu.memory_space<vmem>> -> memref<1x64x128xf32, #tpu.memory_space<vmem>>
        %gather3A_1372 = tpu.memref_squeeze %gather3A_1371 : memref<1x64x128xf32, #tpu.memory_space<vmem>> -> memref<64x128xf32, #tpu.memory_space<vmem>>
        %gather3A_1373 = tpu.vector_load_idx %gather3A_1372[%add3A_1367, %broadcast_in_dim3A_1363] : memref<64x128xf32, #tpu.memory_space<vmem>>[vector<16xi32>, vector<16xi32>], vector<16xf32>,
        %swap3A_1374 = arith.index_cast %and3A_1354 : i32 to index
        %swap3A_1375 = arith.constant 0 : index
        %swap3A_1376 = tpu.vector_load %arg10[%swap3A_1374, %swap3A_1375] {strides = array<i32>} : memref<16x64xf32, #tpu.memory_space<vmem>>, vector<16xf32>,
        tpu.vector_store %arg10[%swap3A_1374, %swap3A_1375], %gather3A_1373 {strides = array<i32>} : memref<16x64xf32, #tpu.memory_space<vmem>>, vector<16xf32>,
        %iota3A_1377 = tpu.iota {dimensions = array<i32: 0>} : vector<16xi32>
        %add3A_1378 = arith.constant 16 : i32
        %add3A_1379 = vector.broadcast %add3A_1378 : i32 to vector<16xi32>
        %add3A_1380 = arith.addi %iota3A_1377, %add3A_1379 : vector<16xi32>
        %gather3A_1381 = arith.constant 0 : i32
        %gather3A_1382 = arith.constant 0 : i32
        %gather3A_1383 = arith.constant 0 : i32
        %gather3A_1384 = tpu.memref_slice %arg9[%gather3A_1381, %gather3A_1382, %gather3A_1383] : memref<8x64x128xf32, #tpu.memory_space<vmem>> -> memref<1x64x128xf32, #tpu.memory_space<vmem>>
        %gather3A_1385 = tpu.memref_squeeze %gather3A_1384 : memref<1x64x128xf32, #tpu.memory_space<vmem>> -> memref<64x128xf32, #tpu.memory_space<vmem>>
        %gather3A_1386 = tpu.vector_load_idx %gather3A_1385[%add3A_1380, %broadcast_in_dim3A_1363] : memref<64x128xf32, #tpu.memory_space<vmem>>[vector<16xi32>, vector<16xi32>], vector<16xf32>,
        %swap3A_1387 = arith.index_cast %and3A_1354 : i32 to index
        %swap3A_1388 = arith.constant 16 : index
        %swap3A_1389 = tpu.vector_load %arg10[%swap3A_1387, %swap3A_1388] {strides = array<i32>} : memref<16x64xf32, #tpu.memory_space<vmem>>, vector<16xf32>,
        tpu.vector_store %arg10[%swap3A_1387, %swap3A_1388], %gather3A_1386 {strides = array<i32>} : memref<16x64xf32, #tpu.memory_space<vmem>>, vector<16xf32>,
        %iota3A_1390 = tpu.iota {dimensions = array<i32: 0>} : vector<16xi32>
        %add3A_1391 = arith.constant 32 : i32
        %add3A_1392 = vector.broadcast %add3A_1391 : i32 to vector<16xi32>
        %add3A_1393 = arith.addi %iota3A_1390, %add3A_1392 : vector<16xi32>
        %gather3A_1394 = arith.constant 0 : i32
        %gather3A_1395 = arith.constant 0 : i32
        %gather3A_1396 = arith.constant 0 : i32
        %gather3A_1397 = tpu.memref_slice %arg9[%gather3A_1394, %gather3A_1395, %gather3A_1396] : memref<8x64x128xf32, #tpu.memory_space<vmem>> -> memref<1x64x128xf32, #tpu.memory_space<vmem>>
        %gather3A_1398 = tpu.memref_squeeze %gather3A_1397 : memref<1x64x128xf32, #tpu.memory_space<vmem>> -> memref<64x128xf32, #tpu.memory_space<vmem>>
        %gather3A_1399 = tpu.vector_load_idx %gather3A_1398[%add3A_1393, %broadcast_in_dim3A_1363] : memref<64x128xf32, #tpu.memory_space<vmem>>[vector<16xi32>, vector<16xi32>], vector<16xf32>,
        %swap3A_1400 = arith.index_cast %and3A_1354 : i32 to index
        %swap3A_1401 = arith.constant 32 : index
        %swap3A_1402 = tpu.vector_load %arg10[%swap3A_1400, %swap3A_1401] {strides = array<i32>} : memref<16x64xf32, #tpu.memory_space<vmem>>, vector<16xf32>,
        tpu.vector_store %arg10[%swap3A_1400, %swap3A_1401], %gather3A_1399 {strides = array<i32>} : memref<16x64xf32, #tpu.memory_space<vmem>>, vector<16xf32>,
        %iota3A_1403 = tpu.iota {dimensions = array<i32: 0>} : vector<16xi32>
        %add3A_1404 = arith.constant 48 : i32
        %add3A_1405 = vector.broadcast %add3A_1404 : i32 to vector<16xi32>
        %add3A_1406 = arith.addi %iota3A_1403, %add3A_1405 : vector<16xi32>
        %gather3A_1407 = arith.constant 0 : i32
        %gather3A_1408 = arith.constant 0 : i32
        %gather3A_1409 = arith.constant 0 : i32
        %gather3A_1410 = tpu.memref_slice %arg9[%gather3A_1407, %gather3A_1408, %gather3A_1409] : memref<8x64x128xf32, #tpu.memory_space<vmem>> -> memref<1x64x128xf32, #tpu.memory_space<vmem>>
        %gather3A_1411 = tpu.memref_squeeze %gather3A_1410 : memref<1x64x128xf32, #tpu.memory_space<vmem>> -> memref<64x128xf32, #tpu.memory_space<vmem>>
        %gather3A_1412 = tpu.vector_load_idx %gather3A_1411[%add3A_1406, %broadcast_in_dim3A_1363] : memref<64x128xf32, #tpu.memory_space<vmem>>[vector<16xi32>, vector<16xi32>], vector<16xf32>,
        %swap3A_1413 = arith.index_cast %and3A_1354 : i32 to index
        %swap3A_1414 = arith.constant 48 : index
        %swap3A_1415 = tpu.vector_load %arg10[%swap3A_1413, %swap3A_1414] {strides = array<i32>} : memref<16x64xf32, #tpu.memory_space<vmem>>, vector<16xf32>,
        tpu.vector_store %arg10[%swap3A_1413, %swap3A_1414], %gather3A_1412 {strides = array<i32>} : memref<16x64xf32, #tpu.memory_space<vmem>>, vector<16xf32>,
        %get3A_1416 = arith.index_cast %while3A_1352 : i32 to index
        %get3A_1417 = memref.load %arg13[%get3A_1416] : memref<700xi32, #tpu.memory_space<smem>>
        %mul3A_1418 = arith.constant 64 : i32
        %mul3A_1419 = arith.muli %get3A_1417, %mul3A_1418 : i32
        %dma_start3A_1420 = arith.constant 0 : i32
        %dma_start3A_1421 = tpu.memref_slice %arg10[%and3A_1354, %dma_start3A_1420] : memref<16x64xf32, #tpu.memory_space<vmem>> -> memref<1x64xf32, #tpu.memory_space<vmem>>
        %dma_start3A_1422 = tpu.memref_squeeze %dma_start3A_1421 : memref<1x64xf32, #tpu.memory_space<vmem>> -> memref<64xf32, #tpu.memory_space<vmem>>
        %dma_start3A_1423 = tpu.memref_slice %arg4[%mul3A_1419] : memref<1048576xf32, #tpu.memory_space<hbm>> -> memref<64xf32, #tpu.memory_space<hbm>>
        %dma_start3A_1424 = tpu.memref_slice %arg16[%and3A_1354] : memref<16x!tpu.dma_semaphore, #tpu.memory_space<semaphore_mem>> -> memref<1x!tpu.dma_semaphore, #tpu.memory_space<semaphore_mem>>
        %dma_start3A_1425 = tpu.memref_squeeze %dma_start3A_1424 : memref<1x!tpu.dma_semaphore, #tpu.memory_space<semaphore_mem>> -> memref<!tpu.dma_semaphore, #tpu.memory_space<semaphore_mem>>
        %dma_start3A_1426 = tpu.memref_slice %arg4[%mul3A_1419] : memref<1048576xf32, #tpu.memory_space<hbm>> -> memref<64xf32, #tpu.memory_space<hbm>>
        %dma_start3A_1427 = arith.constant 0 : i32
        %dma_start3A_1428 = tpu.memref_slice %arg10[%and3A_1354, %dma_start3A_1427] : memref<16x64xf32, #tpu.memory_space<vmem>> -> memref<1x64xf32, #tpu.memory_space<vmem>>
        %dma_start3A_1429 = tpu.memref_squeeze %dma_start3A_1428 : memref<1x64xf32, #tpu.memory_space<vmem>> -> memref<64xf32, #tpu.memory_space<vmem>>
        tpu.enqueue_dma source(%dma_start3A_1429 : memref<64xf32, #tpu.memory_space<vmem>>) target(%dma_start3A_1426 : memref<64xf32, #tpu.memory_space<hbm>>) target_semaphore(%dma_start3A_1425 : memref<!tpu.dma_semaphore, #tpu.memory_space<semaphore_mem>>)
      }
      %while3A_728 = arith.constant 1 : i32
      scf.for %while3A_1352 = %while3A_726 to %while3A_722 step %while3A_728  : i32 {
        %and3A_1353 = arith.constant 15 : i32
        %and3A_1354 = arith.andi %while3A_1352, %and3A_1353 : i32
        %ge3A = arith.constant 16 : i32
        %ge3A_1355 = arith.cmpi sge, %while3A_1352, %ge3A : i32
        %convert_element_type3A_1356 = arith.extui %ge3A_1355 : i1 to i32
        %cond3A_1357 = arith.constant 0 : i32
        %cond3A_1358 = arith.cmpi ne, %convert_element_type3A_1356, %cond3A_1357 : i32
        scf.if %cond3A_1358 {
          %dma_wait3A_1430 = arith.constant 0 : i32
          %dma_wait3A_1431 = tpu.memref_slice %arg10[%and3A_1354, %dma_wait3A_1430] : memref<16x64xf32, #tpu.memory_space<vmem>> -> memref<1x64xf32, #tpu.memory_space<vmem>>
          %dma_wait3A_1432 = tpu.memref_squeeze %dma_wait3A_1431 : memref<1x64xf32, #tpu.memory_space<vmem>> -> memref<64xf32, #tpu.memory_space<vmem>>
          %dma_wait3A_1433 = arith.constant 0 : i32
          %dma_wait3A_1434 = tpu.memref_slice %arg4[%dma_wait3A_1433] : memref<1048576xf32, #tpu.memory_space<hbm>> -> memref<64xf32, #tpu.memory_space<hbm>>
          %dma_wait3A_1435 = tpu.memref_slice %arg16[%and3A_1354] : memref<16x!tpu.dma_semaphore, #tpu.memory_space<semaphore_mem>> -> memref<1x!tpu.dma_semaphore, #tpu.memory_space<semaphore_mem>>
          %dma_wait3A_1436 = tpu.memref_squeeze %dma_wait3A_1435 : memref<1x!tpu.dma_semaphore, #tpu.memory_space<semaphore_mem>> -> memref<!tpu.dma_semaphore, #tpu.memory_space<semaphore_mem>>
          %dma_wait3A_1437 = arith.constant 0 : i32
          %dma_wait3A_1438 = tpu.memref_slice %arg4[%dma_wait3A_1437] : memref<1048576xf32, #tpu.memory_space<hbm>> -> memref<64xf32, #tpu.memory_space<hbm>>
          %dma_wait3A_1439 = arith.constant 0 : i32
          %dma_wait3A_1440 = tpu.memref_slice %arg10[%and3A_1354, %dma_wait3A_1439] : memref<16x64xf32, #tpu.memory_space<vmem>> -> memref<1x64xf32, #tpu.memory_space<vmem>>
          %dma_wait3A_1441 = tpu.memref_squeeze %dma_wait3A_1440 : memref<1x64xf32, #tpu.memory_space<vmem>> -> memref<64xf32, #tpu.memory_space<vmem>>
          tpu.wait_dma2 semaphore(%dma_wait3A_1436 : memref<!tpu.dma_semaphore, #tpu.memory_space<semaphore_mem>>) src(%dma_wait3A_1441 : memref<64xf32, #tpu.memory_space<vmem>>) dst(%dma_wait3A_1438 : memref<64xf32, #tpu.memory_space<hbm>>)
        } else {
        }
        %get3A_1359 = arith.index_cast %while3A_1352 : i32 to index
        %get3A_1360 = memref.load %arg12[%get3A_1359] : memref<700xi32, #tpu.memory_space<smem>>
        %and3A_1361 = arith.constant 127 : i32
        %and3A_1362 = arith.andi %get3A_1360, %and3A_1361 : i32
        %broadcast_in_dim3A_1363 = vector.broadcast %and3A_1362 : i32 to vector<16xi32>
        %iota3A_1364 = tpu.iota {dimensions = array<i32: 0>} : vector<16xi32>
        %add3A_1365 = arith.constant 0 : i32
        %add3A_1366 = vector.broadcast %add3A_1365 : i32 to vector<16xi32>
        %add3A_1367 = arith.addi %iota3A_1364, %add3A_1366 : vector<16xi32>
        %gather3A_1368 = arith.constant 0 : i32
        %gather3A_1369 = arith.constant 0 : i32
        %gather3A_1370 = arith.constant 0 : i32
        %gather3A_1371 = tpu.memref_slice %arg9[%gather3A_1368, %gather3A_1369, %gather3A_1370] : memref<8x64x128xf32, #tpu.memory_space<vmem>> -> memref<1x64x128xf32, #tpu.memory_space<vmem>>
        %gather3A_1372 = tpu.memref_squeeze %gather3A_1371 : memref<1x64x128xf32, #tpu.memory_space<vmem>> -> memref<64x128xf32, #tpu.memory_space<vmem>>
        %gather3A_1373 = tpu.vector_load_idx %gather3A_1372[%add3A_1367, %broadcast_in_dim3A_1363] : memref<64x128xf32, #tpu.memory_space<vmem>>[vector<16xi32>, vector<16xi32>], vector<16xf32>,
        %swap3A_1374 = arith.index_cast %and3A_1354 : i32 to index
        %swap3A_1375 = arith.constant 0 : index
        %swap3A_1376 = tpu.vector_load %arg10[%swap3A_1374, %swap3A_1375] {strides = array<i32>} : memref<16x64xf32, #tpu.memory_space<vmem>>, vector<16xf32>,
        tpu.vector_store %arg10[%swap3A_1374, %swap3A_1375], %gather3A_1373 {strides = array<i32>} : memref<16x64xf32, #tpu.memory_space<vmem>>, vector<16xf32>,
        %iota3A_1377 = tpu.iota {dimensions = array<i32: 0>} : vector<16xi32>
        %add3A_1378 = arith.constant 16 : i32
        %add3A_1379 = vector.broadcast %add3A_1378 : i32 to vector<16xi32>
        %add3A_1380 = arith.addi %iota3A_1377, %add3A_1379 : vector<16xi32>
        %gather3A_1381 = arith.constant 0 : i32
        %gather3A_1382 = arith.constant 0 : i32
        %gather3A_1383 = arith.constant 0 : i32
        %gather3A_1384 = tpu.memref_slice %arg9[%gather3A_1381, %gather3A_1382, %gather3A_1383] : memref<8x64x128xf32, #tpu.memory_space<vmem>> -> memref<1x64x128xf32, #tpu.memory_space<vmem>>
        %gather3A_1385 = tpu.memref_squeeze %gather3A_1384 : memref<1x64x128xf32, #tpu.memory_space<vmem>> -> memref<64x128xf32, #tpu.memory_space<vmem>>
        %gather3A_1386 = tpu.vector_load_idx %gather3A_1385[%add3A_1380, %broadcast_in_dim3A_1363] : memref<64x128xf32, #tpu.memory_space<vmem>>[vector<16xi32>, vector<16xi32>], vector<16xf32>,
        %swap3A_1387 = arith.index_cast %and3A_1354 : i32 to index
        %swap3A_1388 = arith.constant 16 : index
        %swap3A_1389 = tpu.vector_load %arg10[%swap3A_1387, %swap3A_1388] {strides = array<i32>} : memref<16x64xf32, #tpu.memory_space<vmem>>, vector<16xf32>,
        tpu.vector_store %arg10[%swap3A_1387, %swap3A_1388], %gather3A_1386 {strides = array<i32>} : memref<16x64xf32, #tpu.memory_space<vmem>>, vector<16xf32>,
        %iota3A_1390 = tpu.iota {dimensions = array<i32: 0>} : vector<16xi32>
        %add3A_1391 = arith.constant 32 : i32
        %add3A_1392 = vector.broadcast %add3A_1391 : i32 to vector<16xi32>
        %add3A_1393 = arith.addi %iota3A_1390, %add3A_1392 : vector<16xi32>
        %gather3A_1394 = arith.constant 0 : i32
        %gather3A_1395 = arith.constant 0 : i32
        %gather3A_1396 = arith.constant 0 : i32
        %gather3A_1397 = tpu.memref_slice %arg9[%gather3A_1394, %gather3A_1395, %gather3A_1396] : memref<8x64x128xf32, #tpu.memory_space<vmem>> -> memref<1x64x128xf32, #tpu.memory_space<vmem>>
        %gather3A_1398 = tpu.memref_squeeze %gather3A_1397 : memref<1x64x128xf32, #tpu.memory_space<vmem>> -> memref<64x128xf32, #tpu.memory_space<vmem>>
        %gather3A_1399 = tpu.vector_load_idx %gather3A_1398[%add3A_1393, %broadcast_in_dim3A_1363] : memref<64x128xf32, #tpu.memory_space<vmem>>[vector<16xi32>, vector<16xi32>], vector<16xf32>,
        %swap3A_1400 = arith.index_cast %and3A_1354 : i32 to index
        %swap3A_1401 = arith.constant 32 : index
        %swap3A_1402 = tpu.vector_load %arg10[%swap3A_1400, %swap3A_1401] {strides = array<i32>} : memref<16x64xf32, #tpu.memory_space<vmem>>, vector<16xf32>,
        tpu.vector_store %arg10[%swap3A_1400, %swap3A_1401], %gather3A_1399 {strides = array<i32>} : memref<16x64xf32, #tpu.memory_space<vmem>>, vector<16xf32>,
        %iota3A_1403 = tpu.iota {dimensions = array<i32: 0>} : vector<16xi32>
        %add3A_1404 = arith.constant 48 : i32
        %add3A_1405 = vector.broadcast %add3A_1404 : i32 to vector<16xi32>
        %add3A_1406 = arith.addi %iota3A_1403, %add3A_1405 : vector<16xi32>
        %gather3A_1407 = arith.constant 0 : i32
        %gather3A_1408 = arith.constant 0 : i32
        %gather3A_1409 = arith.constant 0 : i32
        %gather3A_1410 = tpu.memref_slice %arg9[%gather3A_1407, %gather3A_1408, %gather3A_1409] : memref<8x64x128xf32, #tpu.memory_space<vmem>> -> memref<1x64x128xf32, #tpu.memory_space<vmem>>
        %gather3A_1411 = tpu.memref_squeeze %gather3A_1410 : memref<1x64x128xf32, #tpu.memory_space<vmem>> -> memref<64x128xf32, #tpu.memory_space<vmem>>
        %gather3A_1412 = tpu.vector_load_idx %gather3A_1411[%add3A_1406, %broadcast_in_dim3A_1363] : memref<64x128xf32, #tpu.memory_space<vmem>>[vector<16xi32>, vector<16xi32>], vector<16xf32>,
        %swap3A_1413 = arith.index_cast %and3A_1354 : i32 to index
        %swap3A_1414 = arith.constant 48 : index
        %swap3A_1415 = tpu.vector_load %arg10[%swap3A_1413, %swap3A_1414] {strides = array<i32>} : memref<16x64xf32, #tpu.memory_space<vmem>>, vector<16xf32>,
        tpu.vector_store %arg10[%swap3A_1413, %swap3A_1414], %gather3A_1412 {strides = array<i32>} : memref<16x64xf32, #tpu.memory_space<vmem>>, vector<16xf32>,
        %get3A_1416 = arith.index_cast %while3A_1352 : i32 to index
        %get3A_1417 = memref.load %arg13[%get3A_1416] : memref<700xi32, #tpu.memory_space<smem>>
        %mul3A_1418 = arith.constant 64 : i32
        %mul3A_1419 = arith.muli %get3A_1417, %mul3A_1418 : i32
        %dma_start3A_1420 = arith.constant 0 : i32
        %dma_start3A_1421 = tpu.memref_slice %arg10[%and3A_1354, %dma_start3A_1420] : memref<16x64xf32, #tpu.memory_space<vmem>> -> memref<1x64xf32, #tpu.memory_space<vmem>>
        %dma_start3A_1422 = tpu.memref_squeeze %dma_start3A_1421 : memref<1x64xf32, #tpu.memory_space<vmem>> -> memref<64xf32, #tpu.memory_space<vmem>>
        %dma_start3A_1423 = tpu.memref_slice %arg4[%mul3A_1419] : memref<1048576xf32, #tpu.memory_space<hbm>> -> memref<64xf32, #tpu.memory_space<hbm>>
        %dma_start3A_1424 = tpu.memref_slice %arg16[%and3A_1354] : memref<16x!tpu.dma_semaphore, #tpu.memory_space<semaphore_mem>> -> memref<1x!tpu.dma_semaphore, #tpu.memory_space<semaphore_mem>>
        %dma_start3A_1425 = tpu.memref_squeeze %dma_start3A_1424 : memref<1x!tpu.dma_semaphore, #tpu.memory_space<semaphore_mem>> -> memref<!tpu.dma_semaphore, #tpu.memory_space<semaphore_mem>>
        %dma_start3A_1426 = tpu.memref_slice %arg4[%mul3A_1419] : memref<1048576xf32, #tpu.memory_space<hbm>> -> memref<64xf32, #tpu.memory_space<hbm>>
        %dma_start3A_1427 = arith.constant 0 : i32
        %dma_start3A_1428 = tpu.memref_slice %arg10[%and3A_1354, %dma_start3A_1427] : memref<16x64xf32, #tpu.memory_space<vmem>> -> memref<1x64xf32, #tpu.memory_space<vmem>>
        %dma_start3A_1429 = tpu.memref_squeeze %dma_start3A_1428 : memref<1x64xf32, #tpu.memory_space<vmem>> -> memref<64xf32, #tpu.memory_space<vmem>>
        tpu.enqueue_dma source(%dma_start3A_1429 : memref<64xf32, #tpu.memory_space<vmem>>) target(%dma_start3A_1426 : memref<64xf32, #tpu.memory_space<hbm>>) target_semaphore(%dma_start3A_1425 : memref<!tpu.dma_semaphore, #tpu.memory_space<semaphore_mem>>)
      }
      %add3A_729 = arith.constant 8 : i32
      %add3A_730 = arith.addi %add3A_654, %add3A_729 : i32
      %lt3A_731 = arith.constant 248 : i32
      %lt3A_732 = arith.cmpi slt, %add3A_730, %lt3A_731 : i32
      %convert_element_type3A_733 = arith.extui %lt3A_732 : i1 to i32
      %cond3A_734 = arith.constant 0 : i32
      %cond3A_735 = arith.cmpi ne, %convert_element_type3A_733, %cond3A_734 : i32
      scf.if %cond3A_735 {
        %add3A_1352 = arith.constant 8 : i32
        %add3A_1353 = arith.addi %add3A_654, %add3A_1352 : i32
        %mul3A_1354 = arith.constant 32 : i32
        %mul3A_1355 = arith.muli %mul3A_1354, %add3A_1353 : i32
        %add3A_1356 = arith.addi %mul3A_1355, %add3A : i32
        %min3A_1357 = arith.constant 7812 : i32
        %min3A_1358 = arith.minsi %add3A_1356, %min3A_1357 : i32
        %shift_left3A_1359 = arith.constant 7 : i32
        %shift_left3A_1360 = arith.shli %min3A_1358, %shift_left3A_1359 : i32
        %multiple_of3A_1361 = tpu.assume_multiple %shift_left3A_1360, 128 : i32
        %dma_start3A_1362 = arith.constant 0 : i32
        %dma_start3A_1363 = arith.constant 0 : i32
        %dma_start3A_1364 = arith.constant 0 : i32
        %dma_start3A_1365 = arith.constant 0 : i32
        %dma_start3A_1366 = tpu.memref_slice %arg9[%dma_start3A_1362, %dma_start3A_1364, %dma_start3A_1365] : memref<8x64x128xf32, #tpu.memory_space<vmem>> -> memref<1x64x128xf32, #tpu.memory_space<vmem>>
        %dma_start3A_1367 = tpu.memref_squeeze %dma_start3A_1366 : memref<1x64x128xf32, #tpu.memory_space<vmem>> -> memref<64x128xf32, #tpu.memory_space<vmem>>
        %dma_start3A_1368 = arith.constant 0 : i32
        %dma_start3A_1369 = tpu.memref_slice %arg3[%dma_start3A_1368, %multiple_of3A_1361] : memref<64x1000000xf32, #tpu.memory_space<hbm>> -> memref<64x128xf32, #tpu.memory_space<hbm>>
        %dma_start3A_1370 = tpu.memref_slice %arg15[%dma_start3A_1363] : memref<8x!tpu.dma_semaphore, #tpu.memory_space<semaphore_mem>> -> memref<1x!tpu.dma_semaphore, #tpu.memory_space<semaphore_mem>>
        %dma_start3A_1371 = tpu.memref_squeeze %dma_start3A_1370 : memref<1x!tpu.dma_semaphore, #tpu.memory_space<semaphore_mem>> -> memref<!tpu.dma_semaphore, #tpu.memory_space<semaphore_mem>>
        %dma_start3A_1372 = arith.constant 0 : i32
        %dma_start3A_1373 = arith.constant 0 : i32
        %dma_start3A_1374 = tpu.memref_slice %arg9[%dma_start3A_1362, %dma_start3A_1372, %dma_start3A_1373] : memref<8x64x128xf32, #tpu.memory_space<vmem>> -> memref<1x64x128xf32, #tpu.memory_space<vmem>>
        %dma_start3A_1375 = tpu.memref_squeeze %dma_start3A_1374 : memref<1x64x128xf32, #tpu.memory_space<vmem>> -> memref<64x128xf32, #tpu.memory_space<vmem>>
        %dma_start3A_1376 = arith.constant 0 : i32
        %dma_start3A_1377 = tpu.memref_slice %arg3[%dma_start3A_1376, %multiple_of3A_1361] : memref<64x1000000xf32, #tpu.memory_space<hbm>> -> memref<64x128xf32, #tpu.memory_space<hbm>>
        tpu.enqueue_dma source(%dma_start3A_1377 : memref<64x128xf32, #tpu.memory_space<hbm>>) target(%dma_start3A_1375 : memref<64x128xf32, #tpu.memory_space<vmem>>) target_semaphore(%dma_start3A_1371 : memref<!tpu.dma_semaphore, #tpu.memory_space<semaphore_mem>>)
      } else {
      }
      %mul3A_736 = arith.constant 8 : i32
      %mul3A_737 = arith.muli %mul3A_736, %scan3A_650 : i32
      %add3A_738 = arith.constant 1 : i32
      %add3A_739 = arith.addi %mul3A_737, %add3A_738 : i32
      %dma_wait3A_740 = arith.constant 1 : i32
      %dma_wait3A_741 = arith.constant 1 : i32
      %dma_wait3A_742 = arith.constant 0 : i32
      %dma_wait3A_743 = arith.constant 0 : i32
      %dma_wait3A_744 = tpu.memref_slice %arg9[%dma_wait3A_740, %dma_wait3A_742, %dma_wait3A_743] : memref<8x64x128xf32, #tpu.memory_space<vmem>> -> memref<1x64x128xf32, #tpu.memory_space<vmem>>
      %dma_wait3A_745 = tpu.memref_squeeze %dma_wait3A_744 : memref<1x64x128xf32, #tpu.memory_space<vmem>> -> memref<64x128xf32, #tpu.memory_space<vmem>>
      %dma_wait3A_746 = arith.constant 0 : i32
      %dma_wait3A_747 = arith.constant 0 : i32
      %dma_wait3A_748 = tpu.memref_slice %arg3[%dma_wait3A_746, %dma_wait3A_747] : memref<64x1000000xf32, #tpu.memory_space<hbm>> -> memref<64x128xf32, #tpu.memory_space<hbm>>
      %dma_wait3A_749 = tpu.memref_slice %arg15[%dma_wait3A_741] : memref<8x!tpu.dma_semaphore, #tpu.memory_space<semaphore_mem>> -> memref<1x!tpu.dma_semaphore, #tpu.memory_space<semaphore_mem>>
      %dma_wait3A_750 = tpu.memref_squeeze %dma_wait3A_749 : memref<1x!tpu.dma_semaphore, #tpu.memory_space<semaphore_mem>> -> memref<!tpu.dma_semaphore, #tpu.memory_space<semaphore_mem>>
      %dma_wait3A_751 = arith.constant 0 : i32
      %dma_wait3A_752 = arith.constant 0 : i32
      %dma_wait3A_753 = tpu.memref_slice %arg9[%dma_wait3A_740, %dma_wait3A_751, %dma_wait3A_752] : memref<8x64x128xf32, #tpu.memory_space<vmem>> -> memref<1x64x128xf32, #tpu.memory_space<vmem>>
      %dma_wait3A_754 = tpu.memref_squeeze %dma_wait3A_753 : memref<1x64x128xf32, #tpu.memory_space<vmem>> -> memref<64x128xf32, #tpu.memory_space<vmem>>
      %dma_wait3A_755 = arith.constant 0 : i32
      %dma_wait3A_756 = arith.constant 0 : i32
      %dma_wait3A_757 = tpu.memref_slice %arg3[%dma_wait3A_755, %dma_wait3A_756] : memref<64x1000000xf32, #tpu.memory_space<hbm>> -> memref<64x128xf32, #tpu.memory_space<hbm>>
      tpu.wait_dma2 semaphore(%dma_wait3A_750 : memref<!tpu.dma_semaphore, #tpu.memory_space<semaphore_mem>>) src(%dma_wait3A_757 : memref<64x128xf32, #tpu.memory_space<hbm>>) dst(%dma_wait3A_754 : memref<64x128xf32, #tpu.memory_space<vmem>>)
      %shift_right_arithmetic3A_758 = arith.constant 4 : i32
      %shift_right_arithmetic3A_759 = arith.shrsi %add3A_739, %shift_right_arithmetic3A_758 : i32
      %shift_left3A_760 = arith.constant 4 : i32
      %shift_left3A_761 = arith.shli %shift_right_arithmetic3A_759, %shift_left3A_760 : i32
      %multiple_of3A_762 = tpu.assume_multiple %shift_left3A_761, 16 : i32
      %get3A_763 = arith.index_cast %multiple_of3A_762 : i32 to index
      %get3A_764 = tpu.vector_load %arg11[%get3A_763] {strides = array<i32>} : memref<272xi32, #tpu.memory_space<vmem>>, vector<16xi32>,
      %and3A_765 = arith.constant 15 : i32
      %and3A_766 = arith.andi %add3A_739, %and3A_765 : i32
      %broadcast_in_dim3A_767 = vector.broadcast %and3A_766 : i32 to vector<16xi32>
      %lt3A_768 = arith.constant 0 : i32
      %lt3A_769 = vector.broadcast %lt3A_768 : i32 to vector<16xi32>
      %lt3A_770 = arith.cmpi slt, %broadcast_in_dim3A_767, %lt3A_769 : vector<16xi32>
      %add3A_771 = arith.constant 16 : i32
      %add3A_772 = vector.broadcast %add3A_771 : i32 to vector<16xi32>
      %add3A_773 = arith.addi %broadcast_in_dim3A_767, %add3A_772 : vector<16xi32>
      %select_n3A_774 = arith.select %lt3A_770, %add3A_773, %broadcast_in_dim3A_767 : vector<16xi1>, vector<16xi32>
      %reshape3A_775 = vector.shape_cast %select_n3A_774 : vector<16xi32> to vector<16x1xi32>
      %gather3A_776 = vector.shape_cast %reshape3A_775 : vector<16x1xi32> to vector<16xi32>
      %gather3A_777 = tpu.dynamic_gather %get3A_764[%gather3A_776] in [0] : vector<16xi32>, vector<16xi32> -> vector<16xi32>
      %slice3A_778 = vector.extract_strided_slice %gather3A_777 {offsets = [0], sizes = [1], strides = [1]} : vector<16xi32> to vector<1xi32>
      %squeeze3A_779 = vector.extract %slice3A_778[0] : i32 from vector<1xi32>
      %min3A_780 = arith.constant 700 : i32
      %min3A_781 = arith.minsi %squeeze3A_779, %min3A_780 : i32
      %add3A_782 = arith.constant 1 : i32
      %add3A_783 = arith.addi %add3A_739, %add3A_782 : i32
      %shift_right_arithmetic3A_784 = arith.constant 4 : i32
      %shift_right_arithmetic3A_785 = arith.shrsi %add3A_783, %shift_right_arithmetic3A_784 : i32
      %shift_left3A_786 = arith.constant 4 : i32
      %shift_left3A_787 = arith.shli %shift_right_arithmetic3A_785, %shift_left3A_786 : i32
      %multiple_of3A_788 = tpu.assume_multiple %shift_left3A_787, 16 : i32
      %get3A_789 = arith.index_cast %multiple_of3A_788 : i32 to index
      %get3A_790 = tpu.vector_load %arg11[%get3A_789] {strides = array<i32>} : memref<272xi32, #tpu.memory_space<vmem>>, vector<16xi32>,
      %and3A_791 = arith.constant 15 : i32
      %and3A_792 = arith.andi %add3A_783, %and3A_791 : i32
      %broadcast_in_dim3A_793 = vector.broadcast %and3A_792 : i32 to vector<16xi32>
      %lt3A_794 = arith.constant 0 : i32
      %lt3A_795 = vector.broadcast %lt3A_794 : i32 to vector<16xi32>
      %lt3A_796 = arith.cmpi slt, %broadcast_in_dim3A_793, %lt3A_795 : vector<16xi32>
      %add3A_797 = arith.constant 16 : i32
      %add3A_798 = vector.broadcast %add3A_797 : i32 to vector<16xi32>
      %add3A_799 = arith.addi %broadcast_in_dim3A_793, %add3A_798 : vector<16xi32>
      %select_n3A_800 = arith.select %lt3A_796, %add3A_799, %broadcast_in_dim3A_793 : vector<16xi1>, vector<16xi32>
      %reshape3A_801 = vector.shape_cast %select_n3A_800 : vector<16xi32> to vector<16x1xi32>
      %gather3A_802 = vector.shape_cast %reshape3A_801 : vector<16x1xi32> to vector<16xi32>
      %gather3A_803 = tpu.dynamic_gather %get3A_790[%gather3A_802] in [0] : vector<16xi32>, vector<16xi32> -> vector<16xi32>
      %slice3A_804 = vector.extract_strided_slice %gather3A_803 {offsets = [0], sizes = [1], strides = [1]} : vector<16xi32> to vector<1xi32>
      %squeeze3A_805 = vector.extract %slice3A_804[0] : i32 from vector<1xi32>
      %min3A_806 = arith.constant 700 : i32
      %min3A_807 = arith.minsi %squeeze3A_805, %min3A_806 : i32
      %while3A_808 = arith.constant 0 : i32
      %while3A_809 = arith.subi %min3A_807, %min3A_781 : i32
      %while3A_810 = arith.addi %min3A_781, %while3A_809 : i32
      %while3A_811 = arith.constant 1 : i32
      %while3A_812 = arith.divsi %while3A_809, %while3A_811 : i32
      %while3A_813 = arith.muli %while3A_812, %while3A_811 : i32
      %while3A_814 = arith.addi %min3A_781, %while3A_813 : i32
      %while3A_815 = arith.constant 1 : i32
      scf.for %while3A_1352 = %min3A_781 to %while3A_814 step %while3A_815  : i32 {
        %and3A_1353 = arith.constant 15 : i32
        %and3A_1354 = arith.andi %while3A_1352, %and3A_1353 : i32
        %ge3A = arith.constant 16 : i32
        %ge3A_1355 = arith.cmpi sge, %while3A_1352, %ge3A : i32
        %convert_element_type3A_1356 = arith.extui %ge3A_1355 : i1 to i32
        %cond3A_1357 = arith.constant 0 : i32
        %cond3A_1358 = arith.cmpi ne, %convert_element_type3A_1356, %cond3A_1357 : i32
        scf.if %cond3A_1358 {
          %dma_wait3A_1430 = arith.constant 0 : i32
          %dma_wait3A_1431 = tpu.memref_slice %arg10[%and3A_1354, %dma_wait3A_1430] : memref<16x64xf32, #tpu.memory_space<vmem>> -> memref<1x64xf32, #tpu.memory_space<vmem>>
          %dma_wait3A_1432 = tpu.memref_squeeze %dma_wait3A_1431 : memref<1x64xf32, #tpu.memory_space<vmem>> -> memref<64xf32, #tpu.memory_space<vmem>>
          %dma_wait3A_1433 = arith.constant 0 : i32
          %dma_wait3A_1434 = tpu.memref_slice %arg4[%dma_wait3A_1433] : memref<1048576xf32, #tpu.memory_space<hbm>> -> memref<64xf32, #tpu.memory_space<hbm>>
          %dma_wait3A_1435 = tpu.memref_slice %arg16[%and3A_1354] : memref<16x!tpu.dma_semaphore, #tpu.memory_space<semaphore_mem>> -> memref<1x!tpu.dma_semaphore, #tpu.memory_space<semaphore_mem>>
          %dma_wait3A_1436 = tpu.memref_squeeze %dma_wait3A_1435 : memref<1x!tpu.dma_semaphore, #tpu.memory_space<semaphore_mem>> -> memref<!tpu.dma_semaphore, #tpu.memory_space<semaphore_mem>>
          %dma_wait3A_1437 = arith.constant 0 : i32
          %dma_wait3A_1438 = tpu.memref_slice %arg4[%dma_wait3A_1437] : memref<1048576xf32, #tpu.memory_space<hbm>> -> memref<64xf32, #tpu.memory_space<hbm>>
          %dma_wait3A_1439 = arith.constant 0 : i32
          %dma_wait3A_1440 = tpu.memref_slice %arg10[%and3A_1354, %dma_wait3A_1439] : memref<16x64xf32, #tpu.memory_space<vmem>> -> memref<1x64xf32, #tpu.memory_space<vmem>>
          %dma_wait3A_1441 = tpu.memref_squeeze %dma_wait3A_1440 : memref<1x64xf32, #tpu.memory_space<vmem>> -> memref<64xf32, #tpu.memory_space<vmem>>
          tpu.wait_dma2 semaphore(%dma_wait3A_1436 : memref<!tpu.dma_semaphore, #tpu.memory_space<semaphore_mem>>) src(%dma_wait3A_1441 : memref<64xf32, #tpu.memory_space<vmem>>) dst(%dma_wait3A_1438 : memref<64xf32, #tpu.memory_space<hbm>>)
        } else {
        }
        %get3A_1359 = arith.index_cast %while3A_1352 : i32 to index
        %get3A_1360 = memref.load %arg12[%get3A_1359] : memref<700xi32, #tpu.memory_space<smem>>
        %and3A_1361 = arith.constant 127 : i32
        %and3A_1362 = arith.andi %get3A_1360, %and3A_1361 : i32
        %broadcast_in_dim3A_1363 = vector.broadcast %and3A_1362 : i32 to vector<16xi32>
        %iota3A_1364 = tpu.iota {dimensions = array<i32: 0>} : vector<16xi32>
        %add3A_1365 = arith.constant 0 : i32
        %add3A_1366 = vector.broadcast %add3A_1365 : i32 to vector<16xi32>
        %add3A_1367 = arith.addi %iota3A_1364, %add3A_1366 : vector<16xi32>
        %gather3A_1368 = arith.constant 1 : i32
        %gather3A_1369 = arith.constant 0 : i32
        %gather3A_1370 = arith.constant 0 : i32
        %gather3A_1371 = tpu.memref_slice %arg9[%gather3A_1368, %gather3A_1369, %gather3A_1370] : memref<8x64x128xf32, #tpu.memory_space<vmem>> -> memref<1x64x128xf32, #tpu.memory_space<vmem>>
        %gather3A_1372 = tpu.memref_squeeze %gather3A_1371 : memref<1x64x128xf32, #tpu.memory_space<vmem>> -> memref<64x128xf32, #tpu.memory_space<vmem>>
        %gather3A_1373 = tpu.vector_load_idx %gather3A_1372[%add3A_1367, %broadcast_in_dim3A_1363] : memref<64x128xf32, #tpu.memory_space<vmem>>[vector<16xi32>, vector<16xi32>], vector<16xf32>,
        %swap3A_1374 = arith.index_cast %and3A_1354 : i32 to index
        %swap3A_1375 = arith.constant 0 : index
        %swap3A_1376 = tpu.vector_load %arg10[%swap3A_1374, %swap3A_1375] {strides = array<i32>} : memref<16x64xf32, #tpu.memory_space<vmem>>, vector<16xf32>,
        tpu.vector_store %arg10[%swap3A_1374, %swap3A_1375], %gather3A_1373 {strides = array<i32>} : memref<16x64xf32, #tpu.memory_space<vmem>>, vector<16xf32>,
        %iota3A_1377 = tpu.iota {dimensions = array<i32: 0>} : vector<16xi32>
        %add3A_1378 = arith.constant 16 : i32
        %add3A_1379 = vector.broadcast %add3A_1378 : i32 to vector<16xi32>
        %add3A_1380 = arith.addi %iota3A_1377, %add3A_1379 : vector<16xi32>
        %gather3A_1381 = arith.constant 1 : i32
        %gather3A_1382 = arith.constant 0 : i32
        %gather3A_1383 = arith.constant 0 : i32
        %gather3A_1384 = tpu.memref_slice %arg9[%gather3A_1381, %gather3A_1382, %gather3A_1383] : memref<8x64x128xf32, #tpu.memory_space<vmem>> -> memref<1x64x128xf32, #tpu.memory_space<vmem>>
        %gather3A_1385 = tpu.memref_squeeze %gather3A_1384 : memref<1x64x128xf32, #tpu.memory_space<vmem>> -> memref<64x128xf32, #tpu.memory_space<vmem>>
        %gather3A_1386 = tpu.vector_load_idx %gather3A_1385[%add3A_1380, %broadcast_in_dim3A_1363] : memref<64x128xf32, #tpu.memory_space<vmem>>[vector<16xi32>, vector<16xi32>], vector<16xf32>,
        %swap3A_1387 = arith.index_cast %and3A_1354 : i32 to index
        %swap3A_1388 = arith.constant 16 : index
        %swap3A_1389 = tpu.vector_load %arg10[%swap3A_1387, %swap3A_1388] {strides = array<i32>} : memref<16x64xf32, #tpu.memory_space<vmem>>, vector<16xf32>,
        tpu.vector_store %arg10[%swap3A_1387, %swap3A_1388], %gather3A_1386 {strides = array<i32>} : memref<16x64xf32, #tpu.memory_space<vmem>>, vector<16xf32>,
        %iota3A_1390 = tpu.iota {dimensions = array<i32: 0>} : vector<16xi32>
        %add3A_1391 = arith.constant 32 : i32
        %add3A_1392 = vector.broadcast %add3A_1391 : i32 to vector<16xi32>
        %add3A_1393 = arith.addi %iota3A_1390, %add3A_1392 : vector<16xi32>
        %gather3A_1394 = arith.constant 1 : i32
        %gather3A_1395 = arith.constant 0 : i32
        %gather3A_1396 = arith.constant 0 : i32
        %gather3A_1397 = tpu.memref_slice %arg9[%gather3A_1394, %gather3A_1395, %gather3A_1396] : memref<8x64x128xf32, #tpu.memory_space<vmem>> -> memref<1x64x128xf32, #tpu.memory_space<vmem>>
        %gather3A_1398 = tpu.memref_squeeze %gather3A_1397 : memref<1x64x128xf32, #tpu.memory_space<vmem>> -> memref<64x128xf32, #tpu.memory_space<vmem>>
        %gather3A_1399 = tpu.vector_load_idx %gather3A_1398[%add3A_1393, %broadcast_in_dim3A_1363] : memref<64x128xf32, #tpu.memory_space<vmem>>[vector<16xi32>, vector<16xi32>], vector<16xf32>,
        %swap3A_1400 = arith.index_cast %and3A_1354 : i32 to index
        %swap3A_1401 = arith.constant 32 : index
        %swap3A_1402 = tpu.vector_load %arg10[%swap3A_1400, %swap3A_1401] {strides = array<i32>} : memref<16x64xf32, #tpu.memory_space<vmem>>, vector<16xf32>,
        tpu.vector_store %arg10[%swap3A_1400, %swap3A_1401], %gather3A_1399 {strides = array<i32>} : memref<16x64xf32, #tpu.memory_space<vmem>>, vector<16xf32>,
        %iota3A_1403 = tpu.iota {dimensions = array<i32: 0>} : vector<16xi32>
        %add3A_1404 = arith.constant 48 : i32
        %add3A_1405 = vector.broadcast %add3A_1404 : i32 to vector<16xi32>
        %add3A_1406 = arith.addi %iota3A_1403, %add3A_1405 : vector<16xi32>
        %gather3A_1407 = arith.constant 1 : i32
        %gather3A_1408 = arith.constant 0 : i32
        %gather3A_1409 = arith.constant 0 : i32
        %gather3A_1410 = tpu.memref_slice %arg9[%gather3A_1407, %gather3A_1408, %gather3A_1409] : memref<8x64x128xf32, #tpu.memory_space<vmem>> -> memref<1x64x128xf32, #tpu.memory_space<vmem>>
        %gather3A_1411 = tpu.memref_squeeze %gather3A_1410 : memref<1x64x128xf32, #tpu.memory_space<vmem>> -> memref<64x128xf32, #tpu.memory_space<vmem>>
        %gather3A_1412 = tpu.vector_load_idx %gather3A_1411[%add3A_1406, %broadcast_in_dim3A_1363] : memref<64x128xf32, #tpu.memory_space<vmem>>[vector<16xi32>, vector<16xi32>], vector<16xf32>,
        %swap3A_1413 = arith.index_cast %and3A_1354 : i32 to index
        %swap3A_1414 = arith.constant 48 : index
        %swap3A_1415 = tpu.vector_load %arg10[%swap3A_1413, %swap3A_1414] {strides = array<i32>} : memref<16x64xf32, #tpu.memory_space<vmem>>, vector<16xf32>,
        tpu.vector_store %arg10[%swap3A_1413, %swap3A_1414], %gather3A_1412 {strides = array<i32>} : memref<16x64xf32, #tpu.memory_space<vmem>>, vector<16xf32>,
        %get3A_1416 = arith.index_cast %while3A_1352 : i32 to index
        %get3A_1417 = memref.load %arg13[%get3A_1416] : memref<700xi32, #tpu.memory_space<smem>>
        %mul3A_1418 = arith.constant 64 : i32
        %mul3A_1419 = arith.muli %get3A_1417, %mul3A_1418 : i32
        %dma_start3A_1420 = arith.constant 0 : i32
        %dma_start3A_1421 = tpu.memref_slice %arg10[%and3A_1354, %dma_start3A_1420] : memref<16x64xf32, #tpu.memory_space<vmem>> -> memref<1x64xf32, #tpu.memory_space<vmem>>
        %dma_start3A_1422 = tpu.memref_squeeze %dma_start3A_1421 : memref<1x64xf32, #tpu.memory_space<vmem>> -> memref<64xf32, #tpu.memory_space<vmem>>
        %dma_start3A_1423 = tpu.memref_slice %arg4[%mul3A_1419] : memref<1048576xf32, #tpu.memory_space<hbm>> -> memref<64xf32, #tpu.memory_space<hbm>>
        %dma_start3A_1424 = tpu.memref_slice %arg16[%and3A_1354] : memref<16x!tpu.dma_semaphore, #tpu.memory_space<semaphore_mem>> -> memref<1x!tpu.dma_semaphore, #tpu.memory_space<semaphore_mem>>
        %dma_start3A_1425 = tpu.memref_squeeze %dma_start3A_1424 : memref<1x!tpu.dma_semaphore, #tpu.memory_space<semaphore_mem>> -> memref<!tpu.dma_semaphore, #tpu.memory_space<semaphore_mem>>
        %dma_start3A_1426 = tpu.memref_slice %arg4[%mul3A_1419] : memref<1048576xf32, #tpu.memory_space<hbm>> -> memref<64xf32, #tpu.memory_space<hbm>>
        %dma_start3A_1427 = arith.constant 0 : i32
        %dma_start3A_1428 = tpu.memref_slice %arg10[%and3A_1354, %dma_start3A_1427] : memref<16x64xf32, #tpu.memory_space<vmem>> -> memref<1x64xf32, #tpu.memory_space<vmem>>
        %dma_start3A_1429 = tpu.memref_squeeze %dma_start3A_1428 : memref<1x64xf32, #tpu.memory_space<vmem>> -> memref<64xf32, #tpu.memory_space<vmem>>
        tpu.enqueue_dma source(%dma_start3A_1429 : memref<64xf32, #tpu.memory_space<vmem>>) target(%dma_start3A_1426 : memref<64xf32, #tpu.memory_space<hbm>>) target_semaphore(%dma_start3A_1425 : memref<!tpu.dma_semaphore, #tpu.memory_space<semaphore_mem>>)
      }
      %while3A_816 = arith.constant 1 : i32
      scf.for %while3A_1352 = %while3A_814 to %while3A_810 step %while3A_816  : i32 {
        %and3A_1353 = arith.constant 15 : i32
        %and3A_1354 = arith.andi %while3A_1352, %and3A_1353 : i32
        %ge3A = arith.constant 16 : i32
        %ge3A_1355 = arith.cmpi sge, %while3A_1352, %ge3A : i32
        %convert_element_type3A_1356 = arith.extui %ge3A_1355 : i1 to i32
        %cond3A_1357 = arith.constant 0 : i32
        %cond3A_1358 = arith.cmpi ne, %convert_element_type3A_1356, %cond3A_1357 : i32
        scf.if %cond3A_1358 {
          %dma_wait3A_1430 = arith.constant 0 : i32
          %dma_wait3A_1431 = tpu.memref_slice %arg10[%and3A_1354, %dma_wait3A_1430] : memref<16x64xf32, #tpu.memory_space<vmem>> -> memref<1x64xf32, #tpu.memory_space<vmem>>
          %dma_wait3A_1432 = tpu.memref_squeeze %dma_wait3A_1431 : memref<1x64xf32, #tpu.memory_space<vmem>> -> memref<64xf32, #tpu.memory_space<vmem>>
          %dma_wait3A_1433 = arith.constant 0 : i32
          %dma_wait3A_1434 = tpu.memref_slice %arg4[%dma_wait3A_1433] : memref<1048576xf32, #tpu.memory_space<hbm>> -> memref<64xf32, #tpu.memory_space<hbm>>
          %dma_wait3A_1435 = tpu.memref_slice %arg16[%and3A_1354] : memref<16x!tpu.dma_semaphore, #tpu.memory_space<semaphore_mem>> -> memref<1x!tpu.dma_semaphore, #tpu.memory_space<semaphore_mem>>
          %dma_wait3A_1436 = tpu.memref_squeeze %dma_wait3A_1435 : memref<1x!tpu.dma_semaphore, #tpu.memory_space<semaphore_mem>> -> memref<!tpu.dma_semaphore, #tpu.memory_space<semaphore_mem>>
          %dma_wait3A_1437 = arith.constant 0 : i32
          %dma_wait3A_1438 = tpu.memref_slice %arg4[%dma_wait3A_1437] : memref<1048576xf32, #tpu.memory_space<hbm>> -> memref<64xf32, #tpu.memory_space<hbm>>
          %dma_wait3A_1439 = arith.constant 0 : i32
          %dma_wait3A_1440 = tpu.memref_slice %arg10[%and3A_1354, %dma_wait3A_1439] : memref<16x64xf32, #tpu.memory_space<vmem>> -> memref<1x64xf32, #tpu.memory_space<vmem>>
          %dma_wait3A_1441 = tpu.memref_squeeze %dma_wait3A_1440 : memref<1x64xf32, #tpu.memory_space<vmem>> -> memref<64xf32, #tpu.memory_space<vmem>>
          tpu.wait_dma2 semaphore(%dma_wait3A_1436 : memref<!tpu.dma_semaphore, #tpu.memory_space<semaphore_mem>>) src(%dma_wait3A_1441 : memref<64xf32, #tpu.memory_space<vmem>>) dst(%dma_wait3A_1438 : memref<64xf32, #tpu.memory_space<hbm>>)
        } else {
        }
        %get3A_1359 = arith.index_cast %while3A_1352 : i32 to index
        %get3A_1360 = memref.load %arg12[%get3A_1359] : memref<700xi32, #tpu.memory_space<smem>>
        %and3A_1361 = arith.constant 127 : i32
        %and3A_1362 = arith.andi %get3A_1360, %and3A_1361 : i32
        %broadcast_in_dim3A_1363 = vector.broadcast %and3A_1362 : i32 to vector<16xi32>
        %iota3A_1364 = tpu.iota {dimensions = array<i32: 0>} : vector<16xi32>
        %add3A_1365 = arith.constant 0 : i32
        %add3A_1366 = vector.broadcast %add3A_1365 : i32 to vector<16xi32>
        %add3A_1367 = arith.addi %iota3A_1364, %add3A_1366 : vector<16xi32>
        %gather3A_1368 = arith.constant 1 : i32
        %gather3A_1369 = arith.constant 0 : i32
        %gather3A_1370 = arith.constant 0 : i32
        %gather3A_1371 = tpu.memref_slice %arg9[%gather3A_1368, %gather3A_1369, %gather3A_1370] : memref<8x64x128xf32, #tpu.memory_space<vmem>> -> memref<1x64x128xf32, #tpu.memory_space<vmem>>
        %gather3A_1372 = tpu.memref_squeeze %gather3A_1371 : memref<1x64x128xf32, #tpu.memory_space<vmem>> -> memref<64x128xf32, #tpu.memory_space<vmem>>
        %gather3A_1373 = tpu.vector_load_idx %gather3A_1372[%add3A_1367, %broadcast_in_dim3A_1363] : memref<64x128xf32, #tpu.memory_space<vmem>>[vector<16xi32>, vector<16xi32>], vector<16xf32>,
        %swap3A_1374 = arith.index_cast %and3A_1354 : i32 to index
        %swap3A_1375 = arith.constant 0 : index
        %swap3A_1376 = tpu.vector_load %arg10[%swap3A_1374, %swap3A_1375] {strides = array<i32>} : memref<16x64xf32, #tpu.memory_space<vmem>>, vector<16xf32>,
        tpu.vector_store %arg10[%swap3A_1374, %swap3A_1375], %gather3A_1373 {strides = array<i32>} : memref<16x64xf32, #tpu.memory_space<vmem>>, vector<16xf32>,
        %iota3A_1377 = tpu.iota {dimensions = array<i32: 0>} : vector<16xi32>
        %add3A_1378 = arith.constant 16 : i32
        %add3A_1379 = vector.broadcast %add3A_1378 : i32 to vector<16xi32>
        %add3A_1380 = arith.addi %iota3A_1377, %add3A_1379 : vector<16xi32>
        %gather3A_1381 = arith.constant 1 : i32
        %gather3A_1382 = arith.constant 0 : i32
        %gather3A_1383 = arith.constant 0 : i32
        %gather3A_1384 = tpu.memref_slice %arg9[%gather3A_1381, %gather3A_1382, %gather3A_1383] : memref<8x64x128xf32, #tpu.memory_space<vmem>> -> memref<1x64x128xf32, #tpu.memory_space<vmem>>
        %gather3A_1385 = tpu.memref_squeeze %gather3A_1384 : memref<1x64x128xf32, #tpu.memory_space<vmem>> -> memref<64x128xf32, #tpu.memory_space<vmem>>
        %gather3A_1386 = tpu.vector_load_idx %gather3A_1385[%add3A_1380, %broadcast_in_dim3A_1363] : memref<64x128xf32, #tpu.memory_space<vmem>>[vector<16xi32>, vector<16xi32>], vector<16xf32>,
        %swap3A_1387 = arith.index_cast %and3A_1354 : i32 to index
        %swap3A_1388 = arith.constant 16 : index
        %swap3A_1389 = tpu.vector_load %arg10[%swap3A_1387, %swap3A_1388] {strides = array<i32>} : memref<16x64xf32, #tpu.memory_space<vmem>>, vector<16xf32>,
        tpu.vector_store %arg10[%swap3A_1387, %swap3A_1388], %gather3A_1386 {strides = array<i32>} : memref<16x64xf32, #tpu.memory_space<vmem>>, vector<16xf32>,
        %iota3A_1390 = tpu.iota {dimensions = array<i32: 0>} : vector<16xi32>
        %add3A_1391 = arith.constant 32 : i32
        %add3A_1392 = vector.broadcast %add3A_1391 : i32 to vector<16xi32>
        %add3A_1393 = arith.addi %iota3A_1390, %add3A_1392 : vector<16xi32>
        %gather3A_1394 = arith.constant 1 : i32
        %gather3A_1395 = arith.constant 0 : i32
        %gather3A_1396 = arith.constant 0 : i32
        %gather3A_1397 = tpu.memref_slice %arg9[%gather3A_1394, %gather3A_1395, %gather3A_1396] : memref<8x64x128xf32, #tpu.memory_space<vmem>> -> memref<1x64x128xf32, #tpu.memory_space<vmem>>
        %gather3A_1398 = tpu.memref_squeeze %gather3A_1397 : memref<1x64x128xf32, #tpu.memory_space<vmem>> -> memref<64x128xf32, #tpu.memory_space<vmem>>
        %gather3A_1399 = tpu.vector_load_idx %gather3A_1398[%add3A_1393, %broadcast_in_dim3A_1363] : memref<64x128xf32, #tpu.memory_space<vmem>>[vector<16xi32>, vector<16xi32>], vector<16xf32>,
        %swap3A_1400 = arith.index_cast %and3A_1354 : i32 to index
        %swap3A_1401 = arith.constant 32 : index
        %swap3A_1402 = tpu.vector_load %arg10[%swap3A_1400, %swap3A_1401] {strides = array<i32>} : memref<16x64xf32, #tpu.memory_space<vmem>>, vector<16xf32>,
        tpu.vector_store %arg10[%swap3A_1400, %swap3A_1401], %gather3A_1399 {strides = array<i32>} : memref<16x64xf32, #tpu.memory_space<vmem>>, vector<16xf32>,
        %iota3A_1403 = tpu.iota {dimensions = array<i32: 0>} : vector<16xi32>
        %add3A_1404 = arith.constant 48 : i32
        %add3A_1405 = vector.broadcast %add3A_1404 : i32 to vector<16xi32>
        %add3A_1406 = arith.addi %iota3A_1403, %add3A_1405 : vector<16xi32>
        %gather3A_1407 = arith.constant 1 : i32
        %gather3A_1408 = arith.constant 0 : i32
        %gather3A_1409 = arith.constant 0 : i32
        %gather3A_1410 = tpu.memref_slice %arg9[%gather3A_1407, %gather3A_1408, %gather3A_1409] : memref<8x64x128xf32, #tpu.memory_space<vmem>> -> memref<1x64x128xf32, #tpu.memory_space<vmem>>
        %gather3A_1411 = tpu.memref_squeeze %gather3A_1410 : memref<1x64x128xf32, #tpu.memory_space<vmem>> -> memref<64x128xf32, #tpu.memory_space<vmem>>
        %gather3A_1412 = tpu.vector_load_idx %gather3A_1411[%add3A_1406, %broadcast_in_dim3A_1363] : memref<64x128xf32, #tpu.memory_space<vmem>>[vector<16xi32>, vector<16xi32>], vector<16xf32>,
        %swap3A_1413 = arith.index_cast %and3A_1354 : i32 to index
        %swap3A_1414 = arith.constant 48 : index
        %swap3A_1415 = tpu.vector_load %arg10[%swap3A_1413, %swap3A_1414] {strides = array<i32>} : memref<16x64xf32, #tpu.memory_space<vmem>>, vector<16xf32>,
        tpu.vector_store %arg10[%swap3A_1413, %swap3A_1414], %gather3A_1412 {strides = array<i32>} : memref<16x64xf32, #tpu.memory_space<vmem>>, vector<16xf32>,
        %get3A_1416 = arith.index_cast %while3A_1352 : i32 to index
        %get3A_1417 = memref.load %arg13[%get3A_1416] : memref<700xi32, #tpu.memory_space<smem>>
        %mul3A_1418 = arith.constant 64 : i32
        %mul3A_1419 = arith.muli %get3A_1417, %mul3A_1418 : i32
        %dma_start3A_1420 = arith.constant 0 : i32
        %dma_start3A_1421 = tpu.memref_slice %arg10[%and3A_1354, %dma_start3A_1420] : memref<16x64xf32, #tpu.memory_space<vmem>> -> memref<1x64xf32, #tpu.memory_space<vmem>>
        %dma_start3A_1422 = tpu.memref_squeeze %dma_start3A_1421 : memref<1x64xf32, #tpu.memory_space<vmem>> -> memref<64xf32, #tpu.memory_space<vmem>>
        %dma_start3A_1423 = tpu.memref_slice %arg4[%mul3A_1419] : memref<1048576xf32, #tpu.memory_space<hbm>> -> memref<64xf32, #tpu.memory_space<hbm>>
        %dma_start3A_1424 = tpu.memref_slice %arg16[%and3A_1354] : memref<16x!tpu.dma_semaphore, #tpu.memory_space<semaphore_mem>> -> memref<1x!tpu.dma_semaphore, #tpu.memory_space<semaphore_mem>>
        %dma_start3A_1425 = tpu.memref_squeeze %dma_start3A_1424 : memref<1x!tpu.dma_semaphore, #tpu.memory_space<semaphore_mem>> -> memref<!tpu.dma_semaphore, #tpu.memory_space<semaphore_mem>>
        %dma_start3A_1426 = tpu.memref_slice %arg4[%mul3A_1419] : memref<1048576xf32, #tpu.memory_space<hbm>> -> memref<64xf32, #tpu.memory_space<hbm>>
        %dma_start3A_1427 = arith.constant 0 : i32
        %dma_start3A_1428 = tpu.memref_slice %arg10[%and3A_1354, %dma_start3A_1427] : memref<16x64xf32, #tpu.memory_space<vmem>> -> memref<1x64xf32, #tpu.memory_space<vmem>>
        %dma_start3A_1429 = tpu.memref_squeeze %dma_start3A_1428 : memref<1x64xf32, #tpu.memory_space<vmem>> -> memref<64xf32, #tpu.memory_space<vmem>>
        tpu.enqueue_dma source(%dma_start3A_1429 : memref<64xf32, #tpu.memory_space<vmem>>) target(%dma_start3A_1426 : memref<64xf32, #tpu.memory_space<hbm>>) target_semaphore(%dma_start3A_1425 : memref<!tpu.dma_semaphore, #tpu.memory_space<semaphore_mem>>)
      }
      %add3A_817 = arith.constant 8 : i32
      %add3A_818 = arith.addi %add3A_739, %add3A_817 : i32
      %lt3A_819 = arith.constant 248 : i32
      %lt3A_820 = arith.cmpi slt, %add3A_818, %lt3A_819 : i32
      %convert_element_type3A_821 = arith.extui %lt3A_820 : i1 to i32
      %cond3A_822 = arith.constant 0 : i32
      %cond3A_823 = arith.cmpi ne, %convert_element_type3A_821, %cond3A_822 : i32
      scf.if %cond3A_823 {
        %add3A_1352 = arith.constant 8 : i32
        %add3A_1353 = arith.addi %add3A_739, %add3A_1352 : i32
        %mul3A_1354 = arith.constant 32 : i32
        %mul3A_1355 = arith.muli %mul3A_1354, %add3A_1353 : i32
        %add3A_1356 = arith.addi %mul3A_1355, %add3A : i32
        %min3A_1357 = arith.constant 7812 : i32
        %min3A_1358 = arith.minsi %add3A_1356, %min3A_1357 : i32
        %shift_left3A_1359 = arith.constant 7 : i32
        %shift_left3A_1360 = arith.shli %min3A_1358, %shift_left3A_1359 : i32
        %multiple_of3A_1361 = tpu.assume_multiple %shift_left3A_1360, 128 : i32
        %dma_start3A_1362 = arith.constant 1 : i32
        %dma_start3A_1363 = arith.constant 1 : i32
        %dma_start3A_1364 = arith.constant 0 : i32
        %dma_start3A_1365 = arith.constant 0 : i32
        %dma_start3A_1366 = tpu.memref_slice %arg9[%dma_start3A_1362, %dma_start3A_1364, %dma_start3A_1365] : memref<8x64x128xf32, #tpu.memory_space<vmem>> -> memref<1x64x128xf32, #tpu.memory_space<vmem>>
        %dma_start3A_1367 = tpu.memref_squeeze %dma_start3A_1366 : memref<1x64x128xf32, #tpu.memory_space<vmem>> -> memref<64x128xf32, #tpu.memory_space<vmem>>
        %dma_start3A_1368 = arith.constant 0 : i32
        %dma_start3A_1369 = tpu.memref_slice %arg3[%dma_start3A_1368, %multiple_of3A_1361] : memref<64x1000000xf32, #tpu.memory_space<hbm>> -> memref<64x128xf32, #tpu.memory_space<hbm>>
        %dma_start3A_1370 = tpu.memref_slice %arg15[%dma_start3A_1363] : memref<8x!tpu.dma_semaphore, #tpu.memory_space<semaphore_mem>> -> memref<1x!tpu.dma_semaphore, #tpu.memory_space<semaphore_mem>>
        %dma_start3A_1371 = tpu.memref_squeeze %dma_start3A_1370 : memref<1x!tpu.dma_semaphore, #tpu.memory_space<semaphore_mem>> -> memref<!tpu.dma_semaphore, #tpu.memory_space<semaphore_mem>>
        %dma_start3A_1372 = arith.constant 0 : i32
        %dma_start3A_1373 = arith.constant 0 : i32
        %dma_start3A_1374 = tpu.memref_slice %arg9[%dma_start3A_1362, %dma_start3A_1372, %dma_start3A_1373] : memref<8x64x128xf32, #tpu.memory_space<vmem>> -> memref<1x64x128xf32, #tpu.memory_space<vmem>>
        %dma_start3A_1375 = tpu.memref_squeeze %dma_start3A_1374 : memref<1x64x128xf32, #tpu.memory_space<vmem>> -> memref<64x128xf32, #tpu.memory_space<vmem>>
        %dma_start3A_1376 = arith.constant 0 : i32
        %dma_start3A_1377 = tpu.memref_slice %arg3[%dma_start3A_1376, %multiple_of3A_1361] : memref<64x1000000xf32, #tpu.memory_space<hbm>> -> memref<64x128xf32, #tpu.memory_space<hbm>>
        tpu.enqueue_dma source(%dma_start3A_1377 : memref<64x128xf32, #tpu.memory_space<hbm>>) target(%dma_start3A_1375 : memref<64x128xf32, #tpu.memory_space<vmem>>) target_semaphore(%dma_start3A_1371 : memref<!tpu.dma_semaphore, #tpu.memory_space<semaphore_mem>>)
      } else {
      }
      %mul3A_824 = arith.constant 8 : i32
      %mul3A_825 = arith.muli %mul3A_824, %scan3A_650 : i32
      %add3A_826 = arith.constant 2 : i32
      %add3A_827 = arith.addi %mul3A_825, %add3A_826 : i32
      %dma_wait3A_828 = arith.constant 2 : i32
      %dma_wait3A_829 = arith.constant 2 : i32
      %dma_wait3A_830 = arith.constant 0 : i32
      %dma_wait3A_831 = arith.constant 0 : i32
      %dma_wait3A_832 = tpu.memref_slice %arg9[%dma_wait3A_828, %dma_wait3A_830, %dma_wait3A_831] : memref<8x64x128xf32, #tpu.memory_space<vmem>> -> memref<1x64x128xf32, #tpu.memory_space<vmem>>
      %dma_wait3A_833 = tpu.memref_squeeze %dma_wait3A_832 : memref<1x64x128xf32, #tpu.memory_space<vmem>> -> memref<64x128xf32, #tpu.memory_space<vmem>>
      %dma_wait3A_834 = arith.constant 0 : i32
      %dma_wait3A_835 = arith.constant 0 : i32
      %dma_wait3A_836 = tpu.memref_slice %arg3[%dma_wait3A_834, %dma_wait3A_835] : memref<64x1000000xf32, #tpu.memory_space<hbm>> -> memref<64x128xf32, #tpu.memory_space<hbm>>
      %dma_wait3A_837 = tpu.memref_slice %arg15[%dma_wait3A_829] : memref<8x!tpu.dma_semaphore, #tpu.memory_space<semaphore_mem>> -> memref<1x!tpu.dma_semaphore, #tpu.memory_space<semaphore_mem>>
      %dma_wait3A_838 = tpu.memref_squeeze %dma_wait3A_837 : memref<1x!tpu.dma_semaphore, #tpu.memory_space<semaphore_mem>> -> memref<!tpu.dma_semaphore, #tpu.memory_space<semaphore_mem>>
      %dma_wait3A_839 = arith.constant 0 : i32
      %dma_wait3A_840 = arith.constant 0 : i32
      %dma_wait3A_841 = tpu.memref_slice %arg9[%dma_wait3A_828, %dma_wait3A_839, %dma_wait3A_840] : memref<8x64x128xf32, #tpu.memory_space<vmem>> -> memref<1x64x128xf32, #tpu.memory_space<vmem>>
      %dma_wait3A_842 = tpu.memref_squeeze %dma_wait3A_841 : memref<1x64x128xf32, #tpu.memory_space<vmem>> -> memref<64x128xf32, #tpu.memory_space<vmem>>
      %dma_wait3A_843 = arith.constant 0 : i32
      %dma_wait3A_844 = arith.constant 0 : i32
      %dma_wait3A_845 = tpu.memref_slice %arg3[%dma_wait3A_843, %dma_wait3A_844] : memref<64x1000000xf32, #tpu.memory_space<hbm>> -> memref<64x128xf32, #tpu.memory_space<hbm>>
      tpu.wait_dma2 semaphore(%dma_wait3A_838 : memref<!tpu.dma_semaphore, #tpu.memory_space<semaphore_mem>>) src(%dma_wait3A_845 : memref<64x128xf32, #tpu.memory_space<hbm>>) dst(%dma_wait3A_842 : memref<64x128xf32, #tpu.memory_space<vmem>>)
      %shift_right_arithmetic3A_846 = arith.constant 4 : i32
      %shift_right_arithmetic3A_847 = arith.shrsi %add3A_827, %shift_right_arithmetic3A_846 : i32
      %shift_left3A_848 = arith.constant 4 : i32
      %shift_left3A_849 = arith.shli %shift_right_arithmetic3A_847, %shift_left3A_848 : i32
      %multiple_of3A_850 = tpu.assume_multiple %shift_left3A_849, 16 : i32
      %get3A_851 = arith.index_cast %multiple_of3A_850 : i32 to index
      %get3A_852 = tpu.vector_load %arg11[%get3A_851] {strides = array<i32>} : memref<272xi32, #tpu.memory_space<vmem>>, vector<16xi32>,
      %and3A_853 = arith.constant 15 : i32
      %and3A_854 = arith.andi %add3A_827, %and3A_853 : i32
      %broadcast_in_dim3A_855 = vector.broadcast %and3A_854 : i32 to vector<16xi32>
      %lt3A_856 = arith.constant 0 : i32
      %lt3A_857 = vector.broadcast %lt3A_856 : i32 to vector<16xi32>
      %lt3A_858 = arith.cmpi slt, %broadcast_in_dim3A_855, %lt3A_857 : vector<16xi32>
      %add3A_859 = arith.constant 16 : i32
      %add3A_860 = vector.broadcast %add3A_859 : i32 to vector<16xi32>
      %add3A_861 = arith.addi %broadcast_in_dim3A_855, %add3A_860 : vector<16xi32>
      %select_n3A_862 = arith.select %lt3A_858, %add3A_861, %broadcast_in_dim3A_855 : vector<16xi1>, vector<16xi32>
      %reshape3A_863 = vector.shape_cast %select_n3A_862 : vector<16xi32> to vector<16x1xi32>
      %gather3A_864 = vector.shape_cast %reshape3A_863 : vector<16x1xi32> to vector<16xi32>
      %gather3A_865 = tpu.dynamic_gather %get3A_852[%gather3A_864] in [0] : vector<16xi32>, vector<16xi32> -> vector<16xi32>
      %slice3A_866 = vector.extract_strided_slice %gather3A_865 {offsets = [0], sizes = [1], strides = [1]} : vector<16xi32> to vector<1xi32>
      %squeeze3A_867 = vector.extract %slice3A_866[0] : i32 from vector<1xi32>
      %min3A_868 = arith.constant 700 : i32
      %min3A_869 = arith.minsi %squeeze3A_867, %min3A_868 : i32
      %add3A_870 = arith.constant 1 : i32
      %add3A_871 = arith.addi %add3A_827, %add3A_870 : i32
      %shift_right_arithmetic3A_872 = arith.constant 4 : i32
      %shift_right_arithmetic3A_873 = arith.shrsi %add3A_871, %shift_right_arithmetic3A_872 : i32
      %shift_left3A_874 = arith.constant 4 : i32
      %shift_left3A_875 = arith.shli %shift_right_arithmetic3A_873, %shift_left3A_874 : i32
      %multiple_of3A_876 = tpu.assume_multiple %shift_left3A_875, 16 : i32
      %get3A_877 = arith.index_cast %multiple_of3A_876 : i32 to index
      %get3A_878 = tpu.vector_load %arg11[%get3A_877] {strides = array<i32>} : memref<272xi32, #tpu.memory_space<vmem>>, vector<16xi32>,
      %and3A_879 = arith.constant 15 : i32
      %and3A_880 = arith.andi %add3A_871, %and3A_879 : i32
      %broadcast_in_dim3A_881 = vector.broadcast %and3A_880 : i32 to vector<16xi32>
      %lt3A_882 = arith.constant 0 : i32
      %lt3A_883 = vector.broadcast %lt3A_882 : i32 to vector<16xi32>
      %lt3A_884 = arith.cmpi slt, %broadcast_in_dim3A_881, %lt3A_883 : vector<16xi32>
      %add3A_885 = arith.constant 16 : i32
      %add3A_886 = vector.broadcast %add3A_885 : i32 to vector<16xi32>
      %add3A_887 = arith.addi %broadcast_in_dim3A_881, %add3A_886 : vector<16xi32>
      %select_n3A_888 = arith.select %lt3A_884, %add3A_887, %broadcast_in_dim3A_881 : vector<16xi1>, vector<16xi32>
      %reshape3A_889 = vector.shape_cast %select_n3A_888 : vector<16xi32> to vector<16x1xi32>
      %gather3A_890 = vector.shape_cast %reshape3A_889 : vector<16x1xi32> to vector<16xi32>
      %gather3A_891 = tpu.dynamic_gather %get3A_878[%gather3A_890] in [0] : vector<16xi32>, vector<16xi32> -> vector<16xi32>
      %slice3A_892 = vector.extract_strided_slice %gather3A_891 {offsets = [0], sizes = [1], strides = [1]} : vector<16xi32> to vector<1xi32>
      %squeeze3A_893 = vector.extract %slice3A_892[0] : i32 from vector<1xi32>
      %min3A_894 = arith.constant 700 : i32
      %min3A_895 = arith.minsi %squeeze3A_893, %min3A_894 : i32
      %while3A_896 = arith.constant 0 : i32
      %while3A_897 = arith.subi %min3A_895, %min3A_869 : i32
      %while3A_898 = arith.addi %min3A_869, %while3A_897 : i32
      %while3A_899 = arith.constant 1 : i32
      %while3A_900 = arith.divsi %while3A_897, %while3A_899 : i32
      %while3A_901 = arith.muli %while3A_900, %while3A_899 : i32
      %while3A_902 = arith.addi %min3A_869, %while3A_901 : i32
      %while3A_903 = arith.constant 1 : i32
      scf.for %while3A_1352 = %min3A_869 to %while3A_902 step %while3A_903  : i32 {
        %and3A_1353 = arith.constant 15 : i32
        %and3A_1354 = arith.andi %while3A_1352, %and3A_1353 : i32
        %ge3A = arith.constant 16 : i32
        %ge3A_1355 = arith.cmpi sge, %while3A_1352, %ge3A : i32
        %convert_element_type3A_1356 = arith.extui %ge3A_1355 : i1 to i32
        %cond3A_1357 = arith.constant 0 : i32
        %cond3A_1358 = arith.cmpi ne, %convert_element_type3A_1356, %cond3A_1357 : i32
        scf.if %cond3A_1358 {
          %dma_wait3A_1430 = arith.constant 0 : i32
          %dma_wait3A_1431 = tpu.memref_slice %arg10[%and3A_1354, %dma_wait3A_1430] : memref<16x64xf32, #tpu.memory_space<vmem>> -> memref<1x64xf32, #tpu.memory_space<vmem>>
          %dma_wait3A_1432 = tpu.memref_squeeze %dma_wait3A_1431 : memref<1x64xf32, #tpu.memory_space<vmem>> -> memref<64xf32, #tpu.memory_space<vmem>>
          %dma_wait3A_1433 = arith.constant 0 : i32
          %dma_wait3A_1434 = tpu.memref_slice %arg4[%dma_wait3A_1433] : memref<1048576xf32, #tpu.memory_space<hbm>> -> memref<64xf32, #tpu.memory_space<hbm>>
          %dma_wait3A_1435 = tpu.memref_slice %arg16[%and3A_1354] : memref<16x!tpu.dma_semaphore, #tpu.memory_space<semaphore_mem>> -> memref<1x!tpu.dma_semaphore, #tpu.memory_space<semaphore_mem>>
          %dma_wait3A_1436 = tpu.memref_squeeze %dma_wait3A_1435 : memref<1x!tpu.dma_semaphore, #tpu.memory_space<semaphore_mem>> -> memref<!tpu.dma_semaphore, #tpu.memory_space<semaphore_mem>>
          %dma_wait3A_1437 = arith.constant 0 : i32
          %dma_wait3A_1438 = tpu.memref_slice %arg4[%dma_wait3A_1437] : memref<1048576xf32, #tpu.memory_space<hbm>> -> memref<64xf32, #tpu.memory_space<hbm>>
          %dma_wait3A_1439 = arith.constant 0 : i32
          %dma_wait3A_1440 = tpu.memref_slice %arg10[%and3A_1354, %dma_wait3A_1439] : memref<16x64xf32, #tpu.memory_space<vmem>> -> memref<1x64xf32, #tpu.memory_space<vmem>>
          %dma_wait3A_1441 = tpu.memref_squeeze %dma_wait3A_1440 : memref<1x64xf32, #tpu.memory_space<vmem>> -> memref<64xf32, #tpu.memory_space<vmem>>
          tpu.wait_dma2 semaphore(%dma_wait3A_1436 : memref<!tpu.dma_semaphore, #tpu.memory_space<semaphore_mem>>) src(%dma_wait3A_1441 : memref<64xf32, #tpu.memory_space<vmem>>) dst(%dma_wait3A_1438 : memref<64xf32, #tpu.memory_space<hbm>>)
        } else {
        }
        %get3A_1359 = arith.index_cast %while3A_1352 : i32 to index
        %get3A_1360 = memref.load %arg12[%get3A_1359] : memref<700xi32, #tpu.memory_space<smem>>
        %and3A_1361 = arith.constant 127 : i32
        %and3A_1362 = arith.andi %get3A_1360, %and3A_1361 : i32
        %broadcast_in_dim3A_1363 = vector.broadcast %and3A_1362 : i32 to vector<16xi32>
        %iota3A_1364 = tpu.iota {dimensions = array<i32: 0>} : vector<16xi32>
        %add3A_1365 = arith.constant 0 : i32
        %add3A_1366 = vector.broadcast %add3A_1365 : i32 to vector<16xi32>
        %add3A_1367 = arith.addi %iota3A_1364, %add3A_1366 : vector<16xi32>
        %gather3A_1368 = arith.constant 2 : i32
        %gather3A_1369 = arith.constant 0 : i32
        %gather3A_1370 = arith.constant 0 : i32
        %gather3A_1371 = tpu.memref_slice %arg9[%gather3A_1368, %gather3A_1369, %gather3A_1370] : memref<8x64x128xf32, #tpu.memory_space<vmem>> -> memref<1x64x128xf32, #tpu.memory_space<vmem>>
        %gather3A_1372 = tpu.memref_squeeze %gather3A_1371 : memref<1x64x128xf32, #tpu.memory_space<vmem>> -> memref<64x128xf32, #tpu.memory_space<vmem>>
        %gather3A_1373 = tpu.vector_load_idx %gather3A_1372[%add3A_1367, %broadcast_in_dim3A_1363] : memref<64x128xf32, #tpu.memory_space<vmem>>[vector<16xi32>, vector<16xi32>], vector<16xf32>,
        %swap3A_1374 = arith.index_cast %and3A_1354 : i32 to index
        %swap3A_1375 = arith.constant 0 : index
        %swap3A_1376 = tpu.vector_load %arg10[%swap3A_1374, %swap3A_1375] {strides = array<i32>} : memref<16x64xf32, #tpu.memory_space<vmem>>, vector<16xf32>,
        tpu.vector_store %arg10[%swap3A_1374, %swap3A_1375], %gather3A_1373 {strides = array<i32>} : memref<16x64xf32, #tpu.memory_space<vmem>>, vector<16xf32>,
        %iota3A_1377 = tpu.iota {dimensions = array<i32: 0>} : vector<16xi32>
        %add3A_1378 = arith.constant 16 : i32
        %add3A_1379 = vector.broadcast %add3A_1378 : i32 to vector<16xi32>
        %add3A_1380 = arith.addi %iota3A_1377, %add3A_1379 : vector<16xi32>
        %gather3A_1381 = arith.constant 2 : i32
        %gather3A_1382 = arith.constant 0 : i32
        %gather3A_1383 = arith.constant 0 : i32
        %gather3A_1384 = tpu.memref_slice %arg9[%gather3A_1381, %gather3A_1382, %gather3A_1383] : memref<8x64x128xf32, #tpu.memory_space<vmem>> -> memref<1x64x128xf32, #tpu.memory_space<vmem>>
        %gather3A_1385 = tpu.memref_squeeze %gather3A_1384 : memref<1x64x128xf32, #tpu.memory_space<vmem>> -> memref<64x128xf32, #tpu.memory_space<vmem>>
        %gather3A_1386 = tpu.vector_load_idx %gather3A_1385[%add3A_1380, %broadcast_in_dim3A_1363] : memref<64x128xf32, #tpu.memory_space<vmem>>[vector<16xi32>, vector<16xi32>], vector<16xf32>,
        %swap3A_1387 = arith.index_cast %and3A_1354 : i32 to index
        %swap3A_1388 = arith.constant 16 : index
        %swap3A_1389 = tpu.vector_load %arg10[%swap3A_1387, %swap3A_1388] {strides = array<i32>} : memref<16x64xf32, #tpu.memory_space<vmem>>, vector<16xf32>,
        tpu.vector_store %arg10[%swap3A_1387, %swap3A_1388], %gather3A_1386 {strides = array<i32>} : memref<16x64xf32, #tpu.memory_space<vmem>>, vector<16xf32>,
        %iota3A_1390 = tpu.iota {dimensions = array<i32: 0>} : vector<16xi32>
        %add3A_1391 = arith.constant 32 : i32
        %add3A_1392 = vector.broadcast %add3A_1391 : i32 to vector<16xi32>
        %add3A_1393 = arith.addi %iota3A_1390, %add3A_1392 : vector<16xi32>
        %gather3A_1394 = arith.constant 2 : i32
        %gather3A_1395 = arith.constant 0 : i32
        %gather3A_1396 = arith.constant 0 : i32
        %gather3A_1397 = tpu.memref_slice %arg9[%gather3A_1394, %gather3A_1395, %gather3A_1396] : memref<8x64x128xf32, #tpu.memory_space<vmem>> -> memref<1x64x128xf32, #tpu.memory_space<vmem>>
        %gather3A_1398 = tpu.memref_squeeze %gather3A_1397 : memref<1x64x128xf32, #tpu.memory_space<vmem>> -> memref<64x128xf32, #tpu.memory_space<vmem>>
        %gather3A_1399 = tpu.vector_load_idx %gather3A_1398[%add3A_1393, %broadcast_in_dim3A_1363] : memref<64x128xf32, #tpu.memory_space<vmem>>[vector<16xi32>, vector<16xi32>], vector<16xf32>,
        %swap3A_1400 = arith.index_cast %and3A_1354 : i32 to index
        %swap3A_1401 = arith.constant 32 : index
        %swap3A_1402 = tpu.vector_load %arg10[%swap3A_1400, %swap3A_1401] {strides = array<i32>} : memref<16x64xf32, #tpu.memory_space<vmem>>, vector<16xf32>,
        tpu.vector_store %arg10[%swap3A_1400, %swap3A_1401], %gather3A_1399 {strides = array<i32>} : memref<16x64xf32, #tpu.memory_space<vmem>>, vector<16xf32>,
        %iota3A_1403 = tpu.iota {dimensions = array<i32: 0>} : vector<16xi32>
        %add3A_1404 = arith.constant 48 : i32
        %add3A_1405 = vector.broadcast %add3A_1404 : i32 to vector<16xi32>
        %add3A_1406 = arith.addi %iota3A_1403, %add3A_1405 : vector<16xi32>
        %gather3A_1407 = arith.constant 2 : i32
        %gather3A_1408 = arith.constant 0 : i32
        %gather3A_1409 = arith.constant 0 : i32
        %gather3A_1410 = tpu.memref_slice %arg9[%gather3A_1407, %gather3A_1408, %gather3A_1409] : memref<8x64x128xf32, #tpu.memory_space<vmem>> -> memref<1x64x128xf32, #tpu.memory_space<vmem>>
        %gather3A_1411 = tpu.memref_squeeze %gather3A_1410 : memref<1x64x128xf32, #tpu.memory_space<vmem>> -> memref<64x128xf32, #tpu.memory_space<vmem>>
        %gather3A_1412 = tpu.vector_load_idx %gather3A_1411[%add3A_1406, %broadcast_in_dim3A_1363] : memref<64x128xf32, #tpu.memory_space<vmem>>[vector<16xi32>, vector<16xi32>], vector<16xf32>,
        %swap3A_1413 = arith.index_cast %and3A_1354 : i32 to index
        %swap3A_1414 = arith.constant 48 : index
        %swap3A_1415 = tpu.vector_load %arg10[%swap3A_1413, %swap3A_1414] {strides = array<i32>} : memref<16x64xf32, #tpu.memory_space<vmem>>, vector<16xf32>,
        tpu.vector_store %arg10[%swap3A_1413, %swap3A_1414], %gather3A_1412 {strides = array<i32>} : memref<16x64xf32, #tpu.memory_space<vmem>>, vector<16xf32>,
        %get3A_1416 = arith.index_cast %while3A_1352 : i32 to index
        %get3A_1417 = memref.load %arg13[%get3A_1416] : memref<700xi32, #tpu.memory_space<smem>>
        %mul3A_1418 = arith.constant 64 : i32
        %mul3A_1419 = arith.muli %get3A_1417, %mul3A_1418 : i32
        %dma_start3A_1420 = arith.constant 0 : i32
        %dma_start3A_1421 = tpu.memref_slice %arg10[%and3A_1354, %dma_start3A_1420] : memref<16x64xf32, #tpu.memory_space<vmem>> -> memref<1x64xf32, #tpu.memory_space<vmem>>
        %dma_start3A_1422 = tpu.memref_squeeze %dma_start3A_1421 : memref<1x64xf32, #tpu.memory_space<vmem>> -> memref<64xf32, #tpu.memory_space<vmem>>
        %dma_start3A_1423 = tpu.memref_slice %arg4[%mul3A_1419] : memref<1048576xf32, #tpu.memory_space<hbm>> -> memref<64xf32, #tpu.memory_space<hbm>>
        %dma_start3A_1424 = tpu.memref_slice %arg16[%and3A_1354] : memref<16x!tpu.dma_semaphore, #tpu.memory_space<semaphore_mem>> -> memref<1x!tpu.dma_semaphore, #tpu.memory_space<semaphore_mem>>
        %dma_start3A_1425 = tpu.memref_squeeze %dma_start3A_1424 : memref<1x!tpu.dma_semaphore, #tpu.memory_space<semaphore_mem>> -> memref<!tpu.dma_semaphore, #tpu.memory_space<semaphore_mem>>
        %dma_start3A_1426 = tpu.memref_slice %arg4[%mul3A_1419] : memref<1048576xf32, #tpu.memory_space<hbm>> -> memref<64xf32, #tpu.memory_space<hbm>>
        %dma_start3A_1427 = arith.constant 0 : i32
        %dma_start3A_1428 = tpu.memref_slice %arg10[%and3A_1354, %dma_start3A_1427] : memref<16x64xf32, #tpu.memory_space<vmem>> -> memref<1x64xf32, #tpu.memory_space<vmem>>
        %dma_start3A_1429 = tpu.memref_squeeze %dma_start3A_1428 : memref<1x64xf32, #tpu.memory_space<vmem>> -> memref<64xf32, #tpu.memory_space<vmem>>
        tpu.enqueue_dma source(%dma_start3A_1429 : memref<64xf32, #tpu.memory_space<vmem>>) target(%dma_start3A_1426 : memref<64xf32, #tpu.memory_space<hbm>>) target_semaphore(%dma_start3A_1425 : memref<!tpu.dma_semaphore, #tpu.memory_space<semaphore_mem>>)
      }
      %while3A_904 = arith.constant 1 : i32
      scf.for %while3A_1352 = %while3A_902 to %while3A_898 step %while3A_904  : i32 {
        %and3A_1353 = arith.constant 15 : i32
        %and3A_1354 = arith.andi %while3A_1352, %and3A_1353 : i32
        %ge3A = arith.constant 16 : i32
        %ge3A_1355 = arith.cmpi sge, %while3A_1352, %ge3A : i32
        %convert_element_type3A_1356 = arith.extui %ge3A_1355 : i1 to i32
        %cond3A_1357 = arith.constant 0 : i32
        %cond3A_1358 = arith.cmpi ne, %convert_element_type3A_1356, %cond3A_1357 : i32
        scf.if %cond3A_1358 {
          %dma_wait3A_1430 = arith.constant 0 : i32
          %dma_wait3A_1431 = tpu.memref_slice %arg10[%and3A_1354, %dma_wait3A_1430] : memref<16x64xf32, #tpu.memory_space<vmem>> -> memref<1x64xf32, #tpu.memory_space<vmem>>
          %dma_wait3A_1432 = tpu.memref_squeeze %dma_wait3A_1431 : memref<1x64xf32, #tpu.memory_space<vmem>> -> memref<64xf32, #tpu.memory_space<vmem>>
          %dma_wait3A_1433 = arith.constant 0 : i32
          %dma_wait3A_1434 = tpu.memref_slice %arg4[%dma_wait3A_1433] : memref<1048576xf32, #tpu.memory_space<hbm>> -> memref<64xf32, #tpu.memory_space<hbm>>
          %dma_wait3A_1435 = tpu.memref_slice %arg16[%and3A_1354] : memref<16x!tpu.dma_semaphore, #tpu.memory_space<semaphore_mem>> -> memref<1x!tpu.dma_semaphore, #tpu.memory_space<semaphore_mem>>
          %dma_wait3A_1436 = tpu.memref_squeeze %dma_wait3A_1435 : memref<1x!tpu.dma_semaphore, #tpu.memory_space<semaphore_mem>> -> memref<!tpu.dma_semaphore, #tpu.memory_space<semaphore_mem>>
          %dma_wait3A_1437 = arith.constant 0 : i32
          %dma_wait3A_1438 = tpu.memref_slice %arg4[%dma_wait3A_1437] : memref<1048576xf32, #tpu.memory_space<hbm>> -> memref<64xf32, #tpu.memory_space<hbm>>
          %dma_wait3A_1439 = arith.constant 0 : i32
          %dma_wait3A_1440 = tpu.memref_slice %arg10[%and3A_1354, %dma_wait3A_1439] : memref<16x64xf32, #tpu.memory_space<vmem>> -> memref<1x64xf32, #tpu.memory_space<vmem>>
          %dma_wait3A_1441 = tpu.memref_squeeze %dma_wait3A_1440 : memref<1x64xf32, #tpu.memory_space<vmem>> -> memref<64xf32, #tpu.memory_space<vmem>>
          tpu.wait_dma2 semaphore(%dma_wait3A_1436 : memref<!tpu.dma_semaphore, #tpu.memory_space<semaphore_mem>>) src(%dma_wait3A_1441 : memref<64xf32, #tpu.memory_space<vmem>>) dst(%dma_wait3A_1438 : memref<64xf32, #tpu.memory_space<hbm>>)
        } else {
        }
        %get3A_1359 = arith.index_cast %while3A_1352 : i32 to index
        %get3A_1360 = memref.load %arg12[%get3A_1359] : memref<700xi32, #tpu.memory_space<smem>>
        %and3A_1361 = arith.constant 127 : i32
        %and3A_1362 = arith.andi %get3A_1360, %and3A_1361 : i32
        %broadcast_in_dim3A_1363 = vector.broadcast %and3A_1362 : i32 to vector<16xi32>
        %iota3A_1364 = tpu.iota {dimensions = array<i32: 0>} : vector<16xi32>
        %add3A_1365 = arith.constant 0 : i32
        %add3A_1366 = vector.broadcast %add3A_1365 : i32 to vector<16xi32>
        %add3A_1367 = arith.addi %iota3A_1364, %add3A_1366 : vector<16xi32>
        %gather3A_1368 = arith.constant 2 : i32
        %gather3A_1369 = arith.constant 0 : i32
        %gather3A_1370 = arith.constant 0 : i32
        %gather3A_1371 = tpu.memref_slice %arg9[%gather3A_1368, %gather3A_1369, %gather3A_1370] : memref<8x64x128xf32, #tpu.memory_space<vmem>> -> memref<1x64x128xf32, #tpu.memory_space<vmem>>
        %gather3A_1372 = tpu.memref_squeeze %gather3A_1371 : memref<1x64x128xf32, #tpu.memory_space<vmem>> -> memref<64x128xf32, #tpu.memory_space<vmem>>
        %gather3A_1373 = tpu.vector_load_idx %gather3A_1372[%add3A_1367, %broadcast_in_dim3A_1363] : memref<64x128xf32, #tpu.memory_space<vmem>>[vector<16xi32>, vector<16xi32>], vector<16xf32>,
        %swap3A_1374 = arith.index_cast %and3A_1354 : i32 to index
        %swap3A_1375 = arith.constant 0 : index
        %swap3A_1376 = tpu.vector_load %arg10[%swap3A_1374, %swap3A_1375] {strides = array<i32>} : memref<16x64xf32, #tpu.memory_space<vmem>>, vector<16xf32>,
        tpu.vector_store %arg10[%swap3A_1374, %swap3A_1375], %gather3A_1373 {strides = array<i32>} : memref<16x64xf32, #tpu.memory_space<vmem>>, vector<16xf32>,
        %iota3A_1377 = tpu.iota {dimensions = array<i32: 0>} : vector<16xi32>
        %add3A_1378 = arith.constant 16 : i32
        %add3A_1379 = vector.broadcast %add3A_1378 : i32 to vector<16xi32>
        %add3A_1380 = arith.addi %iota3A_1377, %add3A_1379 : vector<16xi32>
        %gather3A_1381 = arith.constant 2 : i32
        %gather3A_1382 = arith.constant 0 : i32
        %gather3A_1383 = arith.constant 0 : i32
        %gather3A_1384 = tpu.memref_slice %arg9[%gather3A_1381, %gather3A_1382, %gather3A_1383] : memref<8x64x128xf32, #tpu.memory_space<vmem>> -> memref<1x64x128xf32, #tpu.memory_space<vmem>>
        %gather3A_1385 = tpu.memref_squeeze %gather3A_1384 : memref<1x64x128xf32, #tpu.memory_space<vmem>> -> memref<64x128xf32, #tpu.memory_space<vmem>>
        %gather3A_1386 = tpu.vector_load_idx %gather3A_1385[%add3A_1380, %broadcast_in_dim3A_1363] : memref<64x128xf32, #tpu.memory_space<vmem>>[vector<16xi32>, vector<16xi32>], vector<16xf32>,
        %swap3A_1387 = arith.index_cast %and3A_1354 : i32 to index
        %swap3A_1388 = arith.constant 16 : index
        %swap3A_1389 = tpu.vector_load %arg10[%swap3A_1387, %swap3A_1388] {strides = array<i32>} : memref<16x64xf32, #tpu.memory_space<vmem>>, vector<16xf32>,
        tpu.vector_store %arg10[%swap3A_1387, %swap3A_1388], %gather3A_1386 {strides = array<i32>} : memref<16x64xf32, #tpu.memory_space<vmem>>, vector<16xf32>,
        %iota3A_1390 = tpu.iota {dimensions = array<i32: 0>} : vector<16xi32>
        %add3A_1391 = arith.constant 32 : i32
        %add3A_1392 = vector.broadcast %add3A_1391 : i32 to vector<16xi32>
        %add3A_1393 = arith.addi %iota3A_1390, %add3A_1392 : vector<16xi32>
        %gather3A_1394 = arith.constant 2 : i32
        %gather3A_1395 = arith.constant 0 : i32
        %gather3A_1396 = arith.constant 0 : i32
        %gather3A_1397 = tpu.memref_slice %arg9[%gather3A_1394, %gather3A_1395, %gather3A_1396] : memref<8x64x128xf32, #tpu.memory_space<vmem>> -> memref<1x64x128xf32, #tpu.memory_space<vmem>>
        %gather3A_1398 = tpu.memref_squeeze %gather3A_1397 : memref<1x64x128xf32, #tpu.memory_space<vmem>> -> memref<64x128xf32, #tpu.memory_space<vmem>>
        %gather3A_1399 = tpu.vector_load_idx %gather3A_1398[%add3A_1393, %broadcast_in_dim3A_1363] : memref<64x128xf32, #tpu.memory_space<vmem>>[vector<16xi32>, vector<16xi32>], vector<16xf32>,
        %swap3A_1400 = arith.index_cast %and3A_1354 : i32 to index
        %swap3A_1401 = arith.constant 32 : index
        %swap3A_1402 = tpu.vector_load %arg10[%swap3A_1400, %swap3A_1401] {strides = array<i32>} : memref<16x64xf32, #tpu.memory_space<vmem>>, vector<16xf32>,
        tpu.vector_store %arg10[%swap3A_1400, %swap3A_1401], %gather3A_1399 {strides = array<i32>} : memref<16x64xf32, #tpu.memory_space<vmem>>, vector<16xf32>,
        %iota3A_1403 = tpu.iota {dimensions = array<i32: 0>} : vector<16xi32>
        %add3A_1404 = arith.constant 48 : i32
        %add3A_1405 = vector.broadcast %add3A_1404 : i32 to vector<16xi32>
        %add3A_1406 = arith.addi %iota3A_1403, %add3A_1405 : vector<16xi32>
        %gather3A_1407 = arith.constant 2 : i32
        %gather3A_1408 = arith.constant 0 : i32
        %gather3A_1409 = arith.constant 0 : i32
        %gather3A_1410 = tpu.memref_slice %arg9[%gather3A_1407, %gather3A_1408, %gather3A_1409] : memref<8x64x128xf32, #tpu.memory_space<vmem>> -> memref<1x64x128xf32, #tpu.memory_space<vmem>>
        %gather3A_1411 = tpu.memref_squeeze %gather3A_1410 : memref<1x64x128xf32, #tpu.memory_space<vmem>> -> memref<64x128xf32, #tpu.memory_space<vmem>>
        %gather3A_1412 = tpu.vector_load_idx %gather3A_1411[%add3A_1406, %broadcast_in_dim3A_1363] : memref<64x128xf32, #tpu.memory_space<vmem>>[vector<16xi32>, vector<16xi32>], vector<16xf32>,
        %swap3A_1413 = arith.index_cast %and3A_1354 : i32 to index
        %swap3A_1414 = arith.constant 48 : index
        %swap3A_1415 = tpu.vector_load %arg10[%swap3A_1413, %swap3A_1414] {strides = array<i32>} : memref<16x64xf32, #tpu.memory_space<vmem>>, vector<16xf32>,
        tpu.vector_store %arg10[%swap3A_1413, %swap3A_1414], %gather3A_1412 {strides = array<i32>} : memref<16x64xf32, #tpu.memory_space<vmem>>, vector<16xf32>,
        %get3A_1416 = arith.index_cast %while3A_1352 : i32 to index
        %get3A_1417 = memref.load %arg13[%get3A_1416] : memref<700xi32, #tpu.memory_space<smem>>
        %mul3A_1418 = arith.constant 64 : i32
        %mul3A_1419 = arith.muli %get3A_1417, %mul3A_1418 : i32
        %dma_start3A_1420 = arith.constant 0 : i32
        %dma_start3A_1421 = tpu.memref_slice %arg10[%and3A_1354, %dma_start3A_1420] : memref<16x64xf32, #tpu.memory_space<vmem>> -> memref<1x64xf32, #tpu.memory_space<vmem>>
        %dma_start3A_1422 = tpu.memref_squeeze %dma_start3A_1421 : memref<1x64xf32, #tpu.memory_space<vmem>> -> memref<64xf32, #tpu.memory_space<vmem>>
        %dma_start3A_1423 = tpu.memref_slice %arg4[%mul3A_1419] : memref<1048576xf32, #tpu.memory_space<hbm>> -> memref<64xf32, #tpu.memory_space<hbm>>
        %dma_start3A_1424 = tpu.memref_slice %arg16[%and3A_1354] : memref<16x!tpu.dma_semaphore, #tpu.memory_space<semaphore_mem>> -> memref<1x!tpu.dma_semaphore, #tpu.memory_space<semaphore_mem>>
        %dma_start3A_1425 = tpu.memref_squeeze %dma_start3A_1424 : memref<1x!tpu.dma_semaphore, #tpu.memory_space<semaphore_mem>> -> memref<!tpu.dma_semaphore, #tpu.memory_space<semaphore_mem>>
        %dma_start3A_1426 = tpu.memref_slice %arg4[%mul3A_1419] : memref<1048576xf32, #tpu.memory_space<hbm>> -> memref<64xf32, #tpu.memory_space<hbm>>
        %dma_start3A_1427 = arith.constant 0 : i32
        %dma_start3A_1428 = tpu.memref_slice %arg10[%and3A_1354, %dma_start3A_1427] : memref<16x64xf32, #tpu.memory_space<vmem>> -> memref<1x64xf32, #tpu.memory_space<vmem>>
        %dma_start3A_1429 = tpu.memref_squeeze %dma_start3A_1428 : memref<1x64xf32, #tpu.memory_space<vmem>> -> memref<64xf32, #tpu.memory_space<vmem>>
        tpu.enqueue_dma source(%dma_start3A_1429 : memref<64xf32, #tpu.memory_space<vmem>>) target(%dma_start3A_1426 : memref<64xf32, #tpu.memory_space<hbm>>) target_semaphore(%dma_start3A_1425 : memref<!tpu.dma_semaphore, #tpu.memory_space<semaphore_mem>>)
      }
      %add3A_905 = arith.constant 8 : i32
      %add3A_906 = arith.addi %add3A_827, %add3A_905 : i32
      %lt3A_907 = arith.constant 248 : i32
      %lt3A_908 = arith.cmpi slt, %add3A_906, %lt3A_907 : i32
      %convert_element_type3A_909 = arith.extui %lt3A_908 : i1 to i32
      %cond3A_910 = arith.constant 0 : i32
      %cond3A_911 = arith.cmpi ne, %convert_element_type3A_909, %cond3A_910 : i32
      scf.if %cond3A_911 {
        %add3A_1352 = arith.constant 8 : i32
        %add3A_1353 = arith.addi %add3A_827, %add3A_1352 : i32
        %mul3A_1354 = arith.constant 32 : i32
        %mul3A_1355 = arith.muli %mul3A_1354, %add3A_1353 : i32
        %add3A_1356 = arith.addi %mul3A_1355, %add3A : i32
        %min3A_1357 = arith.constant 7812 : i32
        %min3A_1358 = arith.minsi %add3A_1356, %min3A_1357 : i32
        %shift_left3A_1359 = arith.constant 7 : i32
        %shift_left3A_1360 = arith.shli %min3A_1358, %shift_left3A_1359 : i32
        %multiple_of3A_1361 = tpu.assume_multiple %shift_left3A_1360, 128 : i32
        %dma_start3A_1362 = arith.constant 2 : i32
        %dma_start3A_1363 = arith.constant 2 : i32
        %dma_start3A_1364 = arith.constant 0 : i32
        %dma_start3A_1365 = arith.constant 0 : i32
        %dma_start3A_1366 = tpu.memref_slice %arg9[%dma_start3A_1362, %dma_start3A_1364, %dma_start3A_1365] : memref<8x64x128xf32, #tpu.memory_space<vmem>> -> memref<1x64x128xf32, #tpu.memory_space<vmem>>
        %dma_start3A_1367 = tpu.memref_squeeze %dma_start3A_1366 : memref<1x64x128xf32, #tpu.memory_space<vmem>> -> memref<64x128xf32, #tpu.memory_space<vmem>>
        %dma_start3A_1368 = arith.constant 0 : i32
        %dma_start3A_1369 = tpu.memref_slice %arg3[%dma_start3A_1368, %multiple_of3A_1361] : memref<64x1000000xf32, #tpu.memory_space<hbm>> -> memref<64x128xf32, #tpu.memory_space<hbm>>
        %dma_start3A_1370 = tpu.memref_slice %arg15[%dma_start3A_1363] : memref<8x!tpu.dma_semaphore, #tpu.memory_space<semaphore_mem>> -> memref<1x!tpu.dma_semaphore, #tpu.memory_space<semaphore_mem>>
        %dma_start3A_1371 = tpu.memref_squeeze %dma_start3A_1370 : memref<1x!tpu.dma_semaphore, #tpu.memory_space<semaphore_mem>> -> memref<!tpu.dma_semaphore, #tpu.memory_space<semaphore_mem>>
        %dma_start3A_1372 = arith.constant 0 : i32
        %dma_start3A_1373 = arith.constant 0 : i32
        %dma_start3A_1374 = tpu.memref_slice %arg9[%dma_start3A_1362, %dma_start3A_1372, %dma_start3A_1373] : memref<8x64x128xf32, #tpu.memory_space<vmem>> -> memref<1x64x128xf32, #tpu.memory_space<vmem>>
        %dma_start3A_1375 = tpu.memref_squeeze %dma_start3A_1374 : memref<1x64x128xf32, #tpu.memory_space<vmem>> -> memref<64x128xf32, #tpu.memory_space<vmem>>
        %dma_start3A_1376 = arith.constant 0 : i32
        %dma_start3A_1377 = tpu.memref_slice %arg3[%dma_start3A_1376, %multiple_of3A_1361] : memref<64x1000000xf32, #tpu.memory_space<hbm>> -> memref<64x128xf32, #tpu.memory_space<hbm>>
        tpu.enqueue_dma source(%dma_start3A_1377 : memref<64x128xf32, #tpu.memory_space<hbm>>) target(%dma_start3A_1375 : memref<64x128xf32, #tpu.memory_space<vmem>>) target_semaphore(%dma_start3A_1371 : memref<!tpu.dma_semaphore, #tpu.memory_space<semaphore_mem>>)
      } else {
      }
      %mul3A_912 = arith.constant 8 : i32
      %mul3A_913 = arith.muli %mul3A_912, %scan3A_650 : i32
      %add3A_914 = arith.constant 3 : i32
      %add3A_915 = arith.addi %mul3A_913, %add3A_914 : i32
      %dma_wait3A_916 = arith.constant 3 : i32
      %dma_wait3A_917 = arith.constant 3 : i32
      %dma_wait3A_918 = arith.constant 0 : i32
      %dma_wait3A_919 = arith.constant 0 : i32
      %dma_wait3A_920 = tpu.memref_slice %arg9[%dma_wait3A_916, %dma_wait3A_918, %dma_wait3A_919] : memref<8x64x128xf32, #tpu.memory_space<vmem>> -> memref<1x64x128xf32, #tpu.memory_space<vmem>>
      %dma_wait3A_921 = tpu.memref_squeeze %dma_wait3A_920 : memref<1x64x128xf32, #tpu.memory_space<vmem>> -> memref<64x128xf32, #tpu.memory_space<vmem>>
      %dma_wait3A_922 = arith.constant 0 : i32
      %dma_wait3A_923 = arith.constant 0 : i32
      %dma_wait3A_924 = tpu.memref_slice %arg3[%dma_wait3A_922, %dma_wait3A_923] : memref<64x1000000xf32, #tpu.memory_space<hbm>> -> memref<64x128xf32, #tpu.memory_space<hbm>>
      %dma_wait3A_925 = tpu.memref_slice %arg15[%dma_wait3A_917] : memref<8x!tpu.dma_semaphore, #tpu.memory_space<semaphore_mem>> -> memref<1x!tpu.dma_semaphore, #tpu.memory_space<semaphore_mem>>
      %dma_wait3A_926 = tpu.memref_squeeze %dma_wait3A_925 : memref<1x!tpu.dma_semaphore, #tpu.memory_space<semaphore_mem>> -> memref<!tpu.dma_semaphore, #tpu.memory_space<semaphore_mem>>
      %dma_wait3A_927 = arith.constant 0 : i32
      %dma_wait3A_928 = arith.constant 0 : i32
      %dma_wait3A_929 = tpu.memref_slice %arg9[%dma_wait3A_916, %dma_wait3A_927, %dma_wait3A_928] : memref<8x64x128xf32, #tpu.memory_space<vmem>> -> memref<1x64x128xf32, #tpu.memory_space<vmem>>
      %dma_wait3A_930 = tpu.memref_squeeze %dma_wait3A_929 : memref<1x64x128xf32, #tpu.memory_space<vmem>> -> memref<64x128xf32, #tpu.memory_space<vmem>>
      %dma_wait3A_931 = arith.constant 0 : i32
      %dma_wait3A_932 = arith.constant 0 : i32
      %dma_wait3A_933 = tpu.memref_slice %arg3[%dma_wait3A_931, %dma_wait3A_932] : memref<64x1000000xf32, #tpu.memory_space<hbm>> -> memref<64x128xf32, #tpu.memory_space<hbm>>
      tpu.wait_dma2 semaphore(%dma_wait3A_926 : memref<!tpu.dma_semaphore, #tpu.memory_space<semaphore_mem>>) src(%dma_wait3A_933 : memref<64x128xf32, #tpu.memory_space<hbm>>) dst(%dma_wait3A_930 : memref<64x128xf32, #tpu.memory_space<vmem>>)
      %shift_right_arithmetic3A_934 = arith.constant 4 : i32
      %shift_right_arithmetic3A_935 = arith.shrsi %add3A_915, %shift_right_arithmetic3A_934 : i32
      %shift_left3A_936 = arith.constant 4 : i32
      %shift_left3A_937 = arith.shli %shift_right_arithmetic3A_935, %shift_left3A_936 : i32
      %multiple_of3A_938 = tpu.assume_multiple %shift_left3A_937, 16 : i32
      %get3A_939 = arith.index_cast %multiple_of3A_938 : i32 to index
      %get3A_940 = tpu.vector_load %arg11[%get3A_939] {strides = array<i32>} : memref<272xi32, #tpu.memory_space<vmem>>, vector<16xi32>,
      %and3A_941 = arith.constant 15 : i32
      %and3A_942 = arith.andi %add3A_915, %and3A_941 : i32
      %broadcast_in_dim3A_943 = vector.broadcast %and3A_942 : i32 to vector<16xi32>
      %lt3A_944 = arith.constant 0 : i32
      %lt3A_945 = vector.broadcast %lt3A_944 : i32 to vector<16xi32>
      %lt3A_946 = arith.cmpi slt, %broadcast_in_dim3A_943, %lt3A_945 : vector<16xi32>
      %add3A_947 = arith.constant 16 : i32
      %add3A_948 = vector.broadcast %add3A_947 : i32 to vector<16xi32>
      %add3A_949 = arith.addi %broadcast_in_dim3A_943, %add3A_948 : vector<16xi32>
      %select_n3A_950 = arith.select %lt3A_946, %add3A_949, %broadcast_in_dim3A_943 : vector<16xi1>, vector<16xi32>
      %reshape3A_951 = vector.shape_cast %select_n3A_950 : vector<16xi32> to vector<16x1xi32>
      %gather3A_952 = vector.shape_cast %reshape3A_951 : vector<16x1xi32> to vector<16xi32>
      %gather3A_953 = tpu.dynamic_gather %get3A_940[%gather3A_952] in [0] : vector<16xi32>, vector<16xi32> -> vector<16xi32>
      %slice3A_954 = vector.extract_strided_slice %gather3A_953 {offsets = [0], sizes = [1], strides = [1]} : vector<16xi32> to vector<1xi32>
      %squeeze3A_955 = vector.extract %slice3A_954[0] : i32 from vector<1xi32>
      %min3A_956 = arith.constant 700 : i32
      %min3A_957 = arith.minsi %squeeze3A_955, %min3A_956 : i32
      %add3A_958 = arith.constant 1 : i32
      %add3A_959 = arith.addi %add3A_915, %add3A_958 : i32
      %shift_right_arithmetic3A_960 = arith.constant 4 : i32
      %shift_right_arithmetic3A_961 = arith.shrsi %add3A_959, %shift_right_arithmetic3A_960 : i32
      %shift_left3A_962 = arith.constant 4 : i32
      %shift_left3A_963 = arith.shli %shift_right_arithmetic3A_961, %shift_left3A_962 : i32
      %multiple_of3A_964 = tpu.assume_multiple %shift_left3A_963, 16 : i32
      %get3A_965 = arith.index_cast %multiple_of3A_964 : i32 to index
      %get3A_966 = tpu.vector_load %arg11[%get3A_965] {strides = array<i32>} : memref<272xi32, #tpu.memory_space<vmem>>, vector<16xi32>,
      %and3A_967 = arith.constant 15 : i32
      %and3A_968 = arith.andi %add3A_959, %and3A_967 : i32
      %broadcast_in_dim3A_969 = vector.broadcast %and3A_968 : i32 to vector<16xi32>
      %lt3A_970 = arith.constant 0 : i32
      %lt3A_971 = vector.broadcast %lt3A_970 : i32 to vector<16xi32>
      %lt3A_972 = arith.cmpi slt, %broadcast_in_dim3A_969, %lt3A_971 : vector<16xi32>
      %add3A_973 = arith.constant 16 : i32
      %add3A_974 = vector.broadcast %add3A_973 : i32 to vector<16xi32>
      %add3A_975 = arith.addi %broadcast_in_dim3A_969, %add3A_974 : vector<16xi32>
      %select_n3A_976 = arith.select %lt3A_972, %add3A_975, %broadcast_in_dim3A_969 : vector<16xi1>, vector<16xi32>
      %reshape3A_977 = vector.shape_cast %select_n3A_976 : vector<16xi32> to vector<16x1xi32>
      %gather3A_978 = vector.shape_cast %reshape3A_977 : vector<16x1xi32> to vector<16xi32>
      %gather3A_979 = tpu.dynamic_gather %get3A_966[%gather3A_978] in [0] : vector<16xi32>, vector<16xi32> -> vector<16xi32>
      %slice3A_980 = vector.extract_strided_slice %gather3A_979 {offsets = [0], sizes = [1], strides = [1]} : vector<16xi32> to vector<1xi32>
      %squeeze3A_981 = vector.extract %slice3A_980[0] : i32 from vector<1xi32>
      %min3A_982 = arith.constant 700 : i32
      %min3A_983 = arith.minsi %squeeze3A_981, %min3A_982 : i32
      %while3A_984 = arith.constant 0 : i32
      %while3A_985 = arith.subi %min3A_983, %min3A_957 : i32
      %while3A_986 = arith.addi %min3A_957, %while3A_985 : i32
      %while3A_987 = arith.constant 1 : i32
      %while3A_988 = arith.divsi %while3A_985, %while3A_987 : i32
      %while3A_989 = arith.muli %while3A_988, %while3A_987 : i32
      %while3A_990 = arith.addi %min3A_957, %while3A_989 : i32
      %while3A_991 = arith.constant 1 : i32
      scf.for %while3A_1352 = %min3A_957 to %while3A_990 step %while3A_991  : i32 {
        %and3A_1353 = arith.constant 15 : i32
        %and3A_1354 = arith.andi %while3A_1352, %and3A_1353 : i32
        %ge3A = arith.constant 16 : i32
        %ge3A_1355 = arith.cmpi sge, %while3A_1352, %ge3A : i32
        %convert_element_type3A_1356 = arith.extui %ge3A_1355 : i1 to i32
        %cond3A_1357 = arith.constant 0 : i32
        %cond3A_1358 = arith.cmpi ne, %convert_element_type3A_1356, %cond3A_1357 : i32
        scf.if %cond3A_1358 {
          %dma_wait3A_1430 = arith.constant 0 : i32
          %dma_wait3A_1431 = tpu.memref_slice %arg10[%and3A_1354, %dma_wait3A_1430] : memref<16x64xf32, #tpu.memory_space<vmem>> -> memref<1x64xf32, #tpu.memory_space<vmem>>
          %dma_wait3A_1432 = tpu.memref_squeeze %dma_wait3A_1431 : memref<1x64xf32, #tpu.memory_space<vmem>> -> memref<64xf32, #tpu.memory_space<vmem>>
          %dma_wait3A_1433 = arith.constant 0 : i32
          %dma_wait3A_1434 = tpu.memref_slice %arg4[%dma_wait3A_1433] : memref<1048576xf32, #tpu.memory_space<hbm>> -> memref<64xf32, #tpu.memory_space<hbm>>
          %dma_wait3A_1435 = tpu.memref_slice %arg16[%and3A_1354] : memref<16x!tpu.dma_semaphore, #tpu.memory_space<semaphore_mem>> -> memref<1x!tpu.dma_semaphore, #tpu.memory_space<semaphore_mem>>
          %dma_wait3A_1436 = tpu.memref_squeeze %dma_wait3A_1435 : memref<1x!tpu.dma_semaphore, #tpu.memory_space<semaphore_mem>> -> memref<!tpu.dma_semaphore, #tpu.memory_space<semaphore_mem>>
          %dma_wait3A_1437 = arith.constant 0 : i32
          %dma_wait3A_1438 = tpu.memref_slice %arg4[%dma_wait3A_1437] : memref<1048576xf32, #tpu.memory_space<hbm>> -> memref<64xf32, #tpu.memory_space<hbm>>
          %dma_wait3A_1439 = arith.constant 0 : i32
          %dma_wait3A_1440 = tpu.memref_slice %arg10[%and3A_1354, %dma_wait3A_1439] : memref<16x64xf32, #tpu.memory_space<vmem>> -> memref<1x64xf32, #tpu.memory_space<vmem>>
          %dma_wait3A_1441 = tpu.memref_squeeze %dma_wait3A_1440 : memref<1x64xf32, #tpu.memory_space<vmem>> -> memref<64xf32, #tpu.memory_space<vmem>>
          tpu.wait_dma2 semaphore(%dma_wait3A_1436 : memref<!tpu.dma_semaphore, #tpu.memory_space<semaphore_mem>>) src(%dma_wait3A_1441 : memref<64xf32, #tpu.memory_space<vmem>>) dst(%dma_wait3A_1438 : memref<64xf32, #tpu.memory_space<hbm>>)
        } else {
        }
        %get3A_1359 = arith.index_cast %while3A_1352 : i32 to index
        %get3A_1360 = memref.load %arg12[%get3A_1359] : memref<700xi32, #tpu.memory_space<smem>>
        %and3A_1361 = arith.constant 127 : i32
        %and3A_1362 = arith.andi %get3A_1360, %and3A_1361 : i32
        %broadcast_in_dim3A_1363 = vector.broadcast %and3A_1362 : i32 to vector<16xi32>
        %iota3A_1364 = tpu.iota {dimensions = array<i32: 0>} : vector<16xi32>
        %add3A_1365 = arith.constant 0 : i32
        %add3A_1366 = vector.broadcast %add3A_1365 : i32 to vector<16xi32>
        %add3A_1367 = arith.addi %iota3A_1364, %add3A_1366 : vector<16xi32>
        %gather3A_1368 = arith.constant 3 : i32
        %gather3A_1369 = arith.constant 0 : i32
        %gather3A_1370 = arith.constant 0 : i32
        %gather3A_1371 = tpu.memref_slice %arg9[%gather3A_1368, %gather3A_1369, %gather3A_1370] : memref<8x64x128xf32, #tpu.memory_space<vmem>> -> memref<1x64x128xf32, #tpu.memory_space<vmem>>
        %gather3A_1372 = tpu.memref_squeeze %gather3A_1371 : memref<1x64x128xf32, #tpu.memory_space<vmem>> -> memref<64x128xf32, #tpu.memory_space<vmem>>
        %gather3A_1373 = tpu.vector_load_idx %gather3A_1372[%add3A_1367, %broadcast_in_dim3A_1363] : memref<64x128xf32, #tpu.memory_space<vmem>>[vector<16xi32>, vector<16xi32>], vector<16xf32>,
        %swap3A_1374 = arith.index_cast %and3A_1354 : i32 to index
        %swap3A_1375 = arith.constant 0 : index
        %swap3A_1376 = tpu.vector_load %arg10[%swap3A_1374, %swap3A_1375] {strides = array<i32>} : memref<16x64xf32, #tpu.memory_space<vmem>>, vector<16xf32>,
        tpu.vector_store %arg10[%swap3A_1374, %swap3A_1375], %gather3A_1373 {strides = array<i32>} : memref<16x64xf32, #tpu.memory_space<vmem>>, vector<16xf32>,
        %iota3A_1377 = tpu.iota {dimensions = array<i32: 0>} : vector<16xi32>
        %add3A_1378 = arith.constant 16 : i32
        %add3A_1379 = vector.broadcast %add3A_1378 : i32 to vector<16xi32>
        %add3A_1380 = arith.addi %iota3A_1377, %add3A_1379 : vector<16xi32>
        %gather3A_1381 = arith.constant 3 : i32
        %gather3A_1382 = arith.constant 0 : i32
        %gather3A_1383 = arith.constant 0 : i32
        %gather3A_1384 = tpu.memref_slice %arg9[%gather3A_1381, %gather3A_1382, %gather3A_1383] : memref<8x64x128xf32, #tpu.memory_space<vmem>> -> memref<1x64x128xf32, #tpu.memory_space<vmem>>
        %gather3A_1385 = tpu.memref_squeeze %gather3A_1384 : memref<1x64x128xf32, #tpu.memory_space<vmem>> -> memref<64x128xf32, #tpu.memory_space<vmem>>
        %gather3A_1386 = tpu.vector_load_idx %gather3A_1385[%add3A_1380, %broadcast_in_dim3A_1363] : memref<64x128xf32, #tpu.memory_space<vmem>>[vector<16xi32>, vector<16xi32>], vector<16xf32>,
        %swap3A_1387 = arith.index_cast %and3A_1354 : i32 to index
        %swap3A_1388 = arith.constant 16 : index
        %swap3A_1389 = tpu.vector_load %arg10[%swap3A_1387, %swap3A_1388] {strides = array<i32>} : memref<16x64xf32, #tpu.memory_space<vmem>>, vector<16xf32>,
        tpu.vector_store %arg10[%swap3A_1387, %swap3A_1388], %gather3A_1386 {strides = array<i32>} : memref<16x64xf32, #tpu.memory_space<vmem>>, vector<16xf32>,
        %iota3A_1390 = tpu.iota {dimensions = array<i32: 0>} : vector<16xi32>
        %add3A_1391 = arith.constant 32 : i32
        %add3A_1392 = vector.broadcast %add3A_1391 : i32 to vector<16xi32>
        %add3A_1393 = arith.addi %iota3A_1390, %add3A_1392 : vector<16xi32>
        %gather3A_1394 = arith.constant 3 : i32
        %gather3A_1395 = arith.constant 0 : i32
        %gather3A_1396 = arith.constant 0 : i32
        %gather3A_1397 = tpu.memref_slice %arg9[%gather3A_1394, %gather3A_1395, %gather3A_1396] : memref<8x64x128xf32, #tpu.memory_space<vmem>> -> memref<1x64x128xf32, #tpu.memory_space<vmem>>
        %gather3A_1398 = tpu.memref_squeeze %gather3A_1397 : memref<1x64x128xf32, #tpu.memory_space<vmem>> -> memref<64x128xf32, #tpu.memory_space<vmem>>
        %gather3A_1399 = tpu.vector_load_idx %gather3A_1398[%add3A_1393, %broadcast_in_dim3A_1363] : memref<64x128xf32, #tpu.memory_space<vmem>>[vector<16xi32>, vector<16xi32>], vector<16xf32>,
        %swap3A_1400 = arith.index_cast %and3A_1354 : i32 to index
        %swap3A_1401 = arith.constant 32 : index
        %swap3A_1402 = tpu.vector_load %arg10[%swap3A_1400, %swap3A_1401] {strides = array<i32>} : memref<16x64xf32, #tpu.memory_space<vmem>>, vector<16xf32>,
        tpu.vector_store %arg10[%swap3A_1400, %swap3A_1401], %gather3A_1399 {strides = array<i32>} : memref<16x64xf32, #tpu.memory_space<vmem>>, vector<16xf32>,
        %iota3A_1403 = tpu.iota {dimensions = array<i32: 0>} : vector<16xi32>
        %add3A_1404 = arith.constant 48 : i32
        %add3A_1405 = vector.broadcast %add3A_1404 : i32 to vector<16xi32>
        %add3A_1406 = arith.addi %iota3A_1403, %add3A_1405 : vector<16xi32>
        %gather3A_1407 = arith.constant 3 : i32
        %gather3A_1408 = arith.constant 0 : i32
        %gather3A_1409 = arith.constant 0 : i32
        %gather3A_1410 = tpu.memref_slice %arg9[%gather3A_1407, %gather3A_1408, %gather3A_1409] : memref<8x64x128xf32, #tpu.memory_space<vmem>> -> memref<1x64x128xf32, #tpu.memory_space<vmem>>
        %gather3A_1411 = tpu.memref_squeeze %gather3A_1410 : memref<1x64x128xf32, #tpu.memory_space<vmem>> -> memref<64x128xf32, #tpu.memory_space<vmem>>
        %gather3A_1412 = tpu.vector_load_idx %gather3A_1411[%add3A_1406, %broadcast_in_dim3A_1363] : memref<64x128xf32, #tpu.memory_space<vmem>>[vector<16xi32>, vector<16xi32>], vector<16xf32>,
        %swap3A_1413 = arith.index_cast %and3A_1354 : i32 to index
        %swap3A_1414 = arith.constant 48 : index
        %swap3A_1415 = tpu.vector_load %arg10[%swap3A_1413, %swap3A_1414] {strides = array<i32>} : memref<16x64xf32, #tpu.memory_space<vmem>>, vector<16xf32>,
        tpu.vector_store %arg10[%swap3A_1413, %swap3A_1414], %gather3A_1412 {strides = array<i32>} : memref<16x64xf32, #tpu.memory_space<vmem>>, vector<16xf32>,
        %get3A_1416 = arith.index_cast %while3A_1352 : i32 to index
        %get3A_1417 = memref.load %arg13[%get3A_1416] : memref<700xi32, #tpu.memory_space<smem>>
        %mul3A_1418 = arith.constant 64 : i32
        %mul3A_1419 = arith.muli %get3A_1417, %mul3A_1418 : i32
        %dma_start3A_1420 = arith.constant 0 : i32
        %dma_start3A_1421 = tpu.memref_slice %arg10[%and3A_1354, %dma_start3A_1420] : memref<16x64xf32, #tpu.memory_space<vmem>> -> memref<1x64xf32, #tpu.memory_space<vmem>>
        %dma_start3A_1422 = tpu.memref_squeeze %dma_start3A_1421 : memref<1x64xf32, #tpu.memory_space<vmem>> -> memref<64xf32, #tpu.memory_space<vmem>>
        %dma_start3A_1423 = tpu.memref_slice %arg4[%mul3A_1419] : memref<1048576xf32, #tpu.memory_space<hbm>> -> memref<64xf32, #tpu.memory_space<hbm>>
        %dma_start3A_1424 = tpu.memref_slice %arg16[%and3A_1354] : memref<16x!tpu.dma_semaphore, #tpu.memory_space<semaphore_mem>> -> memref<1x!tpu.dma_semaphore, #tpu.memory_space<semaphore_mem>>
        %dma_start3A_1425 = tpu.memref_squeeze %dma_start3A_1424 : memref<1x!tpu.dma_semaphore, #tpu.memory_space<semaphore_mem>> -> memref<!tpu.dma_semaphore, #tpu.memory_space<semaphore_mem>>
        %dma_start3A_1426 = tpu.memref_slice %arg4[%mul3A_1419] : memref<1048576xf32, #tpu.memory_space<hbm>> -> memref<64xf32, #tpu.memory_space<hbm>>
        %dma_start3A_1427 = arith.constant 0 : i32
        %dma_start3A_1428 = tpu.memref_slice %arg10[%and3A_1354, %dma_start3A_1427] : memref<16x64xf32, #tpu.memory_space<vmem>> -> memref<1x64xf32, #tpu.memory_space<vmem>>
        %dma_start3A_1429 = tpu.memref_squeeze %dma_start3A_1428 : memref<1x64xf32, #tpu.memory_space<vmem>> -> memref<64xf32, #tpu.memory_space<vmem>>
        tpu.enqueue_dma source(%dma_start3A_1429 : memref<64xf32, #tpu.memory_space<vmem>>) target(%dma_start3A_1426 : memref<64xf32, #tpu.memory_space<hbm>>) target_semaphore(%dma_start3A_1425 : memref<!tpu.dma_semaphore, #tpu.memory_space<semaphore_mem>>)
      }
      %while3A_992 = arith.constant 1 : i32
      scf.for %while3A_1352 = %while3A_990 to %while3A_986 step %while3A_992  : i32 {
        %and3A_1353 = arith.constant 15 : i32
        %and3A_1354 = arith.andi %while3A_1352, %and3A_1353 : i32
        %ge3A = arith.constant 16 : i32
        %ge3A_1355 = arith.cmpi sge, %while3A_1352, %ge3A : i32
        %convert_element_type3A_1356 = arith.extui %ge3A_1355 : i1 to i32
        %cond3A_1357 = arith.constant 0 : i32
        %cond3A_1358 = arith.cmpi ne, %convert_element_type3A_1356, %cond3A_1357 : i32
        scf.if %cond3A_1358 {
          %dma_wait3A_1430 = arith.constant 0 : i32
          %dma_wait3A_1431 = tpu.memref_slice %arg10[%and3A_1354, %dma_wait3A_1430] : memref<16x64xf32, #tpu.memory_space<vmem>> -> memref<1x64xf32, #tpu.memory_space<vmem>>
          %dma_wait3A_1432 = tpu.memref_squeeze %dma_wait3A_1431 : memref<1x64xf32, #tpu.memory_space<vmem>> -> memref<64xf32, #tpu.memory_space<vmem>>
          %dma_wait3A_1433 = arith.constant 0 : i32
          %dma_wait3A_1434 = tpu.memref_slice %arg4[%dma_wait3A_1433] : memref<1048576xf32, #tpu.memory_space<hbm>> -> memref<64xf32, #tpu.memory_space<hbm>>
          %dma_wait3A_1435 = tpu.memref_slice %arg16[%and3A_1354] : memref<16x!tpu.dma_semaphore, #tpu.memory_space<semaphore_mem>> -> memref<1x!tpu.dma_semaphore, #tpu.memory_space<semaphore_mem>>
          %dma_wait3A_1436 = tpu.memref_squeeze %dma_wait3A_1435 : memref<1x!tpu.dma_semaphore, #tpu.memory_space<semaphore_mem>> -> memref<!tpu.dma_semaphore, #tpu.memory_space<semaphore_mem>>
          %dma_wait3A_1437 = arith.constant 0 : i32
          %dma_wait3A_1438 = tpu.memref_slice %arg4[%dma_wait3A_1437] : memref<1048576xf32, #tpu.memory_space<hbm>> -> memref<64xf32, #tpu.memory_space<hbm>>
          %dma_wait3A_1439 = arith.constant 0 : i32
          %dma_wait3A_1440 = tpu.memref_slice %arg10[%and3A_1354, %dma_wait3A_1439] : memref<16x64xf32, #tpu.memory_space<vmem>> -> memref<1x64xf32, #tpu.memory_space<vmem>>
          %dma_wait3A_1441 = tpu.memref_squeeze %dma_wait3A_1440 : memref<1x64xf32, #tpu.memory_space<vmem>> -> memref<64xf32, #tpu.memory_space<vmem>>
          tpu.wait_dma2 semaphore(%dma_wait3A_1436 : memref<!tpu.dma_semaphore, #tpu.memory_space<semaphore_mem>>) src(%dma_wait3A_1441 : memref<64xf32, #tpu.memory_space<vmem>>) dst(%dma_wait3A_1438 : memref<64xf32, #tpu.memory_space<hbm>>)
        } else {
        }
        %get3A_1359 = arith.index_cast %while3A_1352 : i32 to index
        %get3A_1360 = memref.load %arg12[%get3A_1359] : memref<700xi32, #tpu.memory_space<smem>>
        %and3A_1361 = arith.constant 127 : i32
        %and3A_1362 = arith.andi %get3A_1360, %and3A_1361 : i32
        %broadcast_in_dim3A_1363 = vector.broadcast %and3A_1362 : i32 to vector<16xi32>
        %iota3A_1364 = tpu.iota {dimensions = array<i32: 0>} : vector<16xi32>
        %add3A_1365 = arith.constant 0 : i32
        %add3A_1366 = vector.broadcast %add3A_1365 : i32 to vector<16xi32>
        %add3A_1367 = arith.addi %iota3A_1364, %add3A_1366 : vector<16xi32>
        %gather3A_1368 = arith.constant 3 : i32
        %gather3A_1369 = arith.constant 0 : i32
        %gather3A_1370 = arith.constant 0 : i32
        %gather3A_1371 = tpu.memref_slice %arg9[%gather3A_1368, %gather3A_1369, %gather3A_1370] : memref<8x64x128xf32, #tpu.memory_space<vmem>> -> memref<1x64x128xf32, #tpu.memory_space<vmem>>
        %gather3A_1372 = tpu.memref_squeeze %gather3A_1371 : memref<1x64x128xf32, #tpu.memory_space<vmem>> -> memref<64x128xf32, #tpu.memory_space<vmem>>
        %gather3A_1373 = tpu.vector_load_idx %gather3A_1372[%add3A_1367, %broadcast_in_dim3A_1363] : memref<64x128xf32, #tpu.memory_space<vmem>>[vector<16xi32>, vector<16xi32>], vector<16xf32>,
        %swap3A_1374 = arith.index_cast %and3A_1354 : i32 to index
        %swap3A_1375 = arith.constant 0 : index
        %swap3A_1376 = tpu.vector_load %arg10[%swap3A_1374, %swap3A_1375] {strides = array<i32>} : memref<16x64xf32, #tpu.memory_space<vmem>>, vector<16xf32>,
        tpu.vector_store %arg10[%swap3A_1374, %swap3A_1375], %gather3A_1373 {strides = array<i32>} : memref<16x64xf32, #tpu.memory_space<vmem>>, vector<16xf32>,
        %iota3A_1377 = tpu.iota {dimensions = array<i32: 0>} : vector<16xi32>
        %add3A_1378 = arith.constant 16 : i32
        %add3A_1379 = vector.broadcast %add3A_1378 : i32 to vector<16xi32>
        %add3A_1380 = arith.addi %iota3A_1377, %add3A_1379 : vector<16xi32>
        %gather3A_1381 = arith.constant 3 : i32
        %gather3A_1382 = arith.constant 0 : i32
        %gather3A_1383 = arith.constant 0 : i32
        %gather3A_1384 = tpu.memref_slice %arg9[%gather3A_1381, %gather3A_1382, %gather3A_1383] : memref<8x64x128xf32, #tpu.memory_space<vmem>> -> memref<1x64x128xf32, #tpu.memory_space<vmem>>
        %gather3A_1385 = tpu.memref_squeeze %gather3A_1384 : memref<1x64x128xf32, #tpu.memory_space<vmem>> -> memref<64x128xf32, #tpu.memory_space<vmem>>
        %gather3A_1386 = tpu.vector_load_idx %gather3A_1385[%add3A_1380, %broadcast_in_dim3A_1363] : memref<64x128xf32, #tpu.memory_space<vmem>>[vector<16xi32>, vector<16xi32>], vector<16xf32>,
        %swap3A_1387 = arith.index_cast %and3A_1354 : i32 to index
        %swap3A_1388 = arith.constant 16 : index
        %swap3A_1389 = tpu.vector_load %arg10[%swap3A_1387, %swap3A_1388] {strides = array<i32>} : memref<16x64xf32, #tpu.memory_space<vmem>>, vector<16xf32>,
        tpu.vector_store %arg10[%swap3A_1387, %swap3A_1388], %gather3A_1386 {strides = array<i32>} : memref<16x64xf32, #tpu.memory_space<vmem>>, vector<16xf32>,
        %iota3A_1390 = tpu.iota {dimensions = array<i32: 0>} : vector<16xi32>
        %add3A_1391 = arith.constant 32 : i32
        %add3A_1392 = vector.broadcast %add3A_1391 : i32 to vector<16xi32>
        %add3A_1393 = arith.addi %iota3A_1390, %add3A_1392 : vector<16xi32>
        %gather3A_1394 = arith.constant 3 : i32
        %gather3A_1395 = arith.constant 0 : i32
        %gather3A_1396 = arith.constant 0 : i32
        %gather3A_1397 = tpu.memref_slice %arg9[%gather3A_1394, %gather3A_1395, %gather3A_1396] : memref<8x64x128xf32, #tpu.memory_space<vmem>> -> memref<1x64x128xf32, #tpu.memory_space<vmem>>
        %gather3A_1398 = tpu.memref_squeeze %gather3A_1397 : memref<1x64x128xf32, #tpu.memory_space<vmem>> -> memref<64x128xf32, #tpu.memory_space<vmem>>
        %gather3A_1399 = tpu.vector_load_idx %gather3A_1398[%add3A_1393, %broadcast_in_dim3A_1363] : memref<64x128xf32, #tpu.memory_space<vmem>>[vector<16xi32>, vector<16xi32>], vector<16xf32>,
        %swap3A_1400 = arith.index_cast %and3A_1354 : i32 to index
        %swap3A_1401 = arith.constant 32 : index
        %swap3A_1402 = tpu.vector_load %arg10[%swap3A_1400, %swap3A_1401] {strides = array<i32>} : memref<16x64xf32, #tpu.memory_space<vmem>>, vector<16xf32>,
        tpu.vector_store %arg10[%swap3A_1400, %swap3A_1401], %gather3A_1399 {strides = array<i32>} : memref<16x64xf32, #tpu.memory_space<vmem>>, vector<16xf32>,
        %iota3A_1403 = tpu.iota {dimensions = array<i32: 0>} : vector<16xi32>
        %add3A_1404 = arith.constant 48 : i32
        %add3A_1405 = vector.broadcast %add3A_1404 : i32 to vector<16xi32>
        %add3A_1406 = arith.addi %iota3A_1403, %add3A_1405 : vector<16xi32>
        %gather3A_1407 = arith.constant 3 : i32
        %gather3A_1408 = arith.constant 0 : i32
        %gather3A_1409 = arith.constant 0 : i32
        %gather3A_1410 = tpu.memref_slice %arg9[%gather3A_1407, %gather3A_1408, %gather3A_1409] : memref<8x64x128xf32, #tpu.memory_space<vmem>> -> memref<1x64x128xf32, #tpu.memory_space<vmem>>
        %gather3A_1411 = tpu.memref_squeeze %gather3A_1410 : memref<1x64x128xf32, #tpu.memory_space<vmem>> -> memref<64x128xf32, #tpu.memory_space<vmem>>
        %gather3A_1412 = tpu.vector_load_idx %gather3A_1411[%add3A_1406, %broadcast_in_dim3A_1363] : memref<64x128xf32, #tpu.memory_space<vmem>>[vector<16xi32>, vector<16xi32>], vector<16xf32>,
        %swap3A_1413 = arith.index_cast %and3A_1354 : i32 to index
        %swap3A_1414 = arith.constant 48 : index
        %swap3A_1415 = tpu.vector_load %arg10[%swap3A_1413, %swap3A_1414] {strides = array<i32>} : memref<16x64xf32, #tpu.memory_space<vmem>>, vector<16xf32>,
        tpu.vector_store %arg10[%swap3A_1413, %swap3A_1414], %gather3A_1412 {strides = array<i32>} : memref<16x64xf32, #tpu.memory_space<vmem>>, vector<16xf32>,
        %get3A_1416 = arith.index_cast %while3A_1352 : i32 to index
        %get3A_1417 = memref.load %arg13[%get3A_1416] : memref<700xi32, #tpu.memory_space<smem>>
        %mul3A_1418 = arith.constant 64 : i32
        %mul3A_1419 = arith.muli %get3A_1417, %mul3A_1418 : i32
        %dma_start3A_1420 = arith.constant 0 : i32
        %dma_start3A_1421 = tpu.memref_slice %arg10[%and3A_1354, %dma_start3A_1420] : memref<16x64xf32, #tpu.memory_space<vmem>> -> memref<1x64xf32, #tpu.memory_space<vmem>>
        %dma_start3A_1422 = tpu.memref_squeeze %dma_start3A_1421 : memref<1x64xf32, #tpu.memory_space<vmem>> -> memref<64xf32, #tpu.memory_space<vmem>>
        %dma_start3A_1423 = tpu.memref_slice %arg4[%mul3A_1419] : memref<1048576xf32, #tpu.memory_space<hbm>> -> memref<64xf32, #tpu.memory_space<hbm>>
        %dma_start3A_1424 = tpu.memref_slice %arg16[%and3A_1354] : memref<16x!tpu.dma_semaphore, #tpu.memory_space<semaphore_mem>> -> memref<1x!tpu.dma_semaphore, #tpu.memory_space<semaphore_mem>>
        %dma_start3A_1425 = tpu.memref_squeeze %dma_start3A_1424 : memref<1x!tpu.dma_semaphore, #tpu.memory_space<semaphore_mem>> -> memref<!tpu.dma_semaphore, #tpu.memory_space<semaphore_mem>>
        %dma_start3A_1426 = tpu.memref_slice %arg4[%mul3A_1419] : memref<1048576xf32, #tpu.memory_space<hbm>> -> memref<64xf32, #tpu.memory_space<hbm>>
        %dma_start3A_1427 = arith.constant 0 : i32
        %dma_start3A_1428 = tpu.memref_slice %arg10[%and3A_1354, %dma_start3A_1427] : memref<16x64xf32, #tpu.memory_space<vmem>> -> memref<1x64xf32, #tpu.memory_space<vmem>>
        %dma_start3A_1429 = tpu.memref_squeeze %dma_start3A_1428 : memref<1x64xf32, #tpu.memory_space<vmem>> -> memref<64xf32, #tpu.memory_space<vmem>>
        tpu.enqueue_dma source(%dma_start3A_1429 : memref<64xf32, #tpu.memory_space<vmem>>) target(%dma_start3A_1426 : memref<64xf32, #tpu.memory_space<hbm>>) target_semaphore(%dma_start3A_1425 : memref<!tpu.dma_semaphore, #tpu.memory_space<semaphore_mem>>)
      }
      %add3A_993 = arith.constant 8 : i32
      %add3A_994 = arith.addi %add3A_915, %add3A_993 : i32
      %lt3A_995 = arith.constant 248 : i32
      %lt3A_996 = arith.cmpi slt, %add3A_994, %lt3A_995 : i32
      %convert_element_type3A_997 = arith.extui %lt3A_996 : i1 to i32
      %cond3A_998 = arith.constant 0 : i32
      %cond3A_999 = arith.cmpi ne, %convert_element_type3A_997, %cond3A_998 : i32
      scf.if %cond3A_999 {
        %add3A_1352 = arith.constant 8 : i32
        %add3A_1353 = arith.addi %add3A_915, %add3A_1352 : i32
        %mul3A_1354 = arith.constant 32 : i32
        %mul3A_1355 = arith.muli %mul3A_1354, %add3A_1353 : i32
        %add3A_1356 = arith.addi %mul3A_1355, %add3A : i32
        %min3A_1357 = arith.constant 7812 : i32
        %min3A_1358 = arith.minsi %add3A_1356, %min3A_1357 : i32
        %shift_left3A_1359 = arith.constant 7 : i32
        %shift_left3A_1360 = arith.shli %min3A_1358, %shift_left3A_1359 : i32
        %multiple_of3A_1361 = tpu.assume_multiple %shift_left3A_1360, 128 : i32
        %dma_start3A_1362 = arith.constant 3 : i32
        %dma_start3A_1363 = arith.constant 3 : i32
        %dma_start3A_1364 = arith.constant 0 : i32
        %dma_start3A_1365 = arith.constant 0 : i32
        %dma_start3A_1366 = tpu.memref_slice %arg9[%dma_start3A_1362, %dma_start3A_1364, %dma_start3A_1365] : memref<8x64x128xf32, #tpu.memory_space<vmem>> -> memref<1x64x128xf32, #tpu.memory_space<vmem>>
        %dma_start3A_1367 = tpu.memref_squeeze %dma_start3A_1366 : memref<1x64x128xf32, #tpu.memory_space<vmem>> -> memref<64x128xf32, #tpu.memory_space<vmem>>
        %dma_start3A_1368 = arith.constant 0 : i32
        %dma_start3A_1369 = tpu.memref_slice %arg3[%dma_start3A_1368, %multiple_of3A_1361] : memref<64x1000000xf32, #tpu.memory_space<hbm>> -> memref<64x128xf32, #tpu.memory_space<hbm>>
        %dma_start3A_1370 = tpu.memref_slice %arg15[%dma_start3A_1363] : memref<8x!tpu.dma_semaphore, #tpu.memory_space<semaphore_mem>> -> memref<1x!tpu.dma_semaphore, #tpu.memory_space<semaphore_mem>>
        %dma_start3A_1371 = tpu.memref_squeeze %dma_start3A_1370 : memref<1x!tpu.dma_semaphore, #tpu.memory_space<semaphore_mem>> -> memref<!tpu.dma_semaphore, #tpu.memory_space<semaphore_mem>>
        %dma_start3A_1372 = arith.constant 0 : i32
        %dma_start3A_1373 = arith.constant 0 : i32
        %dma_start3A_1374 = tpu.memref_slice %arg9[%dma_start3A_1362, %dma_start3A_1372, %dma_start3A_1373] : memref<8x64x128xf32, #tpu.memory_space<vmem>> -> memref<1x64x128xf32, #tpu.memory_space<vmem>>
        %dma_start3A_1375 = tpu.memref_squeeze %dma_start3A_1374 : memref<1x64x128xf32, #tpu.memory_space<vmem>> -> memref<64x128xf32, #tpu.memory_space<vmem>>
        %dma_start3A_1376 = arith.constant 0 : i32
        %dma_start3A_1377 = tpu.memref_slice %arg3[%dma_start3A_1376, %multiple_of3A_1361] : memref<64x1000000xf32, #tpu.memory_space<hbm>> -> memref<64x128xf32, #tpu.memory_space<hbm>>
        tpu.enqueue_dma source(%dma_start3A_1377 : memref<64x128xf32, #tpu.memory_space<hbm>>) target(%dma_start3A_1375 : memref<64x128xf32, #tpu.memory_space<vmem>>) target_semaphore(%dma_start3A_1371 : memref<!tpu.dma_semaphore, #tpu.memory_space<semaphore_mem>>)
      } else {
      }
      %mul3A_1000 = arith.constant 8 : i32
      %mul3A_1001 = arith.muli %mul3A_1000, %scan3A_650 : i32
      %add3A_1002 = arith.constant 4 : i32
      %add3A_1003 = arith.addi %mul3A_1001, %add3A_1002 : i32
      %dma_wait3A_1004 = arith.constant 4 : i32
      %dma_wait3A_1005 = arith.constant 4 : i32
      %dma_wait3A_1006 = arith.constant 0 : i32
      %dma_wait3A_1007 = arith.constant 0 : i32
      %dma_wait3A_1008 = tpu.memref_slice %arg9[%dma_wait3A_1004, %dma_wait3A_1006, %dma_wait3A_1007] : memref<8x64x128xf32, #tpu.memory_space<vmem>> -> memref<1x64x128xf32, #tpu.memory_space<vmem>>
      %dma_wait3A_1009 = tpu.memref_squeeze %dma_wait3A_1008 : memref<1x64x128xf32, #tpu.memory_space<vmem>> -> memref<64x128xf32, #tpu.memory_space<vmem>>
      %dma_wait3A_1010 = arith.constant 0 : i32
      %dma_wait3A_1011 = arith.constant 0 : i32
      %dma_wait3A_1012 = tpu.memref_slice %arg3[%dma_wait3A_1010, %dma_wait3A_1011] : memref<64x1000000xf32, #tpu.memory_space<hbm>> -> memref<64x128xf32, #tpu.memory_space<hbm>>
      %dma_wait3A_1013 = tpu.memref_slice %arg15[%dma_wait3A_1005] : memref<8x!tpu.dma_semaphore, #tpu.memory_space<semaphore_mem>> -> memref<1x!tpu.dma_semaphore, #tpu.memory_space<semaphore_mem>>
      %dma_wait3A_1014 = tpu.memref_squeeze %dma_wait3A_1013 : memref<1x!tpu.dma_semaphore, #tpu.memory_space<semaphore_mem>> -> memref<!tpu.dma_semaphore, #tpu.memory_space<semaphore_mem>>
      %dma_wait3A_1015 = arith.constant 0 : i32
      %dma_wait3A_1016 = arith.constant 0 : i32
      %dma_wait3A_1017 = tpu.memref_slice %arg9[%dma_wait3A_1004, %dma_wait3A_1015, %dma_wait3A_1016] : memref<8x64x128xf32, #tpu.memory_space<vmem>> -> memref<1x64x128xf32, #tpu.memory_space<vmem>>
      %dma_wait3A_1018 = tpu.memref_squeeze %dma_wait3A_1017 : memref<1x64x128xf32, #tpu.memory_space<vmem>> -> memref<64x128xf32, #tpu.memory_space<vmem>>
      %dma_wait3A_1019 = arith.constant 0 : i32
      %dma_wait3A_1020 = arith.constant 0 : i32
      %dma_wait3A_1021 = tpu.memref_slice %arg3[%dma_wait3A_1019, %dma_wait3A_1020] : memref<64x1000000xf32, #tpu.memory_space<hbm>> -> memref<64x128xf32, #tpu.memory_space<hbm>>
      tpu.wait_dma2 semaphore(%dma_wait3A_1014 : memref<!tpu.dma_semaphore, #tpu.memory_space<semaphore_mem>>) src(%dma_wait3A_1021 : memref<64x128xf32, #tpu.memory_space<hbm>>) dst(%dma_wait3A_1018 : memref<64x128xf32, #tpu.memory_space<vmem>>)
      %shift_right_arithmetic3A_1022 = arith.constant 4 : i32
      %shift_right_arithmetic3A_1023 = arith.shrsi %add3A_1003, %shift_right_arithmetic3A_1022 : i32
      %shift_left3A_1024 = arith.constant 4 : i32
      %shift_left3A_1025 = arith.shli %shift_right_arithmetic3A_1023, %shift_left3A_1024 : i32
      %multiple_of3A_1026 = tpu.assume_multiple %shift_left3A_1025, 16 : i32
      %get3A_1027 = arith.index_cast %multiple_of3A_1026 : i32 to index
      %get3A_1028 = tpu.vector_load %arg11[%get3A_1027] {strides = array<i32>} : memref<272xi32, #tpu.memory_space<vmem>>, vector<16xi32>,
      %and3A_1029 = arith.constant 15 : i32
      %and3A_1030 = arith.andi %add3A_1003, %and3A_1029 : i32
      %broadcast_in_dim3A_1031 = vector.broadcast %and3A_1030 : i32 to vector<16xi32>
      %lt3A_1032 = arith.constant 0 : i32
      %lt3A_1033 = vector.broadcast %lt3A_1032 : i32 to vector<16xi32>
      %lt3A_1034 = arith.cmpi slt, %broadcast_in_dim3A_1031, %lt3A_1033 : vector<16xi32>
      %add3A_1035 = arith.constant 16 : i32
      %add3A_1036 = vector.broadcast %add3A_1035 : i32 to vector<16xi32>
      %add3A_1037 = arith.addi %broadcast_in_dim3A_1031, %add3A_1036 : vector<16xi32>
      %select_n3A_1038 = arith.select %lt3A_1034, %add3A_1037, %broadcast_in_dim3A_1031 : vector<16xi1>, vector<16xi32>
      %reshape3A_1039 = vector.shape_cast %select_n3A_1038 : vector<16xi32> to vector<16x1xi32>
      %gather3A_1040 = vector.shape_cast %reshape3A_1039 : vector<16x1xi32> to vector<16xi32>
      %gather3A_1041 = tpu.dynamic_gather %get3A_1028[%gather3A_1040] in [0] : vector<16xi32>, vector<16xi32> -> vector<16xi32>
      %slice3A_1042 = vector.extract_strided_slice %gather3A_1041 {offsets = [0], sizes = [1], strides = [1]} : vector<16xi32> to vector<1xi32>
      %squeeze3A_1043 = vector.extract %slice3A_1042[0] : i32 from vector<1xi32>
      %min3A_1044 = arith.constant 700 : i32
      %min3A_1045 = arith.minsi %squeeze3A_1043, %min3A_1044 : i32
      %add3A_1046 = arith.constant 1 : i32
      %add3A_1047 = arith.addi %add3A_1003, %add3A_1046 : i32
      %shift_right_arithmetic3A_1048 = arith.constant 4 : i32
      %shift_right_arithmetic3A_1049 = arith.shrsi %add3A_1047, %shift_right_arithmetic3A_1048 : i32
      %shift_left3A_1050 = arith.constant 4 : i32
      %shift_left3A_1051 = arith.shli %shift_right_arithmetic3A_1049, %shift_left3A_1050 : i32
      %multiple_of3A_1052 = tpu.assume_multiple %shift_left3A_1051, 16 : i32
      %get3A_1053 = arith.index_cast %multiple_of3A_1052 : i32 to index
      %get3A_1054 = tpu.vector_load %arg11[%get3A_1053] {strides = array<i32>} : memref<272xi32, #tpu.memory_space<vmem>>, vector<16xi32>,
      %and3A_1055 = arith.constant 15 : i32
      %and3A_1056 = arith.andi %add3A_1047, %and3A_1055 : i32
      %broadcast_in_dim3A_1057 = vector.broadcast %and3A_1056 : i32 to vector<16xi32>
      %lt3A_1058 = arith.constant 0 : i32
      %lt3A_1059 = vector.broadcast %lt3A_1058 : i32 to vector<16xi32>
      %lt3A_1060 = arith.cmpi slt, %broadcast_in_dim3A_1057, %lt3A_1059 : vector<16xi32>
      %add3A_1061 = arith.constant 16 : i32
      %add3A_1062 = vector.broadcast %add3A_1061 : i32 to vector<16xi32>
      %add3A_1063 = arith.addi %broadcast_in_dim3A_1057, %add3A_1062 : vector<16xi32>
      %select_n3A_1064 = arith.select %lt3A_1060, %add3A_1063, %broadcast_in_dim3A_1057 : vector<16xi1>, vector<16xi32>
      %reshape3A_1065 = vector.shape_cast %select_n3A_1064 : vector<16xi32> to vector<16x1xi32>
      %gather3A_1066 = vector.shape_cast %reshape3A_1065 : vector<16x1xi32> to vector<16xi32>
      %gather3A_1067 = tpu.dynamic_gather %get3A_1054[%gather3A_1066] in [0] : vector<16xi32>, vector<16xi32> -> vector<16xi32>
      %slice3A_1068 = vector.extract_strided_slice %gather3A_1067 {offsets = [0], sizes = [1], strides = [1]} : vector<16xi32> to vector<1xi32>
      %squeeze3A_1069 = vector.extract %slice3A_1068[0] : i32 from vector<1xi32>
      %min3A_1070 = arith.constant 700 : i32
      %min3A_1071 = arith.minsi %squeeze3A_1069, %min3A_1070 : i32
      %while3A_1072 = arith.constant 0 : i32
      %while3A_1073 = arith.subi %min3A_1071, %min3A_1045 : i32
      %while3A_1074 = arith.addi %min3A_1045, %while3A_1073 : i32
      %while3A_1075 = arith.constant 1 : i32
      %while3A_1076 = arith.divsi %while3A_1073, %while3A_1075 : i32
      %while3A_1077 = arith.muli %while3A_1076, %while3A_1075 : i32
      %while3A_1078 = arith.addi %min3A_1045, %while3A_1077 : i32
      %while3A_1079 = arith.constant 1 : i32
      scf.for %while3A_1352 = %min3A_1045 to %while3A_1078 step %while3A_1079  : i32 {
        %and3A_1353 = arith.constant 15 : i32
        %and3A_1354 = arith.andi %while3A_1352, %and3A_1353 : i32
        %ge3A = arith.constant 16 : i32
        %ge3A_1355 = arith.cmpi sge, %while3A_1352, %ge3A : i32
        %convert_element_type3A_1356 = arith.extui %ge3A_1355 : i1 to i32
        %cond3A_1357 = arith.constant 0 : i32
        %cond3A_1358 = arith.cmpi ne, %convert_element_type3A_1356, %cond3A_1357 : i32
        scf.if %cond3A_1358 {
          %dma_wait3A_1430 = arith.constant 0 : i32
          %dma_wait3A_1431 = tpu.memref_slice %arg10[%and3A_1354, %dma_wait3A_1430] : memref<16x64xf32, #tpu.memory_space<vmem>> -> memref<1x64xf32, #tpu.memory_space<vmem>>
          %dma_wait3A_1432 = tpu.memref_squeeze %dma_wait3A_1431 : memref<1x64xf32, #tpu.memory_space<vmem>> -> memref<64xf32, #tpu.memory_space<vmem>>
          %dma_wait3A_1433 = arith.constant 0 : i32
          %dma_wait3A_1434 = tpu.memref_slice %arg4[%dma_wait3A_1433] : memref<1048576xf32, #tpu.memory_space<hbm>> -> memref<64xf32, #tpu.memory_space<hbm>>
          %dma_wait3A_1435 = tpu.memref_slice %arg16[%and3A_1354] : memref<16x!tpu.dma_semaphore, #tpu.memory_space<semaphore_mem>> -> memref<1x!tpu.dma_semaphore, #tpu.memory_space<semaphore_mem>>
          %dma_wait3A_1436 = tpu.memref_squeeze %dma_wait3A_1435 : memref<1x!tpu.dma_semaphore, #tpu.memory_space<semaphore_mem>> -> memref<!tpu.dma_semaphore, #tpu.memory_space<semaphore_mem>>
          %dma_wait3A_1437 = arith.constant 0 : i32
          %dma_wait3A_1438 = tpu.memref_slice %arg4[%dma_wait3A_1437] : memref<1048576xf32, #tpu.memory_space<hbm>> -> memref<64xf32, #tpu.memory_space<hbm>>
          %dma_wait3A_1439 = arith.constant 0 : i32
          %dma_wait3A_1440 = tpu.memref_slice %arg10[%and3A_1354, %dma_wait3A_1439] : memref<16x64xf32, #tpu.memory_space<vmem>> -> memref<1x64xf32, #tpu.memory_space<vmem>>
          %dma_wait3A_1441 = tpu.memref_squeeze %dma_wait3A_1440 : memref<1x64xf32, #tpu.memory_space<vmem>> -> memref<64xf32, #tpu.memory_space<vmem>>
          tpu.wait_dma2 semaphore(%dma_wait3A_1436 : memref<!tpu.dma_semaphore, #tpu.memory_space<semaphore_mem>>) src(%dma_wait3A_1441 : memref<64xf32, #tpu.memory_space<vmem>>) dst(%dma_wait3A_1438 : memref<64xf32, #tpu.memory_space<hbm>>)
        } else {
        }
        %get3A_1359 = arith.index_cast %while3A_1352 : i32 to index
        %get3A_1360 = memref.load %arg12[%get3A_1359] : memref<700xi32, #tpu.memory_space<smem>>
        %and3A_1361 = arith.constant 127 : i32
        %and3A_1362 = arith.andi %get3A_1360, %and3A_1361 : i32
        %broadcast_in_dim3A_1363 = vector.broadcast %and3A_1362 : i32 to vector<16xi32>
        %iota3A_1364 = tpu.iota {dimensions = array<i32: 0>} : vector<16xi32>
        %add3A_1365 = arith.constant 0 : i32
        %add3A_1366 = vector.broadcast %add3A_1365 : i32 to vector<16xi32>
        %add3A_1367 = arith.addi %iota3A_1364, %add3A_1366 : vector<16xi32>
        %gather3A_1368 = arith.constant 4 : i32
        %gather3A_1369 = arith.constant 0 : i32
        %gather3A_1370 = arith.constant 0 : i32
        %gather3A_1371 = tpu.memref_slice %arg9[%gather3A_1368, %gather3A_1369, %gather3A_1370] : memref<8x64x128xf32, #tpu.memory_space<vmem>> -> memref<1x64x128xf32, #tpu.memory_space<vmem>>
        %gather3A_1372 = tpu.memref_squeeze %gather3A_1371 : memref<1x64x128xf32, #tpu.memory_space<vmem>> -> memref<64x128xf32, #tpu.memory_space<vmem>>
        %gather3A_1373 = tpu.vector_load_idx %gather3A_1372[%add3A_1367, %broadcast_in_dim3A_1363] : memref<64x128xf32, #tpu.memory_space<vmem>>[vector<16xi32>, vector<16xi32>], vector<16xf32>,
        %swap3A_1374 = arith.index_cast %and3A_1354 : i32 to index
        %swap3A_1375 = arith.constant 0 : index
        %swap3A_1376 = tpu.vector_load %arg10[%swap3A_1374, %swap3A_1375] {strides = array<i32>} : memref<16x64xf32, #tpu.memory_space<vmem>>, vector<16xf32>,
        tpu.vector_store %arg10[%swap3A_1374, %swap3A_1375], %gather3A_1373 {strides = array<i32>} : memref<16x64xf32, #tpu.memory_space<vmem>>, vector<16xf32>,
        %iota3A_1377 = tpu.iota {dimensions = array<i32: 0>} : vector<16xi32>
        %add3A_1378 = arith.constant 16 : i32
        %add3A_1379 = vector.broadcast %add3A_1378 : i32 to vector<16xi32>
        %add3A_1380 = arith.addi %iota3A_1377, %add3A_1379 : vector<16xi32>
        %gather3A_1381 = arith.constant 4 : i32
        %gather3A_1382 = arith.constant 0 : i32
        %gather3A_1383 = arith.constant 0 : i32
        %gather3A_1384 = tpu.memref_slice %arg9[%gather3A_1381, %gather3A_1382, %gather3A_1383] : memref<8x64x128xf32, #tpu.memory_space<vmem>> -> memref<1x64x128xf32, #tpu.memory_space<vmem>>
        %gather3A_1385 = tpu.memref_squeeze %gather3A_1384 : memref<1x64x128xf32, #tpu.memory_space<vmem>> -> memref<64x128xf32, #tpu.memory_space<vmem>>
        %gather3A_1386 = tpu.vector_load_idx %gather3A_1385[%add3A_1380, %broadcast_in_dim3A_1363] : memref<64x128xf32, #tpu.memory_space<vmem>>[vector<16xi32>, vector<16xi32>], vector<16xf32>,
        %swap3A_1387 = arith.index_cast %and3A_1354 : i32 to index
        %swap3A_1388 = arith.constant 16 : index
        %swap3A_1389 = tpu.vector_load %arg10[%swap3A_1387, %swap3A_1388] {strides = array<i32>} : memref<16x64xf32, #tpu.memory_space<vmem>>, vector<16xf32>,
        tpu.vector_store %arg10[%swap3A_1387, %swap3A_1388], %gather3A_1386 {strides = array<i32>} : memref<16x64xf32, #tpu.memory_space<vmem>>, vector<16xf32>,
        %iota3A_1390 = tpu.iota {dimensions = array<i32: 0>} : vector<16xi32>
        %add3A_1391 = arith.constant 32 : i32
        %add3A_1392 = vector.broadcast %add3A_1391 : i32 to vector<16xi32>
        %add3A_1393 = arith.addi %iota3A_1390, %add3A_1392 : vector<16xi32>
        %gather3A_1394 = arith.constant 4 : i32
        %gather3A_1395 = arith.constant 0 : i32
        %gather3A_1396 = arith.constant 0 : i32
        %gather3A_1397 = tpu.memref_slice %arg9[%gather3A_1394, %gather3A_1395, %gather3A_1396] : memref<8x64x128xf32, #tpu.memory_space<vmem>> -> memref<1x64x128xf32, #tpu.memory_space<vmem>>
        %gather3A_1398 = tpu.memref_squeeze %gather3A_1397 : memref<1x64x128xf32, #tpu.memory_space<vmem>> -> memref<64x128xf32, #tpu.memory_space<vmem>>
        %gather3A_1399 = tpu.vector_load_idx %gather3A_1398[%add3A_1393, %broadcast_in_dim3A_1363] : memref<64x128xf32, #tpu.memory_space<vmem>>[vector<16xi32>, vector<16xi32>], vector<16xf32>,
        %swap3A_1400 = arith.index_cast %and3A_1354 : i32 to index
        %swap3A_1401 = arith.constant 32 : index
        %swap3A_1402 = tpu.vector_load %arg10[%swap3A_1400, %swap3A_1401] {strides = array<i32>} : memref<16x64xf32, #tpu.memory_space<vmem>>, vector<16xf32>,
        tpu.vector_store %arg10[%swap3A_1400, %swap3A_1401], %gather3A_1399 {strides = array<i32>} : memref<16x64xf32, #tpu.memory_space<vmem>>, vector<16xf32>,
        %iota3A_1403 = tpu.iota {dimensions = array<i32: 0>} : vector<16xi32>
        %add3A_1404 = arith.constant 48 : i32
        %add3A_1405 = vector.broadcast %add3A_1404 : i32 to vector<16xi32>
        %add3A_1406 = arith.addi %iota3A_1403, %add3A_1405 : vector<16xi32>
        %gather3A_1407 = arith.constant 4 : i32
        %gather3A_1408 = arith.constant 0 : i32
        %gather3A_1409 = arith.constant 0 : i32
        %gather3A_1410 = tpu.memref_slice %arg9[%gather3A_1407, %gather3A_1408, %gather3A_1409] : memref<8x64x128xf32, #tpu.memory_space<vmem>> -> memref<1x64x128xf32, #tpu.memory_space<vmem>>
        %gather3A_1411 = tpu.memref_squeeze %gather3A_1410 : memref<1x64x128xf32, #tpu.memory_space<vmem>> -> memref<64x128xf32, #tpu.memory_space<vmem>>
        %gather3A_1412 = tpu.vector_load_idx %gather3A_1411[%add3A_1406, %broadcast_in_dim3A_1363] : memref<64x128xf32, #tpu.memory_space<vmem>>[vector<16xi32>, vector<16xi32>], vector<16xf32>,
        %swap3A_1413 = arith.index_cast %and3A_1354 : i32 to index
        %swap3A_1414 = arith.constant 48 : index
        %swap3A_1415 = tpu.vector_load %arg10[%swap3A_1413, %swap3A_1414] {strides = array<i32>} : memref<16x64xf32, #tpu.memory_space<vmem>>, vector<16xf32>,
        tpu.vector_store %arg10[%swap3A_1413, %swap3A_1414], %gather3A_1412 {strides = array<i32>} : memref<16x64xf32, #tpu.memory_space<vmem>>, vector<16xf32>,
        %get3A_1416 = arith.index_cast %while3A_1352 : i32 to index
        %get3A_1417 = memref.load %arg13[%get3A_1416] : memref<700xi32, #tpu.memory_space<smem>>
        %mul3A_1418 = arith.constant 64 : i32
        %mul3A_1419 = arith.muli %get3A_1417, %mul3A_1418 : i32
        %dma_start3A_1420 = arith.constant 0 : i32
        %dma_start3A_1421 = tpu.memref_slice %arg10[%and3A_1354, %dma_start3A_1420] : memref<16x64xf32, #tpu.memory_space<vmem>> -> memref<1x64xf32, #tpu.memory_space<vmem>>
        %dma_start3A_1422 = tpu.memref_squeeze %dma_start3A_1421 : memref<1x64xf32, #tpu.memory_space<vmem>> -> memref<64xf32, #tpu.memory_space<vmem>>
        %dma_start3A_1423 = tpu.memref_slice %arg4[%mul3A_1419] : memref<1048576xf32, #tpu.memory_space<hbm>> -> memref<64xf32, #tpu.memory_space<hbm>>
        %dma_start3A_1424 = tpu.memref_slice %arg16[%and3A_1354] : memref<16x!tpu.dma_semaphore, #tpu.memory_space<semaphore_mem>> -> memref<1x!tpu.dma_semaphore, #tpu.memory_space<semaphore_mem>>
        %dma_start3A_1425 = tpu.memref_squeeze %dma_start3A_1424 : memref<1x!tpu.dma_semaphore, #tpu.memory_space<semaphore_mem>> -> memref<!tpu.dma_semaphore, #tpu.memory_space<semaphore_mem>>
        %dma_start3A_1426 = tpu.memref_slice %arg4[%mul3A_1419] : memref<1048576xf32, #tpu.memory_space<hbm>> -> memref<64xf32, #tpu.memory_space<hbm>>
        %dma_start3A_1427 = arith.constant 0 : i32
        %dma_start3A_1428 = tpu.memref_slice %arg10[%and3A_1354, %dma_start3A_1427] : memref<16x64xf32, #tpu.memory_space<vmem>> -> memref<1x64xf32, #tpu.memory_space<vmem>>
        %dma_start3A_1429 = tpu.memref_squeeze %dma_start3A_1428 : memref<1x64xf32, #tpu.memory_space<vmem>> -> memref<64xf32, #tpu.memory_space<vmem>>
        tpu.enqueue_dma source(%dma_start3A_1429 : memref<64xf32, #tpu.memory_space<vmem>>) target(%dma_start3A_1426 : memref<64xf32, #tpu.memory_space<hbm>>) target_semaphore(%dma_start3A_1425 : memref<!tpu.dma_semaphore, #tpu.memory_space<semaphore_mem>>)
      }
      %while3A_1080 = arith.constant 1 : i32
      scf.for %while3A_1352 = %while3A_1078 to %while3A_1074 step %while3A_1080  : i32 {
        %and3A_1353 = arith.constant 15 : i32
        %and3A_1354 = arith.andi %while3A_1352, %and3A_1353 : i32
        %ge3A = arith.constant 16 : i32
        %ge3A_1355 = arith.cmpi sge, %while3A_1352, %ge3A : i32
        %convert_element_type3A_1356 = arith.extui %ge3A_1355 : i1 to i32
        %cond3A_1357 = arith.constant 0 : i32
        %cond3A_1358 = arith.cmpi ne, %convert_element_type3A_1356, %cond3A_1357 : i32
        scf.if %cond3A_1358 {
          %dma_wait3A_1430 = arith.constant 0 : i32
          %dma_wait3A_1431 = tpu.memref_slice %arg10[%and3A_1354, %dma_wait3A_1430] : memref<16x64xf32, #tpu.memory_space<vmem>> -> memref<1x64xf32, #tpu.memory_space<vmem>>
          %dma_wait3A_1432 = tpu.memref_squeeze %dma_wait3A_1431 : memref<1x64xf32, #tpu.memory_space<vmem>> -> memref<64xf32, #tpu.memory_space<vmem>>
          %dma_wait3A_1433 = arith.constant 0 : i32
          %dma_wait3A_1434 = tpu.memref_slice %arg4[%dma_wait3A_1433] : memref<1048576xf32, #tpu.memory_space<hbm>> -> memref<64xf32, #tpu.memory_space<hbm>>
          %dma_wait3A_1435 = tpu.memref_slice %arg16[%and3A_1354] : memref<16x!tpu.dma_semaphore, #tpu.memory_space<semaphore_mem>> -> memref<1x!tpu.dma_semaphore, #tpu.memory_space<semaphore_mem>>
          %dma_wait3A_1436 = tpu.memref_squeeze %dma_wait3A_1435 : memref<1x!tpu.dma_semaphore, #tpu.memory_space<semaphore_mem>> -> memref<!tpu.dma_semaphore, #tpu.memory_space<semaphore_mem>>
          %dma_wait3A_1437 = arith.constant 0 : i32
          %dma_wait3A_1438 = tpu.memref_slice %arg4[%dma_wait3A_1437] : memref<1048576xf32, #tpu.memory_space<hbm>> -> memref<64xf32, #tpu.memory_space<hbm>>
          %dma_wait3A_1439 = arith.constant 0 : i32
          %dma_wait3A_1440 = tpu.memref_slice %arg10[%and3A_1354, %dma_wait3A_1439] : memref<16x64xf32, #tpu.memory_space<vmem>> -> memref<1x64xf32, #tpu.memory_space<vmem>>
          %dma_wait3A_1441 = tpu.memref_squeeze %dma_wait3A_1440 : memref<1x64xf32, #tpu.memory_space<vmem>> -> memref<64xf32, #tpu.memory_space<vmem>>
          tpu.wait_dma2 semaphore(%dma_wait3A_1436 : memref<!tpu.dma_semaphore, #tpu.memory_space<semaphore_mem>>) src(%dma_wait3A_1441 : memref<64xf32, #tpu.memory_space<vmem>>) dst(%dma_wait3A_1438 : memref<64xf32, #tpu.memory_space<hbm>>)
        } else {
        }
        %get3A_1359 = arith.index_cast %while3A_1352 : i32 to index
        %get3A_1360 = memref.load %arg12[%get3A_1359] : memref<700xi32, #tpu.memory_space<smem>>
        %and3A_1361 = arith.constant 127 : i32
        %and3A_1362 = arith.andi %get3A_1360, %and3A_1361 : i32
        %broadcast_in_dim3A_1363 = vector.broadcast %and3A_1362 : i32 to vector<16xi32>
        %iota3A_1364 = tpu.iota {dimensions = array<i32: 0>} : vector<16xi32>
        %add3A_1365 = arith.constant 0 : i32
        %add3A_1366 = vector.broadcast %add3A_1365 : i32 to vector<16xi32>
        %add3A_1367 = arith.addi %iota3A_1364, %add3A_1366 : vector<16xi32>
        %gather3A_1368 = arith.constant 4 : i32
        %gather3A_1369 = arith.constant 0 : i32
        %gather3A_1370 = arith.constant 0 : i32
        %gather3A_1371 = tpu.memref_slice %arg9[%gather3A_1368, %gather3A_1369, %gather3A_1370] : memref<8x64x128xf32, #tpu.memory_space<vmem>> -> memref<1x64x128xf32, #tpu.memory_space<vmem>>
        %gather3A_1372 = tpu.memref_squeeze %gather3A_1371 : memref<1x64x128xf32, #tpu.memory_space<vmem>> -> memref<64x128xf32, #tpu.memory_space<vmem>>
        %gather3A_1373 = tpu.vector_load_idx %gather3A_1372[%add3A_1367, %broadcast_in_dim3A_1363] : memref<64x128xf32, #tpu.memory_space<vmem>>[vector<16xi32>, vector<16xi32>], vector<16xf32>,
        %swap3A_1374 = arith.index_cast %and3A_1354 : i32 to index
        %swap3A_1375 = arith.constant 0 : index
        %swap3A_1376 = tpu.vector_load %arg10[%swap3A_1374, %swap3A_1375] {strides = array<i32>} : memref<16x64xf32, #tpu.memory_space<vmem>>, vector<16xf32>,
        tpu.vector_store %arg10[%swap3A_1374, %swap3A_1375], %gather3A_1373 {strides = array<i32>} : memref<16x64xf32, #tpu.memory_space<vmem>>, vector<16xf32>,
        %iota3A_1377 = tpu.iota {dimensions = array<i32: 0>} : vector<16xi32>
        %add3A_1378 = arith.constant 16 : i32
        %add3A_1379 = vector.broadcast %add3A_1378 : i32 to vector<16xi32>
        %add3A_1380 = arith.addi %iota3A_1377, %add3A_1379 : vector<16xi32>
        %gather3A_1381 = arith.constant 4 : i32
        %gather3A_1382 = arith.constant 0 : i32
        %gather3A_1383 = arith.constant 0 : i32
        %gather3A_1384 = tpu.memref_slice %arg9[%gather3A_1381, %gather3A_1382, %gather3A_1383] : memref<8x64x128xf32, #tpu.memory_space<vmem>> -> memref<1x64x128xf32, #tpu.memory_space<vmem>>
        %gather3A_1385 = tpu.memref_squeeze %gather3A_1384 : memref<1x64x128xf32, #tpu.memory_space<vmem>> -> memref<64x128xf32, #tpu.memory_space<vmem>>
        %gather3A_1386 = tpu.vector_load_idx %gather3A_1385[%add3A_1380, %broadcast_in_dim3A_1363] : memref<64x128xf32, #tpu.memory_space<vmem>>[vector<16xi32>, vector<16xi32>], vector<16xf32>,
        %swap3A_1387 = arith.index_cast %and3A_1354 : i32 to index
        %swap3A_1388 = arith.constant 16 : index
        %swap3A_1389 = tpu.vector_load %arg10[%swap3A_1387, %swap3A_1388] {strides = array<i32>} : memref<16x64xf32, #tpu.memory_space<vmem>>, vector<16xf32>,
        tpu.vector_store %arg10[%swap3A_1387, %swap3A_1388], %gather3A_1386 {strides = array<i32>} : memref<16x64xf32, #tpu.memory_space<vmem>>, vector<16xf32>,
        %iota3A_1390 = tpu.iota {dimensions = array<i32: 0>} : vector<16xi32>
        %add3A_1391 = arith.constant 32 : i32
        %add3A_1392 = vector.broadcast %add3A_1391 : i32 to vector<16xi32>
        %add3A_1393 = arith.addi %iota3A_1390, %add3A_1392 : vector<16xi32>
        %gather3A_1394 = arith.constant 4 : i32
        %gather3A_1395 = arith.constant 0 : i32
        %gather3A_1396 = arith.constant 0 : i32
        %gather3A_1397 = tpu.memref_slice %arg9[%gather3A_1394, %gather3A_1395, %gather3A_1396] : memref<8x64x128xf32, #tpu.memory_space<vmem>> -> memref<1x64x128xf32, #tpu.memory_space<vmem>>
        %gather3A_1398 = tpu.memref_squeeze %gather3A_1397 : memref<1x64x128xf32, #tpu.memory_space<vmem>> -> memref<64x128xf32, #tpu.memory_space<vmem>>
        %gather3A_1399 = tpu.vector_load_idx %gather3A_1398[%add3A_1393, %broadcast_in_dim3A_1363] : memref<64x128xf32, #tpu.memory_space<vmem>>[vector<16xi32>, vector<16xi32>], vector<16xf32>,
        %swap3A_1400 = arith.index_cast %and3A_1354 : i32 to index
        %swap3A_1401 = arith.constant 32 : index
        %swap3A_1402 = tpu.vector_load %arg10[%swap3A_1400, %swap3A_1401] {strides = array<i32>} : memref<16x64xf32, #tpu.memory_space<vmem>>, vector<16xf32>,
        tpu.vector_store %arg10[%swap3A_1400, %swap3A_1401], %gather3A_1399 {strides = array<i32>} : memref<16x64xf32, #tpu.memory_space<vmem>>, vector<16xf32>,
        %iota3A_1403 = tpu.iota {dimensions = array<i32: 0>} : vector<16xi32>
        %add3A_1404 = arith.constant 48 : i32
        %add3A_1405 = vector.broadcast %add3A_1404 : i32 to vector<16xi32>
        %add3A_1406 = arith.addi %iota3A_1403, %add3A_1405 : vector<16xi32>
        %gather3A_1407 = arith.constant 4 : i32
        %gather3A_1408 = arith.constant 0 : i32
        %gather3A_1409 = arith.constant 0 : i32
        %gather3A_1410 = tpu.memref_slice %arg9[%gather3A_1407, %gather3A_1408, %gather3A_1409] : memref<8x64x128xf32, #tpu.memory_space<vmem>> -> memref<1x64x128xf32, #tpu.memory_space<vmem>>
        %gather3A_1411 = tpu.memref_squeeze %gather3A_1410 : memref<1x64x128xf32, #tpu.memory_space<vmem>> -> memref<64x128xf32, #tpu.memory_space<vmem>>
        %gather3A_1412 = tpu.vector_load_idx %gather3A_1411[%add3A_1406, %broadcast_in_dim3A_1363] : memref<64x128xf32, #tpu.memory_space<vmem>>[vector<16xi32>, vector<16xi32>], vector<16xf32>,
        %swap3A_1413 = arith.index_cast %and3A_1354 : i32 to index
        %swap3A_1414 = arith.constant 48 : index
        %swap3A_1415 = tpu.vector_load %arg10[%swap3A_1413, %swap3A_1414] {strides = array<i32>} : memref<16x64xf32, #tpu.memory_space<vmem>>, vector<16xf32>,
        tpu.vector_store %arg10[%swap3A_1413, %swap3A_1414], %gather3A_1412 {strides = array<i32>} : memref<16x64xf32, #tpu.memory_space<vmem>>, vector<16xf32>,
        %get3A_1416 = arith.index_cast %while3A_1352 : i32 to index
        %get3A_1417 = memref.load %arg13[%get3A_1416] : memref<700xi32, #tpu.memory_space<smem>>
        %mul3A_1418 = arith.constant 64 : i32
        %mul3A_1419 = arith.muli %get3A_1417, %mul3A_1418 : i32
        %dma_start3A_1420 = arith.constant 0 : i32
        %dma_start3A_1421 = tpu.memref_slice %arg10[%and3A_1354, %dma_start3A_1420] : memref<16x64xf32, #tpu.memory_space<vmem>> -> memref<1x64xf32, #tpu.memory_space<vmem>>
        %dma_start3A_1422 = tpu.memref_squeeze %dma_start3A_1421 : memref<1x64xf32, #tpu.memory_space<vmem>> -> memref<64xf32, #tpu.memory_space<vmem>>
        %dma_start3A_1423 = tpu.memref_slice %arg4[%mul3A_1419] : memref<1048576xf32, #tpu.memory_space<hbm>> -> memref<64xf32, #tpu.memory_space<hbm>>
        %dma_start3A_1424 = tpu.memref_slice %arg16[%and3A_1354] : memref<16x!tpu.dma_semaphore, #tpu.memory_space<semaphore_mem>> -> memref<1x!tpu.dma_semaphore, #tpu.memory_space<semaphore_mem>>
        %dma_start3A_1425 = tpu.memref_squeeze %dma_start3A_1424 : memref<1x!tpu.dma_semaphore, #tpu.memory_space<semaphore_mem>> -> memref<!tpu.dma_semaphore, #tpu.memory_space<semaphore_mem>>
        %dma_start3A_1426 = tpu.memref_slice %arg4[%mul3A_1419] : memref<1048576xf32, #tpu.memory_space<hbm>> -> memref<64xf32, #tpu.memory_space<hbm>>
        %dma_start3A_1427 = arith.constant 0 : i32
        %dma_start3A_1428 = tpu.memref_slice %arg10[%and3A_1354, %dma_start3A_1427] : memref<16x64xf32, #tpu.memory_space<vmem>> -> memref<1x64xf32, #tpu.memory_space<vmem>>
        %dma_start3A_1429 = tpu.memref_squeeze %dma_start3A_1428 : memref<1x64xf32, #tpu.memory_space<vmem>> -> memref<64xf32, #tpu.memory_space<vmem>>
        tpu.enqueue_dma source(%dma_start3A_1429 : memref<64xf32, #tpu.memory_space<vmem>>) target(%dma_start3A_1426 : memref<64xf32, #tpu.memory_space<hbm>>) target_semaphore(%dma_start3A_1425 : memref<!tpu.dma_semaphore, #tpu.memory_space<semaphore_mem>>)
      }
      %add3A_1081 = arith.constant 8 : i32
      %add3A_1082 = arith.addi %add3A_1003, %add3A_1081 : i32
      %lt3A_1083 = arith.constant 248 : i32
      %lt3A_1084 = arith.cmpi slt, %add3A_1082, %lt3A_1083 : i32
      %convert_element_type3A_1085 = arith.extui %lt3A_1084 : i1 to i32
      %cond3A_1086 = arith.constant 0 : i32
      %cond3A_1087 = arith.cmpi ne, %convert_element_type3A_1085, %cond3A_1086 : i32
      scf.if %cond3A_1087 {
        %add3A_1352 = arith.constant 8 : i32
        %add3A_1353 = arith.addi %add3A_1003, %add3A_1352 : i32
        %mul3A_1354 = arith.constant 32 : i32
        %mul3A_1355 = arith.muli %mul3A_1354, %add3A_1353 : i32
        %add3A_1356 = arith.addi %mul3A_1355, %add3A : i32
        %min3A_1357 = arith.constant 7812 : i32
        %min3A_1358 = arith.minsi %add3A_1356, %min3A_1357 : i32
        %shift_left3A_1359 = arith.constant 7 : i32
        %shift_left3A_1360 = arith.shli %min3A_1358, %shift_left3A_1359 : i32
        %multiple_of3A_1361 = tpu.assume_multiple %shift_left3A_1360, 128 : i32
        %dma_start3A_1362 = arith.constant 4 : i32
        %dma_start3A_1363 = arith.constant 4 : i32
        %dma_start3A_1364 = arith.constant 0 : i32
        %dma_start3A_1365 = arith.constant 0 : i32
        %dma_start3A_1366 = tpu.memref_slice %arg9[%dma_start3A_1362, %dma_start3A_1364, %dma_start3A_1365] : memref<8x64x128xf32, #tpu.memory_space<vmem>> -> memref<1x64x128xf32, #tpu.memory_space<vmem>>
        %dma_start3A_1367 = tpu.memref_squeeze %dma_start3A_1366 : memref<1x64x128xf32, #tpu.memory_space<vmem>> -> memref<64x128xf32, #tpu.memory_space<vmem>>
        %dma_start3A_1368 = arith.constant 0 : i32
        %dma_start3A_1369 = tpu.memref_slice %arg3[%dma_start3A_1368, %multiple_of3A_1361] : memref<64x1000000xf32, #tpu.memory_space<hbm>> -> memref<64x128xf32, #tpu.memory_space<hbm>>
        %dma_start3A_1370 = tpu.memref_slice %arg15[%dma_start3A_1363] : memref<8x!tpu.dma_semaphore, #tpu.memory_space<semaphore_mem>> -> memref<1x!tpu.dma_semaphore, #tpu.memory_space<semaphore_mem>>
        %dma_start3A_1371 = tpu.memref_squeeze %dma_start3A_1370 : memref<1x!tpu.dma_semaphore, #tpu.memory_space<semaphore_mem>> -> memref<!tpu.dma_semaphore, #tpu.memory_space<semaphore_mem>>
        %dma_start3A_1372 = arith.constant 0 : i32
        %dma_start3A_1373 = arith.constant 0 : i32
        %dma_start3A_1374 = tpu.memref_slice %arg9[%dma_start3A_1362, %dma_start3A_1372, %dma_start3A_1373] : memref<8x64x128xf32, #tpu.memory_space<vmem>> -> memref<1x64x128xf32, #tpu.memory_space<vmem>>
        %dma_start3A_1375 = tpu.memref_squeeze %dma_start3A_1374 : memref<1x64x128xf32, #tpu.memory_space<vmem>> -> memref<64x128xf32, #tpu.memory_space<vmem>>
        %dma_start3A_1376 = arith.constant 0 : i32
        %dma_start3A_1377 = tpu.memref_slice %arg3[%dma_start3A_1376, %multiple_of3A_1361] : memref<64x1000000xf32, #tpu.memory_space<hbm>> -> memref<64x128xf32, #tpu.memory_space<hbm>>
        tpu.enqueue_dma source(%dma_start3A_1377 : memref<64x128xf32, #tpu.memory_space<hbm>>) target(%dma_start3A_1375 : memref<64x128xf32, #tpu.memory_space<vmem>>) target_semaphore(%dma_start3A_1371 : memref<!tpu.dma_semaphore, #tpu.memory_space<semaphore_mem>>)
      } else {
      }
      %mul3A_1088 = arith.constant 8 : i32
      %mul3A_1089 = arith.muli %mul3A_1088, %scan3A_650 : i32
      %add3A_1090 = arith.constant 5 : i32
      %add3A_1091 = arith.addi %mul3A_1089, %add3A_1090 : i32
      %dma_wait3A_1092 = arith.constant 5 : i32
      %dma_wait3A_1093 = arith.constant 5 : i32
      %dma_wait3A_1094 = arith.constant 0 : i32
      %dma_wait3A_1095 = arith.constant 0 : i32
      %dma_wait3A_1096 = tpu.memref_slice %arg9[%dma_wait3A_1092, %dma_wait3A_1094, %dma_wait3A_1095] : memref<8x64x128xf32, #tpu.memory_space<vmem>> -> memref<1x64x128xf32, #tpu.memory_space<vmem>>
      %dma_wait3A_1097 = tpu.memref_squeeze %dma_wait3A_1096 : memref<1x64x128xf32, #tpu.memory_space<vmem>> -> memref<64x128xf32, #tpu.memory_space<vmem>>
      %dma_wait3A_1098 = arith.constant 0 : i32
      %dma_wait3A_1099 = arith.constant 0 : i32
      %dma_wait3A_1100 = tpu.memref_slice %arg3[%dma_wait3A_1098, %dma_wait3A_1099] : memref<64x1000000xf32, #tpu.memory_space<hbm>> -> memref<64x128xf32, #tpu.memory_space<hbm>>
      %dma_wait3A_1101 = tpu.memref_slice %arg15[%dma_wait3A_1093] : memref<8x!tpu.dma_semaphore, #tpu.memory_space<semaphore_mem>> -> memref<1x!tpu.dma_semaphore, #tpu.memory_space<semaphore_mem>>
      %dma_wait3A_1102 = tpu.memref_squeeze %dma_wait3A_1101 : memref<1x!tpu.dma_semaphore, #tpu.memory_space<semaphore_mem>> -> memref<!tpu.dma_semaphore, #tpu.memory_space<semaphore_mem>>
      %dma_wait3A_1103 = arith.constant 0 : i32
      %dma_wait3A_1104 = arith.constant 0 : i32
      %dma_wait3A_1105 = tpu.memref_slice %arg9[%dma_wait3A_1092, %dma_wait3A_1103, %dma_wait3A_1104] : memref<8x64x128xf32, #tpu.memory_space<vmem>> -> memref<1x64x128xf32, #tpu.memory_space<vmem>>
      %dma_wait3A_1106 = tpu.memref_squeeze %dma_wait3A_1105 : memref<1x64x128xf32, #tpu.memory_space<vmem>> -> memref<64x128xf32, #tpu.memory_space<vmem>>
      %dma_wait3A_1107 = arith.constant 0 : i32
      %dma_wait3A_1108 = arith.constant 0 : i32
      %dma_wait3A_1109 = tpu.memref_slice %arg3[%dma_wait3A_1107, %dma_wait3A_1108] : memref<64x1000000xf32, #tpu.memory_space<hbm>> -> memref<64x128xf32, #tpu.memory_space<hbm>>
      tpu.wait_dma2 semaphore(%dma_wait3A_1102 : memref<!tpu.dma_semaphore, #tpu.memory_space<semaphore_mem>>) src(%dma_wait3A_1109 : memref<64x128xf32, #tpu.memory_space<hbm>>) dst(%dma_wait3A_1106 : memref<64x128xf32, #tpu.memory_space<vmem>>)
      %shift_right_arithmetic3A_1110 = arith.constant 4 : i32
      %shift_right_arithmetic3A_1111 = arith.shrsi %add3A_1091, %shift_right_arithmetic3A_1110 : i32
      %shift_left3A_1112 = arith.constant 4 : i32
      %shift_left3A_1113 = arith.shli %shift_right_arithmetic3A_1111, %shift_left3A_1112 : i32
      %multiple_of3A_1114 = tpu.assume_multiple %shift_left3A_1113, 16 : i32
      %get3A_1115 = arith.index_cast %multiple_of3A_1114 : i32 to index
      %get3A_1116 = tpu.vector_load %arg11[%get3A_1115] {strides = array<i32>} : memref<272xi32, #tpu.memory_space<vmem>>, vector<16xi32>,
      %and3A_1117 = arith.constant 15 : i32
      %and3A_1118 = arith.andi %add3A_1091, %and3A_1117 : i32
      %broadcast_in_dim3A_1119 = vector.broadcast %and3A_1118 : i32 to vector<16xi32>
      %lt3A_1120 = arith.constant 0 : i32
      %lt3A_1121 = vector.broadcast %lt3A_1120 : i32 to vector<16xi32>
      %lt3A_1122 = arith.cmpi slt, %broadcast_in_dim3A_1119, %lt3A_1121 : vector<16xi32>
      %add3A_1123 = arith.constant 16 : i32
      %add3A_1124 = vector.broadcast %add3A_1123 : i32 to vector<16xi32>
      %add3A_1125 = arith.addi %broadcast_in_dim3A_1119, %add3A_1124 : vector<16xi32>
      %select_n3A_1126 = arith.select %lt3A_1122, %add3A_1125, %broadcast_in_dim3A_1119 : vector<16xi1>, vector<16xi32>
      %reshape3A_1127 = vector.shape_cast %select_n3A_1126 : vector<16xi32> to vector<16x1xi32>
      %gather3A_1128 = vector.shape_cast %reshape3A_1127 : vector<16x1xi32> to vector<16xi32>
      %gather3A_1129 = tpu.dynamic_gather %get3A_1116[%gather3A_1128] in [0] : vector<16xi32>, vector<16xi32> -> vector<16xi32>
      %slice3A_1130 = vector.extract_strided_slice %gather3A_1129 {offsets = [0], sizes = [1], strides = [1]} : vector<16xi32> to vector<1xi32>
      %squeeze3A_1131 = vector.extract %slice3A_1130[0] : i32 from vector<1xi32>
      %min3A_1132 = arith.constant 700 : i32
      %min3A_1133 = arith.minsi %squeeze3A_1131, %min3A_1132 : i32
      %add3A_1134 = arith.constant 1 : i32
      %add3A_1135 = arith.addi %add3A_1091, %add3A_1134 : i32
      %shift_right_arithmetic3A_1136 = arith.constant 4 : i32
      %shift_right_arithmetic3A_1137 = arith.shrsi %add3A_1135, %shift_right_arithmetic3A_1136 : i32
      %shift_left3A_1138 = arith.constant 4 : i32
      %shift_left3A_1139 = arith.shli %shift_right_arithmetic3A_1137, %shift_left3A_1138 : i32
      %multiple_of3A_1140 = tpu.assume_multiple %shift_left3A_1139, 16 : i32
      %get3A_1141 = arith.index_cast %multiple_of3A_1140 : i32 to index
      %get3A_1142 = tpu.vector_load %arg11[%get3A_1141] {strides = array<i32>} : memref<272xi32, #tpu.memory_space<vmem>>, vector<16xi32>,
      %and3A_1143 = arith.constant 15 : i32
      %and3A_1144 = arith.andi %add3A_1135, %and3A_1143 : i32
      %broadcast_in_dim3A_1145 = vector.broadcast %and3A_1144 : i32 to vector<16xi32>
      %lt3A_1146 = arith.constant 0 : i32
      %lt3A_1147 = vector.broadcast %lt3A_1146 : i32 to vector<16xi32>
      %lt3A_1148 = arith.cmpi slt, %broadcast_in_dim3A_1145, %lt3A_1147 : vector<16xi32>
      %add3A_1149 = arith.constant 16 : i32
      %add3A_1150 = vector.broadcast %add3A_1149 : i32 to vector<16xi32>
      %add3A_1151 = arith.addi %broadcast_in_dim3A_1145, %add3A_1150 : vector<16xi32>
      %select_n3A_1152 = arith.select %lt3A_1148, %add3A_1151, %broadcast_in_dim3A_1145 : vector<16xi1>, vector<16xi32>
      %reshape3A_1153 = vector.shape_cast %select_n3A_1152 : vector<16xi32> to vector<16x1xi32>
      %gather3A_1154 = vector.shape_cast %reshape3A_1153 : vector<16x1xi32> to vector<16xi32>
      %gather3A_1155 = tpu.dynamic_gather %get3A_1142[%gather3A_1154] in [0] : vector<16xi32>, vector<16xi32> -> vector<16xi32>
      %slice3A_1156 = vector.extract_strided_slice %gather3A_1155 {offsets = [0], sizes = [1], strides = [1]} : vector<16xi32> to vector<1xi32>
      %squeeze3A_1157 = vector.extract %slice3A_1156[0] : i32 from vector<1xi32>
      %min3A_1158 = arith.constant 700 : i32
      %min3A_1159 = arith.minsi %squeeze3A_1157, %min3A_1158 : i32
      %while3A_1160 = arith.constant 0 : i32
      %while3A_1161 = arith.subi %min3A_1159, %min3A_1133 : i32
      %while3A_1162 = arith.addi %min3A_1133, %while3A_1161 : i32
      %while3A_1163 = arith.constant 1 : i32
      %while3A_1164 = arith.divsi %while3A_1161, %while3A_1163 : i32
      %while3A_1165 = arith.muli %while3A_1164, %while3A_1163 : i32
      %while3A_1166 = arith.addi %min3A_1133, %while3A_1165 : i32
      %while3A_1167 = arith.constant 1 : i32
      scf.for %while3A_1352 = %min3A_1133 to %while3A_1166 step %while3A_1167  : i32 {
        %and3A_1353 = arith.constant 15 : i32
        %and3A_1354 = arith.andi %while3A_1352, %and3A_1353 : i32
        %ge3A = arith.constant 16 : i32
        %ge3A_1355 = arith.cmpi sge, %while3A_1352, %ge3A : i32
        %convert_element_type3A_1356 = arith.extui %ge3A_1355 : i1 to i32
        %cond3A_1357 = arith.constant 0 : i32
        %cond3A_1358 = arith.cmpi ne, %convert_element_type3A_1356, %cond3A_1357 : i32
        scf.if %cond3A_1358 {
          %dma_wait3A_1430 = arith.constant 0 : i32
          %dma_wait3A_1431 = tpu.memref_slice %arg10[%and3A_1354, %dma_wait3A_1430] : memref<16x64xf32, #tpu.memory_space<vmem>> -> memref<1x64xf32, #tpu.memory_space<vmem>>
          %dma_wait3A_1432 = tpu.memref_squeeze %dma_wait3A_1431 : memref<1x64xf32, #tpu.memory_space<vmem>> -> memref<64xf32, #tpu.memory_space<vmem>>
          %dma_wait3A_1433 = arith.constant 0 : i32
          %dma_wait3A_1434 = tpu.memref_slice %arg4[%dma_wait3A_1433] : memref<1048576xf32, #tpu.memory_space<hbm>> -> memref<64xf32, #tpu.memory_space<hbm>>
          %dma_wait3A_1435 = tpu.memref_slice %arg16[%and3A_1354] : memref<16x!tpu.dma_semaphore, #tpu.memory_space<semaphore_mem>> -> memref<1x!tpu.dma_semaphore, #tpu.memory_space<semaphore_mem>>
          %dma_wait3A_1436 = tpu.memref_squeeze %dma_wait3A_1435 : memref<1x!tpu.dma_semaphore, #tpu.memory_space<semaphore_mem>> -> memref<!tpu.dma_semaphore, #tpu.memory_space<semaphore_mem>>
          %dma_wait3A_1437 = arith.constant 0 : i32
          %dma_wait3A_1438 = tpu.memref_slice %arg4[%dma_wait3A_1437] : memref<1048576xf32, #tpu.memory_space<hbm>> -> memref<64xf32, #tpu.memory_space<hbm>>
          %dma_wait3A_1439 = arith.constant 0 : i32
          %dma_wait3A_1440 = tpu.memref_slice %arg10[%and3A_1354, %dma_wait3A_1439] : memref<16x64xf32, #tpu.memory_space<vmem>> -> memref<1x64xf32, #tpu.memory_space<vmem>>
          %dma_wait3A_1441 = tpu.memref_squeeze %dma_wait3A_1440 : memref<1x64xf32, #tpu.memory_space<vmem>> -> memref<64xf32, #tpu.memory_space<vmem>>
          tpu.wait_dma2 semaphore(%dma_wait3A_1436 : memref<!tpu.dma_semaphore, #tpu.memory_space<semaphore_mem>>) src(%dma_wait3A_1441 : memref<64xf32, #tpu.memory_space<vmem>>) dst(%dma_wait3A_1438 : memref<64xf32, #tpu.memory_space<hbm>>)
        } else {
        }
        %get3A_1359 = arith.index_cast %while3A_1352 : i32 to index
        %get3A_1360 = memref.load %arg12[%get3A_1359] : memref<700xi32, #tpu.memory_space<smem>>
        %and3A_1361 = arith.constant 127 : i32
        %and3A_1362 = arith.andi %get3A_1360, %and3A_1361 : i32
        %broadcast_in_dim3A_1363 = vector.broadcast %and3A_1362 : i32 to vector<16xi32>
        %iota3A_1364 = tpu.iota {dimensions = array<i32: 0>} : vector<16xi32>
        %add3A_1365 = arith.constant 0 : i32
        %add3A_1366 = vector.broadcast %add3A_1365 : i32 to vector<16xi32>
        %add3A_1367 = arith.addi %iota3A_1364, %add3A_1366 : vector<16xi32>
        %gather3A_1368 = arith.constant 5 : i32
        %gather3A_1369 = arith.constant 0 : i32
        %gather3A_1370 = arith.constant 0 : i32
        %gather3A_1371 = tpu.memref_slice %arg9[%gather3A_1368, %gather3A_1369, %gather3A_1370] : memref<8x64x128xf32, #tpu.memory_space<vmem>> -> memref<1x64x128xf32, #tpu.memory_space<vmem>>
        %gather3A_1372 = tpu.memref_squeeze %gather3A_1371 : memref<1x64x128xf32, #tpu.memory_space<vmem>> -> memref<64x128xf32, #tpu.memory_space<vmem>>
        %gather3A_1373 = tpu.vector_load_idx %gather3A_1372[%add3A_1367, %broadcast_in_dim3A_1363] : memref<64x128xf32, #tpu.memory_space<vmem>>[vector<16xi32>, vector<16xi32>], vector<16xf32>,
        %swap3A_1374 = arith.index_cast %and3A_1354 : i32 to index
        %swap3A_1375 = arith.constant 0 : index
        %swap3A_1376 = tpu.vector_load %arg10[%swap3A_1374, %swap3A_1375] {strides = array<i32>} : memref<16x64xf32, #tpu.memory_space<vmem>>, vector<16xf32>,
        tpu.vector_store %arg10[%swap3A_1374, %swap3A_1375], %gather3A_1373 {strides = array<i32>} : memref<16x64xf32, #tpu.memory_space<vmem>>, vector<16xf32>,
        %iota3A_1377 = tpu.iota {dimensions = array<i32: 0>} : vector<16xi32>
        %add3A_1378 = arith.constant 16 : i32
        %add3A_1379 = vector.broadcast %add3A_1378 : i32 to vector<16xi32>
        %add3A_1380 = arith.addi %iota3A_1377, %add3A_1379 : vector<16xi32>
        %gather3A_1381 = arith.constant 5 : i32
        %gather3A_1382 = arith.constant 0 : i32
        %gather3A_1383 = arith.constant 0 : i32
        %gather3A_1384 = tpu.memref_slice %arg9[%gather3A_1381, %gather3A_1382, %gather3A_1383] : memref<8x64x128xf32, #tpu.memory_space<vmem>> -> memref<1x64x128xf32, #tpu.memory_space<vmem>>
        %gather3A_1385 = tpu.memref_squeeze %gather3A_1384 : memref<1x64x128xf32, #tpu.memory_space<vmem>> -> memref<64x128xf32, #tpu.memory_space<vmem>>
        %gather3A_1386 = tpu.vector_load_idx %gather3A_1385[%add3A_1380, %broadcast_in_dim3A_1363] : memref<64x128xf32, #tpu.memory_space<vmem>>[vector<16xi32>, vector<16xi32>], vector<16xf32>,
        %swap3A_1387 = arith.index_cast %and3A_1354 : i32 to index
        %swap3A_1388 = arith.constant 16 : index
        %swap3A_1389 = tpu.vector_load %arg10[%swap3A_1387, %swap3A_1388] {strides = array<i32>} : memref<16x64xf32, #tpu.memory_space<vmem>>, vector<16xf32>,
        tpu.vector_store %arg10[%swap3A_1387, %swap3A_1388], %gather3A_1386 {strides = array<i32>} : memref<16x64xf32, #tpu.memory_space<vmem>>, vector<16xf32>,
        %iota3A_1390 = tpu.iota {dimensions = array<i32: 0>} : vector<16xi32>
        %add3A_1391 = arith.constant 32 : i32
        %add3A_1392 = vector.broadcast %add3A_1391 : i32 to vector<16xi32>
        %add3A_1393 = arith.addi %iota3A_1390, %add3A_1392 : vector<16xi32>
        %gather3A_1394 = arith.constant 5 : i32
        %gather3A_1395 = arith.constant 0 : i32
        %gather3A_1396 = arith.constant 0 : i32
        %gather3A_1397 = tpu.memref_slice %arg9[%gather3A_1394, %gather3A_1395, %gather3A_1396] : memref<8x64x128xf32, #tpu.memory_space<vmem>> -> memref<1x64x128xf32, #tpu.memory_space<vmem>>
        %gather3A_1398 = tpu.memref_squeeze %gather3A_1397 : memref<1x64x128xf32, #tpu.memory_space<vmem>> -> memref<64x128xf32, #tpu.memory_space<vmem>>
        %gather3A_1399 = tpu.vector_load_idx %gather3A_1398[%add3A_1393, %broadcast_in_dim3A_1363] : memref<64x128xf32, #tpu.memory_space<vmem>>[vector<16xi32>, vector<16xi32>], vector<16xf32>,
        %swap3A_1400 = arith.index_cast %and3A_1354 : i32 to index
        %swap3A_1401 = arith.constant 32 : index
        %swap3A_1402 = tpu.vector_load %arg10[%swap3A_1400, %swap3A_1401] {strides = array<i32>} : memref<16x64xf32, #tpu.memory_space<vmem>>, vector<16xf32>,
        tpu.vector_store %arg10[%swap3A_1400, %swap3A_1401], %gather3A_1399 {strides = array<i32>} : memref<16x64xf32, #tpu.memory_space<vmem>>, vector<16xf32>,
        %iota3A_1403 = tpu.iota {dimensions = array<i32: 0>} : vector<16xi32>
        %add3A_1404 = arith.constant 48 : i32
        %add3A_1405 = vector.broadcast %add3A_1404 : i32 to vector<16xi32>
        %add3A_1406 = arith.addi %iota3A_1403, %add3A_1405 : vector<16xi32>
        %gather3A_1407 = arith.constant 5 : i32
        %gather3A_1408 = arith.constant 0 : i32
        %gather3A_1409 = arith.constant 0 : i32
        %gather3A_1410 = tpu.memref_slice %arg9[%gather3A_1407, %gather3A_1408, %gather3A_1409] : memref<8x64x128xf32, #tpu.memory_space<vmem>> -> memref<1x64x128xf32, #tpu.memory_space<vmem>>
        %gather3A_1411 = tpu.memref_squeeze %gather3A_1410 : memref<1x64x128xf32, #tpu.memory_space<vmem>> -> memref<64x128xf32, #tpu.memory_space<vmem>>
        %gather3A_1412 = tpu.vector_load_idx %gather3A_1411[%add3A_1406, %broadcast_in_dim3A_1363] : memref<64x128xf32, #tpu.memory_space<vmem>>[vector<16xi32>, vector<16xi32>], vector<16xf32>,
        %swap3A_1413 = arith.index_cast %and3A_1354 : i32 to index
        %swap3A_1414 = arith.constant 48 : index
        %swap3A_1415 = tpu.vector_load %arg10[%swap3A_1413, %swap3A_1414] {strides = array<i32>} : memref<16x64xf32, #tpu.memory_space<vmem>>, vector<16xf32>,
        tpu.vector_store %arg10[%swap3A_1413, %swap3A_1414], %gather3A_1412 {strides = array<i32>} : memref<16x64xf32, #tpu.memory_space<vmem>>, vector<16xf32>,
        %get3A_1416 = arith.index_cast %while3A_1352 : i32 to index
        %get3A_1417 = memref.load %arg13[%get3A_1416] : memref<700xi32, #tpu.memory_space<smem>>
        %mul3A_1418 = arith.constant 64 : i32
        %mul3A_1419 = arith.muli %get3A_1417, %mul3A_1418 : i32
        %dma_start3A_1420 = arith.constant 0 : i32
        %dma_start3A_1421 = tpu.memref_slice %arg10[%and3A_1354, %dma_start3A_1420] : memref<16x64xf32, #tpu.memory_space<vmem>> -> memref<1x64xf32, #tpu.memory_space<vmem>>
        %dma_start3A_1422 = tpu.memref_squeeze %dma_start3A_1421 : memref<1x64xf32, #tpu.memory_space<vmem>> -> memref<64xf32, #tpu.memory_space<vmem>>
        %dma_start3A_1423 = tpu.memref_slice %arg4[%mul3A_1419] : memref<1048576xf32, #tpu.memory_space<hbm>> -> memref<64xf32, #tpu.memory_space<hbm>>
        %dma_start3A_1424 = tpu.memref_slice %arg16[%and3A_1354] : memref<16x!tpu.dma_semaphore, #tpu.memory_space<semaphore_mem>> -> memref<1x!tpu.dma_semaphore, #tpu.memory_space<semaphore_mem>>
        %dma_start3A_1425 = tpu.memref_squeeze %dma_start3A_1424 : memref<1x!tpu.dma_semaphore, #tpu.memory_space<semaphore_mem>> -> memref<!tpu.dma_semaphore, #tpu.memory_space<semaphore_mem>>
        %dma_start3A_1426 = tpu.memref_slice %arg4[%mul3A_1419] : memref<1048576xf32, #tpu.memory_space<hbm>> -> memref<64xf32, #tpu.memory_space<hbm>>
        %dma_start3A_1427 = arith.constant 0 : i32
        %dma_start3A_1428 = tpu.memref_slice %arg10[%and3A_1354, %dma_start3A_1427] : memref<16x64xf32, #tpu.memory_space<vmem>> -> memref<1x64xf32, #tpu.memory_space<vmem>>
        %dma_start3A_1429 = tpu.memref_squeeze %dma_start3A_1428 : memref<1x64xf32, #tpu.memory_space<vmem>> -> memref<64xf32, #tpu.memory_space<vmem>>
        tpu.enqueue_dma source(%dma_start3A_1429 : memref<64xf32, #tpu.memory_space<vmem>>) target(%dma_start3A_1426 : memref<64xf32, #tpu.memory_space<hbm>>) target_semaphore(%dma_start3A_1425 : memref<!tpu.dma_semaphore, #tpu.memory_space<semaphore_mem>>)
      }
      %while3A_1168 = arith.constant 1 : i32
      scf.for %while3A_1352 = %while3A_1166 to %while3A_1162 step %while3A_1168  : i32 {
        %and3A_1353 = arith.constant 15 : i32
        %and3A_1354 = arith.andi %while3A_1352, %and3A_1353 : i32
        %ge3A = arith.constant 16 : i32
        %ge3A_1355 = arith.cmpi sge, %while3A_1352, %ge3A : i32
        %convert_element_type3A_1356 = arith.extui %ge3A_1355 : i1 to i32
        %cond3A_1357 = arith.constant 0 : i32
        %cond3A_1358 = arith.cmpi ne, %convert_element_type3A_1356, %cond3A_1357 : i32
        scf.if %cond3A_1358 {
          %dma_wait3A_1430 = arith.constant 0 : i32
          %dma_wait3A_1431 = tpu.memref_slice %arg10[%and3A_1354, %dma_wait3A_1430] : memref<16x64xf32, #tpu.memory_space<vmem>> -> memref<1x64xf32, #tpu.memory_space<vmem>>
          %dma_wait3A_1432 = tpu.memref_squeeze %dma_wait3A_1431 : memref<1x64xf32, #tpu.memory_space<vmem>> -> memref<64xf32, #tpu.memory_space<vmem>>
          %dma_wait3A_1433 = arith.constant 0 : i32
          %dma_wait3A_1434 = tpu.memref_slice %arg4[%dma_wait3A_1433] : memref<1048576xf32, #tpu.memory_space<hbm>> -> memref<64xf32, #tpu.memory_space<hbm>>
          %dma_wait3A_1435 = tpu.memref_slice %arg16[%and3A_1354] : memref<16x!tpu.dma_semaphore, #tpu.memory_space<semaphore_mem>> -> memref<1x!tpu.dma_semaphore, #tpu.memory_space<semaphore_mem>>
          %dma_wait3A_1436 = tpu.memref_squeeze %dma_wait3A_1435 : memref<1x!tpu.dma_semaphore, #tpu.memory_space<semaphore_mem>> -> memref<!tpu.dma_semaphore, #tpu.memory_space<semaphore_mem>>
          %dma_wait3A_1437 = arith.constant 0 : i32
          %dma_wait3A_1438 = tpu.memref_slice %arg4[%dma_wait3A_1437] : memref<1048576xf32, #tpu.memory_space<hbm>> -> memref<64xf32, #tpu.memory_space<hbm>>
          %dma_wait3A_1439 = arith.constant 0 : i32
          %dma_wait3A_1440 = tpu.memref_slice %arg10[%and3A_1354, %dma_wait3A_1439] : memref<16x64xf32, #tpu.memory_space<vmem>> -> memref<1x64xf32, #tpu.memory_space<vmem>>
          %dma_wait3A_1441 = tpu.memref_squeeze %dma_wait3A_1440 : memref<1x64xf32, #tpu.memory_space<vmem>> -> memref<64xf32, #tpu.memory_space<vmem>>
          tpu.wait_dma2 semaphore(%dma_wait3A_1436 : memref<!tpu.dma_semaphore, #tpu.memory_space<semaphore_mem>>) src(%dma_wait3A_1441 : memref<64xf32, #tpu.memory_space<vmem>>) dst(%dma_wait3A_1438 : memref<64xf32, #tpu.memory_space<hbm>>)
        } else {
        }
        %get3A_1359 = arith.index_cast %while3A_1352 : i32 to index
        %get3A_1360 = memref.load %arg12[%get3A_1359] : memref<700xi32, #tpu.memory_space<smem>>
        %and3A_1361 = arith.constant 127 : i32
        %and3A_1362 = arith.andi %get3A_1360, %and3A_1361 : i32
        %broadcast_in_dim3A_1363 = vector.broadcast %and3A_1362 : i32 to vector<16xi32>
        %iota3A_1364 = tpu.iota {dimensions = array<i32: 0>} : vector<16xi32>
        %add3A_1365 = arith.constant 0 : i32
        %add3A_1366 = vector.broadcast %add3A_1365 : i32 to vector<16xi32>
        %add3A_1367 = arith.addi %iota3A_1364, %add3A_1366 : vector<16xi32>
        %gather3A_1368 = arith.constant 5 : i32
        %gather3A_1369 = arith.constant 0 : i32
        %gather3A_1370 = arith.constant 0 : i32
        %gather3A_1371 = tpu.memref_slice %arg9[%gather3A_1368, %gather3A_1369, %gather3A_1370] : memref<8x64x128xf32, #tpu.memory_space<vmem>> -> memref<1x64x128xf32, #tpu.memory_space<vmem>>
        %gather3A_1372 = tpu.memref_squeeze %gather3A_1371 : memref<1x64x128xf32, #tpu.memory_space<vmem>> -> memref<64x128xf32, #tpu.memory_space<vmem>>
        %gather3A_1373 = tpu.vector_load_idx %gather3A_1372[%add3A_1367, %broadcast_in_dim3A_1363] : memref<64x128xf32, #tpu.memory_space<vmem>>[vector<16xi32>, vector<16xi32>], vector<16xf32>,
        %swap3A_1374 = arith.index_cast %and3A_1354 : i32 to index
        %swap3A_1375 = arith.constant 0 : index
        %swap3A_1376 = tpu.vector_load %arg10[%swap3A_1374, %swap3A_1375] {strides = array<i32>} : memref<16x64xf32, #tpu.memory_space<vmem>>, vector<16xf32>,
        tpu.vector_store %arg10[%swap3A_1374, %swap3A_1375], %gather3A_1373 {strides = array<i32>} : memref<16x64xf32, #tpu.memory_space<vmem>>, vector<16xf32>,
        %iota3A_1377 = tpu.iota {dimensions = array<i32: 0>} : vector<16xi32>
        %add3A_1378 = arith.constant 16 : i32
        %add3A_1379 = vector.broadcast %add3A_1378 : i32 to vector<16xi32>
        %add3A_1380 = arith.addi %iota3A_1377, %add3A_1379 : vector<16xi32>
        %gather3A_1381 = arith.constant 5 : i32
        %gather3A_1382 = arith.constant 0 : i32
        %gather3A_1383 = arith.constant 0 : i32
        %gather3A_1384 = tpu.memref_slice %arg9[%gather3A_1381, %gather3A_1382, %gather3A_1383] : memref<8x64x128xf32, #tpu.memory_space<vmem>> -> memref<1x64x128xf32, #tpu.memory_space<vmem>>
        %gather3A_1385 = tpu.memref_squeeze %gather3A_1384 : memref<1x64x128xf32, #tpu.memory_space<vmem>> -> memref<64x128xf32, #tpu.memory_space<vmem>>
        %gather3A_1386 = tpu.vector_load_idx %gather3A_1385[%add3A_1380, %broadcast_in_dim3A_1363] : memref<64x128xf32, #tpu.memory_space<vmem>>[vector<16xi32>, vector<16xi32>], vector<16xf32>,
        %swap3A_1387 = arith.index_cast %and3A_1354 : i32 to index
        %swap3A_1388 = arith.constant 16 : index
        %swap3A_1389 = tpu.vector_load %arg10[%swap3A_1387, %swap3A_1388] {strides = array<i32>} : memref<16x64xf32, #tpu.memory_space<vmem>>, vector<16xf32>,
        tpu.vector_store %arg10[%swap3A_1387, %swap3A_1388], %gather3A_1386 {strides = array<i32>} : memref<16x64xf32, #tpu.memory_space<vmem>>, vector<16xf32>,
        %iota3A_1390 = tpu.iota {dimensions = array<i32: 0>} : vector<16xi32>
        %add3A_1391 = arith.constant 32 : i32
        %add3A_1392 = vector.broadcast %add3A_1391 : i32 to vector<16xi32>
        %add3A_1393 = arith.addi %iota3A_1390, %add3A_1392 : vector<16xi32>
        %gather3A_1394 = arith.constant 5 : i32
        %gather3A_1395 = arith.constant 0 : i32
        %gather3A_1396 = arith.constant 0 : i32
        %gather3A_1397 = tpu.memref_slice %arg9[%gather3A_1394, %gather3A_1395, %gather3A_1396] : memref<8x64x128xf32, #tpu.memory_space<vmem>> -> memref<1x64x128xf32, #tpu.memory_space<vmem>>
        %gather3A_1398 = tpu.memref_squeeze %gather3A_1397 : memref<1x64x128xf32, #tpu.memory_space<vmem>> -> memref<64x128xf32, #tpu.memory_space<vmem>>
        %gather3A_1399 = tpu.vector_load_idx %gather3A_1398[%add3A_1393, %broadcast_in_dim3A_1363] : memref<64x128xf32, #tpu.memory_space<vmem>>[vector<16xi32>, vector<16xi32>], vector<16xf32>,
        %swap3A_1400 = arith.index_cast %and3A_1354 : i32 to index
        %swap3A_1401 = arith.constant 32 : index
        %swap3A_1402 = tpu.vector_load %arg10[%swap3A_1400, %swap3A_1401] {strides = array<i32>} : memref<16x64xf32, #tpu.memory_space<vmem>>, vector<16xf32>,
        tpu.vector_store %arg10[%swap3A_1400, %swap3A_1401], %gather3A_1399 {strides = array<i32>} : memref<16x64xf32, #tpu.memory_space<vmem>>, vector<16xf32>,
        %iota3A_1403 = tpu.iota {dimensions = array<i32: 0>} : vector<16xi32>
        %add3A_1404 = arith.constant 48 : i32
        %add3A_1405 = vector.broadcast %add3A_1404 : i32 to vector<16xi32>
        %add3A_1406 = arith.addi %iota3A_1403, %add3A_1405 : vector<16xi32>
        %gather3A_1407 = arith.constant 5 : i32
        %gather3A_1408 = arith.constant 0 : i32
        %gather3A_1409 = arith.constant 0 : i32
        %gather3A_1410 = tpu.memref_slice %arg9[%gather3A_1407, %gather3A_1408, %gather3A_1409] : memref<8x64x128xf32, #tpu.memory_space<vmem>> -> memref<1x64x128xf32, #tpu.memory_space<vmem>>
        %gather3A_1411 = tpu.memref_squeeze %gather3A_1410 : memref<1x64x128xf32, #tpu.memory_space<vmem>> -> memref<64x128xf32, #tpu.memory_space<vmem>>
        %gather3A_1412 = tpu.vector_load_idx %gather3A_1411[%add3A_1406, %broadcast_in_dim3A_1363] : memref<64x128xf32, #tpu.memory_space<vmem>>[vector<16xi32>, vector<16xi32>], vector<16xf32>,
        %swap3A_1413 = arith.index_cast %and3A_1354 : i32 to index
        %swap3A_1414 = arith.constant 48 : index
        %swap3A_1415 = tpu.vector_load %arg10[%swap3A_1413, %swap3A_1414] {strides = array<i32>} : memref<16x64xf32, #tpu.memory_space<vmem>>, vector<16xf32>,
        tpu.vector_store %arg10[%swap3A_1413, %swap3A_1414], %gather3A_1412 {strides = array<i32>} : memref<16x64xf32, #tpu.memory_space<vmem>>, vector<16xf32>,
        %get3A_1416 = arith.index_cast %while3A_1352 : i32 to index
        %get3A_1417 = memref.load %arg13[%get3A_1416] : memref<700xi32, #tpu.memory_space<smem>>
        %mul3A_1418 = arith.constant 64 : i32
        %mul3A_1419 = arith.muli %get3A_1417, %mul3A_1418 : i32
        %dma_start3A_1420 = arith.constant 0 : i32
        %dma_start3A_1421 = tpu.memref_slice %arg10[%and3A_1354, %dma_start3A_1420] : memref<16x64xf32, #tpu.memory_space<vmem>> -> memref<1x64xf32, #tpu.memory_space<vmem>>
        %dma_start3A_1422 = tpu.memref_squeeze %dma_start3A_1421 : memref<1x64xf32, #tpu.memory_space<vmem>> -> memref<64xf32, #tpu.memory_space<vmem>>
        %dma_start3A_1423 = tpu.memref_slice %arg4[%mul3A_1419] : memref<1048576xf32, #tpu.memory_space<hbm>> -> memref<64xf32, #tpu.memory_space<hbm>>
        %dma_start3A_1424 = tpu.memref_slice %arg16[%and3A_1354] : memref<16x!tpu.dma_semaphore, #tpu.memory_space<semaphore_mem>> -> memref<1x!tpu.dma_semaphore, #tpu.memory_space<semaphore_mem>>
        %dma_start3A_1425 = tpu.memref_squeeze %dma_start3A_1424 : memref<1x!tpu.dma_semaphore, #tpu.memory_space<semaphore_mem>> -> memref<!tpu.dma_semaphore, #tpu.memory_space<semaphore_mem>>
        %dma_start3A_1426 = tpu.memref_slice %arg4[%mul3A_1419] : memref<1048576xf32, #tpu.memory_space<hbm>> -> memref<64xf32, #tpu.memory_space<hbm>>
        %dma_start3A_1427 = arith.constant 0 : i32
        %dma_start3A_1428 = tpu.memref_slice %arg10[%and3A_1354, %dma_start3A_1427] : memref<16x64xf32, #tpu.memory_space<vmem>> -> memref<1x64xf32, #tpu.memory_space<vmem>>
        %dma_start3A_1429 = tpu.memref_squeeze %dma_start3A_1428 : memref<1x64xf32, #tpu.memory_space<vmem>> -> memref<64xf32, #tpu.memory_space<vmem>>
        tpu.enqueue_dma source(%dma_start3A_1429 : memref<64xf32, #tpu.memory_space<vmem>>) target(%dma_start3A_1426 : memref<64xf32, #tpu.memory_space<hbm>>) target_semaphore(%dma_start3A_1425 : memref<!tpu.dma_semaphore, #tpu.memory_space<semaphore_mem>>)
      }
      %add3A_1169 = arith.constant 8 : i32
      %add3A_1170 = arith.addi %add3A_1091, %add3A_1169 : i32
      %lt3A_1171 = arith.constant 248 : i32
      %lt3A_1172 = arith.cmpi slt, %add3A_1170, %lt3A_1171 : i32
      %convert_element_type3A_1173 = arith.extui %lt3A_1172 : i1 to i32
      %cond3A_1174 = arith.constant 0 : i32
      %cond3A_1175 = arith.cmpi ne, %convert_element_type3A_1173, %cond3A_1174 : i32
      scf.if %cond3A_1175 {
        %add3A_1352 = arith.constant 8 : i32
        %add3A_1353 = arith.addi %add3A_1091, %add3A_1352 : i32
        %mul3A_1354 = arith.constant 32 : i32
        %mul3A_1355 = arith.muli %mul3A_1354, %add3A_1353 : i32
        %add3A_1356 = arith.addi %mul3A_1355, %add3A : i32
        %min3A_1357 = arith.constant 7812 : i32
        %min3A_1358 = arith.minsi %add3A_1356, %min3A_1357 : i32
        %shift_left3A_1359 = arith.constant 7 : i32
        %shift_left3A_1360 = arith.shli %min3A_1358, %shift_left3A_1359 : i32
        %multiple_of3A_1361 = tpu.assume_multiple %shift_left3A_1360, 128 : i32
        %dma_start3A_1362 = arith.constant 5 : i32
        %dma_start3A_1363 = arith.constant 5 : i32
        %dma_start3A_1364 = arith.constant 0 : i32
        %dma_start3A_1365 = arith.constant 0 : i32
        %dma_start3A_1366 = tpu.memref_slice %arg9[%dma_start3A_1362, %dma_start3A_1364, %dma_start3A_1365] : memref<8x64x128xf32, #tpu.memory_space<vmem>> -> memref<1x64x128xf32, #tpu.memory_space<vmem>>
        %dma_start3A_1367 = tpu.memref_squeeze %dma_start3A_1366 : memref<1x64x128xf32, #tpu.memory_space<vmem>> -> memref<64x128xf32, #tpu.memory_space<vmem>>
        %dma_start3A_1368 = arith.constant 0 : i32
        %dma_start3A_1369 = tpu.memref_slice %arg3[%dma_start3A_1368, %multiple_of3A_1361] : memref<64x1000000xf32, #tpu.memory_space<hbm>> -> memref<64x128xf32, #tpu.memory_space<hbm>>
        %dma_start3A_1370 = tpu.memref_slice %arg15[%dma_start3A_1363] : memref<8x!tpu.dma_semaphore, #tpu.memory_space<semaphore_mem>> -> memref<1x!tpu.dma_semaphore, #tpu.memory_space<semaphore_mem>>
        %dma_start3A_1371 = tpu.memref_squeeze %dma_start3A_1370 : memref<1x!tpu.dma_semaphore, #tpu.memory_space<semaphore_mem>> -> memref<!tpu.dma_semaphore, #tpu.memory_space<semaphore_mem>>
        %dma_start3A_1372 = arith.constant 0 : i32
        %dma_start3A_1373 = arith.constant 0 : i32
        %dma_start3A_1374 = tpu.memref_slice %arg9[%dma_start3A_1362, %dma_start3A_1372, %dma_start3A_1373] : memref<8x64x128xf32, #tpu.memory_space<vmem>> -> memref<1x64x128xf32, #tpu.memory_space<vmem>>
        %dma_start3A_1375 = tpu.memref_squeeze %dma_start3A_1374 : memref<1x64x128xf32, #tpu.memory_space<vmem>> -> memref<64x128xf32, #tpu.memory_space<vmem>>
        %dma_start3A_1376 = arith.constant 0 : i32
        %dma_start3A_1377 = tpu.memref_slice %arg3[%dma_start3A_1376, %multiple_of3A_1361] : memref<64x1000000xf32, #tpu.memory_space<hbm>> -> memref<64x128xf32, #tpu.memory_space<hbm>>
        tpu.enqueue_dma source(%dma_start3A_1377 : memref<64x128xf32, #tpu.memory_space<hbm>>) target(%dma_start3A_1375 : memref<64x128xf32, #tpu.memory_space<vmem>>) target_semaphore(%dma_start3A_1371 : memref<!tpu.dma_semaphore, #tpu.memory_space<semaphore_mem>>)
      } else {
      }
      %mul3A_1176 = arith.constant 8 : i32
      %mul3A_1177 = arith.muli %mul3A_1176, %scan3A_650 : i32
      %add3A_1178 = arith.constant 6 : i32
      %add3A_1179 = arith.addi %mul3A_1177, %add3A_1178 : i32
      %dma_wait3A_1180 = arith.constant 6 : i32
      %dma_wait3A_1181 = arith.constant 6 : i32
      %dma_wait3A_1182 = arith.constant 0 : i32
      %dma_wait3A_1183 = arith.constant 0 : i32
      %dma_wait3A_1184 = tpu.memref_slice %arg9[%dma_wait3A_1180, %dma_wait3A_1182, %dma_wait3A_1183] : memref<8x64x128xf32, #tpu.memory_space<vmem>> -> memref<1x64x128xf32, #tpu.memory_space<vmem>>
      %dma_wait3A_1185 = tpu.memref_squeeze %dma_wait3A_1184 : memref<1x64x128xf32, #tpu.memory_space<vmem>> -> memref<64x128xf32, #tpu.memory_space<vmem>>
      %dma_wait3A_1186 = arith.constant 0 : i32
      %dma_wait3A_1187 = arith.constant 0 : i32
      %dma_wait3A_1188 = tpu.memref_slice %arg3[%dma_wait3A_1186, %dma_wait3A_1187] : memref<64x1000000xf32, #tpu.memory_space<hbm>> -> memref<64x128xf32, #tpu.memory_space<hbm>>
      %dma_wait3A_1189 = tpu.memref_slice %arg15[%dma_wait3A_1181] : memref<8x!tpu.dma_semaphore, #tpu.memory_space<semaphore_mem>> -> memref<1x!tpu.dma_semaphore, #tpu.memory_space<semaphore_mem>>
      %dma_wait3A_1190 = tpu.memref_squeeze %dma_wait3A_1189 : memref<1x!tpu.dma_semaphore, #tpu.memory_space<semaphore_mem>> -> memref<!tpu.dma_semaphore, #tpu.memory_space<semaphore_mem>>
      %dma_wait3A_1191 = arith.constant 0 : i32
      %dma_wait3A_1192 = arith.constant 0 : i32
      %dma_wait3A_1193 = tpu.memref_slice %arg9[%dma_wait3A_1180, %dma_wait3A_1191, %dma_wait3A_1192] : memref<8x64x128xf32, #tpu.memory_space<vmem>> -> memref<1x64x128xf32, #tpu.memory_space<vmem>>
      %dma_wait3A_1194 = tpu.memref_squeeze %dma_wait3A_1193 : memref<1x64x128xf32, #tpu.memory_space<vmem>> -> memref<64x128xf32, #tpu.memory_space<vmem>>
      %dma_wait3A_1195 = arith.constant 0 : i32
      %dma_wait3A_1196 = arith.constant 0 : i32
      %dma_wait3A_1197 = tpu.memref_slice %arg3[%dma_wait3A_1195, %dma_wait3A_1196] : memref<64x1000000xf32, #tpu.memory_space<hbm>> -> memref<64x128xf32, #tpu.memory_space<hbm>>
      tpu.wait_dma2 semaphore(%dma_wait3A_1190 : memref<!tpu.dma_semaphore, #tpu.memory_space<semaphore_mem>>) src(%dma_wait3A_1197 : memref<64x128xf32, #tpu.memory_space<hbm>>) dst(%dma_wait3A_1194 : memref<64x128xf32, #tpu.memory_space<vmem>>)
      %shift_right_arithmetic3A_1198 = arith.constant 4 : i32
      %shift_right_arithmetic3A_1199 = arith.shrsi %add3A_1179, %shift_right_arithmetic3A_1198 : i32
      %shift_left3A_1200 = arith.constant 4 : i32
      %shift_left3A_1201 = arith.shli %shift_right_arithmetic3A_1199, %shift_left3A_1200 : i32
      %multiple_of3A_1202 = tpu.assume_multiple %shift_left3A_1201, 16 : i32
      %get3A_1203 = arith.index_cast %multiple_of3A_1202 : i32 to index
      %get3A_1204 = tpu.vector_load %arg11[%get3A_1203] {strides = array<i32>} : memref<272xi32, #tpu.memory_space<vmem>>, vector<16xi32>,
      %and3A_1205 = arith.constant 15 : i32
      %and3A_1206 = arith.andi %add3A_1179, %and3A_1205 : i32
      %broadcast_in_dim3A_1207 = vector.broadcast %and3A_1206 : i32 to vector<16xi32>
      %lt3A_1208 = arith.constant 0 : i32
      %lt3A_1209 = vector.broadcast %lt3A_1208 : i32 to vector<16xi32>
      %lt3A_1210 = arith.cmpi slt, %broadcast_in_dim3A_1207, %lt3A_1209 : vector<16xi32>
      %add3A_1211 = arith.constant 16 : i32
      %add3A_1212 = vector.broadcast %add3A_1211 : i32 to vector<16xi32>
      %add3A_1213 = arith.addi %broadcast_in_dim3A_1207, %add3A_1212 : vector<16xi32>
      %select_n3A_1214 = arith.select %lt3A_1210, %add3A_1213, %broadcast_in_dim3A_1207 : vector<16xi1>, vector<16xi32>
      %reshape3A_1215 = vector.shape_cast %select_n3A_1214 : vector<16xi32> to vector<16x1xi32>
      %gather3A_1216 = vector.shape_cast %reshape3A_1215 : vector<16x1xi32> to vector<16xi32>
      %gather3A_1217 = tpu.dynamic_gather %get3A_1204[%gather3A_1216] in [0] : vector<16xi32>, vector<16xi32> -> vector<16xi32>
      %slice3A_1218 = vector.extract_strided_slice %gather3A_1217 {offsets = [0], sizes = [1], strides = [1]} : vector<16xi32> to vector<1xi32>
      %squeeze3A_1219 = vector.extract %slice3A_1218[0] : i32 from vector<1xi32>
      %min3A_1220 = arith.constant 700 : i32
      %min3A_1221 = arith.minsi %squeeze3A_1219, %min3A_1220 : i32
      %add3A_1222 = arith.constant 1 : i32
      %add3A_1223 = arith.addi %add3A_1179, %add3A_1222 : i32
      %shift_right_arithmetic3A_1224 = arith.constant 4 : i32
      %shift_right_arithmetic3A_1225 = arith.shrsi %add3A_1223, %shift_right_arithmetic3A_1224 : i32
      %shift_left3A_1226 = arith.constant 4 : i32
      %shift_left3A_1227 = arith.shli %shift_right_arithmetic3A_1225, %shift_left3A_1226 : i32
      %multiple_of3A_1228 = tpu.assume_multiple %shift_left3A_1227, 16 : i32
      %get3A_1229 = arith.index_cast %multiple_of3A_1228 : i32 to index
      %get3A_1230 = tpu.vector_load %arg11[%get3A_1229] {strides = array<i32>} : memref<272xi32, #tpu.memory_space<vmem>>, vector<16xi32>,
      %and3A_1231 = arith.constant 15 : i32
      %and3A_1232 = arith.andi %add3A_1223, %and3A_1231 : i32
      %broadcast_in_dim3A_1233 = vector.broadcast %and3A_1232 : i32 to vector<16xi32>
      %lt3A_1234 = arith.constant 0 : i32
      %lt3A_1235 = vector.broadcast %lt3A_1234 : i32 to vector<16xi32>
      %lt3A_1236 = arith.cmpi slt, %broadcast_in_dim3A_1233, %lt3A_1235 : vector<16xi32>
      %add3A_1237 = arith.constant 16 : i32
      %add3A_1238 = vector.broadcast %add3A_1237 : i32 to vector<16xi32>
      %add3A_1239 = arith.addi %broadcast_in_dim3A_1233, %add3A_1238 : vector<16xi32>
      %select_n3A_1240 = arith.select %lt3A_1236, %add3A_1239, %broadcast_in_dim3A_1233 : vector<16xi1>, vector<16xi32>
      %reshape3A_1241 = vector.shape_cast %select_n3A_1240 : vector<16xi32> to vector<16x1xi32>
      %gather3A_1242 = vector.shape_cast %reshape3A_1241 : vector<16x1xi32> to vector<16xi32>
      %gather3A_1243 = tpu.dynamic_gather %get3A_1230[%gather3A_1242] in [0] : vector<16xi32>, vector<16xi32> -> vector<16xi32>
      %slice3A_1244 = vector.extract_strided_slice %gather3A_1243 {offsets = [0], sizes = [1], strides = [1]} : vector<16xi32> to vector<1xi32>
      %squeeze3A_1245 = vector.extract %slice3A_1244[0] : i32 from vector<1xi32>
      %min3A_1246 = arith.constant 700 : i32
      %min3A_1247 = arith.minsi %squeeze3A_1245, %min3A_1246 : i32
      %while3A_1248 = arith.constant 0 : i32
      %while3A_1249 = arith.subi %min3A_1247, %min3A_1221 : i32
      %while3A_1250 = arith.addi %min3A_1221, %while3A_1249 : i32
      %while3A_1251 = arith.constant 1 : i32
      %while3A_1252 = arith.divsi %while3A_1249, %while3A_1251 : i32
      %while3A_1253 = arith.muli %while3A_1252, %while3A_1251 : i32
      %while3A_1254 = arith.addi %min3A_1221, %while3A_1253 : i32
      %while3A_1255 = arith.constant 1 : i32
      scf.for %while3A_1352 = %min3A_1221 to %while3A_1254 step %while3A_1255  : i32 {
        %and3A_1353 = arith.constant 15 : i32
        %and3A_1354 = arith.andi %while3A_1352, %and3A_1353 : i32
        %ge3A = arith.constant 16 : i32
        %ge3A_1355 = arith.cmpi sge, %while3A_1352, %ge3A : i32
        %convert_element_type3A_1356 = arith.extui %ge3A_1355 : i1 to i32
        %cond3A_1357 = arith.constant 0 : i32
        %cond3A_1358 = arith.cmpi ne, %convert_element_type3A_1356, %cond3A_1357 : i32
        scf.if %cond3A_1358 {
          %dma_wait3A_1430 = arith.constant 0 : i32
          %dma_wait3A_1431 = tpu.memref_slice %arg10[%and3A_1354, %dma_wait3A_1430] : memref<16x64xf32, #tpu.memory_space<vmem>> -> memref<1x64xf32, #tpu.memory_space<vmem>>
          %dma_wait3A_1432 = tpu.memref_squeeze %dma_wait3A_1431 : memref<1x64xf32, #tpu.memory_space<vmem>> -> memref<64xf32, #tpu.memory_space<vmem>>
          %dma_wait3A_1433 = arith.constant 0 : i32
          %dma_wait3A_1434 = tpu.memref_slice %arg4[%dma_wait3A_1433] : memref<1048576xf32, #tpu.memory_space<hbm>> -> memref<64xf32, #tpu.memory_space<hbm>>
          %dma_wait3A_1435 = tpu.memref_slice %arg16[%and3A_1354] : memref<16x!tpu.dma_semaphore, #tpu.memory_space<semaphore_mem>> -> memref<1x!tpu.dma_semaphore, #tpu.memory_space<semaphore_mem>>
          %dma_wait3A_1436 = tpu.memref_squeeze %dma_wait3A_1435 : memref<1x!tpu.dma_semaphore, #tpu.memory_space<semaphore_mem>> -> memref<!tpu.dma_semaphore, #tpu.memory_space<semaphore_mem>>
          %dma_wait3A_1437 = arith.constant 0 : i32
          %dma_wait3A_1438 = tpu.memref_slice %arg4[%dma_wait3A_1437] : memref<1048576xf32, #tpu.memory_space<hbm>> -> memref<64xf32, #tpu.memory_space<hbm>>
          %dma_wait3A_1439 = arith.constant 0 : i32
          %dma_wait3A_1440 = tpu.memref_slice %arg10[%and3A_1354, %dma_wait3A_1439] : memref<16x64xf32, #tpu.memory_space<vmem>> -> memref<1x64xf32, #tpu.memory_space<vmem>>
          %dma_wait3A_1441 = tpu.memref_squeeze %dma_wait3A_1440 : memref<1x64xf32, #tpu.memory_space<vmem>> -> memref<64xf32, #tpu.memory_space<vmem>>
          tpu.wait_dma2 semaphore(%dma_wait3A_1436 : memref<!tpu.dma_semaphore, #tpu.memory_space<semaphore_mem>>) src(%dma_wait3A_1441 : memref<64xf32, #tpu.memory_space<vmem>>) dst(%dma_wait3A_1438 : memref<64xf32, #tpu.memory_space<hbm>>)
        } else {
        }
        %get3A_1359 = arith.index_cast %while3A_1352 : i32 to index
        %get3A_1360 = memref.load %arg12[%get3A_1359] : memref<700xi32, #tpu.memory_space<smem>>
        %and3A_1361 = arith.constant 127 : i32
        %and3A_1362 = arith.andi %get3A_1360, %and3A_1361 : i32
        %broadcast_in_dim3A_1363 = vector.broadcast %and3A_1362 : i32 to vector<16xi32>
        %iota3A_1364 = tpu.iota {dimensions = array<i32: 0>} : vector<16xi32>
        %add3A_1365 = arith.constant 0 : i32
        %add3A_1366 = vector.broadcast %add3A_1365 : i32 to vector<16xi32>
        %add3A_1367 = arith.addi %iota3A_1364, %add3A_1366 : vector<16xi32>
        %gather3A_1368 = arith.constant 6 : i32
        %gather3A_1369 = arith.constant 0 : i32
        %gather3A_1370 = arith.constant 0 : i32
        %gather3A_1371 = tpu.memref_slice %arg9[%gather3A_1368, %gather3A_1369, %gather3A_1370] : memref<8x64x128xf32, #tpu.memory_space<vmem>> -> memref<1x64x128xf32, #tpu.memory_space<vmem>>
        %gather3A_1372 = tpu.memref_squeeze %gather3A_1371 : memref<1x64x128xf32, #tpu.memory_space<vmem>> -> memref<64x128xf32, #tpu.memory_space<vmem>>
        %gather3A_1373 = tpu.vector_load_idx %gather3A_1372[%add3A_1367, %broadcast_in_dim3A_1363] : memref<64x128xf32, #tpu.memory_space<vmem>>[vector<16xi32>, vector<16xi32>], vector<16xf32>,
        %swap3A_1374 = arith.index_cast %and3A_1354 : i32 to index
        %swap3A_1375 = arith.constant 0 : index
        %swap3A_1376 = tpu.vector_load %arg10[%swap3A_1374, %swap3A_1375] {strides = array<i32>} : memref<16x64xf32, #tpu.memory_space<vmem>>, vector<16xf32>,
        tpu.vector_store %arg10[%swap3A_1374, %swap3A_1375], %gather3A_1373 {strides = array<i32>} : memref<16x64xf32, #tpu.memory_space<vmem>>, vector<16xf32>,
        %iota3A_1377 = tpu.iota {dimensions = array<i32: 0>} : vector<16xi32>
        %add3A_1378 = arith.constant 16 : i32
        %add3A_1379 = vector.broadcast %add3A_1378 : i32 to vector<16xi32>
        %add3A_1380 = arith.addi %iota3A_1377, %add3A_1379 : vector<16xi32>
        %gather3A_1381 = arith.constant 6 : i32
        %gather3A_1382 = arith.constant 0 : i32
        %gather3A_1383 = arith.constant 0 : i32
        %gather3A_1384 = tpu.memref_slice %arg9[%gather3A_1381, %gather3A_1382, %gather3A_1383] : memref<8x64x128xf32, #tpu.memory_space<vmem>> -> memref<1x64x128xf32, #tpu.memory_space<vmem>>
        %gather3A_1385 = tpu.memref_squeeze %gather3A_1384 : memref<1x64x128xf32, #tpu.memory_space<vmem>> -> memref<64x128xf32, #tpu.memory_space<vmem>>
        %gather3A_1386 = tpu.vector_load_idx %gather3A_1385[%add3A_1380, %broadcast_in_dim3A_1363] : memref<64x128xf32, #tpu.memory_space<vmem>>[vector<16xi32>, vector<16xi32>], vector<16xf32>,
        %swap3A_1387 = arith.index_cast %and3A_1354 : i32 to index
        %swap3A_1388 = arith.constant 16 : index
        %swap3A_1389 = tpu.vector_load %arg10[%swap3A_1387, %swap3A_1388] {strides = array<i32>} : memref<16x64xf32, #tpu.memory_space<vmem>>, vector<16xf32>,
        tpu.vector_store %arg10[%swap3A_1387, %swap3A_1388], %gather3A_1386 {strides = array<i32>} : memref<16x64xf32, #tpu.memory_space<vmem>>, vector<16xf32>,
        %iota3A_1390 = tpu.iota {dimensions = array<i32: 0>} : vector<16xi32>
        %add3A_1391 = arith.constant 32 : i32
        %add3A_1392 = vector.broadcast %add3A_1391 : i32 to vector<16xi32>
        %add3A_1393 = arith.addi %iota3A_1390, %add3A_1392 : vector<16xi32>
        %gather3A_1394 = arith.constant 6 : i32
        %gather3A_1395 = arith.constant 0 : i32
        %gather3A_1396 = arith.constant 0 : i32
        %gather3A_1397 = tpu.memref_slice %arg9[%gather3A_1394, %gather3A_1395, %gather3A_1396] : memref<8x64x128xf32, #tpu.memory_space<vmem>> -> memref<1x64x128xf32, #tpu.memory_space<vmem>>
        %gather3A_1398 = tpu.memref_squeeze %gather3A_1397 : memref<1x64x128xf32, #tpu.memory_space<vmem>> -> memref<64x128xf32, #tpu.memory_space<vmem>>
        %gather3A_1399 = tpu.vector_load_idx %gather3A_1398[%add3A_1393, %broadcast_in_dim3A_1363] : memref<64x128xf32, #tpu.memory_space<vmem>>[vector<16xi32>, vector<16xi32>], vector<16xf32>,
        %swap3A_1400 = arith.index_cast %and3A_1354 : i32 to index
        %swap3A_1401 = arith.constant 32 : index
        %swap3A_1402 = tpu.vector_load %arg10[%swap3A_1400, %swap3A_1401] {strides = array<i32>} : memref<16x64xf32, #tpu.memory_space<vmem>>, vector<16xf32>,
        tpu.vector_store %arg10[%swap3A_1400, %swap3A_1401], %gather3A_1399 {strides = array<i32>} : memref<16x64xf32, #tpu.memory_space<vmem>>, vector<16xf32>,
        %iota3A_1403 = tpu.iota {dimensions = array<i32: 0>} : vector<16xi32>
        %add3A_1404 = arith.constant 48 : i32
        %add3A_1405 = vector.broadcast %add3A_1404 : i32 to vector<16xi32>
        %add3A_1406 = arith.addi %iota3A_1403, %add3A_1405 : vector<16xi32>
        %gather3A_1407 = arith.constant 6 : i32
        %gather3A_1408 = arith.constant 0 : i32
        %gather3A_1409 = arith.constant 0 : i32
        %gather3A_1410 = tpu.memref_slice %arg9[%gather3A_1407, %gather3A_1408, %gather3A_1409] : memref<8x64x128xf32, #tpu.memory_space<vmem>> -> memref<1x64x128xf32, #tpu.memory_space<vmem>>
        %gather3A_1411 = tpu.memref_squeeze %gather3A_1410 : memref<1x64x128xf32, #tpu.memory_space<vmem>> -> memref<64x128xf32, #tpu.memory_space<vmem>>
        %gather3A_1412 = tpu.vector_load_idx %gather3A_1411[%add3A_1406, %broadcast_in_dim3A_1363] : memref<64x128xf32, #tpu.memory_space<vmem>>[vector<16xi32>, vector<16xi32>], vector<16xf32>,
        %swap3A_1413 = arith.index_cast %and3A_1354 : i32 to index
        %swap3A_1414 = arith.constant 48 : index
        %swap3A_1415 = tpu.vector_load %arg10[%swap3A_1413, %swap3A_1414] {strides = array<i32>} : memref<16x64xf32, #tpu.memory_space<vmem>>, vector<16xf32>,
        tpu.vector_store %arg10[%swap3A_1413, %swap3A_1414], %gather3A_1412 {strides = array<i32>} : memref<16x64xf32, #tpu.memory_space<vmem>>, vector<16xf32>,
        %get3A_1416 = arith.index_cast %while3A_1352 : i32 to index
        %get3A_1417 = memref.load %arg13[%get3A_1416] : memref<700xi32, #tpu.memory_space<smem>>
        %mul3A_1418 = arith.constant 64 : i32
        %mul3A_1419 = arith.muli %get3A_1417, %mul3A_1418 : i32
        %dma_start3A_1420 = arith.constant 0 : i32
        %dma_start3A_1421 = tpu.memref_slice %arg10[%and3A_1354, %dma_start3A_1420] : memref<16x64xf32, #tpu.memory_space<vmem>> -> memref<1x64xf32, #tpu.memory_space<vmem>>
        %dma_start3A_1422 = tpu.memref_squeeze %dma_start3A_1421 : memref<1x64xf32, #tpu.memory_space<vmem>> -> memref<64xf32, #tpu.memory_space<vmem>>
        %dma_start3A_1423 = tpu.memref_slice %arg4[%mul3A_1419] : memref<1048576xf32, #tpu.memory_space<hbm>> -> memref<64xf32, #tpu.memory_space<hbm>>
        %dma_start3A_1424 = tpu.memref_slice %arg16[%and3A_1354] : memref<16x!tpu.dma_semaphore, #tpu.memory_space<semaphore_mem>> -> memref<1x!tpu.dma_semaphore, #tpu.memory_space<semaphore_mem>>
        %dma_start3A_1425 = tpu.memref_squeeze %dma_start3A_1424 : memref<1x!tpu.dma_semaphore, #tpu.memory_space<semaphore_mem>> -> memref<!tpu.dma_semaphore, #tpu.memory_space<semaphore_mem>>
        %dma_start3A_1426 = tpu.memref_slice %arg4[%mul3A_1419] : memref<1048576xf32, #tpu.memory_space<hbm>> -> memref<64xf32, #tpu.memory_space<hbm>>
        %dma_start3A_1427 = arith.constant 0 : i32
        %dma_start3A_1428 = tpu.memref_slice %arg10[%and3A_1354, %dma_start3A_1427] : memref<16x64xf32, #tpu.memory_space<vmem>> -> memref<1x64xf32, #tpu.memory_space<vmem>>
        %dma_start3A_1429 = tpu.memref_squeeze %dma_start3A_1428 : memref<1x64xf32, #tpu.memory_space<vmem>> -> memref<64xf32, #tpu.memory_space<vmem>>
        tpu.enqueue_dma source(%dma_start3A_1429 : memref<64xf32, #tpu.memory_space<vmem>>) target(%dma_start3A_1426 : memref<64xf32, #tpu.memory_space<hbm>>) target_semaphore(%dma_start3A_1425 : memref<!tpu.dma_semaphore, #tpu.memory_space<semaphore_mem>>)
      }
      %while3A_1256 = arith.constant 1 : i32
      scf.for %while3A_1352 = %while3A_1254 to %while3A_1250 step %while3A_1256  : i32 {
        %and3A_1353 = arith.constant 15 : i32
        %and3A_1354 = arith.andi %while3A_1352, %and3A_1353 : i32
        %ge3A = arith.constant 16 : i32
        %ge3A_1355 = arith.cmpi sge, %while3A_1352, %ge3A : i32
        %convert_element_type3A_1356 = arith.extui %ge3A_1355 : i1 to i32
        %cond3A_1357 = arith.constant 0 : i32
        %cond3A_1358 = arith.cmpi ne, %convert_element_type3A_1356, %cond3A_1357 : i32
        scf.if %cond3A_1358 {
          %dma_wait3A_1430 = arith.constant 0 : i32
          %dma_wait3A_1431 = tpu.memref_slice %arg10[%and3A_1354, %dma_wait3A_1430] : memref<16x64xf32, #tpu.memory_space<vmem>> -> memref<1x64xf32, #tpu.memory_space<vmem>>
          %dma_wait3A_1432 = tpu.memref_squeeze %dma_wait3A_1431 : memref<1x64xf32, #tpu.memory_space<vmem>> -> memref<64xf32, #tpu.memory_space<vmem>>
          %dma_wait3A_1433 = arith.constant 0 : i32
          %dma_wait3A_1434 = tpu.memref_slice %arg4[%dma_wait3A_1433] : memref<1048576xf32, #tpu.memory_space<hbm>> -> memref<64xf32, #tpu.memory_space<hbm>>
          %dma_wait3A_1435 = tpu.memref_slice %arg16[%and3A_1354] : memref<16x!tpu.dma_semaphore, #tpu.memory_space<semaphore_mem>> -> memref<1x!tpu.dma_semaphore, #tpu.memory_space<semaphore_mem>>
          %dma_wait3A_1436 = tpu.memref_squeeze %dma_wait3A_1435 : memref<1x!tpu.dma_semaphore, #tpu.memory_space<semaphore_mem>> -> memref<!tpu.dma_semaphore, #tpu.memory_space<semaphore_mem>>
          %dma_wait3A_1437 = arith.constant 0 : i32
          %dma_wait3A_1438 = tpu.memref_slice %arg4[%dma_wait3A_1437] : memref<1048576xf32, #tpu.memory_space<hbm>> -> memref<64xf32, #tpu.memory_space<hbm>>
          %dma_wait3A_1439 = arith.constant 0 : i32
          %dma_wait3A_1440 = tpu.memref_slice %arg10[%and3A_1354, %dma_wait3A_1439] : memref<16x64xf32, #tpu.memory_space<vmem>> -> memref<1x64xf32, #tpu.memory_space<vmem>>
          %dma_wait3A_1441 = tpu.memref_squeeze %dma_wait3A_1440 : memref<1x64xf32, #tpu.memory_space<vmem>> -> memref<64xf32, #tpu.memory_space<vmem>>
          tpu.wait_dma2 semaphore(%dma_wait3A_1436 : memref<!tpu.dma_semaphore, #tpu.memory_space<semaphore_mem>>) src(%dma_wait3A_1441 : memref<64xf32, #tpu.memory_space<vmem>>) dst(%dma_wait3A_1438 : memref<64xf32, #tpu.memory_space<hbm>>)
        } else {
        }
        %get3A_1359 = arith.index_cast %while3A_1352 : i32 to index
        %get3A_1360 = memref.load %arg12[%get3A_1359] : memref<700xi32, #tpu.memory_space<smem>>
        %and3A_1361 = arith.constant 127 : i32
        %and3A_1362 = arith.andi %get3A_1360, %and3A_1361 : i32
        %broadcast_in_dim3A_1363 = vector.broadcast %and3A_1362 : i32 to vector<16xi32>
        %iota3A_1364 = tpu.iota {dimensions = array<i32: 0>} : vector<16xi32>
        %add3A_1365 = arith.constant 0 : i32
        %add3A_1366 = vector.broadcast %add3A_1365 : i32 to vector<16xi32>
        %add3A_1367 = arith.addi %iota3A_1364, %add3A_1366 : vector<16xi32>
        %gather3A_1368 = arith.constant 6 : i32
        %gather3A_1369 = arith.constant 0 : i32
        %gather3A_1370 = arith.constant 0 : i32
        %gather3A_1371 = tpu.memref_slice %arg9[%gather3A_1368, %gather3A_1369, %gather3A_1370] : memref<8x64x128xf32, #tpu.memory_space<vmem>> -> memref<1x64x128xf32, #tpu.memory_space<vmem>>
        %gather3A_1372 = tpu.memref_squeeze %gather3A_1371 : memref<1x64x128xf32, #tpu.memory_space<vmem>> -> memref<64x128xf32, #tpu.memory_space<vmem>>
        %gather3A_1373 = tpu.vector_load_idx %gather3A_1372[%add3A_1367, %broadcast_in_dim3A_1363] : memref<64x128xf32, #tpu.memory_space<vmem>>[vector<16xi32>, vector<16xi32>], vector<16xf32>,
        %swap3A_1374 = arith.index_cast %and3A_1354 : i32 to index
        %swap3A_1375 = arith.constant 0 : index
        %swap3A_1376 = tpu.vector_load %arg10[%swap3A_1374, %swap3A_1375] {strides = array<i32>} : memref<16x64xf32, #tpu.memory_space<vmem>>, vector<16xf32>,
        tpu.vector_store %arg10[%swap3A_1374, %swap3A_1375], %gather3A_1373 {strides = array<i32>} : memref<16x64xf32, #tpu.memory_space<vmem>>, vector<16xf32>,
        %iota3A_1377 = tpu.iota {dimensions = array<i32: 0>} : vector<16xi32>
        %add3A_1378 = arith.constant 16 : i32
        %add3A_1379 = vector.broadcast %add3A_1378 : i32 to vector<16xi32>
        %add3A_1380 = arith.addi %iota3A_1377, %add3A_1379 : vector<16xi32>
        %gather3A_1381 = arith.constant 6 : i32
        %gather3A_1382 = arith.constant 0 : i32
        %gather3A_1383 = arith.constant 0 : i32
        %gather3A_1384 = tpu.memref_slice %arg9[%gather3A_1381, %gather3A_1382, %gather3A_1383] : memref<8x64x128xf32, #tpu.memory_space<vmem>> -> memref<1x64x128xf32, #tpu.memory_space<vmem>>
        %gather3A_1385 = tpu.memref_squeeze %gather3A_1384 : memref<1x64x128xf32, #tpu.memory_space<vmem>> -> memref<64x128xf32, #tpu.memory_space<vmem>>
        %gather3A_1386 = tpu.vector_load_idx %gather3A_1385[%add3A_1380, %broadcast_in_dim3A_1363] : memref<64x128xf32, #tpu.memory_space<vmem>>[vector<16xi32>, vector<16xi32>], vector<16xf32>,
        %swap3A_1387 = arith.index_cast %and3A_1354 : i32 to index
        %swap3A_1388 = arith.constant 16 : index
        %swap3A_1389 = tpu.vector_load %arg10[%swap3A_1387, %swap3A_1388] {strides = array<i32>} : memref<16x64xf32, #tpu.memory_space<vmem>>, vector<16xf32>,
        tpu.vector_store %arg10[%swap3A_1387, %swap3A_1388], %gather3A_1386 {strides = array<i32>} : memref<16x64xf32, #tpu.memory_space<vmem>>, vector<16xf32>,
        %iota3A_1390 = tpu.iota {dimensions = array<i32: 0>} : vector<16xi32>
        %add3A_1391 = arith.constant 32 : i32
        %add3A_1392 = vector.broadcast %add3A_1391 : i32 to vector<16xi32>
        %add3A_1393 = arith.addi %iota3A_1390, %add3A_1392 : vector<16xi32>
        %gather3A_1394 = arith.constant 6 : i32
        %gather3A_1395 = arith.constant 0 : i32
        %gather3A_1396 = arith.constant 0 : i32
        %gather3A_1397 = tpu.memref_slice %arg9[%gather3A_1394, %gather3A_1395, %gather3A_1396] : memref<8x64x128xf32, #tpu.memory_space<vmem>> -> memref<1x64x128xf32, #tpu.memory_space<vmem>>
        %gather3A_1398 = tpu.memref_squeeze %gather3A_1397 : memref<1x64x128xf32, #tpu.memory_space<vmem>> -> memref<64x128xf32, #tpu.memory_space<vmem>>
        %gather3A_1399 = tpu.vector_load_idx %gather3A_1398[%add3A_1393, %broadcast_in_dim3A_1363] : memref<64x128xf32, #tpu.memory_space<vmem>>[vector<16xi32>, vector<16xi32>], vector<16xf32>,
        %swap3A_1400 = arith.index_cast %and3A_1354 : i32 to index
        %swap3A_1401 = arith.constant 32 : index
        %swap3A_1402 = tpu.vector_load %arg10[%swap3A_1400, %swap3A_1401] {strides = array<i32>} : memref<16x64xf32, #tpu.memory_space<vmem>>, vector<16xf32>,
        tpu.vector_store %arg10[%swap3A_1400, %swap3A_1401], %gather3A_1399 {strides = array<i32>} : memref<16x64xf32, #tpu.memory_space<vmem>>, vector<16xf32>,
        %iota3A_1403 = tpu.iota {dimensions = array<i32: 0>} : vector<16xi32>
        %add3A_1404 = arith.constant 48 : i32
        %add3A_1405 = vector.broadcast %add3A_1404 : i32 to vector<16xi32>
        %add3A_1406 = arith.addi %iota3A_1403, %add3A_1405 : vector<16xi32>
        %gather3A_1407 = arith.constant 6 : i32
        %gather3A_1408 = arith.constant 0 : i32
        %gather3A_1409 = arith.constant 0 : i32
        %gather3A_1410 = tpu.memref_slice %arg9[%gather3A_1407, %gather3A_1408, %gather3A_1409] : memref<8x64x128xf32, #tpu.memory_space<vmem>> -> memref<1x64x128xf32, #tpu.memory_space<vmem>>
        %gather3A_1411 = tpu.memref_squeeze %gather3A_1410 : memref<1x64x128xf32, #tpu.memory_space<vmem>> -> memref<64x128xf32, #tpu.memory_space<vmem>>
        %gather3A_1412 = tpu.vector_load_idx %gather3A_1411[%add3A_1406, %broadcast_in_dim3A_1363] : memref<64x128xf32, #tpu.memory_space<vmem>>[vector<16xi32>, vector<16xi32>], vector<16xf32>,
        %swap3A_1413 = arith.index_cast %and3A_1354 : i32 to index
        %swap3A_1414 = arith.constant 48 : index
        %swap3A_1415 = tpu.vector_load %arg10[%swap3A_1413, %swap3A_1414] {strides = array<i32>} : memref<16x64xf32, #tpu.memory_space<vmem>>, vector<16xf32>,
        tpu.vector_store %arg10[%swap3A_1413, %swap3A_1414], %gather3A_1412 {strides = array<i32>} : memref<16x64xf32, #tpu.memory_space<vmem>>, vector<16xf32>,
        %get3A_1416 = arith.index_cast %while3A_1352 : i32 to index
        %get3A_1417 = memref.load %arg13[%get3A_1416] : memref<700xi32, #tpu.memory_space<smem>>
        %mul3A_1418 = arith.constant 64 : i32
        %mul3A_1419 = arith.muli %get3A_1417, %mul3A_1418 : i32
        %dma_start3A_1420 = arith.constant 0 : i32
        %dma_start3A_1421 = tpu.memref_slice %arg10[%and3A_1354, %dma_start3A_1420] : memref<16x64xf32, #tpu.memory_space<vmem>> -> memref<1x64xf32, #tpu.memory_space<vmem>>
        %dma_start3A_1422 = tpu.memref_squeeze %dma_start3A_1421 : memref<1x64xf32, #tpu.memory_space<vmem>> -> memref<64xf32, #tpu.memory_space<vmem>>
        %dma_start3A_1423 = tpu.memref_slice %arg4[%mul3A_1419] : memref<1048576xf32, #tpu.memory_space<hbm>> -> memref<64xf32, #tpu.memory_space<hbm>>
        %dma_start3A_1424 = tpu.memref_slice %arg16[%and3A_1354] : memref<16x!tpu.dma_semaphore, #tpu.memory_space<semaphore_mem>> -> memref<1x!tpu.dma_semaphore, #tpu.memory_space<semaphore_mem>>
        %dma_start3A_1425 = tpu.memref_squeeze %dma_start3A_1424 : memref<1x!tpu.dma_semaphore, #tpu.memory_space<semaphore_mem>> -> memref<!tpu.dma_semaphore, #tpu.memory_space<semaphore_mem>>
        %dma_start3A_1426 = tpu.memref_slice %arg4[%mul3A_1419] : memref<1048576xf32, #tpu.memory_space<hbm>> -> memref<64xf32, #tpu.memory_space<hbm>>
        %dma_start3A_1427 = arith.constant 0 : i32
        %dma_start3A_1428 = tpu.memref_slice %arg10[%and3A_1354, %dma_start3A_1427] : memref<16x64xf32, #tpu.memory_space<vmem>> -> memref<1x64xf32, #tpu.memory_space<vmem>>
        %dma_start3A_1429 = tpu.memref_squeeze %dma_start3A_1428 : memref<1x64xf32, #tpu.memory_space<vmem>> -> memref<64xf32, #tpu.memory_space<vmem>>
        tpu.enqueue_dma source(%dma_start3A_1429 : memref<64xf32, #tpu.memory_space<vmem>>) target(%dma_start3A_1426 : memref<64xf32, #tpu.memory_space<hbm>>) target_semaphore(%dma_start3A_1425 : memref<!tpu.dma_semaphore, #tpu.memory_space<semaphore_mem>>)
      }
      %add3A_1257 = arith.constant 8 : i32
      %add3A_1258 = arith.addi %add3A_1179, %add3A_1257 : i32
      %lt3A_1259 = arith.constant 248 : i32
      %lt3A_1260 = arith.cmpi slt, %add3A_1258, %lt3A_1259 : i32
      %convert_element_type3A_1261 = arith.extui %lt3A_1260 : i1 to i32
      %cond3A_1262 = arith.constant 0 : i32
      %cond3A_1263 = arith.cmpi ne, %convert_element_type3A_1261, %cond3A_1262 : i32
      scf.if %cond3A_1263 {
        %add3A_1352 = arith.constant 8 : i32
        %add3A_1353 = arith.addi %add3A_1179, %add3A_1352 : i32
        %mul3A_1354 = arith.constant 32 : i32
        %mul3A_1355 = arith.muli %mul3A_1354, %add3A_1353 : i32
        %add3A_1356 = arith.addi %mul3A_1355, %add3A : i32
        %min3A_1357 = arith.constant 7812 : i32
        %min3A_1358 = arith.minsi %add3A_1356, %min3A_1357 : i32
        %shift_left3A_1359 = arith.constant 7 : i32
        %shift_left3A_1360 = arith.shli %min3A_1358, %shift_left3A_1359 : i32
        %multiple_of3A_1361 = tpu.assume_multiple %shift_left3A_1360, 128 : i32
        %dma_start3A_1362 = arith.constant 6 : i32
        %dma_start3A_1363 = arith.constant 6 : i32
        %dma_start3A_1364 = arith.constant 0 : i32
        %dma_start3A_1365 = arith.constant 0 : i32
        %dma_start3A_1366 = tpu.memref_slice %arg9[%dma_start3A_1362, %dma_start3A_1364, %dma_start3A_1365] : memref<8x64x128xf32, #tpu.memory_space<vmem>> -> memref<1x64x128xf32, #tpu.memory_space<vmem>>
        %dma_start3A_1367 = tpu.memref_squeeze %dma_start3A_1366 : memref<1x64x128xf32, #tpu.memory_space<vmem>> -> memref<64x128xf32, #tpu.memory_space<vmem>>
        %dma_start3A_1368 = arith.constant 0 : i32
        %dma_start3A_1369 = tpu.memref_slice %arg3[%dma_start3A_1368, %multiple_of3A_1361] : memref<64x1000000xf32, #tpu.memory_space<hbm>> -> memref<64x128xf32, #tpu.memory_space<hbm>>
        %dma_start3A_1370 = tpu.memref_slice %arg15[%dma_start3A_1363] : memref<8x!tpu.dma_semaphore, #tpu.memory_space<semaphore_mem>> -> memref<1x!tpu.dma_semaphore, #tpu.memory_space<semaphore_mem>>
        %dma_start3A_1371 = tpu.memref_squeeze %dma_start3A_1370 : memref<1x!tpu.dma_semaphore, #tpu.memory_space<semaphore_mem>> -> memref<!tpu.dma_semaphore, #tpu.memory_space<semaphore_mem>>
        %dma_start3A_1372 = arith.constant 0 : i32
        %dma_start3A_1373 = arith.constant 0 : i32
        %dma_start3A_1374 = tpu.memref_slice %arg9[%dma_start3A_1362, %dma_start3A_1372, %dma_start3A_1373] : memref<8x64x128xf32, #tpu.memory_space<vmem>> -> memref<1x64x128xf32, #tpu.memory_space<vmem>>
        %dma_start3A_1375 = tpu.memref_squeeze %dma_start3A_1374 : memref<1x64x128xf32, #tpu.memory_space<vmem>> -> memref<64x128xf32, #tpu.memory_space<vmem>>
        %dma_start3A_1376 = arith.constant 0 : i32
        %dma_start3A_1377 = tpu.memref_slice %arg3[%dma_start3A_1376, %multiple_of3A_1361] : memref<64x1000000xf32, #tpu.memory_space<hbm>> -> memref<64x128xf32, #tpu.memory_space<hbm>>
        tpu.enqueue_dma source(%dma_start3A_1377 : memref<64x128xf32, #tpu.memory_space<hbm>>) target(%dma_start3A_1375 : memref<64x128xf32, #tpu.memory_space<vmem>>) target_semaphore(%dma_start3A_1371 : memref<!tpu.dma_semaphore, #tpu.memory_space<semaphore_mem>>)
      } else {
      }
      %mul3A_1264 = arith.constant 8 : i32
      %mul3A_1265 = arith.muli %mul3A_1264, %scan3A_650 : i32
      %add3A_1266 = arith.constant 7 : i32
      %add3A_1267 = arith.addi %mul3A_1265, %add3A_1266 : i32
      %dma_wait3A_1268 = arith.constant 7 : i32
      %dma_wait3A_1269 = arith.constant 7 : i32
      %dma_wait3A_1270 = arith.constant 0 : i32
      %dma_wait3A_1271 = arith.constant 0 : i32
      %dma_wait3A_1272 = tpu.memref_slice %arg9[%dma_wait3A_1268, %dma_wait3A_1270, %dma_wait3A_1271] : memref<8x64x128xf32, #tpu.memory_space<vmem>> -> memref<1x64x128xf32, #tpu.memory_space<vmem>>
      %dma_wait3A_1273 = tpu.memref_squeeze %dma_wait3A_1272 : memref<1x64x128xf32, #tpu.memory_space<vmem>> -> memref<64x128xf32, #tpu.memory_space<vmem>>
      %dma_wait3A_1274 = arith.constant 0 : i32
      %dma_wait3A_1275 = arith.constant 0 : i32
      %dma_wait3A_1276 = tpu.memref_slice %arg3[%dma_wait3A_1274, %dma_wait3A_1275] : memref<64x1000000xf32, #tpu.memory_space<hbm>> -> memref<64x128xf32, #tpu.memory_space<hbm>>
      %dma_wait3A_1277 = tpu.memref_slice %arg15[%dma_wait3A_1269] : memref<8x!tpu.dma_semaphore, #tpu.memory_space<semaphore_mem>> -> memref<1x!tpu.dma_semaphore, #tpu.memory_space<semaphore_mem>>
      %dma_wait3A_1278 = tpu.memref_squeeze %dma_wait3A_1277 : memref<1x!tpu.dma_semaphore, #tpu.memory_space<semaphore_mem>> -> memref<!tpu.dma_semaphore, #tpu.memory_space<semaphore_mem>>
      %dma_wait3A_1279 = arith.constant 0 : i32
      %dma_wait3A_1280 = arith.constant 0 : i32
      %dma_wait3A_1281 = tpu.memref_slice %arg9[%dma_wait3A_1268, %dma_wait3A_1279, %dma_wait3A_1280] : memref<8x64x128xf32, #tpu.memory_space<vmem>> -> memref<1x64x128xf32, #tpu.memory_space<vmem>>
      %dma_wait3A_1282 = tpu.memref_squeeze %dma_wait3A_1281 : memref<1x64x128xf32, #tpu.memory_space<vmem>> -> memref<64x128xf32, #tpu.memory_space<vmem>>
      %dma_wait3A_1283 = arith.constant 0 : i32
      %dma_wait3A_1284 = arith.constant 0 : i32
      %dma_wait3A_1285 = tpu.memref_slice %arg3[%dma_wait3A_1283, %dma_wait3A_1284] : memref<64x1000000xf32, #tpu.memory_space<hbm>> -> memref<64x128xf32, #tpu.memory_space<hbm>>
      tpu.wait_dma2 semaphore(%dma_wait3A_1278 : memref<!tpu.dma_semaphore, #tpu.memory_space<semaphore_mem>>) src(%dma_wait3A_1285 : memref<64x128xf32, #tpu.memory_space<hbm>>) dst(%dma_wait3A_1282 : memref<64x128xf32, #tpu.memory_space<vmem>>)
      %shift_right_arithmetic3A_1286 = arith.constant 4 : i32
      %shift_right_arithmetic3A_1287 = arith.shrsi %add3A_1267, %shift_right_arithmetic3A_1286 : i32
      %shift_left3A_1288 = arith.constant 4 : i32
      %shift_left3A_1289 = arith.shli %shift_right_arithmetic3A_1287, %shift_left3A_1288 : i32
      %multiple_of3A_1290 = tpu.assume_multiple %shift_left3A_1289, 16 : i32
      %get3A_1291 = arith.index_cast %multiple_of3A_1290 : i32 to index
      %get3A_1292 = tpu.vector_load %arg11[%get3A_1291] {strides = array<i32>} : memref<272xi32, #tpu.memory_space<vmem>>, vector<16xi32>,
      %and3A_1293 = arith.constant 15 : i32
      %and3A_1294 = arith.andi %add3A_1267, %and3A_1293 : i32
      %broadcast_in_dim3A_1295 = vector.broadcast %and3A_1294 : i32 to vector<16xi32>
      %lt3A_1296 = arith.constant 0 : i32
      %lt3A_1297 = vector.broadcast %lt3A_1296 : i32 to vector<16xi32>
      %lt3A_1298 = arith.cmpi slt, %broadcast_in_dim3A_1295, %lt3A_1297 : vector<16xi32>
      %add3A_1299 = arith.constant 16 : i32
      %add3A_1300 = vector.broadcast %add3A_1299 : i32 to vector<16xi32>
      %add3A_1301 = arith.addi %broadcast_in_dim3A_1295, %add3A_1300 : vector<16xi32>
      %select_n3A_1302 = arith.select %lt3A_1298, %add3A_1301, %broadcast_in_dim3A_1295 : vector<16xi1>, vector<16xi32>
      %reshape3A_1303 = vector.shape_cast %select_n3A_1302 : vector<16xi32> to vector<16x1xi32>
      %gather3A_1304 = vector.shape_cast %reshape3A_1303 : vector<16x1xi32> to vector<16xi32>
      %gather3A_1305 = tpu.dynamic_gather %get3A_1292[%gather3A_1304] in [0] : vector<16xi32>, vector<16xi32> -> vector<16xi32>
      %slice3A_1306 = vector.extract_strided_slice %gather3A_1305 {offsets = [0], sizes = [1], strides = [1]} : vector<16xi32> to vector<1xi32>
      %squeeze3A_1307 = vector.extract %slice3A_1306[0] : i32 from vector<1xi32>
      %min3A_1308 = arith.constant 700 : i32
      %min3A_1309 = arith.minsi %squeeze3A_1307, %min3A_1308 : i32
      %add3A_1310 = arith.constant 1 : i32
      %add3A_1311 = arith.addi %add3A_1267, %add3A_1310 : i32
      %shift_right_arithmetic3A_1312 = arith.constant 4 : i32
      %shift_right_arithmetic3A_1313 = arith.shrsi %add3A_1311, %shift_right_arithmetic3A_1312 : i32
      %shift_left3A_1314 = arith.constant 4 : i32
      %shift_left3A_1315 = arith.shli %shift_right_arithmetic3A_1313, %shift_left3A_1314 : i32
      %multiple_of3A_1316 = tpu.assume_multiple %shift_left3A_1315, 16 : i32
      %get3A_1317 = arith.index_cast %multiple_of3A_1316 : i32 to index
      %get3A_1318 = tpu.vector_load %arg11[%get3A_1317] {strides = array<i32>} : memref<272xi32, #tpu.memory_space<vmem>>, vector<16xi32>,
      %and3A_1319 = arith.constant 15 : i32
      %and3A_1320 = arith.andi %add3A_1311, %and3A_1319 : i32
      %broadcast_in_dim3A_1321 = vector.broadcast %and3A_1320 : i32 to vector<16xi32>
      %lt3A_1322 = arith.constant 0 : i32
      %lt3A_1323 = vector.broadcast %lt3A_1322 : i32 to vector<16xi32>
      %lt3A_1324 = arith.cmpi slt, %broadcast_in_dim3A_1321, %lt3A_1323 : vector<16xi32>
      %add3A_1325 = arith.constant 16 : i32
      %add3A_1326 = vector.broadcast %add3A_1325 : i32 to vector<16xi32>
      %add3A_1327 = arith.addi %broadcast_in_dim3A_1321, %add3A_1326 : vector<16xi32>
      %select_n3A_1328 = arith.select %lt3A_1324, %add3A_1327, %broadcast_in_dim3A_1321 : vector<16xi1>, vector<16xi32>
      %reshape3A_1329 = vector.shape_cast %select_n3A_1328 : vector<16xi32> to vector<16x1xi32>
      %gather3A_1330 = vector.shape_cast %reshape3A_1329 : vector<16x1xi32> to vector<16xi32>
      %gather3A_1331 = tpu.dynamic_gather %get3A_1318[%gather3A_1330] in [0] : vector<16xi32>, vector<16xi32> -> vector<16xi32>
      %slice3A_1332 = vector.extract_strided_slice %gather3A_1331 {offsets = [0], sizes = [1], strides = [1]} : vector<16xi32> to vector<1xi32>
      %squeeze3A_1333 = vector.extract %slice3A_1332[0] : i32 from vector<1xi32>
      %min3A_1334 = arith.constant 700 : i32
      %min3A_1335 = arith.minsi %squeeze3A_1333, %min3A_1334 : i32
      %while3A_1336 = arith.constant 0 : i32
      %while3A_1337 = arith.subi %min3A_1335, %min3A_1309 : i32
      %while3A_1338 = arith.addi %min3A_1309, %while3A_1337 : i32
      %while3A_1339 = arith.constant 1 : i32
      %while3A_1340 = arith.divsi %while3A_1337, %while3A_1339 : i32
      %while3A_1341 = arith.muli %while3A_1340, %while3A_1339 : i32
      %while3A_1342 = arith.addi %min3A_1309, %while3A_1341 : i32
      %while3A_1343 = arith.constant 1 : i32
      scf.for %while3A_1352 = %min3A_1309 to %while3A_1342 step %while3A_1343  : i32 {
        %and3A_1353 = arith.constant 15 : i32
        %and3A_1354 = arith.andi %while3A_1352, %and3A_1353 : i32
        %ge3A = arith.constant 16 : i32
        %ge3A_1355 = arith.cmpi sge, %while3A_1352, %ge3A : i32
        %convert_element_type3A_1356 = arith.extui %ge3A_1355 : i1 to i32
        %cond3A_1357 = arith.constant 0 : i32
        %cond3A_1358 = arith.cmpi ne, %convert_element_type3A_1356, %cond3A_1357 : i32
        scf.if %cond3A_1358 {
          %dma_wait3A_1430 = arith.constant 0 : i32
          %dma_wait3A_1431 = tpu.memref_slice %arg10[%and3A_1354, %dma_wait3A_1430] : memref<16x64xf32, #tpu.memory_space<vmem>> -> memref<1x64xf32, #tpu.memory_space<vmem>>
          %dma_wait3A_1432 = tpu.memref_squeeze %dma_wait3A_1431 : memref<1x64xf32, #tpu.memory_space<vmem>> -> memref<64xf32, #tpu.memory_space<vmem>>
          %dma_wait3A_1433 = arith.constant 0 : i32
          %dma_wait3A_1434 = tpu.memref_slice %arg4[%dma_wait3A_1433] : memref<1048576xf32, #tpu.memory_space<hbm>> -> memref<64xf32, #tpu.memory_space<hbm>>
          %dma_wait3A_1435 = tpu.memref_slice %arg16[%and3A_1354] : memref<16x!tpu.dma_semaphore, #tpu.memory_space<semaphore_mem>> -> memref<1x!tpu.dma_semaphore, #tpu.memory_space<semaphore_mem>>
          %dma_wait3A_1436 = tpu.memref_squeeze %dma_wait3A_1435 : memref<1x!tpu.dma_semaphore, #tpu.memory_space<semaphore_mem>> -> memref<!tpu.dma_semaphore, #tpu.memory_space<semaphore_mem>>
          %dma_wait3A_1437 = arith.constant 0 : i32
          %dma_wait3A_1438 = tpu.memref_slice %arg4[%dma_wait3A_1437] : memref<1048576xf32, #tpu.memory_space<hbm>> -> memref<64xf32, #tpu.memory_space<hbm>>
          %dma_wait3A_1439 = arith.constant 0 : i32
          %dma_wait3A_1440 = tpu.memref_slice %arg10[%and3A_1354, %dma_wait3A_1439] : memref<16x64xf32, #tpu.memory_space<vmem>> -> memref<1x64xf32, #tpu.memory_space<vmem>>
          %dma_wait3A_1441 = tpu.memref_squeeze %dma_wait3A_1440 : memref<1x64xf32, #tpu.memory_space<vmem>> -> memref<64xf32, #tpu.memory_space<vmem>>
          tpu.wait_dma2 semaphore(%dma_wait3A_1436 : memref<!tpu.dma_semaphore, #tpu.memory_space<semaphore_mem>>) src(%dma_wait3A_1441 : memref<64xf32, #tpu.memory_space<vmem>>) dst(%dma_wait3A_1438 : memref<64xf32, #tpu.memory_space<hbm>>)
        } else {
        }
        %get3A_1359 = arith.index_cast %while3A_1352 : i32 to index
        %get3A_1360 = memref.load %arg12[%get3A_1359] : memref<700xi32, #tpu.memory_space<smem>>
        %and3A_1361 = arith.constant 127 : i32
        %and3A_1362 = arith.andi %get3A_1360, %and3A_1361 : i32
        %broadcast_in_dim3A_1363 = vector.broadcast %and3A_1362 : i32 to vector<16xi32>
        %iota3A_1364 = tpu.iota {dimensions = array<i32: 0>} : vector<16xi32>
        %add3A_1365 = arith.constant 0 : i32
        %add3A_1366 = vector.broadcast %add3A_1365 : i32 to vector<16xi32>
        %add3A_1367 = arith.addi %iota3A_1364, %add3A_1366 : vector<16xi32>
        %gather3A_1368 = arith.constant 7 : i32
        %gather3A_1369 = arith.constant 0 : i32
        %gather3A_1370 = arith.constant 0 : i32
        %gather3A_1371 = tpu.memref_slice %arg9[%gather3A_1368, %gather3A_1369, %gather3A_1370] : memref<8x64x128xf32, #tpu.memory_space<vmem>> -> memref<1x64x128xf32, #tpu.memory_space<vmem>>
        %gather3A_1372 = tpu.memref_squeeze %gather3A_1371 : memref<1x64x128xf32, #tpu.memory_space<vmem>> -> memref<64x128xf32, #tpu.memory_space<vmem>>
        %gather3A_1373 = tpu.vector_load_idx %gather3A_1372[%add3A_1367, %broadcast_in_dim3A_1363] : memref<64x128xf32, #tpu.memory_space<vmem>>[vector<16xi32>, vector<16xi32>], vector<16xf32>,
        %swap3A_1374 = arith.index_cast %and3A_1354 : i32 to index
        %swap3A_1375 = arith.constant 0 : index
        %swap3A_1376 = tpu.vector_load %arg10[%swap3A_1374, %swap3A_1375] {strides = array<i32>} : memref<16x64xf32, #tpu.memory_space<vmem>>, vector<16xf32>,
        tpu.vector_store %arg10[%swap3A_1374, %swap3A_1375], %gather3A_1373 {strides = array<i32>} : memref<16x64xf32, #tpu.memory_space<vmem>>, vector<16xf32>,
        %iota3A_1377 = tpu.iota {dimensions = array<i32: 0>} : vector<16xi32>
        %add3A_1378 = arith.constant 16 : i32
        %add3A_1379 = vector.broadcast %add3A_1378 : i32 to vector<16xi32>
        %add3A_1380 = arith.addi %iota3A_1377, %add3A_1379 : vector<16xi32>
        %gather3A_1381 = arith.constant 7 : i32
        %gather3A_1382 = arith.constant 0 : i32
        %gather3A_1383 = arith.constant 0 : i32
        %gather3A_1384 = tpu.memref_slice %arg9[%gather3A_1381, %gather3A_1382, %gather3A_1383] : memref<8x64x128xf32, #tpu.memory_space<vmem>> -> memref<1x64x128xf32, #tpu.memory_space<vmem>>
        %gather3A_1385 = tpu.memref_squeeze %gather3A_1384 : memref<1x64x128xf32, #tpu.memory_space<vmem>> -> memref<64x128xf32, #tpu.memory_space<vmem>>
        %gather3A_1386 = tpu.vector_load_idx %gather3A_1385[%add3A_1380, %broadcast_in_dim3A_1363] : memref<64x128xf32, #tpu.memory_space<vmem>>[vector<16xi32>, vector<16xi32>], vector<16xf32>,
        %swap3A_1387 = arith.index_cast %and3A_1354 : i32 to index
        %swap3A_1388 = arith.constant 16 : index
        %swap3A_1389 = tpu.vector_load %arg10[%swap3A_1387, %swap3A_1388] {strides = array<i32>} : memref<16x64xf32, #tpu.memory_space<vmem>>, vector<16xf32>,
        tpu.vector_store %arg10[%swap3A_1387, %swap3A_1388], %gather3A_1386 {strides = array<i32>} : memref<16x64xf32, #tpu.memory_space<vmem>>, vector<16xf32>,
        %iota3A_1390 = tpu.iota {dimensions = array<i32: 0>} : vector<16xi32>
        %add3A_1391 = arith.constant 32 : i32
        %add3A_1392 = vector.broadcast %add3A_1391 : i32 to vector<16xi32>
        %add3A_1393 = arith.addi %iota3A_1390, %add3A_1392 : vector<16xi32>
        %gather3A_1394 = arith.constant 7 : i32
        %gather3A_1395 = arith.constant 0 : i32
        %gather3A_1396 = arith.constant 0 : i32
        %gather3A_1397 = tpu.memref_slice %arg9[%gather3A_1394, %gather3A_1395, %gather3A_1396] : memref<8x64x128xf32, #tpu.memory_space<vmem>> -> memref<1x64x128xf32, #tpu.memory_space<vmem>>
        %gather3A_1398 = tpu.memref_squeeze %gather3A_1397 : memref<1x64x128xf32, #tpu.memory_space<vmem>> -> memref<64x128xf32, #tpu.memory_space<vmem>>
        %gather3A_1399 = tpu.vector_load_idx %gather3A_1398[%add3A_1393, %broadcast_in_dim3A_1363] : memref<64x128xf32, #tpu.memory_space<vmem>>[vector<16xi32>, vector<16xi32>], vector<16xf32>,
        %swap3A_1400 = arith.index_cast %and3A_1354 : i32 to index
        %swap3A_1401 = arith.constant 32 : index
        %swap3A_1402 = tpu.vector_load %arg10[%swap3A_1400, %swap3A_1401] {strides = array<i32>} : memref<16x64xf32, #tpu.memory_space<vmem>>, vector<16xf32>,
        tpu.vector_store %arg10[%swap3A_1400, %swap3A_1401], %gather3A_1399 {strides = array<i32>} : memref<16x64xf32, #tpu.memory_space<vmem>>, vector<16xf32>,
        %iota3A_1403 = tpu.iota {dimensions = array<i32: 0>} : vector<16xi32>
        %add3A_1404 = arith.constant 48 : i32
        %add3A_1405 = vector.broadcast %add3A_1404 : i32 to vector<16xi32>
        %add3A_1406 = arith.addi %iota3A_1403, %add3A_1405 : vector<16xi32>
        %gather3A_1407 = arith.constant 7 : i32
        %gather3A_1408 = arith.constant 0 : i32
        %gather3A_1409 = arith.constant 0 : i32
        %gather3A_1410 = tpu.memref_slice %arg9[%gather3A_1407, %gather3A_1408, %gather3A_1409] : memref<8x64x128xf32, #tpu.memory_space<vmem>> -> memref<1x64x128xf32, #tpu.memory_space<vmem>>
        %gather3A_1411 = tpu.memref_squeeze %gather3A_1410 : memref<1x64x128xf32, #tpu.memory_space<vmem>> -> memref<64x128xf32, #tpu.memory_space<vmem>>
        %gather3A_1412 = tpu.vector_load_idx %gather3A_1411[%add3A_1406, %broadcast_in_dim3A_1363] : memref<64x128xf32, #tpu.memory_space<vmem>>[vector<16xi32>, vector<16xi32>], vector<16xf32>,
        %swap3A_1413 = arith.index_cast %and3A_1354 : i32 to index
        %swap3A_1414 = arith.constant 48 : index
        %swap3A_1415 = tpu.vector_load %arg10[%swap3A_1413, %swap3A_1414] {strides = array<i32>} : memref<16x64xf32, #tpu.memory_space<vmem>>, vector<16xf32>,
        tpu.vector_store %arg10[%swap3A_1413, %swap3A_1414], %gather3A_1412 {strides = array<i32>} : memref<16x64xf32, #tpu.memory_space<vmem>>, vector<16xf32>,
        %get3A_1416 = arith.index_cast %while3A_1352 : i32 to index
        %get3A_1417 = memref.load %arg13[%get3A_1416] : memref<700xi32, #tpu.memory_space<smem>>
        %mul3A_1418 = arith.constant 64 : i32
        %mul3A_1419 = arith.muli %get3A_1417, %mul3A_1418 : i32
        %dma_start3A_1420 = arith.constant 0 : i32
        %dma_start3A_1421 = tpu.memref_slice %arg10[%and3A_1354, %dma_start3A_1420] : memref<16x64xf32, #tpu.memory_space<vmem>> -> memref<1x64xf32, #tpu.memory_space<vmem>>
        %dma_start3A_1422 = tpu.memref_squeeze %dma_start3A_1421 : memref<1x64xf32, #tpu.memory_space<vmem>> -> memref<64xf32, #tpu.memory_space<vmem>>
        %dma_start3A_1423 = tpu.memref_slice %arg4[%mul3A_1419] : memref<1048576xf32, #tpu.memory_space<hbm>> -> memref<64xf32, #tpu.memory_space<hbm>>
        %dma_start3A_1424 = tpu.memref_slice %arg16[%and3A_1354] : memref<16x!tpu.dma_semaphore, #tpu.memory_space<semaphore_mem>> -> memref<1x!tpu.dma_semaphore, #tpu.memory_space<semaphore_mem>>
        %dma_start3A_1425 = tpu.memref_squeeze %dma_start3A_1424 : memref<1x!tpu.dma_semaphore, #tpu.memory_space<semaphore_mem>> -> memref<!tpu.dma_semaphore, #tpu.memory_space<semaphore_mem>>
        %dma_start3A_1426 = tpu.memref_slice %arg4[%mul3A_1419] : memref<1048576xf32, #tpu.memory_space<hbm>> -> memref<64xf32, #tpu.memory_space<hbm>>
        %dma_start3A_1427 = arith.constant 0 : i32
        %dma_start3A_1428 = tpu.memref_slice %arg10[%and3A_1354, %dma_start3A_1427] : memref<16x64xf32, #tpu.memory_space<vmem>> -> memref<1x64xf32, #tpu.memory_space<vmem>>
        %dma_start3A_1429 = tpu.memref_squeeze %dma_start3A_1428 : memref<1x64xf32, #tpu.memory_space<vmem>> -> memref<64xf32, #tpu.memory_space<vmem>>
        tpu.enqueue_dma source(%dma_start3A_1429 : memref<64xf32, #tpu.memory_space<vmem>>) target(%dma_start3A_1426 : memref<64xf32, #tpu.memory_space<hbm>>) target_semaphore(%dma_start3A_1425 : memref<!tpu.dma_semaphore, #tpu.memory_space<semaphore_mem>>)
      }
      %while3A_1344 = arith.constant 1 : i32
      scf.for %while3A_1352 = %while3A_1342 to %while3A_1338 step %while3A_1344  : i32 {
        %and3A_1353 = arith.constant 15 : i32
        %and3A_1354 = arith.andi %while3A_1352, %and3A_1353 : i32
        %ge3A = arith.constant 16 : i32
        %ge3A_1355 = arith.cmpi sge, %while3A_1352, %ge3A : i32
        %convert_element_type3A_1356 = arith.extui %ge3A_1355 : i1 to i32
        %cond3A_1357 = arith.constant 0 : i32
        %cond3A_1358 = arith.cmpi ne, %convert_element_type3A_1356, %cond3A_1357 : i32
        scf.if %cond3A_1358 {
          %dma_wait3A_1430 = arith.constant 0 : i32
          %dma_wait3A_1431 = tpu.memref_slice %arg10[%and3A_1354, %dma_wait3A_1430] : memref<16x64xf32, #tpu.memory_space<vmem>> -> memref<1x64xf32, #tpu.memory_space<vmem>>
          %dma_wait3A_1432 = tpu.memref_squeeze %dma_wait3A_1431 : memref<1x64xf32, #tpu.memory_space<vmem>> -> memref<64xf32, #tpu.memory_space<vmem>>
          %dma_wait3A_1433 = arith.constant 0 : i32
          %dma_wait3A_1434 = tpu.memref_slice %arg4[%dma_wait3A_1433] : memref<1048576xf32, #tpu.memory_space<hbm>> -> memref<64xf32, #tpu.memory_space<hbm>>
          %dma_wait3A_1435 = tpu.memref_slice %arg16[%and3A_1354] : memref<16x!tpu.dma_semaphore, #tpu.memory_space<semaphore_mem>> -> memref<1x!tpu.dma_semaphore, #tpu.memory_space<semaphore_mem>>
          %dma_wait3A_1436 = tpu.memref_squeeze %dma_wait3A_1435 : memref<1x!tpu.dma_semaphore, #tpu.memory_space<semaphore_mem>> -> memref<!tpu.dma_semaphore, #tpu.memory_space<semaphore_mem>>
          %dma_wait3A_1437 = arith.constant 0 : i32
          %dma_wait3A_1438 = tpu.memref_slice %arg4[%dma_wait3A_1437] : memref<1048576xf32, #tpu.memory_space<hbm>> -> memref<64xf32, #tpu.memory_space<hbm>>
          %dma_wait3A_1439 = arith.constant 0 : i32
          %dma_wait3A_1440 = tpu.memref_slice %arg10[%and3A_1354, %dma_wait3A_1439] : memref<16x64xf32, #tpu.memory_space<vmem>> -> memref<1x64xf32, #tpu.memory_space<vmem>>
          %dma_wait3A_1441 = tpu.memref_squeeze %dma_wait3A_1440 : memref<1x64xf32, #tpu.memory_space<vmem>> -> memref<64xf32, #tpu.memory_space<vmem>>
          tpu.wait_dma2 semaphore(%dma_wait3A_1436 : memref<!tpu.dma_semaphore, #tpu.memory_space<semaphore_mem>>) src(%dma_wait3A_1441 : memref<64xf32, #tpu.memory_space<vmem>>) dst(%dma_wait3A_1438 : memref<64xf32, #tpu.memory_space<hbm>>)
        } else {
        }
        %get3A_1359 = arith.index_cast %while3A_1352 : i32 to index
        %get3A_1360 = memref.load %arg12[%get3A_1359] : memref<700xi32, #tpu.memory_space<smem>>
        %and3A_1361 = arith.constant 127 : i32
        %and3A_1362 = arith.andi %get3A_1360, %and3A_1361 : i32
        %broadcast_in_dim3A_1363 = vector.broadcast %and3A_1362 : i32 to vector<16xi32>
        %iota3A_1364 = tpu.iota {dimensions = array<i32: 0>} : vector<16xi32>
        %add3A_1365 = arith.constant 0 : i32
        %add3A_1366 = vector.broadcast %add3A_1365 : i32 to vector<16xi32>
        %add3A_1367 = arith.addi %iota3A_1364, %add3A_1366 : vector<16xi32>
        %gather3A_1368 = arith.constant 7 : i32
        %gather3A_1369 = arith.constant 0 : i32
        %gather3A_1370 = arith.constant 0 : i32
        %gather3A_1371 = tpu.memref_slice %arg9[%gather3A_1368, %gather3A_1369, %gather3A_1370] : memref<8x64x128xf32, #tpu.memory_space<vmem>> -> memref<1x64x128xf32, #tpu.memory_space<vmem>>
        %gather3A_1372 = tpu.memref_squeeze %gather3A_1371 : memref<1x64x128xf32, #tpu.memory_space<vmem>> -> memref<64x128xf32, #tpu.memory_space<vmem>>
        %gather3A_1373 = tpu.vector_load_idx %gather3A_1372[%add3A_1367, %broadcast_in_dim3A_1363] : memref<64x128xf32, #tpu.memory_space<vmem>>[vector<16xi32>, vector<16xi32>], vector<16xf32>,
        %swap3A_1374 = arith.index_cast %and3A_1354 : i32 to index
        %swap3A_1375 = arith.constant 0 : index
        %swap3A_1376 = tpu.vector_load %arg10[%swap3A_1374, %swap3A_1375] {strides = array<i32>} : memref<16x64xf32, #tpu.memory_space<vmem>>, vector<16xf32>,
        tpu.vector_store %arg10[%swap3A_1374, %swap3A_1375], %gather3A_1373 {strides = array<i32>} : memref<16x64xf32, #tpu.memory_space<vmem>>, vector<16xf32>,
        %iota3A_1377 = tpu.iota {dimensions = array<i32: 0>} : vector<16xi32>
        %add3A_1378 = arith.constant 16 : i32
        %add3A_1379 = vector.broadcast %add3A_1378 : i32 to vector<16xi32>
        %add3A_1380 = arith.addi %iota3A_1377, %add3A_1379 : vector<16xi32>
        %gather3A_1381 = arith.constant 7 : i32
        %gather3A_1382 = arith.constant 0 : i32
        %gather3A_1383 = arith.constant 0 : i32
        %gather3A_1384 = tpu.memref_slice %arg9[%gather3A_1381, %gather3A_1382, %gather3A_1383] : memref<8x64x128xf32, #tpu.memory_space<vmem>> -> memref<1x64x128xf32, #tpu.memory_space<vmem>>
        %gather3A_1385 = tpu.memref_squeeze %gather3A_1384 : memref<1x64x128xf32, #tpu.memory_space<vmem>> -> memref<64x128xf32, #tpu.memory_space<vmem>>
        %gather3A_1386 = tpu.vector_load_idx %gather3A_1385[%add3A_1380, %broadcast_in_dim3A_1363] : memref<64x128xf32, #tpu.memory_space<vmem>>[vector<16xi32>, vector<16xi32>], vector<16xf32>,
        %swap3A_1387 = arith.index_cast %and3A_1354 : i32 to index
        %swap3A_1388 = arith.constant 16 : index
        %swap3A_1389 = tpu.vector_load %arg10[%swap3A_1387, %swap3A_1388] {strides = array<i32>} : memref<16x64xf32, #tpu.memory_space<vmem>>, vector<16xf32>,
        tpu.vector_store %arg10[%swap3A_1387, %swap3A_1388], %gather3A_1386 {strides = array<i32>} : memref<16x64xf32, #tpu.memory_space<vmem>>, vector<16xf32>,
        %iota3A_1390 = tpu.iota {dimensions = array<i32: 0>} : vector<16xi32>
        %add3A_1391 = arith.constant 32 : i32
        %add3A_1392 = vector.broadcast %add3A_1391 : i32 to vector<16xi32>
        %add3A_1393 = arith.addi %iota3A_1390, %add3A_1392 : vector<16xi32>
        %gather3A_1394 = arith.constant 7 : i32
        %gather3A_1395 = arith.constant 0 : i32
        %gather3A_1396 = arith.constant 0 : i32
        %gather3A_1397 = tpu.memref_slice %arg9[%gather3A_1394, %gather3A_1395, %gather3A_1396] : memref<8x64x128xf32, #tpu.memory_space<vmem>> -> memref<1x64x128xf32, #tpu.memory_space<vmem>>
        %gather3A_1398 = tpu.memref_squeeze %gather3A_1397 : memref<1x64x128xf32, #tpu.memory_space<vmem>> -> memref<64x128xf32, #tpu.memory_space<vmem>>
        %gather3A_1399 = tpu.vector_load_idx %gather3A_1398[%add3A_1393, %broadcast_in_dim3A_1363] : memref<64x128xf32, #tpu.memory_space<vmem>>[vector<16xi32>, vector<16xi32>], vector<16xf32>,
        %swap3A_1400 = arith.index_cast %and3A_1354 : i32 to index
        %swap3A_1401 = arith.constant 32 : index
        %swap3A_1402 = tpu.vector_load %arg10[%swap3A_1400, %swap3A_1401] {strides = array<i32>} : memref<16x64xf32, #tpu.memory_space<vmem>>, vector<16xf32>,
        tpu.vector_store %arg10[%swap3A_1400, %swap3A_1401], %gather3A_1399 {strides = array<i32>} : memref<16x64xf32, #tpu.memory_space<vmem>>, vector<16xf32>,
        %iota3A_1403 = tpu.iota {dimensions = array<i32: 0>} : vector<16xi32>
        %add3A_1404 = arith.constant 48 : i32
        %add3A_1405 = vector.broadcast %add3A_1404 : i32 to vector<16xi32>
        %add3A_1406 = arith.addi %iota3A_1403, %add3A_1405 : vector<16xi32>
        %gather3A_1407 = arith.constant 7 : i32
        %gather3A_1408 = arith.constant 0 : i32
        %gather3A_1409 = arith.constant 0 : i32
        %gather3A_1410 = tpu.memref_slice %arg9[%gather3A_1407, %gather3A_1408, %gather3A_1409] : memref<8x64x128xf32, #tpu.memory_space<vmem>> -> memref<1x64x128xf32, #tpu.memory_space<vmem>>
        %gather3A_1411 = tpu.memref_squeeze %gather3A_1410 : memref<1x64x128xf32, #tpu.memory_space<vmem>> -> memref<64x128xf32, #tpu.memory_space<vmem>>
        %gather3A_1412 = tpu.vector_load_idx %gather3A_1411[%add3A_1406, %broadcast_in_dim3A_1363] : memref<64x128xf32, #tpu.memory_space<vmem>>[vector<16xi32>, vector<16xi32>], vector<16xf32>,
        %swap3A_1413 = arith.index_cast %and3A_1354 : i32 to index
        %swap3A_1414 = arith.constant 48 : index
        %swap3A_1415 = tpu.vector_load %arg10[%swap3A_1413, %swap3A_1414] {strides = array<i32>} : memref<16x64xf32, #tpu.memory_space<vmem>>, vector<16xf32>,
        tpu.vector_store %arg10[%swap3A_1413, %swap3A_1414], %gather3A_1412 {strides = array<i32>} : memref<16x64xf32, #tpu.memory_space<vmem>>, vector<16xf32>,
        %get3A_1416 = arith.index_cast %while3A_1352 : i32 to index
        %get3A_1417 = memref.load %arg13[%get3A_1416] : memref<700xi32, #tpu.memory_space<smem>>
        %mul3A_1418 = arith.constant 64 : i32
        %mul3A_1419 = arith.muli %get3A_1417, %mul3A_1418 : i32
        %dma_start3A_1420 = arith.constant 0 : i32
        %dma_start3A_1421 = tpu.memref_slice %arg10[%and3A_1354, %dma_start3A_1420] : memref<16x64xf32, #tpu.memory_space<vmem>> -> memref<1x64xf32, #tpu.memory_space<vmem>>
        %dma_start3A_1422 = tpu.memref_squeeze %dma_start3A_1421 : memref<1x64xf32, #tpu.memory_space<vmem>> -> memref<64xf32, #tpu.memory_space<vmem>>
        %dma_start3A_1423 = tpu.memref_slice %arg4[%mul3A_1419] : memref<1048576xf32, #tpu.memory_space<hbm>> -> memref<64xf32, #tpu.memory_space<hbm>>
        %dma_start3A_1424 = tpu.memref_slice %arg16[%and3A_1354] : memref<16x!tpu.dma_semaphore, #tpu.memory_space<semaphore_mem>> -> memref<1x!tpu.dma_semaphore, #tpu.memory_space<semaphore_mem>>
        %dma_start3A_1425 = tpu.memref_squeeze %dma_start3A_1424 : memref<1x!tpu.dma_semaphore, #tpu.memory_space<semaphore_mem>> -> memref<!tpu.dma_semaphore, #tpu.memory_space<semaphore_mem>>
        %dma_start3A_1426 = tpu.memref_slice %arg4[%mul3A_1419] : memref<1048576xf32, #tpu.memory_space<hbm>> -> memref<64xf32, #tpu.memory_space<hbm>>
        %dma_start3A_1427 = arith.constant 0 : i32
        %dma_start3A_1428 = tpu.memref_slice %arg10[%and3A_1354, %dma_start3A_1427] : memref<16x64xf32, #tpu.memory_space<vmem>> -> memref<1x64xf32, #tpu.memory_space<vmem>>
        %dma_start3A_1429 = tpu.memref_squeeze %dma_start3A_1428 : memref<1x64xf32, #tpu.memory_space<vmem>> -> memref<64xf32, #tpu.memory_space<vmem>>
        tpu.enqueue_dma source(%dma_start3A_1429 : memref<64xf32, #tpu.memory_space<vmem>>) target(%dma_start3A_1426 : memref<64xf32, #tpu.memory_space<hbm>>) target_semaphore(%dma_start3A_1425 : memref<!tpu.dma_semaphore, #tpu.memory_space<semaphore_mem>>)
      }
      %add3A_1345 = arith.constant 8 : i32
      %add3A_1346 = arith.addi %add3A_1267, %add3A_1345 : i32
      %lt3A_1347 = arith.constant 248 : i32
      %lt3A_1348 = arith.cmpi slt, %add3A_1346, %lt3A_1347 : i32
      %convert_element_type3A_1349 = arith.extui %lt3A_1348 : i1 to i32
      %cond3A_1350 = arith.constant 0 : i32
      %cond3A_1351 = arith.cmpi ne, %convert_element_type3A_1349, %cond3A_1350 : i32
      scf.if %cond3A_1351 {
        %add3A_1352 = arith.constant 8 : i32
        %add3A_1353 = arith.addi %add3A_1267, %add3A_1352 : i32
        %mul3A_1354 = arith.constant 32 : i32
        %mul3A_1355 = arith.muli %mul3A_1354, %add3A_1353 : i32
        %add3A_1356 = arith.addi %mul3A_1355, %add3A : i32
        %min3A_1357 = arith.constant 7812 : i32
        %min3A_1358 = arith.minsi %add3A_1356, %min3A_1357 : i32
        %shift_left3A_1359 = arith.constant 7 : i32
        %shift_left3A_1360 = arith.shli %min3A_1358, %shift_left3A_1359 : i32
        %multiple_of3A_1361 = tpu.assume_multiple %shift_left3A_1360, 128 : i32
        %dma_start3A_1362 = arith.constant 7 : i32
        %dma_start3A_1363 = arith.constant 7 : i32
        %dma_start3A_1364 = arith.constant 0 : i32
        %dma_start3A_1365 = arith.constant 0 : i32
        %dma_start3A_1366 = tpu.memref_slice %arg9[%dma_start3A_1362, %dma_start3A_1364, %dma_start3A_1365] : memref<8x64x128xf32, #tpu.memory_space<vmem>> -> memref<1x64x128xf32, #tpu.memory_space<vmem>>
        %dma_start3A_1367 = tpu.memref_squeeze %dma_start3A_1366 : memref<1x64x128xf32, #tpu.memory_space<vmem>> -> memref<64x128xf32, #tpu.memory_space<vmem>>
        %dma_start3A_1368 = arith.constant 0 : i32
        %dma_start3A_1369 = tpu.memref_slice %arg3[%dma_start3A_1368, %multiple_of3A_1361] : memref<64x1000000xf32, #tpu.memory_space<hbm>> -> memref<64x128xf32, #tpu.memory_space<hbm>>
        %dma_start3A_1370 = tpu.memref_slice %arg15[%dma_start3A_1363] : memref<8x!tpu.dma_semaphore, #tpu.memory_space<semaphore_mem>> -> memref<1x!tpu.dma_semaphore, #tpu.memory_space<semaphore_mem>>
        %dma_start3A_1371 = tpu.memref_squeeze %dma_start3A_1370 : memref<1x!tpu.dma_semaphore, #tpu.memory_space<semaphore_mem>> -> memref<!tpu.dma_semaphore, #tpu.memory_space<semaphore_mem>>
        %dma_start3A_1372 = arith.constant 0 : i32
        %dma_start3A_1373 = arith.constant 0 : i32
        %dma_start3A_1374 = tpu.memref_slice %arg9[%dma_start3A_1362, %dma_start3A_1372, %dma_start3A_1373] : memref<8x64x128xf32, #tpu.memory_space<vmem>> -> memref<1x64x128xf32, #tpu.memory_space<vmem>>
        %dma_start3A_1375 = tpu.memref_squeeze %dma_start3A_1374 : memref<1x64x128xf32, #tpu.memory_space<vmem>> -> memref<64x128xf32, #tpu.memory_space<vmem>>
        %dma_start3A_1376 = arith.constant 0 : i32
        %dma_start3A_1377 = tpu.memref_slice %arg3[%dma_start3A_1376, %multiple_of3A_1361] : memref<64x1000000xf32, #tpu.memory_space<hbm>> -> memref<64x128xf32, #tpu.memory_space<hbm>>
        tpu.enqueue_dma source(%dma_start3A_1377 : memref<64x128xf32, #tpu.memory_space<hbm>>) target(%dma_start3A_1375 : memref<64x128xf32, #tpu.memory_space<vmem>>) target_semaphore(%dma_start3A_1371 : memref<!tpu.dma_semaphore, #tpu.memory_space<semaphore_mem>>)
      } else {
      }
    }
    %scan3A_636 = arith.constant 31 : i32
    %min3A_637 = arith.constant 16 : i32
    %min3A_638 = arith.minsi %min3A_630, %min3A_637 : i32
    %while3A = arith.constant 0 : i32
    %while3A_639 = arith.constant 0 : i32
    %while3A_640 = arith.subi %min3A_638, %while3A_639 : i32
    %while3A_641 = arith.addi %while3A_639, %while3A_640 : i32
    %while3A_642 = arith.constant 1 : i32
    %while3A_643 = arith.divsi %while3A_640, %while3A_642 : i32
    %while3A_644 = arith.muli %while3A_643, %while3A_642 : i32
    %while3A_645 = arith.addi %while3A_639, %while3A_644 : i32
    %while3A_646 = arith.constant 1 : i32
    scf.for %while3A_650 = %while3A_639 to %while3A_645 step %while3A_646  : i32 {
      %and3A = arith.constant 15 : i32
      %and3A_651 = arith.andi %while3A_650, %and3A : i32
      %dma_wait3A = arith.constant 0 : i32
      %dma_wait3A_652 = tpu.memref_slice %arg10[%and3A_651, %dma_wait3A] : memref<16x64xf32, #tpu.memory_space<vmem>> -> memref<1x64xf32, #tpu.memory_space<vmem>>
      %dma_wait3A_653 = tpu.memref_squeeze %dma_wait3A_652 : memref<1x64xf32, #tpu.memory_space<vmem>> -> memref<64xf32, #tpu.memory_space<vmem>>
      %dma_wait3A_654 = arith.constant 0 : i32
      %dma_wait3A_655 = tpu.memref_slice %arg4[%dma_wait3A_654] : memref<1048576xf32, #tpu.memory_space<hbm>> -> memref<64xf32, #tpu.memory_space<hbm>>
      %dma_wait3A_656 = tpu.memref_slice %arg16[%and3A_651] : memref<16x!tpu.dma_semaphore, #tpu.memory_space<semaphore_mem>> -> memref<1x!tpu.dma_semaphore, #tpu.memory_space<semaphore_mem>>
      %dma_wait3A_657 = tpu.memref_squeeze %dma_wait3A_656 : memref<1x!tpu.dma_semaphore, #tpu.memory_space<semaphore_mem>> -> memref<!tpu.dma_semaphore, #tpu.memory_space<semaphore_mem>>
      %dma_wait3A_658 = arith.constant 0 : i32
      %dma_wait3A_659 = tpu.memref_slice %arg4[%dma_wait3A_658] : memref<1048576xf32, #tpu.memory_space<hbm>> -> memref<64xf32, #tpu.memory_space<hbm>>
      %dma_wait3A_660 = arith.constant 0 : i32
      %dma_wait3A_661 = tpu.memref_slice %arg10[%and3A_651, %dma_wait3A_660] : memref<16x64xf32, #tpu.memory_space<vmem>> -> memref<1x64xf32, #tpu.memory_space<vmem>>
      %dma_wait3A_662 = tpu.memref_squeeze %dma_wait3A_661 : memref<1x64xf32, #tpu.memory_space<vmem>> -> memref<64xf32, #tpu.memory_space<vmem>>
      tpu.wait_dma2 semaphore(%dma_wait3A_657 : memref<!tpu.dma_semaphore, #tpu.memory_space<semaphore_mem>>) src(%dma_wait3A_662 : memref<64xf32, #tpu.memory_space<vmem>>) dst(%dma_wait3A_659 : memref<64xf32, #tpu.memory_space<hbm>>)
    }
    %while3A_647 = arith.constant 1 : i32
    scf.for %while3A_650 = %while3A_645 to %while3A_641 step %while3A_647  : i32 {
      %and3A = arith.constant 15 : i32
      %and3A_651 = arith.andi %while3A_650, %and3A : i32
      %dma_wait3A = arith.constant 0 : i32
      %dma_wait3A_652 = tpu.memref_slice %arg10[%and3A_651, %dma_wait3A] : memref<16x64xf32, #tpu.memory_space<vmem>> -> memref<1x64xf32, #tpu.memory_space<vmem>>
      %dma_wait3A_653 = tpu.memref_squeeze %dma_wait3A_652 : memref<1x64xf32, #tpu.memory_space<vmem>> -> memref<64xf32, #tpu.memory_space<vmem>>
      %dma_wait3A_654 = arith.constant 0 : i32
      %dma_wait3A_655 = tpu.memref_slice %arg4[%dma_wait3A_654] : memref<1048576xf32, #tpu.memory_space<hbm>> -> memref<64xf32, #tpu.memory_space<hbm>>
      %dma_wait3A_656 = tpu.memref_slice %arg16[%and3A_651] : memref<16x!tpu.dma_semaphore, #tpu.memory_space<semaphore_mem>> -> memref<1x!tpu.dma_semaphore, #tpu.memory_space<semaphore_mem>>
      %dma_wait3A_657 = tpu.memref_squeeze %dma_wait3A_656 : memref<1x!tpu.dma_semaphore, #tpu.memory_space<semaphore_mem>> -> memref<!tpu.dma_semaphore, #tpu.memory_space<semaphore_mem>>
      %dma_wait3A_658 = arith.constant 0 : i32
      %dma_wait3A_659 = tpu.memref_slice %arg4[%dma_wait3A_658] : memref<1048576xf32, #tpu.memory_space<hbm>> -> memref<64xf32, #tpu.memory_space<hbm>>
      %dma_wait3A_660 = arith.constant 0 : i32
      %dma_wait3A_661 = tpu.memref_slice %arg10[%and3A_651, %dma_wait3A_660] : memref<16x64xf32, #tpu.memory_space<vmem>> -> memref<1x64xf32, #tpu.memory_space<vmem>>
      %dma_wait3A_662 = tpu.memref_squeeze %dma_wait3A_661 : memref<1x64xf32, #tpu.memory_space<vmem>> -> memref<64xf32, #tpu.memory_space<vmem>>
      tpu.wait_dma2 semaphore(%dma_wait3A_657 : memref<!tpu.dma_semaphore, #tpu.memory_space<semaphore_mem>>) src(%dma_wait3A_662 : memref<64xf32, #tpu.memory_space<vmem>>) dst(%dma_wait3A_659 : memref<64xf32, #tpu.memory_space<hbm>>)
    }
    %gt3A = arith.constant 700 : i32
    %gt3A_648 = arith.cmpi sgt, %add3A_613, %gt3A : i32
    %convert_element_type3A = arith.extui %gt3A_648 : i1 to i32
    %cond3A = arith.constant 0 : i32
    %cond3A_649 = arith.cmpi ne, %convert_element_type3A, %cond3A : i32
    scf.if %cond3A_649 {
      %scan3A_650 = arith.constant 0 : i32
      %scan3A_651 = arith.constant 0 : i32
      %scan3A_652 = arith.constant 258 : i32
      %scan3A_653 = arith.addi %scan3A_651, %scan3A_652 : i32
      %scan3A_654 = arith.constant 1 : i32
      scf.for %scan3A_662 = %scan3A_651 to %scan3A_653 step %scan3A_654  : i32 {
        %shift_right_arithmetic3A = arith.constant 4 : i32
        %shift_right_arithmetic3A_663 = arith.shrsi %scan3A_662, %shift_right_arithmetic3A : i32
        %shift_left3A_664 = arith.constant 4 : i32
        %shift_left3A_665 = arith.shli %shift_right_arithmetic3A_663, %shift_left3A_664 : i32
        %multiple_of3A_666 = tpu.assume_multiple %shift_left3A_665, 16 : i32
        %get3A_667 = arith.index_cast %multiple_of3A_666 : i32 to index
        %get3A_668 = tpu.vector_load %arg11[%get3A_667] {strides = array<i32>} : memref<272xi32, #tpu.memory_space<vmem>>, vector<16xi32>,
        %and3A = arith.constant 15 : i32
        %and3A_669 = arith.andi %scan3A_662, %and3A : i32
        %broadcast_in_dim3A_670 = vector.broadcast %and3A_669 : i32 to vector<16xi32>
        %lt3A_671 = arith.constant 0 : i32
        %lt3A_672 = vector.broadcast %lt3A_671 : i32 to vector<16xi32>
        %lt3A_673 = arith.cmpi slt, %broadcast_in_dim3A_670, %lt3A_672 : vector<16xi32>
        %add3A_674 = arith.constant 16 : i32
        %add3A_675 = vector.broadcast %add3A_674 : i32 to vector<16xi32>
        %add3A_676 = arith.addi %broadcast_in_dim3A_670, %add3A_675 : vector<16xi32>
        %select_n3A_677 = arith.select %lt3A_673, %add3A_676, %broadcast_in_dim3A_670 : vector<16xi1>, vector<16xi32>
        %reshape3A_678 = vector.shape_cast %select_n3A_677 : vector<16xi32> to vector<16x1xi32>
        %gather3A_679 = vector.shape_cast %reshape3A_678 : vector<16x1xi32> to vector<16xi32>
        %gather3A_680 = tpu.dynamic_gather %get3A_668[%gather3A_679] in [0] : vector<16xi32>, vector<16xi32> -> vector<16xi32>
        %slice3A_681 = vector.extract_strided_slice %gather3A_680 {offsets = [0], sizes = [1], strides = [1]} : vector<16xi32> to vector<1xi32>
        %squeeze3A_682 = vector.extract %slice3A_681[0] : i32 from vector<1xi32>
        %swap3A_683 = arith.index_cast %scan3A_662 : i32 to index
        %swap3A_684 = memref.load %arg14[%swap3A_683] : memref<258xi32, #tpu.memory_space<smem>>
        memref.store %squeeze3A_682, %arg14[%swap3A_683] : memref<258xi32, #tpu.memory_space<smem>>
      }
      %scan3A_655 = arith.constant 258 : i32
      %scan3A_656 = arith.constant 0 : i32
      %scan3A_657 = arith.constant 0 : i32
      %scan3A_658 = arith.constant 1024 : i32
      %scan3A_659 = arith.addi %scan3A_657, %scan3A_658 : i32
      %scan3A_660 = arith.constant 1 : i32
      scf.for %scan3A_662 = %scan3A_657 to %scan3A_659 step %scan3A_660  : i32 {
        %mul3A_663 = arith.constant 16 : i32
        %mul3A_664 = arith.muli %mul3A_663, %scan3A_662 : i32
        %multiple_of3A_665 = tpu.assume_multiple %mul3A_664, 16 : i32
        %get3A_666 = arith.index_cast %multiple_of3A_665 : i32 to index
        %get3A_667 = tpu.vector_load %arg5[%get3A_666] {strides = array<i32>} : memref<16384xi32, #tpu.memory_space<vmem>>, vector<16xi32>,
        %shift_right_arithmetic3A = arith.constant 7 : i32
        %shift_right_arithmetic3A_668 = vector.broadcast %shift_right_arithmetic3A : i32 to vector<16xi32>
        %shift_right_arithmetic3A_669 = arith.shrsi %get3A_667, %shift_right_arithmetic3A_668 : vector<16xi32>
        %and3A = arith.constant 31 : i32
        %and3A_670 = vector.broadcast %and3A : i32 to vector<16xi32>
        %and3A_671 = arith.andi %shift_right_arithmetic3A_669, %and3A_670 : vector<16xi32>
        %eq3A = arith.cmpi eq, %and3A_671, %broadcast_in_dim3A : vector<16xi32>
        %all_reduce_population_count3A = tpu.all_reduce %eq3A {dim = 0 : i64, kind = #tpu.reduction_kind<sum>} : vector<16xi1> -> vector<16xi32>
        %broadcast_in_dim3A_672 = arith.constant 0 : i32
        %broadcast_in_dim3A_673 = vector.broadcast %broadcast_in_dim3A_672 : i32 to vector<16xi32>
        %lt3A_674 = arith.constant 0 : i32
        %lt3A_675 = vector.broadcast %lt3A_674 : i32 to vector<16xi32>
        %lt3A_676 = arith.cmpi slt, %broadcast_in_dim3A_673, %lt3A_675 : vector<16xi32>
        %add3A_677 = arith.constant 16 : i32
        %add3A_678 = vector.broadcast %add3A_677 : i32 to vector<16xi32>
        %add3A_679 = arith.addi %broadcast_in_dim3A_673, %add3A_678 : vector<16xi32>
        %select_n3A_680 = arith.select %lt3A_676, %add3A_679, %broadcast_in_dim3A_673 : vector<16xi1>, vector<16xi32>
        %reshape3A_681 = vector.shape_cast %select_n3A_680 : vector<16xi32> to vector<16x1xi32>
        %gather3A_682 = vector.shape_cast %reshape3A_681 : vector<16x1xi32> to vector<16xi32>
        %gather3A_683 = tpu.dynamic_gather %all_reduce_population_count3A[%gather3A_682] in [0] : vector<16xi32>, vector<16xi32> -> vector<16xi32>
        %slice3A_684 = vector.extract_strided_slice %gather3A_683 {offsets = [0], sizes = [1], strides = [1]} : vector<16xi32> to vector<1xi32>
        %squeeze3A_685 = vector.extract %slice3A_684[0] : i32 from vector<1xi32>
        %gt3A_686 = arith.constant 0 : i32
        %gt3A_687 = arith.cmpi sgt, %squeeze3A_685, %gt3A_686 : i32
        %convert_element_type3A_688 = arith.extui %gt3A_687 : i1 to i32
        %cond3A_689 = arith.constant 0 : i32
        %cond3A_690 = arith.cmpi ne, %convert_element_type3A_688, %cond3A_689 : i32
        scf.if %cond3A_690 {
          %swap3A_691 = arith.constant 0 : index
          %swap3A_692 = tpu.vector_load %arg7[%swap3A_691] masked %eq3A {strides = array<i32>} : memref<16xi32, #tpu.memory_space<vmem>>, vector<16xi32>, vector<16xi1>
          tpu.vector_store %arg7[%swap3A_691], %get3A_667 masked %eq3A {strides = array<i32>} : memref<16xi32, #tpu.memory_space<vmem>>, vector<16xi32>, vector<16xi1>
          %mul3A_693 = arith.constant 16 : i32
          %mul3A_694 = arith.muli %mul3A_693, %scan3A_662 : i32
          %add3A_695 = vector.broadcast %mul3A_694 : i32 to vector<16xi32>
          %add3A_696 = arith.addi %iota3A, %add3A_695 : vector<16xi32>
          %swap3A_697 = arith.constant 0 : index
          %swap3A_698 = tpu.vector_load %arg8[%swap3A_697] masked %eq3A {strides = array<i32>} : memref<16xi32, #tpu.memory_space<vmem>>, vector<16xi32>, vector<16xi1>
          tpu.vector_store %arg8[%swap3A_697], %add3A_696 masked %eq3A {strides = array<i32>} : memref<16xi32, #tpu.memory_space<vmem>>, vector<16xi32>, vector<16xi1>
          %get3A_699 = arith.constant 0 : index
          %get3A_700 = tpu.vector_load %arg7[%get3A_699] {strides = array<i32>} : memref<16xi32, #tpu.memory_space<vmem>>, vector<16xi32>,
          %get3A_701 = arith.constant 0 : index
          %get3A_702 = tpu.vector_load %arg8[%get3A_701] {strides = array<i32>} : memref<16xi32, #tpu.memory_space<vmem>>, vector<16xi32>,
          %while3A_703 = arith.constant 0 : i32
          %while3A_704 = arith.constant 0 : i32
          %while3A_705 = arith.subi %squeeze3A_685, %while3A_704 : i32
          %while3A_706 = arith.addi %while3A_704, %while3A_705 : i32
          %while3A_707 = arith.constant 1 : i32
          %while3A_708 = arith.divsi %while3A_705, %while3A_707 : i32
          %while3A_709 = arith.muli %while3A_708, %while3A_707 : i32
          %while3A_710 = arith.addi %while3A_704, %while3A_709 : i32
          %while3A_711 = arith.constant 1 : i32
          scf.for %while3A_713 = %while3A_704 to %while3A_710 step %while3A_711  : i32 {
            %broadcast_in_dim3A_714 = vector.broadcast %while3A_713 : i32 to vector<16xi32>
            %lt3A_715 = arith.constant 0 : i32
            %lt3A_716 = vector.broadcast %lt3A_715 : i32 to vector<16xi32>
            %lt3A_717 = arith.cmpi slt, %broadcast_in_dim3A_714, %lt3A_716 : vector<16xi32>
            %add3A_718 = arith.constant 16 : i32
            %add3A_719 = vector.broadcast %add3A_718 : i32 to vector<16xi32>
            %add3A_720 = arith.addi %broadcast_in_dim3A_714, %add3A_719 : vector<16xi32>
            %select_n3A_721 = arith.select %lt3A_717, %add3A_720, %broadcast_in_dim3A_714 : vector<16xi1>, vector<16xi32>
            %reshape3A_722 = vector.shape_cast %select_n3A_721 : vector<16xi32> to vector<16x1xi32>
            %gather3A_723 = vector.shape_cast %reshape3A_722 : vector<16x1xi32> to vector<16xi32>
            %gather3A_724 = tpu.dynamic_gather %get3A_700[%gather3A_723] in [0] : vector<16xi32>, vector<16xi32> -> vector<16xi32>
            %slice3A_725 = vector.extract_strided_slice %gather3A_724 {offsets = [0], sizes = [1], strides = [1]} : vector<16xi32> to vector<1xi32>
            %squeeze3A_726 = vector.extract %slice3A_725[0] : i32 from vector<1xi32>
            %shift_right_arithmetic3A_727 = arith.constant 12 : i32
            %shift_right_arithmetic3A_728 = arith.shrsi %squeeze3A_726, %shift_right_arithmetic3A_727 : i32
            %get3A_729 = arith.index_cast %shift_right_arithmetic3A_728 : i32 to index
            %get3A_730 = memref.load %arg14[%get3A_729] : memref<258xi32, #tpu.memory_space<smem>>
            %add3A_731 = arith.constant 1 : i32
            %add3A_732 = arith.addi %get3A_730, %add3A_731 : i32
            %swap3A_733 = arith.index_cast %shift_right_arithmetic3A_728 : i32 to index
            %swap3A_734 = memref.load %arg14[%swap3A_733] : memref<258xi32, #tpu.memory_space<smem>>
            memref.store %add3A_732, %arg14[%swap3A_733] : memref<258xi32, #tpu.memory_space<smem>>
            %ge3A = arith.constant 700 : i32
            %ge3A_735 = arith.cmpi sge, %get3A_730, %ge3A : i32
            %convert_element_type3A_736 = arith.extui %ge3A_735 : i1 to i32
            %cond3A_737 = arith.constant 0 : i32
            %cond3A_738 = arith.cmpi ne, %convert_element_type3A_736, %cond3A_737 : i32
            scf.if %cond3A_738 {
              %shift_right_arithmetic3A_739 = arith.constant 7 : i32
              %shift_right_arithmetic3A_740 = arith.shrsi %squeeze3A_726, %shift_right_arithmetic3A_739 : i32
              %shift_left3A_741 = arith.constant 7 : i32
              %shift_left3A_742 = arith.shli %shift_right_arithmetic3A_740, %shift_left3A_741 : i32
              %multiple_of3A_743 = tpu.assume_multiple %shift_left3A_742, 128 : i32
              %dma_start3A_744 = arith.constant 0 : i32
              %dma_start3A_745 = arith.constant 0 : i32
              %dma_start3A_746 = arith.constant 0 : i32
              %dma_start3A_747 = arith.constant 0 : i32
              %dma_start3A_748 = tpu.memref_slice %arg9[%dma_start3A_744, %dma_start3A_746, %dma_start3A_747] : memref<8x64x128xf32, #tpu.memory_space<vmem>> -> memref<1x64x128xf32, #tpu.memory_space<vmem>>
              %dma_start3A_749 = tpu.memref_squeeze %dma_start3A_748 : memref<1x64x128xf32, #tpu.memory_space<vmem>> -> memref<64x128xf32, #tpu.memory_space<vmem>>
              %dma_start3A_750 = arith.constant 0 : i32
              %dma_start3A_751 = tpu.memref_slice %arg3[%dma_start3A_750, %multiple_of3A_743] : memref<64x1000000xf32, #tpu.memory_space<hbm>> -> memref<64x128xf32, #tpu.memory_space<hbm>>
              %dma_start3A_752 = tpu.memref_slice %arg15[%dma_start3A_745] : memref<8x!tpu.dma_semaphore, #tpu.memory_space<semaphore_mem>> -> memref<1x!tpu.dma_semaphore, #tpu.memory_space<semaphore_mem>>
              %dma_start3A_753 = tpu.memref_squeeze %dma_start3A_752 : memref<1x!tpu.dma_semaphore, #tpu.memory_space<semaphore_mem>> -> memref<!tpu.dma_semaphore, #tpu.memory_space<semaphore_mem>>
              %dma_start3A_754 = arith.constant 0 : i32
              %dma_start3A_755 = arith.constant 0 : i32
              %dma_start3A_756 = tpu.memref_slice %arg9[%dma_start3A_744, %dma_start3A_754, %dma_start3A_755] : memref<8x64x128xf32, #tpu.memory_space<vmem>> -> memref<1x64x128xf32, #tpu.memory_space<vmem>>
              %dma_start3A_757 = tpu.memref_squeeze %dma_start3A_756 : memref<1x64x128xf32, #tpu.memory_space<vmem>> -> memref<64x128xf32, #tpu.memory_space<vmem>>
              %dma_start3A_758 = arith.constant 0 : i32
              %dma_start3A_759 = tpu.memref_slice %arg3[%dma_start3A_758, %multiple_of3A_743] : memref<64x1000000xf32, #tpu.memory_space<hbm>> -> memref<64x128xf32, #tpu.memory_space<hbm>>
              tpu.enqueue_dma source(%dma_start3A_759 : memref<64x128xf32, #tpu.memory_space<hbm>>) target(%dma_start3A_757 : memref<64x128xf32, #tpu.memory_space<vmem>>) target_semaphore(%dma_start3A_753 : memref<!tpu.dma_semaphore, #tpu.memory_space<semaphore_mem>>)
              %dma_wait3A = arith.constant 0 : i32
              %dma_wait3A_760 = arith.constant 0 : i32
              %dma_wait3A_761 = arith.constant 0 : i32
              %dma_wait3A_762 = arith.constant 0 : i32
              %dma_wait3A_763 = tpu.memref_slice %arg9[%dma_wait3A, %dma_wait3A_761, %dma_wait3A_762] : memref<8x64x128xf32, #tpu.memory_space<vmem>> -> memref<1x64x128xf32, #tpu.memory_space<vmem>>
              %dma_wait3A_764 = tpu.memref_squeeze %dma_wait3A_763 : memref<1x64x128xf32, #tpu.memory_space<vmem>> -> memref<64x128xf32, #tpu.memory_space<vmem>>
              %dma_wait3A_765 = arith.constant 0 : i32
              %dma_wait3A_766 = tpu.memref_slice %arg3[%dma_wait3A_765, %multiple_of3A_743] : memref<64x1000000xf32, #tpu.memory_space<hbm>> -> memref<64x128xf32, #tpu.memory_space<hbm>>
              %dma_wait3A_767 = tpu.memref_slice %arg15[%dma_wait3A_760] : memref<8x!tpu.dma_semaphore, #tpu.memory_space<semaphore_mem>> -> memref<1x!tpu.dma_semaphore, #tpu.memory_space<semaphore_mem>>
              %dma_wait3A_768 = tpu.memref_squeeze %dma_wait3A_767 : memref<1x!tpu.dma_semaphore, #tpu.memory_space<semaphore_mem>> -> memref<!tpu.dma_semaphore, #tpu.memory_space<semaphore_mem>>
              %dma_wait3A_769 = arith.constant 0 : i32
              %dma_wait3A_770 = arith.constant 0 : i32
              %dma_wait3A_771 = tpu.memref_slice %arg9[%dma_wait3A, %dma_wait3A_769, %dma_wait3A_770] : memref<8x64x128xf32, #tpu.memory_space<vmem>> -> memref<1x64x128xf32, #tpu.memory_space<vmem>>
              %dma_wait3A_772 = tpu.memref_squeeze %dma_wait3A_771 : memref<1x64x128xf32, #tpu.memory_space<vmem>> -> memref<64x128xf32, #tpu.memory_space<vmem>>
              %dma_wait3A_773 = arith.constant 0 : i32
              %dma_wait3A_774 = tpu.memref_slice %arg3[%dma_wait3A_773, %multiple_of3A_743] : memref<64x1000000xf32, #tpu.memory_space<hbm>> -> memref<64x128xf32, #tpu.memory_space<hbm>>
              tpu.wait_dma2 semaphore(%dma_wait3A_768 : memref<!tpu.dma_semaphore, #tpu.memory_space<semaphore_mem>>) src(%dma_wait3A_774 : memref<64x128xf32, #tpu.memory_space<hbm>>) dst(%dma_wait3A_772 : memref<64x128xf32, #tpu.memory_space<vmem>>)
              %and3A_775 = arith.constant 127 : i32
              %and3A_776 = arith.andi %squeeze3A_726, %and3A_775 : i32
              %broadcast_in_dim3A_777 = vector.broadcast %and3A_776 : i32 to vector<16xi32>
              %iota3A_778 = tpu.iota {dimensions = array<i32: 0>} : vector<16xi32>
              %add3A_779 = arith.constant 0 : i32
              %add3A_780 = vector.broadcast %add3A_779 : i32 to vector<16xi32>
              %add3A_781 = arith.addi %iota3A_778, %add3A_780 : vector<16xi32>
              %gather3A_782 = arith.constant 0 : i32
              %gather3A_783 = arith.constant 0 : i32
              %gather3A_784 = arith.constant 0 : i32
              %gather3A_785 = tpu.memref_slice %arg9[%gather3A_782, %gather3A_783, %gather3A_784] : memref<8x64x128xf32, #tpu.memory_space<vmem>> -> memref<1x64x128xf32, #tpu.memory_space<vmem>>
              %gather3A_786 = tpu.memref_squeeze %gather3A_785 : memref<1x64x128xf32, #tpu.memory_space<vmem>> -> memref<64x128xf32, #tpu.memory_space<vmem>>
              %gather3A_787 = tpu.vector_load_idx %gather3A_786[%add3A_781, %broadcast_in_dim3A_777] : memref<64x128xf32, #tpu.memory_space<vmem>>[vector<16xi32>, vector<16xi32>], vector<16xf32>,
              %swap3A_788 = arith.constant 0 : i32
              %swap3A_789 = arith.index_cast %swap3A_788 : i32 to index
              %swap3A_790 = arith.constant 0 : index
              %swap3A_791 = tpu.vector_load %arg10[%swap3A_789, %swap3A_790] {strides = array<i32>} : memref<16x64xf32, #tpu.memory_space<vmem>>, vector<16xf32>,
              tpu.vector_store %arg10[%swap3A_789, %swap3A_790], %gather3A_787 {strides = array<i32>} : memref<16x64xf32, #tpu.memory_space<vmem>>, vector<16xf32>,
              %iota3A_792 = tpu.iota {dimensions = array<i32: 0>} : vector<16xi32>
              %add3A_793 = arith.constant 16 : i32
              %add3A_794 = vector.broadcast %add3A_793 : i32 to vector<16xi32>
              %add3A_795 = arith.addi %iota3A_792, %add3A_794 : vector<16xi32>
              %gather3A_796 = arith.constant 0 : i32
              %gather3A_797 = arith.constant 0 : i32
              %gather3A_798 = arith.constant 0 : i32
              %gather3A_799 = tpu.memref_slice %arg9[%gather3A_796, %gather3A_797, %gather3A_798] : memref<8x64x128xf32, #tpu.memory_space<vmem>> -> memref<1x64x128xf32, #tpu.memory_space<vmem>>
              %gather3A_800 = tpu.memref_squeeze %gather3A_799 : memref<1x64x128xf32, #tpu.memory_space<vmem>> -> memref<64x128xf32, #tpu.memory_space<vmem>>
              %gather3A_801 = tpu.vector_load_idx %gather3A_800[%add3A_795, %broadcast_in_dim3A_777] : memref<64x128xf32, #tpu.memory_space<vmem>>[vector<16xi32>, vector<16xi32>], vector<16xf32>,
              %swap3A_802 = arith.constant 0 : i32
              %swap3A_803 = arith.index_cast %swap3A_802 : i32 to index
              %swap3A_804 = arith.constant 16 : index
              %swap3A_805 = tpu.vector_load %arg10[%swap3A_803, %swap3A_804] {strides = array<i32>} : memref<16x64xf32, #tpu.memory_space<vmem>>, vector<16xf32>,
              tpu.vector_store %arg10[%swap3A_803, %swap3A_804], %gather3A_801 {strides = array<i32>} : memref<16x64xf32, #tpu.memory_space<vmem>>, vector<16xf32>,
              %iota3A_806 = tpu.iota {dimensions = array<i32: 0>} : vector<16xi32>
              %add3A_807 = arith.constant 32 : i32
              %add3A_808 = vector.broadcast %add3A_807 : i32 to vector<16xi32>
              %add3A_809 = arith.addi %iota3A_806, %add3A_808 : vector<16xi32>
              %gather3A_810 = arith.constant 0 : i32
              %gather3A_811 = arith.constant 0 : i32
              %gather3A_812 = arith.constant 0 : i32
              %gather3A_813 = tpu.memref_slice %arg9[%gather3A_810, %gather3A_811, %gather3A_812] : memref<8x64x128xf32, #tpu.memory_space<vmem>> -> memref<1x64x128xf32, #tpu.memory_space<vmem>>
              %gather3A_814 = tpu.memref_squeeze %gather3A_813 : memref<1x64x128xf32, #tpu.memory_space<vmem>> -> memref<64x128xf32, #tpu.memory_space<vmem>>
              %gather3A_815 = tpu.vector_load_idx %gather3A_814[%add3A_809, %broadcast_in_dim3A_777] : memref<64x128xf32, #tpu.memory_space<vmem>>[vector<16xi32>, vector<16xi32>], vector<16xf32>,
              %swap3A_816 = arith.constant 0 : i32
              %swap3A_817 = arith.index_cast %swap3A_816 : i32 to index
              %swap3A_818 = arith.constant 32 : index
              %swap3A_819 = tpu.vector_load %arg10[%swap3A_817, %swap3A_818] {strides = array<i32>} : memref<16x64xf32, #tpu.memory_space<vmem>>, vector<16xf32>,
              tpu.vector_store %arg10[%swap3A_817, %swap3A_818], %gather3A_815 {strides = array<i32>} : memref<16x64xf32, #tpu.memory_space<vmem>>, vector<16xf32>,
              %iota3A_820 = tpu.iota {dimensions = array<i32: 0>} : vector<16xi32>
              %add3A_821 = arith.constant 48 : i32
              %add3A_822 = vector.broadcast %add3A_821 : i32 to vector<16xi32>
              %add3A_823 = arith.addi %iota3A_820, %add3A_822 : vector<16xi32>
              %gather3A_824 = arith.constant 0 : i32
              %gather3A_825 = arith.constant 0 : i32
              %gather3A_826 = arith.constant 0 : i32
              %gather3A_827 = tpu.memref_slice %arg9[%gather3A_824, %gather3A_825, %gather3A_826] : memref<8x64x128xf32, #tpu.memory_space<vmem>> -> memref<1x64x128xf32, #tpu.memory_space<vmem>>
              %gather3A_828 = tpu.memref_squeeze %gather3A_827 : memref<1x64x128xf32, #tpu.memory_space<vmem>> -> memref<64x128xf32, #tpu.memory_space<vmem>>
              %gather3A_829 = tpu.vector_load_idx %gather3A_828[%add3A_823, %broadcast_in_dim3A_777] : memref<64x128xf32, #tpu.memory_space<vmem>>[vector<16xi32>, vector<16xi32>], vector<16xf32>,
              %swap3A_830 = arith.constant 0 : i32
              %swap3A_831 = arith.index_cast %swap3A_830 : i32 to index
              %swap3A_832 = arith.constant 48 : index
              %swap3A_833 = tpu.vector_load %arg10[%swap3A_831, %swap3A_832] {strides = array<i32>} : memref<16x64xf32, #tpu.memory_space<vmem>>, vector<16xf32>,
              tpu.vector_store %arg10[%swap3A_831, %swap3A_832], %gather3A_829 {strides = array<i32>} : memref<16x64xf32, #tpu.memory_space<vmem>>, vector<16xf32>,
              %broadcast_in_dim3A_834 = vector.broadcast %while3A_713 : i32 to vector<16xi32>
              %lt3A_835 = arith.constant 0 : i32
              %lt3A_836 = vector.broadcast %lt3A_835 : i32 to vector<16xi32>
              %lt3A_837 = arith.cmpi slt, %broadcast_in_dim3A_834, %lt3A_836 : vector<16xi32>
              %add3A_838 = arith.constant 16 : i32
              %add3A_839 = vector.broadcast %add3A_838 : i32 to vector<16xi32>
              %add3A_840 = arith.addi %broadcast_in_dim3A_834, %add3A_839 : vector<16xi32>
              %select_n3A_841 = arith.select %lt3A_837, %add3A_840, %broadcast_in_dim3A_834 : vector<16xi1>, vector<16xi32>
              %reshape3A_842 = vector.shape_cast %select_n3A_841 : vector<16xi32> to vector<16x1xi32>
              %gather3A_843 = vector.shape_cast %reshape3A_842 : vector<16x1xi32> to vector<16xi32>
              %gather3A_844 = tpu.dynamic_gather %get3A_702[%gather3A_843] in [0] : vector<16xi32>, vector<16xi32> -> vector<16xi32>
              %slice3A_845 = vector.extract_strided_slice %gather3A_844 {offsets = [0], sizes = [1], strides = [1]} : vector<16xi32> to vector<1xi32>
              %squeeze3A_846 = vector.extract %slice3A_845[0] : i32 from vector<1xi32>
              %mul3A_847 = arith.constant 64 : i32
              %mul3A_848 = arith.muli %squeeze3A_846, %mul3A_847 : i32
              %dma_start3A_849 = arith.constant 0 : i32
              %dma_start3A_850 = arith.constant 0 : i32
              %dma_start3A_851 = arith.constant 0 : i32
              %dma_start3A_852 = tpu.memref_slice %arg10[%dma_start3A_849, %dma_start3A_851] : memref<16x64xf32, #tpu.memory_space<vmem>> -> memref<1x64xf32, #tpu.memory_space<vmem>>
              %dma_start3A_853 = tpu.memref_squeeze %dma_start3A_852 : memref<1x64xf32, #tpu.memory_space<vmem>> -> memref<64xf32, #tpu.memory_space<vmem>>
              %dma_start3A_854 = tpu.memref_slice %arg4[%mul3A_848] : memref<1048576xf32, #tpu.memory_space<hbm>> -> memref<64xf32, #tpu.memory_space<hbm>>
              %dma_start3A_855 = tpu.memref_slice %arg16[%dma_start3A_850] : memref<16x!tpu.dma_semaphore, #tpu.memory_space<semaphore_mem>> -> memref<1x!tpu.dma_semaphore, #tpu.memory_space<semaphore_mem>>
              %dma_start3A_856 = tpu.memref_squeeze %dma_start3A_855 : memref<1x!tpu.dma_semaphore, #tpu.memory_space<semaphore_mem>> -> memref<!tpu.dma_semaphore, #tpu.memory_space<semaphore_mem>>
              %dma_start3A_857 = tpu.memref_slice %arg4[%mul3A_848] : memref<1048576xf32, #tpu.memory_space<hbm>> -> memref<64xf32, #tpu.memory_space<hbm>>
              %dma_start3A_858 = arith.constant 0 : i32
              %dma_start3A_859 = tpu.memref_slice %arg10[%dma_start3A_849, %dma_start3A_858] : memref<16x64xf32, #tpu.memory_space<vmem>> -> memref<1x64xf32, #tpu.memory_space<vmem>>
              %dma_start3A_860 = tpu.memref_squeeze %dma_start3A_859 : memref<1x64xf32, #tpu.memory_space<vmem>> -> memref<64xf32, #tpu.memory_space<vmem>>
              tpu.enqueue_dma source(%dma_start3A_860 : memref<64xf32, #tpu.memory_space<vmem>>) target(%dma_start3A_857 : memref<64xf32, #tpu.memory_space<hbm>>) target_semaphore(%dma_start3A_856 : memref<!tpu.dma_semaphore, #tpu.memory_space<semaphore_mem>>)
              %dma_wait3A_861 = arith.constant 0 : i32
              %dma_wait3A_862 = arith.constant 0 : i32
              %dma_wait3A_863 = arith.constant 0 : i32
              %dma_wait3A_864 = tpu.memref_slice %arg10[%dma_wait3A_861, %dma_wait3A_863] : memref<16x64xf32, #tpu.memory_space<vmem>> -> memref<1x64xf32, #tpu.memory_space<vmem>>
              %dma_wait3A_865 = tpu.memref_squeeze %dma_wait3A_864 : memref<1x64xf32, #tpu.memory_space<vmem>> -> memref<64xf32, #tpu.memory_space<vmem>>
              %dma_wait3A_866 = arith.constant 0 : i32
              %dma_wait3A_867 = tpu.memref_slice %arg4[%dma_wait3A_866] : memref<1048576xf32, #tpu.memory_space<hbm>> -> memref<64xf32, #tpu.memory_space<hbm>>
              %dma_wait3A_868 = tpu.memref_slice %arg16[%dma_wait3A_862] : memref<16x!tpu.dma_semaphore, #tpu.memory_space<semaphore_mem>> -> memref<1x!tpu.dma_semaphore, #tpu.memory_space<semaphore_mem>>
              %dma_wait3A_869 = tpu.memref_squeeze %dma_wait3A_868 : memref<1x!tpu.dma_semaphore, #tpu.memory_space<semaphore_mem>> -> memref<!tpu.dma_semaphore, #tpu.memory_space<semaphore_mem>>
              %dma_wait3A_870 = arith.constant 0 : i32
              %dma_wait3A_871 = tpu.memref_slice %arg4[%dma_wait3A_870] : memref<1048576xf32, #tpu.memory_space<hbm>> -> memref<64xf32, #tpu.memory_space<hbm>>
              %dma_wait3A_872 = arith.constant 0 : i32
              %dma_wait3A_873 = tpu.memref_slice %arg10[%dma_wait3A_861, %dma_wait3A_872] : memref<16x64xf32, #tpu.memory_space<vmem>> -> memref<1x64xf32, #tpu.memory_space<vmem>>
              %dma_wait3A_874 = tpu.memref_squeeze %dma_wait3A_873 : memref<1x64xf32, #tpu.memory_space<vmem>> -> memref<64xf32, #tpu.memory_space<vmem>>
              tpu.wait_dma2 semaphore(%dma_wait3A_869 : memref<!tpu.dma_semaphore, #tpu.memory_space<semaphore_mem>>) src(%dma_wait3A_874 : memref<64xf32, #tpu.memory_space<vmem>>) dst(%dma_wait3A_871 : memref<64xf32, #tpu.memory_space<hbm>>)
            } else {
            }
          }
          %while3A_712 = arith.constant 1 : i32
          scf.for %while3A_713 = %while3A_710 to %while3A_706 step %while3A_712  : i32 {
            %broadcast_in_dim3A_714 = vector.broadcast %while3A_713 : i32 to vector<16xi32>
            %lt3A_715 = arith.constant 0 : i32
            %lt3A_716 = vector.broadcast %lt3A_715 : i32 to vector<16xi32>
            %lt3A_717 = arith.cmpi slt, %broadcast_in_dim3A_714, %lt3A_716 : vector<16xi32>
            %add3A_718 = arith.constant 16 : i32
            %add3A_719 = vector.broadcast %add3A_718 : i32 to vector<16xi32>
            %add3A_720 = arith.addi %broadcast_in_dim3A_714, %add3A_719 : vector<16xi32>
            %select_n3A_721 = arith.select %lt3A_717, %add3A_720, %broadcast_in_dim3A_714 : vector<16xi1>, vector<16xi32>
            %reshape3A_722 = vector.shape_cast %select_n3A_721 : vector<16xi32> to vector<16x1xi32>
            %gather3A_723 = vector.shape_cast %reshape3A_722 : vector<16x1xi32> to vector<16xi32>
            %gather3A_724 = tpu.dynamic_gather %get3A_700[%gather3A_723] in [0] : vector<16xi32>, vector<16xi32> -> vector<16xi32>
            %slice3A_725 = vector.extract_strided_slice %gather3A_724 {offsets = [0], sizes = [1], strides = [1]} : vector<16xi32> to vector<1xi32>
            %squeeze3A_726 = vector.extract %slice3A_725[0] : i32 from vector<1xi32>
            %shift_right_arithmetic3A_727 = arith.constant 12 : i32
            %shift_right_arithmetic3A_728 = arith.shrsi %squeeze3A_726, %shift_right_arithmetic3A_727 : i32
            %get3A_729 = arith.index_cast %shift_right_arithmetic3A_728 : i32 to index
            %get3A_730 = memref.load %arg14[%get3A_729] : memref<258xi32, #tpu.memory_space<smem>>
            %add3A_731 = arith.constant 1 : i32
            %add3A_732 = arith.addi %get3A_730, %add3A_731 : i32
            %swap3A_733 = arith.index_cast %shift_right_arithmetic3A_728 : i32 to index
            %swap3A_734 = memref.load %arg14[%swap3A_733] : memref<258xi32, #tpu.memory_space<smem>>
            memref.store %add3A_732, %arg14[%swap3A_733] : memref<258xi32, #tpu.memory_space<smem>>
            %ge3A = arith.constant 700 : i32
            %ge3A_735 = arith.cmpi sge, %get3A_730, %ge3A : i32
            %convert_element_type3A_736 = arith.extui %ge3A_735 : i1 to i32
            %cond3A_737 = arith.constant 0 : i32
            %cond3A_738 = arith.cmpi ne, %convert_element_type3A_736, %cond3A_737 : i32
            scf.if %cond3A_738 {
              %shift_right_arithmetic3A_739 = arith.constant 7 : i32
              %shift_right_arithmetic3A_740 = arith.shrsi %squeeze3A_726, %shift_right_arithmetic3A_739 : i32
              %shift_left3A_741 = arith.constant 7 : i32
              %shift_left3A_742 = arith.shli %shift_right_arithmetic3A_740, %shift_left3A_741 : i32
              %multiple_of3A_743 = tpu.assume_multiple %shift_left3A_742, 128 : i32
              %dma_start3A_744 = arith.constant 0 : i32
              %dma_start3A_745 = arith.constant 0 : i32
              %dma_start3A_746 = arith.constant 0 : i32
              %dma_start3A_747 = arith.constant 0 : i32
              %dma_start3A_748 = tpu.memref_slice %arg9[%dma_start3A_744, %dma_start3A_746, %dma_start3A_747] : memref<8x64x128xf32, #tpu.memory_space<vmem>> -> memref<1x64x128xf32, #tpu.memory_space<vmem>>
              %dma_start3A_749 = tpu.memref_squeeze %dma_start3A_748 : memref<1x64x128xf32, #tpu.memory_space<vmem>> -> memref<64x128xf32, #tpu.memory_space<vmem>>
              %dma_start3A_750 = arith.constant 0 : i32
              %dma_start3A_751 = tpu.memref_slice %arg3[%dma_start3A_750, %multiple_of3A_743] : memref<64x1000000xf32, #tpu.memory_space<hbm>> -> memref<64x128xf32, #tpu.memory_space<hbm>>
              %dma_start3A_752 = tpu.memref_slice %arg15[%dma_start3A_745] : memref<8x!tpu.dma_semaphore, #tpu.memory_space<semaphore_mem>> -> memref<1x!tpu.dma_semaphore, #tpu.memory_space<semaphore_mem>>
              %dma_start3A_753 = tpu.memref_squeeze %dma_start3A_752 : memref<1x!tpu.dma_semaphore, #tpu.memory_space<semaphore_mem>> -> memref<!tpu.dma_semaphore, #tpu.memory_space<semaphore_mem>>
              %dma_start3A_754 = arith.constant 0 : i32
              %dma_start3A_755 = arith.constant 0 : i32
              %dma_start3A_756 = tpu.memref_slice %arg9[%dma_start3A_744, %dma_start3A_754, %dma_start3A_755] : memref<8x64x128xf32, #tpu.memory_space<vmem>> -> memref<1x64x128xf32, #tpu.memory_space<vmem>>
              %dma_start3A_757 = tpu.memref_squeeze %dma_start3A_756 : memref<1x64x128xf32, #tpu.memory_space<vmem>> -> memref<64x128xf32, #tpu.memory_space<vmem>>
              %dma_start3A_758 = arith.constant 0 : i32
              %dma_start3A_759 = tpu.memref_slice %arg3[%dma_start3A_758, %multiple_of3A_743] : memref<64x1000000xf32, #tpu.memory_space<hbm>> -> memref<64x128xf32, #tpu.memory_space<hbm>>
              tpu.enqueue_dma source(%dma_start3A_759 : memref<64x128xf32, #tpu.memory_space<hbm>>) target(%dma_start3A_757 : memref<64x128xf32, #tpu.memory_space<vmem>>) target_semaphore(%dma_start3A_753 : memref<!tpu.dma_semaphore, #tpu.memory_space<semaphore_mem>>)
              %dma_wait3A = arith.constant 0 : i32
              %dma_wait3A_760 = arith.constant 0 : i32
              %dma_wait3A_761 = arith.constant 0 : i32
              %dma_wait3A_762 = arith.constant 0 : i32
              %dma_wait3A_763 = tpu.memref_slice %arg9[%dma_wait3A, %dma_wait3A_761, %dma_wait3A_762] : memref<8x64x128xf32, #tpu.memory_space<vmem>> -> memref<1x64x128xf32, #tpu.memory_space<vmem>>
              %dma_wait3A_764 = tpu.memref_squeeze %dma_wait3A_763 : memref<1x64x128xf32, #tpu.memory_space<vmem>> -> memref<64x128xf32, #tpu.memory_space<vmem>>
              %dma_wait3A_765 = arith.constant 0 : i32
              %dma_wait3A_766 = tpu.memref_slice %arg3[%dma_wait3A_765, %multiple_of3A_743] : memref<64x1000000xf32, #tpu.memory_space<hbm>> -> memref<64x128xf32, #tpu.memory_space<hbm>>
              %dma_wait3A_767 = tpu.memref_slice %arg15[%dma_wait3A_760] : memref<8x!tpu.dma_semaphore, #tpu.memory_space<semaphore_mem>> -> memref<1x!tpu.dma_semaphore, #tpu.memory_space<semaphore_mem>>
              %dma_wait3A_768 = tpu.memref_squeeze %dma_wait3A_767 : memref<1x!tpu.dma_semaphore, #tpu.memory_space<semaphore_mem>> -> memref<!tpu.dma_semaphore, #tpu.memory_space<semaphore_mem>>
              %dma_wait3A_769 = arith.constant 0 : i32
              %dma_wait3A_770 = arith.constant 0 : i32
              %dma_wait3A_771 = tpu.memref_slice %arg9[%dma_wait3A, %dma_wait3A_769, %dma_wait3A_770] : memref<8x64x128xf32, #tpu.memory_space<vmem>> -> memref<1x64x128xf32, #tpu.memory_space<vmem>>
              %dma_wait3A_772 = tpu.memref_squeeze %dma_wait3A_771 : memref<1x64x128xf32, #tpu.memory_space<vmem>> -> memref<64x128xf32, #tpu.memory_space<vmem>>
              %dma_wait3A_773 = arith.constant 0 : i32
              %dma_wait3A_774 = tpu.memref_slice %arg3[%dma_wait3A_773, %multiple_of3A_743] : memref<64x1000000xf32, #tpu.memory_space<hbm>> -> memref<64x128xf32, #tpu.memory_space<hbm>>
              tpu.wait_dma2 semaphore(%dma_wait3A_768 : memref<!tpu.dma_semaphore, #tpu.memory_space<semaphore_mem>>) src(%dma_wait3A_774 : memref<64x128xf32, #tpu.memory_space<hbm>>) dst(%dma_wait3A_772 : memref<64x128xf32, #tpu.memory_space<vmem>>)
              %and3A_775 = arith.constant 127 : i32
              %and3A_776 = arith.andi %squeeze3A_726, %and3A_775 : i32
              %broadcast_in_dim3A_777 = vector.broadcast %and3A_776 : i32 to vector<16xi32>
              %iota3A_778 = tpu.iota {dimensions = array<i32: 0>} : vector<16xi32>
              %add3A_779 = arith.constant 0 : i32
              %add3A_780 = vector.broadcast %add3A_779 : i32 to vector<16xi32>
              %add3A_781 = arith.addi %iota3A_778, %add3A_780 : vector<16xi32>
              %gather3A_782 = arith.constant 0 : i32
              %gather3A_783 = arith.constant 0 : i32
              %gather3A_784 = arith.constant 0 : i32
              %gather3A_785 = tpu.memref_slice %arg9[%gather3A_782, %gather3A_783, %gather3A_784] : memref<8x64x128xf32, #tpu.memory_space<vmem>> -> memref<1x64x128xf32, #tpu.memory_space<vmem>>
              %gather3A_786 = tpu.memref_squeeze %gather3A_785 : memref<1x64x128xf32, #tpu.memory_space<vmem>> -> memref<64x128xf32, #tpu.memory_space<vmem>>
              %gather3A_787 = tpu.vector_load_idx %gather3A_786[%add3A_781, %broadcast_in_dim3A_777] : memref<64x128xf32, #tpu.memory_space<vmem>>[vector<16xi32>, vector<16xi32>], vector<16xf32>,
              %swap3A_788 = arith.constant 0 : i32
              %swap3A_789 = arith.index_cast %swap3A_788 : i32 to index
              %swap3A_790 = arith.constant 0 : index
              %swap3A_791 = tpu.vector_load %arg10[%swap3A_789, %swap3A_790] {strides = array<i32>} : memref<16x64xf32, #tpu.memory_space<vmem>>, vector<16xf32>,
              tpu.vector_store %arg10[%swap3A_789, %swap3A_790], %gather3A_787 {strides = array<i32>} : memref<16x64xf32, #tpu.memory_space<vmem>>, vector<16xf32>,
              %iota3A_792 = tpu.iota {dimensions = array<i32: 0>} : vector<16xi32>
              %add3A_793 = arith.constant 16 : i32
              %add3A_794 = vector.broadcast %add3A_793 : i32 to vector<16xi32>
              %add3A_795 = arith.addi %iota3A_792, %add3A_794 : vector<16xi32>
              %gather3A_796 = arith.constant 0 : i32
              %gather3A_797 = arith.constant 0 : i32
              %gather3A_798 = arith.constant 0 : i32
              %gather3A_799 = tpu.memref_slice %arg9[%gather3A_796, %gather3A_797, %gather3A_798] : memref<8x64x128xf32, #tpu.memory_space<vmem>> -> memref<1x64x128xf32, #tpu.memory_space<vmem>>
              %gather3A_800 = tpu.memref_squeeze %gather3A_799 : memref<1x64x128xf32, #tpu.memory_space<vmem>> -> memref<64x128xf32, #tpu.memory_space<vmem>>
              %gather3A_801 = tpu.vector_load_idx %gather3A_800[%add3A_795, %broadcast_in_dim3A_777] : memref<64x128xf32, #tpu.memory_space<vmem>>[vector<16xi32>, vector<16xi32>], vector<16xf32>,
              %swap3A_802 = arith.constant 0 : i32
              %swap3A_803 = arith.index_cast %swap3A_802 : i32 to index
              %swap3A_804 = arith.constant 16 : index
              %swap3A_805 = tpu.vector_load %arg10[%swap3A_803, %swap3A_804] {strides = array<i32>} : memref<16x64xf32, #tpu.memory_space<vmem>>, vector<16xf32>,
              tpu.vector_store %arg10[%swap3A_803, %swap3A_804], %gather3A_801 {strides = array<i32>} : memref<16x64xf32, #tpu.memory_space<vmem>>, vector<16xf32>,
              %iota3A_806 = tpu.iota {dimensions = array<i32: 0>} : vector<16xi32>
              %add3A_807 = arith.constant 32 : i32
              %add3A_808 = vector.broadcast %add3A_807 : i32 to vector<16xi32>
              %add3A_809 = arith.addi %iota3A_806, %add3A_808 : vector<16xi32>
              %gather3A_810 = arith.constant 0 : i32
              %gather3A_811 = arith.constant 0 : i32
              %gather3A_812 = arith.constant 0 : i32
              %gather3A_813 = tpu.memref_slice %arg9[%gather3A_810, %gather3A_811, %gather3A_812] : memref<8x64x128xf32, #tpu.memory_space<vmem>> -> memref<1x64x128xf32, #tpu.memory_space<vmem>>
              %gather3A_814 = tpu.memref_squeeze %gather3A_813 : memref<1x64x128xf32, #tpu.memory_space<vmem>> -> memref<64x128xf32, #tpu.memory_space<vmem>>
              %gather3A_815 = tpu.vector_load_idx %gather3A_814[%add3A_809, %broadcast_in_dim3A_777] : memref<64x128xf32, #tpu.memory_space<vmem>>[vector<16xi32>, vector<16xi32>], vector<16xf32>,
              %swap3A_816 = arith.constant 0 : i32
              %swap3A_817 = arith.index_cast %swap3A_816 : i32 to index
              %swap3A_818 = arith.constant 32 : index
              %swap3A_819 = tpu.vector_load %arg10[%swap3A_817, %swap3A_818] {strides = array<i32>} : memref<16x64xf32, #tpu.memory_space<vmem>>, vector<16xf32>,
              tpu.vector_store %arg10[%swap3A_817, %swap3A_818], %gather3A_815 {strides = array<i32>} : memref<16x64xf32, #tpu.memory_space<vmem>>, vector<16xf32>,
              %iota3A_820 = tpu.iota {dimensions = array<i32: 0>} : vector<16xi32>
              %add3A_821 = arith.constant 48 : i32
              %add3A_822 = vector.broadcast %add3A_821 : i32 to vector<16xi32>
              %add3A_823 = arith.addi %iota3A_820, %add3A_822 : vector<16xi32>
              %gather3A_824 = arith.constant 0 : i32
              %gather3A_825 = arith.constant 0 : i32
              %gather3A_826 = arith.constant 0 : i32
              %gather3A_827 = tpu.memref_slice %arg9[%gather3A_824, %gather3A_825, %gather3A_826] : memref<8x64x128xf32, #tpu.memory_space<vmem>> -> memref<1x64x128xf32, #tpu.memory_space<vmem>>
              %gather3A_828 = tpu.memref_squeeze %gather3A_827 : memref<1x64x128xf32, #tpu.memory_space<vmem>> -> memref<64x128xf32, #tpu.memory_space<vmem>>
              %gather3A_829 = tpu.vector_load_idx %gather3A_828[%add3A_823, %broadcast_in_dim3A_777] : memref<64x128xf32, #tpu.memory_space<vmem>>[vector<16xi32>, vector<16xi32>], vector<16xf32>,
              %swap3A_830 = arith.constant 0 : i32
              %swap3A_831 = arith.index_cast %swap3A_830 : i32 to index
              %swap3A_832 = arith.constant 48 : index
              %swap3A_833 = tpu.vector_load %arg10[%swap3A_831, %swap3A_832] {strides = array<i32>} : memref<16x64xf32, #tpu.memory_space<vmem>>, vector<16xf32>,
              tpu.vector_store %arg10[%swap3A_831, %swap3A_832], %gather3A_829 {strides = array<i32>} : memref<16x64xf32, #tpu.memory_space<vmem>>, vector<16xf32>,
              %broadcast_in_dim3A_834 = vector.broadcast %while3A_713 : i32 to vector<16xi32>
              %lt3A_835 = arith.constant 0 : i32
              %lt3A_836 = vector.broadcast %lt3A_835 : i32 to vector<16xi32>
              %lt3A_837 = arith.cmpi slt, %broadcast_in_dim3A_834, %lt3A_836 : vector<16xi32>
              %add3A_838 = arith.constant 16 : i32
              %add3A_839 = vector.broadcast %add3A_838 : i32 to vector<16xi32>
              %add3A_840 = arith.addi %broadcast_in_dim3A_834, %add3A_839 : vector<16xi32>
              %select_n3A_841 = arith.select %lt3A_837, %add3A_840, %broadcast_in_dim3A_834 : vector<16xi1>, vector<16xi32>
              %reshape3A_842 = vector.shape_cast %select_n3A_841 : vector<16xi32> to vector<16x1xi32>
              %gather3A_843 = vector.shape_cast %reshape3A_842 : vector<16x1xi32> to vector<16xi32>
              %gather3A_844 = tpu.dynamic_gather %get3A_702[%gather3A_843] in [0] : vector<16xi32>, vector<16xi32> -> vector<16xi32>
              %slice3A_845 = vector.extract_strided_slice %gather3A_844 {offsets = [0], sizes = [1], strides = [1]} : vector<16xi32> to vector<1xi32>
              %squeeze3A_846 = vector.extract %slice3A_845[0] : i32 from vector<1xi32>
              %mul3A_847 = arith.constant 64 : i32
              %mul3A_848 = arith.muli %squeeze3A_846, %mul3A_847 : i32
              %dma_start3A_849 = arith.constant 0 : i32
              %dma_start3A_850 = arith.constant 0 : i32
              %dma_start3A_851 = arith.constant 0 : i32
              %dma_start3A_852 = tpu.memref_slice %arg10[%dma_start3A_849, %dma_start3A_851] : memref<16x64xf32, #tpu.memory_space<vmem>> -> memref<1x64xf32, #tpu.memory_space<vmem>>
              %dma_start3A_853 = tpu.memref_squeeze %dma_start3A_852 : memref<1x64xf32, #tpu.memory_space<vmem>> -> memref<64xf32, #tpu.memory_space<vmem>>
              %dma_start3A_854 = tpu.memref_slice %arg4[%mul3A_848] : memref<1048576xf32, #tpu.memory_space<hbm>> -> memref<64xf32, #tpu.memory_space<hbm>>
              %dma_start3A_855 = tpu.memref_slice %arg16[%dma_start3A_850] : memref<16x!tpu.dma_semaphore, #tpu.memory_space<semaphore_mem>> -> memref<1x!tpu.dma_semaphore, #tpu.memory_space<semaphore_mem>>
              %dma_start3A_856 = tpu.memref_squeeze %dma_start3A_855 : memref<1x!tpu.dma_semaphore, #tpu.memory_space<semaphore_mem>> -> memref<!tpu.dma_semaphore, #tpu.memory_space<semaphore_mem>>
              %dma_start3A_857 = tpu.memref_slice %arg4[%mul3A_848] : memref<1048576xf32, #tpu.memory_space<hbm>> -> memref<64xf32, #tpu.memory_space<hbm>>
              %dma_start3A_858 = arith.constant 0 : i32
              %dma_start3A_859 = tpu.memref_slice %arg10[%dma_start3A_849, %dma_start3A_858] : memref<16x64xf32, #tpu.memory_space<vmem>> -> memref<1x64xf32, #tpu.memory_space<vmem>>
              %dma_start3A_860 = tpu.memref_squeeze %dma_start3A_859 : memref<1x64xf32, #tpu.memory_space<vmem>> -> memref<64xf32, #tpu.memory_space<vmem>>
              tpu.enqueue_dma source(%dma_start3A_860 : memref<64xf32, #tpu.memory_space<vmem>>) target(%dma_start3A_857 : memref<64xf32, #tpu.memory_space<hbm>>) target_semaphore(%dma_start3A_856 : memref<!tpu.dma_semaphore, #tpu.memory_space<semaphore_mem>>)
              %dma_wait3A_861 = arith.constant 0 : i32
              %dma_wait3A_862 = arith.constant 0 : i32
              %dma_wait3A_863 = arith.constant 0 : i32
              %dma_wait3A_864 = tpu.memref_slice %arg10[%dma_wait3A_861, %dma_wait3A_863] : memref<16x64xf32, #tpu.memory_space<vmem>> -> memref<1x64xf32, #tpu.memory_space<vmem>>
              %dma_wait3A_865 = tpu.memref_squeeze %dma_wait3A_864 : memref<1x64xf32, #tpu.memory_space<vmem>> -> memref<64xf32, #tpu.memory_space<vmem>>
              %dma_wait3A_866 = arith.constant 0 : i32
              %dma_wait3A_867 = tpu.memref_slice %arg4[%dma_wait3A_866] : memref<1048576xf32, #tpu.memory_space<hbm>> -> memref<64xf32, #tpu.memory_space<hbm>>
              %dma_wait3A_868 = tpu.memref_slice %arg16[%dma_wait3A_862] : memref<16x!tpu.dma_semaphore, #tpu.memory_space<semaphore_mem>> -> memref<1x!tpu.dma_semaphore, #tpu.memory_space<semaphore_mem>>
              %dma_wait3A_869 = tpu.memref_squeeze %dma_wait3A_868 : memref<1x!tpu.dma_semaphore, #tpu.memory_space<semaphore_mem>> -> memref<!tpu.dma_semaphore, #tpu.memory_space<semaphore_mem>>
              %dma_wait3A_870 = arith.constant 0 : i32
              %dma_wait3A_871 = tpu.memref_slice %arg4[%dma_wait3A_870] : memref<1048576xf32, #tpu.memory_space<hbm>> -> memref<64xf32, #tpu.memory_space<hbm>>
              %dma_wait3A_872 = arith.constant 0 : i32
              %dma_wait3A_873 = tpu.memref_slice %arg10[%dma_wait3A_861, %dma_wait3A_872] : memref<16x64xf32, #tpu.memory_space<vmem>> -> memref<1x64xf32, #tpu.memory_space<vmem>>
              %dma_wait3A_874 = tpu.memref_squeeze %dma_wait3A_873 : memref<1x64xf32, #tpu.memory_space<vmem>> -> memref<64xf32, #tpu.memory_space<vmem>>
              tpu.wait_dma2 semaphore(%dma_wait3A_869 : memref<!tpu.dma_semaphore, #tpu.memory_space<semaphore_mem>>) src(%dma_wait3A_874 : memref<64xf32, #tpu.memory_space<vmem>>) dst(%dma_wait3A_871 : memref<64xf32, #tpu.memory_space<hbm>>)
            } else {
            }
          }
        } else {
        }
      }
      %scan3A_661 = arith.constant 1024 : i32
    } else {
    }
    return
  }
}

</mosaic_0001>

<sc_bundles>
// kernel: kernel.3.cloned.1.call-start
scs
__scs_entry_jumppad:
0x0: {  	(pc) =	sbr.rel $0x88, $3  }
0x1: {  	(tag) =	ssettag $0x0;
	lr =	simm.s32 $0x1  }
0x2: {  	[smem:$0x3F9F] =	sst lr;
	_ =	strace $0xD0000000  }
0x3: {  	_ = 	snop  }
0x4: {  	_ = 	snop  }
0x5: {  	_ = 	snop  }
0x6: {  	_ = 	snop  }
0x7: {  	_ = 	snop  }
__scs_overlays_trampoline_lowered:
0x8: {  	[smem:$0x3FAE] =	sst s0  }
0x9: {  	[smem:$0x3FAF] =	sst s1  }
0xa: {  	[smem:$0x3FB0] =	sst s2  }
0xb: {  	[smem:$0x3FB1] =	sst s3  }
0xc: {  	[smem:$0x3FB2] =	sst s4  }
0xd: {  	[smem:$0x3FB3] =	sst s5  }
0xe: {  	[smem:$0x3FB4] =	sst s6  }
0xf: {  	[smem:$0x3FB5] =	sst s7  }
0x10: {  	[smem:$0x3FB6] =	sst s8  }
0x11: {  	[smem:$0x3FB7] =	sst s9;
	s0 =	simm.s32 @!p0 $0x0  }
0x12: {  	s1 =	sld [smem:$0x3F9D];
	s0 =	simm.s32 @p0 $0x1  }
0x13: {  	[smem:$0x3FB8] =	sst s0;
	s0 =	simm.s32 @!p1 $0x0  }
0x14: {  	s2 =	sld [smem:$0x3F9C];
	s0 =	simm.s32 @p1 $0x1  }
0x15: {  	[smem:$0x3FB9] =	sst s0;
	s0 =	simm.s32 @!p2 $0x0  }
0x16: {  	s3 =	sld [smem:$0x3FDB];
	s0 =	simm.s32 @p2 $0x1  }
0x17: {  	s4 =	simm.s32 $0x1BF5;
	[smem:$0x3FBB] =	sst s0  }
0x18: {  	s0 =	sld [smem:$0x3F9E];
	_ =	swait.ge [sflag:s4], $0x0  }
0x19: {  	s7 =	sld [smem:$0x3F9F]  }
0x1a: {  	s8 =	sadd.s32 $0xFFFFE003, lr  }
0x1b: {  	s9 =	sadd.s32 $0xFFFFFEF7, lr;
	s5 =	simm.s32 $0xFFFFFFFF;
	p2 =	slt.u32 s8, $0xFFFFF086  }
0x1c: {  	p1 =	slt.u32 s9, $0xF7A;
	s5 =	simm.s32 @!p2 $0x0  }
0x1d: {  	s5 =	simm.s32 @p1 $0x1;
	p0 =	seq.s32 s7, s2  }
0x1e: {  	s7 =	smul.u32 @!p0 $0xF7A, s2;
	p2 =	seq.s32 @!p0 s5, $0x0  }
0x1f: {  	s9 =	smul.u32 $0xF7A, s1;
	s8 =	simm.s32 @!p0 $0x1BF5;
	p2 =	por !p2, p0  }
0x20: {  	[sflag:s8] =	ssyncset.s32 @!p0 $0xFFFFF086;
	s6 =	sadd.s32 @!p0 s3, s7;
	s7 =	simm.s32 @!p0 $0x108  }
0x21: {  	s3 =	sadd.s32 s3, s9;
	s6 =	sadd.s32 @!p0 $0x88, s6;
	s7 =	simm.s32 @p2 $0x1082  }
0x22: {  	[simem:s7], [sflag:s8] =	dma.local @!p0 [hbm:s6], $0xF7A  }
0x23: {  	s9 =	sor.u32 $0xD0000000, s2;
	s6 =	simm.s32 $0x108;
	_ =	swait.ge @!p0 [sflag:s8], $0x0  }
0x24: {  	s3 =	sadd.s32 $0x88, s3;
	s6 =	simm.s32 @!p1 $0x1082;
	[sflag:s4] =	ssyncset.s32 $0xFFFFF086  }
0x25: {  	[simem:s6], [sflag:s4] =	dma.local [hbm:s3], $0xF7A  }
0x26: {  	[smem:$0x3F9F] =	sst s1;
	(tag) =	ssettag s2;
	_ =	strace s9  }
0x27: {  	s1 =	sld [smem:$0x3FAF]  }
0x28: {  	s2 =	sld [smem:$0x3FB0]  }
0x29: {  	s4 =	sld [smem:$0x3FB2]  }
0x2a: {  	p0 =	seq.s32 s5, $0x0;
	s5 =	sld [smem:$0x3FB3]  }
0x2b: {  	s6 =	sld [smem:$0x3FB4]  }
0x2c: {  	s7 =	sld [smem:$0x3FB5]  }
0x2d: {  	s3 =	simm.s32 $0x108;
	s8 =	sld [smem:$0x3FB6]  }
0x2e: {  	s3 =	simm.s32 @!p0 $0x1082;
	s9 =	sld [smem:$0x3FB7]  }
0x2f: {  	lr =	sadd.s32 s0, s3;
	s0 =	sld [smem:$0x3FAE]  }
0x30: {  	s3 =	sld [smem:$0x3FB1]  }
0x31: {  	[smem:$0x3FBA] =	sst s10  }
0x32: {  	s10 =	sld [smem:$0x3FB8];
	_ =	sdelay $0x3  }
0x33: {  	p0 =	seq.s32 s10, $0x1;
	s10 =	sld [smem:$0x3FBA];
	_ =	sdelay $0x3  }
0x34: {  	[smem:$0x3FBA] =	sst s10  }
0x35: {  	s10 =	sld [smem:$0x3FB9];
	_ =	sdelay $0x3  }
0x36: {  	p1 =	seq.s32 s10, $0x1;
	s10 =	sld [smem:$0x3FBA];
	_ =	sdelay $0x3  }
0x37: {  	[smem:$0x3FBA] =	sst s10  }
0x38: {  	s10 =	sld [smem:$0x3FBB]  }
0x39: {  	_ = 	snop;
	(pc) =	sbr.ind lr, $3  }
0x3a: {  	_ = 	snop  }
0x3b: {  	_ = 	snop  }
0x3c: {  	p2 =	seq.s32 s10, $0x1;
	s10 =	sld [smem:$0x3FBA]  }
0x3d: {  	_ =	shalt  }
0x3e: {  	_ =	shalt  }
0x3f: {  	_ =	shalt  }
0x40: {  	_ =	shalt  }
0x41: {  	_ =	shalt  }
0x42: {  	_ =	shalt  }
0x43: {  	_ =	shalt  }
0x44: {  	_ =	shalt  }
0x45: {  	_ =	shalt  }
0x46: {  	_ =	shalt  }
0x47: {  	_ =	shalt  }
0x48: {  	_ =	shalt  }
0x49: {  	_ =	shalt  }
0x4a: {  	_ =	shalt  }
0x4b: {  	_ =	shalt  }
0x4c: {  	_ =	shalt  }
0x4d: {  	_ =	shalt  }
0x4e: {  	_ =	shalt  }
0x4f: {  	_ =	shalt  }
0x50: {  	_ =	shalt  }
0x51: {  	_ =	shalt  }
0x52: {  	_ =	shalt  }
0x53: {  	_ =	shalt  }
0x54: {  	_ =	shalt  }
0x55: {  	_ =	shalt  }
0x56: {  	_ =	shalt  }
0x57: {  	_ =	shalt  }
0x58: {  	_ =	shalt  }
0x59: {  	_ =	shalt  }
0x5a: {  	_ =	shalt  }
0x5b: {  	_ =	shalt  }
0x5c: {  	_ =	shalt  }
0x5d: {  	_ =	shalt  }
0x5e: {  	_ =	shalt  }
0x5f: {  	_ =	shalt  }
0x60: {  	_ =	shalt  }
0x61: {  	_ =	shalt  }
0x62: {  	_ =	shalt  }
0x63: {  	_ =	shalt  }
0x64: {  	_ =	shalt  }
0x65: {  	_ =	shalt  }
0x66: {  	_ =	shalt  }
0x67: {  	_ =	shalt  }
0x68: {  	_ =	shalt  }
0x69: {  	_ =	shalt  }
0x6a: {  	_ =	shalt  }
0x6b: {  	_ =	shalt  }
0x6c: {  	_ =	shalt  }
0x6d: {  	_ =	shalt  }
0x6e: {  	_ =	shalt  }
0x6f: {  	_ =	shalt  }
0x70: {  	_ =	shalt  }
0x71: {  	_ =	shalt  }
0x72: {  	_ =	shalt  }
0x73: {  	_ =	shalt  }
0x74: {  	_ =	shalt  }
0x75: {  	_ =	shalt  }
0x76: {  	_ =	shalt  }
0x77: {  	_ =	shalt  }
0x78: {  	_ =	shalt  }
0x79: {  	_ =	shalt  }
0x7a: {  	_ =	shalt  }
0x7b: {  	_ =	shalt  }
0x7c: {  	_ =	shalt  }
0x7d: {  	_ =	shalt  }
0x7e: {  	_ =	shalt  }
0x7f: {  	_ =	shalt  }
0x80: {  	_ =	shalt  }
0x81: {  	_ =	shalt  }
0x82: {  	_ =	shalt  }
0x83: {  	_ =	shalt  }
0x84: {  	_ =	shalt  }
0x85: {  	_ =	shalt  }
0x86: {  	_ =	shalt  }
0x87: {  	_ =	shalt  }
.Lfunc_end0:
.L_simem_size_0:
called_computation_lowered:
.L_overlay_start_0:
0x88: {  	s2 =	sld [smem:$0x3FD9]  }
0x89: {  	s3 =	sld [smem:$0x3FFE];
	_ =	sdelay $0x1  }
0x8a: {  	s1 =	srdreg.scid  }
0x8b: {  	s0 =	sand.u32 $0x1, s1  }
0x8c: {  	s18 =	sshll.u32 s0, $0xA;
	s2 =	sadd.s32 s3, s2  }
0x8d: {  	s2 =	sadd.s32 s2, s18  }
0x8e: {  	[smem:$0x3FC6] =	sst s2  }
0x8f: {  	_ = 	snop  }
0x90: {  	s2 =	sld [smem:$0x3FC9]  }
0x91: {  	s19 =	sld [smem:$0x3FC8]  }
0x92: {  	s4 =	sld [smem:$0x3FD0];
	(tm) =	ssettm $0x1  }
0x93: {  	s5 =	sld [smem:$0x3FFB];
	_ =	sdelay $0x3  }
0x94: {  	_ =	strace s5  }
0x95: {  	s5 =	sld [smem:$0x3FFC];
	_ =	sdelay $0x3  }
0x96: {  	_ =	strace s5  }
0x97: {  	s5 =	sld [smem:$0x3FFD];
	_ =	sdelay $0x3  }
0x98: {  	_ =	strace s5  }
0x99: {  	_ =	strace $0x8FFFFFFF  }
0x9a: {  	s20 =	sld [smem:$0x3FDB];
	_ =	sdelay $0x1  }
0x9b: {  	s6 =	simm.s32 $_scs_section_size  }
0x9c: {  	s7 =	simm.s32 $_size__tile_overlayer_lowered;
	s8 =	simm.s32 $_tile_overlayer_lowered  }
0x9d: {  	s23 =	simm.s32 $0x1BFF;
	s22 =	sshll.u32 s8, $0x1;
	s5 =	sadd.s32 s6, s20  }
0x9e: {  	s9 =	simm.s32 $0x0;
	s21 =	sshll.u32 s7, $0x1;
	s7 =	sadd.s32 s22, s5  }
0x9f: {  	[timem:s9], [sflag:s23] =	dma.local [hbm:s7], s21  }
0xa0: {  	_ =	swait.ge [sflag:s23], s21  }
0xa1: {  	s6 =	ssub.s32 $0x0, s21;
	[sflag:s23] =	ssyncset.done $0x0  }
0xa2: {  	[sflag:s23] =	ssyncadd.s32 s6;
	_ =	sdelay $0x1  }
0xa3: {  	s24 =	simm.s32 $0x1B8B  }
0xa4: {  	_ =	swait.ge [sflag:s24], $0x1  }
0xa5: {  	[sflag:s24] =	ssyncset.done $0x0  }
0xa6: {  	s25 =	simm.s32 $0x1B8E;
	[sflag:s24] =	ssyncadd.s32 $0xFFFFFFFF  }
0xa7: {  	s26 =	simm.s32 $execute0_lowered;
	[smem:$0x3FD2] =	sst s25  }
0xa8: {  	s6 =	sshll.u32 s26, $0x1;
	_ =	strace $0x80000046;
	[dreg:$0x1] =	wrdreg $0xFFFFFFFF  }
0xa9: {  	s28 =	simm.s32 $_size_execute0_lowered;
	s5 =	sadd.s32 s5, s6;
	[dreg:$0x0] =	wrdreg $0x0  }
0xaa: {  	s6 =	sshll.u32 s28, $0x1;
	[dreg:$0x2] =	wrdreg s5  }
0xab: {  	[dreg:$0x3] =	wrdreg s6  }
0xac: {  	[dreg:$0x4] =	wrdreg $0xC0  }
0xad: {  	_ =	task [dreg:s9], $0x5FFFF  }
0xae: {  	[dreg:$0x1] =	wrdreg $0xFFFFFFFF  }
0xaf: {  	[dreg:$0x0] =	wrdreg $0x60  }
0xb0: {  	[dreg:$0x2] =	wrdreg s2  }
0xb1: {  	[dreg:$0x3] =	wrdreg s19  }
0xb2: {  	[dreg:$0x4] =	wrdreg s4  }
0xb3: {  	[dreg:$0x5] =	wrdreg $0x9  }
0xb4: {  	_ =	task.clear_ibuf [dreg:s9], $0x6FFFF;
	_ =	strace $0x90000046  }
0xb5: {  	s29 =	simm.s32 $0x9;
	_ =	strace $0x80000048  }
0xb6: {  	_ =	swait.ge [sflag:s29], $0x1  }
0xb7: {  	[sflag:s29] =	ssyncadd.s32 $0xFFFFFFFF  }
0xb8: {  	_ =	strace $0x90000048  }
0xb9: {  	_ =	sfence  }
0xba: {  	s30 =	sld [smem:$0x0];
	_ =	sdelay $0x2  }
0xbb: {  	s31 =	sshll.u32 s1, $0xD;
	s1 =	sshrl.u32 s1, $0x2  }
0xbc: {  	s3 =	sand.u32 $0x4000, s31;
	s1 =	sadd.s32 s1, s30  }
0xbd: {  	s0 =	sor.u32 s3, s0;
	s1 =	sshll.u32 s1, $0x11  }
0xbe: {  	s0 =	sor.u32 s1, s0  }
0xbf: {  	s0 =	sadd.s32 $0x8F2B, s0  }
0xc0: {  	[sflag:s0] =	ssyncadd.remote.s32 $0x1  }
0xc1: {  	_ =	sfence.sel $0xFFFF  }
0xc2: {  	[dreg:$0x0] =	wrdreg $0xFFFFFFFF;
	(pc) =	sbr.abs _section_cstart, $3  }
0xc3: {  	[dreg:$0x1] =	wrdreg $0xFFFFFFFF  }
0xc4: {  	_ =	task.clear_ibuf [dreg:s9], $0x2FFFF;
	_ =	strace $0x9FFFFFFF  }
0xc5: {  	(tm) =	ssettm $0x7FFFFFFF  }
tec
execute0_lowered:
.L_overlay_start_1:
0x0: {  	(tag) =	ssettag $0x1  }
0x1: {  	s3 =	rddreg [dreg:$0x1];
	s0 =	srdreg.scid  }
0x2: {  	s1 =	stileid.u32;
	s4 =	rddreg [dreg:$0x2]  }
0x3: {  	s5 =	simm.s32 $0x0;
	s0 =	sand.u32 $0x1, s0;
	s1 =	sshll.u32 s1, $0x1  }
0x4: {  	[smem:$0x7FF] =	sst s5;
	s6 =	sor.u32 s0, s1  }
0x5: {  	_ =	strace $0x80000047;
	s20 =	sor.u32 $0x120, s6;
	[dreg:$0x4] =	wrdreg s6  }
0x6: {  	s21 =	sor.u32 $0x140, s6;
	[dreg:$0xd] =	wrdreg s20  }
0x7: {  	s22 =	sor.u32 $0x160, s6;
	[dreg:$0xe] =	wrdreg s21  }
0x8: {  	s23 =	sor.u32 $0x180, s6;
	[dreg:$0xf] =	wrdreg s22  }
0x9: {  	s28 =	simm.s32 $0x8200;
	s24 =	sor.u32 $0x1A0, s6;
	[dreg:$0x10] =	wrdreg s23  }
0xa: {  	s29 =	simm.s32 $0xA200;
	s25 =	sor.u32 $0x1C0, s6;
	[dreg:$0x11] =	wrdreg s24  }
0xb: {  	s1 =	sshll.u32 s6, $0x7;
	s26 =	sor.u32 $0x1E0, s6;
	[dreg:$0x12] =	wrdreg s25  }
0xc: {  	s30 =	simm.s32 $0xC200;
	s1 =	sadd.s32 s3, s1;
	[dreg:$0x13] =	wrdreg s26  }
0xd: {  	s31 =	simm.s32 $0xE200;
	s14 =	sadd.s32 $0x1000, s1;
	[dreg:$0x5] =	wrdreg s1  }
0xe: {  	s8 =	simm.s32 $0x4000;
	s15 =	sadd.s32 $0x2000, s1;
	[dreg:$0x6] =	wrdreg s14  }
0xf: {  	s0 =	ssub.s32 $0x2, s0;
	s16 =	sadd.s32 $0x3000, s1;
	[dreg:$0x7] =	wrdreg s15  }
0x10: {  	s2 =	sshrl.u32 s0, $0x1;
	s17 =	sadd.s32 $0x4000, s1;
	[dreg:$0x8] =	wrdreg s16  }
0x11: {  	v0 =	vmov s6;
	s6 =	simm.s32 $0x0;
	s18 =	sadd.s32 $0x5000, s1;
	[dreg:$0x9] =	wrdreg s17  }
.Ltmp0:
0x12: {  	s19 =	sadd.s32 $0x6000, s1;
	[dreg:$0xa] =	wrdreg s18;
	(pc) =	sbr.rel .LBB2_1-.Ltmp0, $4  }
0x13: {  	s0 =	ssub.s32 s0, s2;
	s1 =	sadd.s32 $0x7000, s1;
	[dreg:$0xb] =	wrdreg s19  }
0x14: {  	s25 =	simm.s32 $0x4200;
	s0 =	smax.u32 s0, $0x1;
	[dreg:$0xc] =	wrdreg s1  }
0x15: {  	v1 =	vimm.s32 $0x0;
	s26 =	simm.s32 $0x6200;
	s2 =	simm.s32 $0x10200;
	[dreg:$0x14] =	wrdreg s0  }
0x16: {  	v2 =	vimm.s32 $0x1;
	v3 =	vimm.s32 $0xF;
	v4 =	vlaneseq.u32;
	s0 =	simm.s32 $0x12200;
	s17 =	simm.s32 $0x4100;
	s18 =	simm.s32 $0x4180  }
.LBB2_80:
0x17: {  	s6 =	rddreg [dreg:$0x15]  }
0x18: {  	s1 =	rddreg [dreg:$0x14];
	s6 =	sadd.s32 $0x1, s6  }
0x19: {  	p0 =	sne.s32 s6, s1  }
.Ltmp1:
0x1a: {  	_ = 	snop;
	(pc) =	sbr.rel @!p0 .LBB2_81-.Ltmp1, $1  }
0x1b: {  	_ =	sdelay $0x3  }
.LBB2_1:
0x1c: {  	[dreg:$0x15] =	wrdreg s6  }
0x1d: {  	s1 =	rddreg [dreg:$0x5];
	s13 =	simm.s32 $0x400;
	s7 =	simm.s32 $0x7A1400  }
0x1e: {  	[tilespmem:s25], [sflag:$0x1] =	stream.strided.gather [hbm4b:s1+s13], $0x2000, s7, s13, $0x38;
	[tilespmem:$0x14B80] =	vst v63  }
0x1f: {  	s14 =	rddreg [dreg:$0x6]  }
0x20: {  	[tilespmem:s26], [sflag:$0x2] =	stream.strided.gather [hbm4b:s14+s13], $0x2000, s7, s13, $0x38;
	[tilespmem:$0x14B80] =	vst v63  }
0x21: {  	s15 =	rddreg [dreg:$0x7]  }
0x22: {  	[tilespmem:s28], [sflag:$0x3] =	stream.strided.gather [hbm4b:s15+s13], $0x2000, s7, s13, $0x38;
	[tilespmem:$0x14B80] =	vst v63  }
0x23: {  	s16 =	rddreg [dreg:$0x8]  }
0x24: {  	[tilespmem:s29], [sflag:$0x4] =	stream.strided.gather [hbm4b:s16+s13], $0x2000, s7, s13, $0x38;
	[tilespmem:$0x14B80] =	vst v63  }
0x25: {  	s19 =	rddreg [dreg:$0x9]  }
0x26: {  	[tilespmem:s30], [sflag:$0x5] =	stream.strided.gather [hbm4b:s19+s13], $0x2000, s7, s13, $0x38;
	[tilespmem:$0x14B80] =	vst v63  }
0x27: {  	s20 =	rddreg [dreg:$0xa]  }
0x28: {  	[tilespmem:s31], [sflag:$0x6] =	stream.strided.gather [hbm4b:s20+s13], $0x2000, s7, s13, $0x38;
	[tilespmem:$0x14B80] =	vst v63  }
0x29: {  	s21 =	rddreg [dreg:$0xb]  }
0x2a: {  	[tilespmem:s2], [sflag:$0x7] =	stream.strided.gather [hbm4b:s21+s13], $0x2000, s7, s13, $0x38;
	[tilespmem:$0x14B80] =	vst v63  }
0x2b: {  	s22 =	rddreg [dreg:$0xc]  }
0x2c: {  	[tilespmem:s0], [sflag:$0x8] =	stream.strided.gather [hbm4b:s22+s13], $0x2000, s7, s13, $0x38;
	[tilespmem:$0x14B80] =	vst v63  }
0x2d: {  	s23 =	rddreg [dreg:$0x0];
	s24 =	simm.s32 $0x19  }
0x2e: {  	[tilespmem:s5], [sflag:$0x19] =	stream.linear.gather [hbm4b:s23+s5], $0x4000, $0x38;
	[tilespmem:$0x14B80] =	vst v63  }
0x2f: {  	_ =	swait.ge [sflag:s24], $0x4000  }
0x30: {  	[sflag:s24] =	ssyncset.done $0x0  }
0x31: {  	[sflag:s24] =	ssyncadd.s32 $0xFFFFC000  }
0x32: {  	[tilespmem:$0x4000] =	vst v1  }
0x33: {  	[tilespmem:$0x4010] =	vst v1  }
0x34: {  	[tilespmem:$0x4020] =	vst v1  }
0x35: {  	[tilespmem:$0x4030] =	vst v1  }
0x36: {  	[tilespmem:$0x4040] =	vst v1  }
0x37: {  	[tilespmem:$0x4050] =	vst v1  }
0x38: {  	[tilespmem:$0x4060] =	vst v1  }
0x39: {  	[tilespmem:$0x4070] =	vst v1  }
0x3a: {  	[tilespmem:$0x4080] =	vst v1  }
0x3b: {  	[tilespmem:$0x4090] =	vst v1  }
0x3c: {  	[tilespmem:$0x40A0] =	vst v1  }
0x3d: {  	[tilespmem:$0x40B0] =	vst v1  }
0x3e: {  	[tilespmem:$0x40C0] =	vst v1  }
0x3f: {  	[tilespmem:$0x40D0] =	vst v1  }
0x40: {  	[tilespmem:$0x40E0] =	vst v1  }
0x41: {  	s6 =	simm.s32 $0x0;
	[tilespmem:$0x40F0] =	vst v1  }
.LBB2_2:
0x42: {  	s7 =	sshra.s32 s6, $0x2  }
0x43: {  	v5 =	vld [tilespmem:s7+$0x0];
	_ =	sdelay $0x4  }
0x44: {  	v6 =	vshrl.u32 v5, $0x7  }
0x45: {  	v6 =	vand.u32 $0x1F, v6  }
0x46: {  	vm0 =	veq.s32 v6, v0  }
0x47: {  	v5 =	vshra.s32 v5, $0xC;
	_ =	sdelay $0x4  }
0x48: {  	[tilespmem:v5+s8+$0x0] =	vst.idx.add.s32.msk vm0, v2  }
0x49: {  	v5 =	vld [tilespmem:s7+$0x10];
	_ =	sdelay $0x4  }
0x4a: {  	v6 =	vshrl.u32 v5, $0x7  }
0x4b: {  	v6 =	vand.u32 $0x1F, v6  }
0x4c: {  	vm13 =	veq.s32 v6, v0  }
0x4d: {  	v5 =	vshra.s32 v5, $0xC;
	_ =	sdelay $0x4  }
0x4e: {  	[tilespmem:v5+s8+$0x0] =	vst.idx.add.s32.msk vm13, v2  }
0x4f: {  	v5 =	vld [tilespmem:s7+$0x20];
	_ =	sdelay $0x4  }
0x50: {  	v6 =	vshrl.u32 v5, $0x7  }
0x51: {  	v6 =	vand.u32 $0x1F, v6  }
0x52: {  	vm14 =	veq.s32 v6, v0  }
0x53: {  	v5 =	vshra.s32 v5, $0xC;
	_ =	sdelay $0x4  }
0x54: {  	[tilespmem:v5+s8+$0x0] =	vst.idx.add.s32.msk vm14, v2  }
0x55: {  	v5 =	vld [tilespmem:s7+$0x30];
	_ =	sdelay $0x4  }
0x56: {  	v6 =	vshrl.u32 v5, $0x7  }
0x57: {  	v6 =	vand.u32 $0x1F, v6  }
0x58: {  	vm15 =	veq.s32 v6, v0  }
0x59: {  	p0 =	sne.s32 s6, $0xFF00;
	v5 =	vshra.s32 v5, $0xC  }
.Ltmp2:
0x5a: {  	_ = 	snop;
	(pc) =	sbr.rel @p0 .LBB2_2-.Ltmp2, $2  }
0x5b: {  	_ =	sdelay $0x2  }
0x5c: {  	s6 =	sadd.s32 $0x100, s6;
	[tilespmem:v5+s8+$0x0] =	vst.idx.add.s32.msk vm15, v2  }
0x5d: {  	v5 =	vld [tilespmem:$0x4000]  }
0x5e: {  	v6 =	vld [tilespmem:$0x4010]  }
0x5f: {  	v7 =	vld [tilespmem:$0x4020]  }
0x60: {  	v8 =	vld [tilespmem:$0x4030]  }
0x61: {  	v9 =	vld [tilespmem:$0x4040]  }
0x62: {  	v10 =	vld [tilespmem:$0x4050];
	(xrf0) =	vadd.scan.msk.s32 $0xffff, v5  }
0x63: {  	v11 =	vld [tilespmem:$0x4060];
	(xrf0) =	vadd.scan.msk.s32 $0xffff, v6  }
0x64: {  	v12 =	vld [tilespmem:$0x4070];
	(xrf0) =	vadd.scan.msk.s32 $0xffff, v7  }
0x65: {  	v13 =	vld [tilespmem:$0x4080];
	(xrf0) =	vadd.scan.msk.s32 $0xffff, v8  }
0x66: {  	v14 =	vld [tilespmem:$0x4090];
	(xrf0) =	vadd.scan.msk.s32 $0xffff, v9  }
0x67: {  	v15 =	vld [tilespmem:$0x40A0];
	(xrf0) =	vadd.scan.msk.s32 $0xffff, v10  }
0x68: {  	v17 =	vld [tilespmem:$0x40B0];
	v16, _, _ =	vpop (xrf0);
	(xrf0) =	vadd.scan.msk.s32 $0xffff, v11  }
0x69: {  	v20 =	vld [tilespmem:$0x40C0];
	v18 =	vperm.xlane v16, v3;
	v19, _, _ =	vpop (xrf0);
	(xrf0) =	vadd.scan.msk.s32 $0xffff, v12  }
0x6a: {  	v23 =	vld [tilespmem:$0x40D0];
	v21 =	vperm.xlane v19, v3;
	v22, _, _ =	vpop (xrf0);
	(xrf0) =	vadd.scan.msk.s32 $0xffff, v13  }
0x6b: {  	v26 =	vld [tilespmem:$0x40E0];
	(v2sf) =	vpush v18, $0x0;
	v24 =	vperm.xlane v22, v3;
	v25, _, _ =	vpop (xrf0);
	(xrf0) =	vadd.scan.msk.s32 $0xffff, v14  }
0x6c: {  	v28 =	vld [tilespmem:$0x40F0];
	(v2sf) =	vpush v21, $0x0;
	v48 =	vperm.xlane v25, v3;
	v27, _, _ =	vpop (xrf0);
	(xrf0) =	vadd.scan.msk.s32 $0xffff, v15  }
0x6d: {  	(v2sf) =	vpush v24, $0x0;
	v49 =	vperm.xlane v27, v3;
	v29, _, _ =	vpop (xrf0);
	(xrf0) =	vadd.scan.msk.s32 $0xffff, v17  }
0x6e: {  	(v2sf) =	vpush v48, $0x0;
	v50 =	vperm.xlane v29, v3;
	v30, _, _ =	vpop (xrf0);
	(xrf0) =	vadd.scan.msk.s32 $0xffff, v20  }
0x6f: {  	(v2sf) =	vpush v49, $0x0;
	v51 =	vperm.xlane v30, v3;
	v31, _, _ =	vpop (xrf0);
	(xrf0) =	vadd.scan.msk.s32 $0xffff, v23  }
0x70: {  	(v2sf) =	vpush v50, $0x0;
	v52 =	vperm.xlane v31, v3;
	v32, _, _ =	vpop (xrf0);
	(xrf0) =	vadd.scan.msk.s32 $0xffff, v26  }
0x71: {  	(v2sf) =	vpush v51, $0x0;
	v53 =	vperm.xlane v32, v3;
	v33, _, _ =	vpop (xrf0);
	(xrf0) =	vadd.scan.msk.s32 $0xffff, v28  }
0x72: {  	v34, _, _ =	vpop (xrf0);
	(v2sf) =	vpush v52, $0x0;
	v54 =	vperm.xlane v33, v3  }
0x73: {  	v35, _, _ =	vpop (xrf0);
	(v2sf) =	vpush v53, $0x0;
	v55 =	vperm.xlane v34, v3  }
0x74: {  	v36, _, _ =	vpop (xrf0);
	(v2sf) =	vpush v54, $0x0;
	v56 =	vperm.xlane v35, v3  }
0x75: {  	v37, _, _ =	vpop (xrf0);
	(v2sf) =	vpush v55, $0x0;
	v57 =	vperm.xlane v36, v3  }
0x76: {  	v38, _, _ =	vpop (xrf0);
	(v2sf) =	vpush v56, $0x0;
	v58 =	vperm.xlane v37, v3  }
0x77: {  	(v2sf) =	vpush v57, $0x0;
	v59 =	vperm.xlane v38, v3;
	v39, _, _ =	vpop (xrf0)  }
0x78: {  	(v2sf) =	vpush v58, $0x0;
	v60 =	vperm.xlane v39, v3  }
0x79: {  	v18 =	vbroadcast v18, $0x0;
	(v2sf) =	vpush v59, $0x0  }
0x7a: {  	(v2sf) =	vpush v60, $0x0;
	s6 =	spop (v2sf)  }
0x7b: {  	v5 =	vsub.s32 v16, v5;
	v6 =	vsub.s32 v18, v6;
	s7 =	spop (v2sf)  }
0x7c: {  	[tilespmem:$0x14A00] =	vst v5;
	v5 =	vadd.s32 v19, v6;
	v6 =	vsub.s32 v22, v7;
	s1 =	spop (v2sf);
	s6 =	sadd.s32 s6, s7  }
0x7d: {  	[tilespmem:$0x14A10] =	vst v5;
	v5 =	vsub.s32 v25, v8;
	s20 =	spop (v2sf);
	v6 =	vadd.s32 s6, v6;
	[dreg:$0x17] =	wrdreg s6;
	s6 =	sadd.s32 s6, s1  }
0x7e: {  	[tilespmem:$0x14A20] =	vst v6;
	v6 =	vsub.s32 v27, v9;
	s21 =	spop (v2sf);
	v5 =	vadd.s32 s6, v5;
	s6 =	sadd.s32 s6, s20  }
0x7f: {  	[tilespmem:$0x14A30] =	vst v5;
	v5 =	vsub.s32 v29, v10;
	s22 =	spop (v2sf);
	v6 =	vadd.s32 s6, v6;
	s6 =	sadd.s32 s6, s21  }
0x80: {  	[tilespmem:$0x14A40] =	vst v6;
	v6 =	vsub.s32 v30, v11;
	s23 =	spop (v2sf);
	v5 =	vadd.s32 s6, v5;
	s6 =	sadd.s32 s6, s22  }
0x81: {  	[tilespmem:$0x14A50] =	vst v5;
	v5 =	vsub.s32 v31, v12;
	s24 =	spop (v2sf);
	v6 =	vadd.s32 s6, v6;
	s6 =	sadd.s32 s6, s23  }
0x82: {  	[tilespmem:$0x14A60] =	vst v6;
	v6 =	vsub.s32 v32, v13;
	s9 =	spop (v2sf);
	v5 =	vadd.s32 s6, v5;
	s6 =	sadd.s32 s6, s24  }
0x83: {  	[tilespmem:$0x14A70] =	vst v5;
	v5 =	vsub.s32 v33, v14;
	s10 =	spop (v2sf);
	v6 =	vadd.s32 s6, v6;
	s6 =	sadd.s32 s6, s9  }
0x84: {  	[tilespmem:$0x14A80] =	vst v6;
	v6 =	vsub.s32 v34, v15;
	s11 =	spop (v2sf);
	v5 =	vadd.s32 s6, v5;
	s6 =	sadd.s32 s6, s10  }
0x85: {  	[tilespmem:$0x14A90] =	vst v5;
	v5 =	vsub.s32 v35, v17;
	s12 =	spop (v2sf);
	v6 =	vadd.s32 s6, v6;
	s6 =	sadd.s32 s6, s11  }
0x86: {  	[tilespmem:$0x14AA0] =	vst v6;
	v6 =	vsub.s32 v36, v20;
	s13 =	spop (v2sf);
	v5 =	vadd.s32 s6, v5;
	s6 =	sadd.s32 s6, s12  }
0x87: {  	[tilespmem:$0x14AB0] =	vst v5;
	v5 =	vsub.s32 v37, v23;
	v6 =	vadd.s32 s6, v6;
	s6 =	sadd.s32 s6, s13;
	s14 =	spop (v2sf)  }
0x88: {  	[tilespmem:$0x14AC0] =	vst v6;
	v6 =	vsub.s32 v38, v26;
	v5 =	vadd.s32 s6, v5;
	s6 =	sadd.s32 s6, s14;
	s15 =	spop (v2sf)  }
0x89: {  	[tilespmem:$0x14AD0] =	vst v5;
	v5 =	vadd.s32 s6, v6;
	s6 =	sadd.s32 s6, s15;
	v6 =	vsub.s32 v39, v28;
	s16 =	spop (v2sf)  }
0x8a: {  	[dreg:$0x16] =	wrdreg s1;
	[tilespmem:$0x14AE0] =	vst v5;
	v5 =	vadd.s32 s6, v6;
	s1 =	sadd.s32 s6, s16  }
0x8b: {  	[dreg:$0x1d] =	wrdreg s9;
	s9 =	simm.s32 $0x0;
	[tilespmem:$0x14AF0] =	vst v5;
	v5 =	vmov s1  }
0x8c: {  	s19 =	sand.u32 $0x1F0, s9;
	[tilespmem:$0x14B00] =	vst v5  }
0x8d: {  	v5 =	vld [tilespmem:s19+$0x14A00];
	_ =	sdelay $0x3  }
0x8e: {  	v6 =	vmov s9  }
0x8f: {  	v5 =	vperm.xlane v5, v6;
	_ =	sdelay $0x1  }
0x90: {  	(v2sf) =	vpush v5, $0x0;
	_ =	sdelay $0x1  }
0x91: {  	[dreg:$0x18] =	wrdreg s20  }
0x92: {  	[dreg:$0x19] =	wrdreg s21  }
0x93: {  	s20 =	simm.s32 $0x1;
	[dreg:$0x1a] =	wrdreg s22  }
0x94: {  	s21 =	sand.u32 $0x1F0, s20;
	[dreg:$0x1e] =	wrdreg s10;
	s10 =	simm.s32 $0x2  }
0x95: {  	[dreg:$0x1f] =	wrdreg s11;
	s22 =	sand.u32 $0x1F0, s10;
	s11 =	simm.s32 $0x3;
	v5 =	vld [tilespmem:s21+$0x14A00]  }
0x96: {  	[dreg:$0x1b] =	wrdreg s23;
	s23 =	sand.u32 $0x1F0, s11;
	v6 =	vld [tilespmem:s22+$0x14A00]  }
0x97: {  	v7 =	vld [tilespmem:s23+$0x14A00];
	_ =	sdelay $0x1  }
0x98: {  	v61 =	vmov s20  }
0x99: {  	v62 =	vmov s10;
	v5 =	vperm.xlane v5, v61  }
0x9a: {  	v63 =	vmov s11;
	v6 =	vperm.xlane v6, v62  }
0x9b: {  	v7 =	vperm.xlane v7, v63;
	(v2sf) =	vpush v5, $0x0  }
0x9c: {  	(v2sf) =	vpush v6, $0x0  }
0x9d: {  	[smem:$0x7F8] =	sst s12;
	s12 =	spop (v2sf);
	(v2sf) =	vpush v7, $0x0  }
0x9e: {  	_ = 	snop  }
0x9f: {  	[dreg:$0x1c] =	wrdreg s24  }
0xa0: {  	[smem:$0x7F9] =	sst s13  }
0xa1: {  	[smem:$0x7FA] =	sst s14  }
0xa2: {  	[smem:$0x7FB] =	sst s15  }
0xa3: {  	s7 =	simm.s32 $0x4;
	[smem:$0x7FC] =	sst s16  }
0xa4: {  	s24 =	sand.u32 $0x1F0, s7;
	s6 =	simm.s32 $0x600;
	[smem:$0x7FD] =	sst s1  }
0xa5: {  	s10 =	simm.s32 $0x5;
	v5 =	vld [tilespmem:s24+$0x14A00];
	[smem:s6] =	sst s12  }
.LBB2_4:
0xa6: {  	_ = 	snop  }
0xa7: {  	p0 =	sne.s32 s10, $0x101  }
.Ltmp3:
0xa8: {  	_ = 	snop;
	(pc) =	sbr.rel @p0 .LBB2_4-.Ltmp3, $4  }
0xa9: {  	v6 =	vmov s7  }
0xaa: {  	v6 =	vperm.xlane v5, v6  }
0xab: {  	s11 =	sand.u32 $0x1F0, s10;
	s12 =	spop (v2sf);
	s6 =	sadd.s32 $0x1, s6  }
0xac: {  	s7 =	smov.u32 s10;
	s10 =	sadd.s32 $0x1, s10;
	[smem:s6] =	sst s12;
	v5 =	vld [tilespmem:s11+$0x14A00];
	(v2sf) =	vpush v6, $0x0  }
0xad: {  	_ =	sdelay $0x2  }
0xae: {  	v6 =	vmov s7  }
0xaf: {  	v5 =	vperm.xlane v5, v6;
	_ =	sdelay $0x1  }
0xb0: {  	(v2sf) =	vpush v5, $0x0;
	_ =	sdelay $0xb  }
.Ltmp4:
0xb1: {  	s21 =	spop (v2sf);
	s6 =	sadd.s32 $0x1, s6;
	(pc) =	sbr.rel .LBB2_6-.Ltmp4, $4  }
0xb2: {  	[smem:s6] =	sst s21;
	s22 =	spop (v2sf);
	s6 =	sadd.s32 $0x1, s6  }
0xb3: {  	[smem:s6] =	sst s22;
	s6 =	sadd.s32 $0x1, s6;
	s23 =	spop (v2sf)  }
0xb4: {  	[smem:s6] =	sst s23;
	s6 =	sadd.s32 $0x1, s6;
	s24 =	spop (v2sf)  }
0xb5: {  	[smem:s6] =	sst s24  }
.LBB2_13:
0xb6: {  	p0 =	sgt.s32 s10, $0x2BB  }
0xb7: {  	v5 =	vperm.xlane @!p0 v7, v6;
	_ =	sdelay $0x1  }
0xb8: {  	(v2sf) =	vpush @!p0 v5, $0x0;
	_ =	sdelay $0xc  }
0xb9: {  	s6 =	sadd.s32 $0x1, s10  }
0xba: {  	[smem:s11+$0x600] =	sst s6  }
0xbb: {  	[smem:s10] =	sst @!p0 s7;
	s6 =	spop @!p0 (v2sf)  }
0xbc: {  	[smem:s10+$0x300] =	sst @!p0 s6  }
.LBB2_14:
0xbd: {  	s9 =	sadd.s32 $0x1, s9  }
0xbe: {  	p0 =	sne.s32 s9, $0x200  }
.Ltmp5:
0xbf: {  	_ = 	snop;
	(pc) =	sbr.rel @!p0 .LBB2_15-.Ltmp5, $1  }
0xc0: {  	_ =	sdelay $0x3  }
.LBB2_6:
0xc1: {  	s6 =	sshll.u32 s9, $0x5  }
0xc2: {  	v5 =	vld [tilespmem:s6+$0x0];
	_ =	sdelay $0x4  }
0xc3: {  	v6 =	vshrl.u32 v5, $0x7  }
0xc4: {  	v6 =	vand.u32 $0x1F, v6  }
0xc5: {  	vm0 =	veq.s32 v6, v0  }
0xc6: {  	v6 =	vmpcnt.ones.xlane vm0;
	_ =	sdelay $0x1  }
0xc7: {  	v6 =	vperm.xlane v6, v1;
	_ =	sdelay $0x1  }
0xc8: {  	(v2sf) =	vpush v6, $0x0;
	_ =	sdelay $0xe  }
0xc9: {  	s10 =	spop (v2sf)  }
0xca: {  	p0 =	slt.s32 s10, $0x1  }
.Ltmp6:
0xcb: {  	_ = 	snop;
	(pc) =	sbr.rel @p0 .LBB2_10-.Ltmp6, $1  }
0xcc: {  	_ =	sdelay $0x3  }
0xcd: {  	[tilespmem:s17+$0x0] =	vst.msk vm0, v5;
	v5 =	vor.u32 s6, v4  }
0xce: {  	[tilespmem:s18+$0x0] =	vst.msk vm0, v5  }
0xcf: {  	v5 =	vld [tilespmem:$0x4100];
	_ =	sdelay $0x2  }
0xd0: {  	s7 =	simm.s32 $0x0  }
0xd1: {  	v6 =	vmov s7  }
0xd2: {  	v7 =	vperm.xlane v5, v6;
	_ =	sdelay $0x1  }
0xd3: {  	(v2sf) =	vpush v7, $0x0;
	_ =	sdelay $0xb  }
0xd4: {  	p0 =	sne.s32 s10, $0x1  }
.Ltmp7:
0xd5: {  	_ = 	snop;
	(pc) =	sbr.rel @!p0 .LBB2_9-.Ltmp7, $4  }
0xd6: {  	_ = 	snop  }
0xd7: {  	s7 =	spop (v2sf)  }
0xd8: {  	v7 =	vld [tilespmem:$0x4180];
	s12 =	sshra.s32 s7, $0xC  }
0xd9: {  	s13 =	simm.s32 $0x1;
	s11 =	sld [smem:s12+$0x600]  }
.LBB2_8:
0xda: {  	_ = 	snop  }
0xdb: {  	v8 =	vmov s13  }
0xdc: {  	s13 =	sadd.s32 $0x1, s13;
	v9 =	vperm.xlane v5, v8;
	p1 =	sgt.s32 s11, $0x2BB  }
0xdd: {  	p0 =	sne.s32 s10, s13;
	v10 =	vperm.xlane @!p1 v7, v6;
	v6 =	vmov v8  }
0xde: {  	(v2sf) =	vpush v9, $0x0  }
0xdf: {  	(v2sf) =	vpush @!p1 v10, $0x0;
	_ =	sdelay $0xc  }
.Ltmp8:
0xe0: {  	s14 =	sadd.s32 $0x1, s11;
	(pc) =	sbr.rel @p0 .LBB2_8-.Ltmp8, $4  }
0xe1: {  	s15 =	spop (v2sf);
	[smem:s12+$0x600] =	sst s14  }
0xe2: {  	[smem:s11] =	sst @!p1 s7;
	s14 =	spop @!p1 (v2sf);
	s7 =	smov.u32 s15  }
0xe3: {  	s12 =	sshra.s32 s7, $0xC;
	[smem:s11+$0x300] =	sst @!p1 s14  }
0xe4: {  	s11 =	sld [smem:s12+$0x600]  }
.LBB2_9:
0xe5: {  	_ =	sdelay $0x1  }
0xe6: {  	p0 =	sgt.s32 s11, $0x2BB  }
0xe7: {  	v5 =	vperm.xlane @!p0 v7, v6;
	_ =	sdelay $0x1  }
0xe8: {  	(v2sf) =	vpush @!p0 v5, $0x0;
	_ =	sdelay $0xc  }
0xe9: {  	s10 =	sadd.s32 $0x1, s11  }
0xea: {  	[smem:s12+$0x600] =	sst s10  }
0xeb: {  	[smem:s11] =	sst @!p0 s7;
	s7 =	spop @!p0 (v2sf)  }
0xec: {  	[smem:s11+$0x300] =	sst @!p0 s7  }
.LBB2_10:
0xed: {  	s7 =	sor.u32 $0x10, s6  }
0xee: {  	v5 =	vld [tilespmem:s7+$0x0];
	_ =	sdelay $0x4  }
0xef: {  	v6 =	vshrl.u32 v5, $0x7  }
0xf0: {  	v6 =	vand.u32 $0x1F, v6  }
0xf1: {  	vm0 =	veq.s32 v6, v0  }
0xf2: {  	v6 =	vmpcnt.ones.xlane vm0;
	_ =	sdelay $0x1  }
0xf3: {  	v6 =	vperm.xlane v6, v1;
	_ =	sdelay $0x1  }
0xf4: {  	(v2sf) =	vpush v6, $0x0;
	_ =	sdelay $0xe  }
0xf5: {  	s6 =	spop (v2sf)  }
0xf6: {  	p0 =	slt.s32 s6, $0x1  }
.Ltmp9:
0xf7: {  	_ = 	snop;
	(pc) =	sbr.rel @p0 .LBB2_14-.Ltmp9, $1  }
0xf8: {  	_ =	sdelay $0x3  }
0xf9: {  	[tilespmem:s17+$0x0] =	vst.msk vm0, v5;
	v5 =	vor.u32 s7, v4  }
0xfa: {  	[tilespmem:s18+$0x0] =	vst.msk vm0, v5  }
0xfb: {  	v5 =	vld [tilespmem:$0x4100];
	_ =	sdelay $0x2  }
0xfc: {  	s24 =	simm.s32 $0x0  }
0xfd: {  	v6 =	vmov s24  }
0xfe: {  	v7 =	vperm.xlane v5, v6;
	_ =	sdelay $0x1  }
0xff: {  	(v2sf) =	vpush v7, $0x0;
	_ =	sdelay $0xd  }
0x100: {  	p0 =	sne.s32 s6, $0x1  }
.Ltmp10:
0x101: {  	s7 =	spop (v2sf);
	(pc) =	sbr.rel @!p0 .LBB2_13-.Ltmp10, $3  }
0x102: {  	v7 =	vld [tilespmem:$0x4180];
	s11 =	sshra.s32 s7, $0xC  }
0x103: {  	s10 =	sld [smem:s11+$0x600];
	_ =	sdelay $0x1  }
0x104: {  	s12 =	simm.s32 $0x1  }
.LBB2_12:
0x105: {  	v8 =	vmov s12  }
0x106: {  	s12 =	sadd.s32 $0x1, s12;
	p1 =	sgt.s32 s10, $0x2BB;
	v9 =	vperm.xlane v5, v8  }
0x107: {  	p0 =	sne.s32 s6, s12;
	v10 =	vperm.xlane @!p1 v7, v6;
	v6 =	vmov v8  }
0x108: {  	(v2sf) =	vpush v9, $0x0  }
0x109: {  	(v2sf) =	vpush @!p1 v10, $0x0;
	_ =	sdelay $0xc  }
.Ltmp11:
0x10a: {  	s13 =	sadd.s32 $0x1, s10;
	(pc) =	sbr.rel @p0 .LBB2_12-.Ltmp11, $4  }
0x10b: {  	s14 =	spop (v2sf);
	[smem:s11+$0x600] =	sst s13  }
0x10c: {  	[smem:s10] =	sst @!p1 s7;
	s13 =	spop @!p1 (v2sf);
	s7 =	smov.u32 s14  }
0x10d: {  	s11 =	sshra.s32 s7, $0xC;
	[smem:s10+$0x300] =	sst @!p1 s13  }
0x10e: {  	s10 =	sld [smem:s11+$0x600]  }
.Ltmp12:
0x10f: {  	_ = 	snop;
	(pc) =	sbr.rel .LBB2_13-.Ltmp12, $1  }
0x110: {  	_ =	sdelay $0x3  }
.LBB2_15:
0x111: {  	s24 =	simm.s32 $0x0  }
.LBB2_16:
0x112: {  	s1 =	simm.s32 $0x1  }
0x113: {  	_ =	swait.ge [sflag:s1], $0x2000  }
0x114: {  	s10 =	sshll.u32 s24, $0x3;
	[sflag:s1] =	ssyncset.done $0x0  }
0x115: {  	s9 =	sand.u32 $0xF0, s10;
	[sflag:s1] =	ssyncadd.s32 $0xFFFFE000  }
0x116: {  	v6 =	vld [tilespmem:s9+$0x14A00];
	_ =	sdelay $0x2  }
0x117: {  	s21 =	sand.u32 $0x8, s10  }
0x118: {  	v5 =	vmov s21;
	s6 =	sor.u32 $0x1, s21  }
0x119: {  	v7 =	vperm.xlane v6, v5;
	v5 =	vmov s6  }
0x11a: {  	v6 =	vperm.xlane v6, v5  }
0x11b: {  	(v2sf) =	vpush v7, $0x0  }
0x11c: {  	(v2sf) =	vpush v6, $0x0;
	_ =	sdelay $0xd  }
0x11d: {  	s6 =	spop (v2sf)  }
0x11e: {  	s17 =	spop (v2sf)  }
0x11f: {  	p0 =	slt.s32 s17, $0x2BC  }
0x120: {  	s17 =	simm.s32 @!p0 $0x2BC  }
0x121: {  	p0 =	sge.s32 s6, s17  }
.Ltmp13:
0x122: {  	_ = 	snop;
	(pc) =	sbr.rel @p0 .LBB2_22-.Ltmp13, $1  }
0x123: {  	_ =	sdelay $0x3  }
0x124: {  	s7 =	sshll.u32 s6, $0x2  }
0x125: {  	s16 =	sshra.s32 s7, $0x2;
	s7 =	sadd.s32 $0x1, s6  }
0x126: {  	p1 =	sne.s32 s17, s7  }
.Ltmp14:
0x127: {  	_ = 	snop;
	(pc) =	sbr.rel @!p1 .LBB2_18-.Ltmp14, $3  }
0x128: {  	_ =	sdelay $0x1  }
0x129: {  	s18 =	sand.u32 $0xF, s6  }
0x12a: {  	p2 =	slt.s32 s6, $0x10;
	p0 =	por $0x0, $0x0;
	s15 =	sadd.s32 $0x300, s16  }
0x12b: {  	s6 =	sadd.s32 @!p2 $0x9, s18  }
0x12c: {  	_ =	swait.ge @!p2 [sflag:s6], $0x40  }
0x12d: {  	[sflag:s6] =	ssyncset.done @!p2 $0x0  }
0x12e: {  	[sflag:s6] =	ssyncadd.s32 @!p2 $0xFFFFFFC0  }
0x12f: {  	s6 =	sld [smem:s16+$0x0];
	_ =	sdelay $0x1  }
0x130: {  	v6 =	vmul.u32 $0x80, v4  }
0x131: {  	s6 =	sand.u32 $0x7F, s6  }
0x132: {  	v7 =	vor.u32 s6, v6;
	_ =	sdelay $0x4  }
0x133: {  	v8 =	vld.idx.msk [tilespmem:v7+s25+$0x0], $0xffff;
	v7 =	vor.u32 $0x800, v6  }
0x134: {  	v9 =	vor.u32 s6, v7;
	_ =	sdelay $0x2  }
0x135: {  	s12 =	sshll.u32 s18, $0x7  }
0x136: {  	[tilespmem:s12+$0x14200] =	vst v8  }
0x137: {  	v8 =	vor.u32 $0x1000, v6;
	v9 =	vld.idx.msk [tilespmem:v9+s25+$0x0], $0xffff  }
0x138: {  	v10 =	vor.u32 s6, v8;
	_ =	sdelay $0x3  }
0x139: {  	s11 =	sld [smem:s15+$0x0];
	[tilespmem:s12+$0x14210] =	vst v9  }
0x13a: {  	v9 =	vor.u32 $0x1800, v6;
	v10 =	vld.idx.msk [tilespmem:v10+s25+$0x0], $0xffff  }
0x13b: {  	v11 =	vor.u32 s6, v9  }
0x13c: {  	s23 =	sshll.u32 s11, $0x3;
	s11 =	sadd.s32 $0x1, s7  }
0x13d: {  	p1 =	sne.s32 s17, s11  }
.Ltmp15:
0x13e: {  	_ = 	snop;
	(pc) =	sbr.rel @!p1 .LBB2_21-.Ltmp15, $4  }
0x13f: {  	[tilespmem:s12+$0x14220] =	vst v10  }
0x140: {  	p0 =	por $0x1, $0x1;
	s19 =	sadd.s32 $0x14200, s12;
	p2 =	slt.s32 s7, $0x10;
	v10 =	vld.idx.msk [tilespmem:v11+s25+$0x0], $0xffff  }
0x141: {  	s16 =	sadd.s32 $0x1, s16;
	s15 =	sadd.s32 $0x1, s15;
	s13 =	sand.u32 $0x1FFFFFF8, s23  }
0x142: {  	s13 =	sadd.s32 s4, s13;
	s6 =	sadd.s32 $0x9, s18;
	s18 =	sand.u32 $0xF, s7  }
.LBB2_20:
0x143: {  	s7 =	sadd.s32 @!p2 $0x9, s18  }
0x144: {  	s20 =	sadd.s32 $0x9, s18;
	s14 =	smov.u32 s11;
	s11 =	sadd.s32 $0x1, s11  }
0x145: {  	p1 =	sne.s32 s17, s11;
	[tilespmem:s12+$0x14230] =	vst v10  }
0x146: {  	[hbm4b:s13+s5] =	stream.linear.scatter [tilespmem:s19], [sflag:s6], $0x40, $0x38;
	[tilespmem:$0x14B80] =	vst v63  }
0x147: {  	s6 =	smov.u32 s20;
	_ =	swait.ge @!p2 [sflag:s7], $0x40  }
0x148: {  	[sflag:s7] =	ssyncset.done @!p2 $0x0  }
0x149: {  	[sflag:s7] =	ssyncadd.s32 @!p2 $0xFFFFFFC0  }
0x14a: {  	s7 =	sld [smem:s16+$0x0]  }
0x14b: {  	s12 =	sld [smem:s15+$0x0];
	_ =	sdelay $0x1  }
0x14c: {  	s7 =	sand.u32 $0x7F, s7  }
0x14d: {  	v10 =	vor.u32 s7, v6;
	s12 =	sshll.u32 s12, $0x3  }
0x14e: {  	s12 =	sand.u32 $0x1FFFFFF8, s12  }
0x14f: {  	s13 =	sadd.s32 s4, s12;
	_ =	sdelay $0x2  }
0x150: {  	v10 =	vld.idx.msk [tilespmem:v10+s25+$0x0], $0xffff  }
0x151: {  	v11 =	vor.u32 s7, v7;
	_ =	sdelay $0x2  }
0x152: {  	s12 =	sshll.u32 s18, $0x7  }
0x153: {  	s19 =	sadd.s32 $0x14200, s12  }
0x154: {  	[tilespmem:s12+$0x14200] =	vst v10  }
0x155: {  	v10 =	vld.idx.msk [tilespmem:v11+s25+$0x0], $0xffff  }
0x156: {  	v11 =	vor.u32 s7, v8;
	_ =	sdelay $0x4  }
0x157: {  	[tilespmem:s12+$0x14210] =	vst v10  }
0x158: {  	v10 =	vld.idx.msk [tilespmem:v11+s25+$0x0], $0xffff  }
0x159: {  	v11 =	vor.u32 s7, v9;
	_ =	sdelay $0x4  }
0x15a: {  	[tilespmem:s12+$0x14220] =	vst v10  }
.Ltmp16:
0x15b: {  	v10 =	vld.idx.msk [tilespmem:v11+s25+$0x0], $0xffff;
	(pc) =	sbr.rel @p1 .LBB2_20-.Ltmp16, $3  }
0x15c: {  	_ =	sdelay $0x1  }
0x15d: {  	s16 =	sadd.s32 $0x1, s16  }
0x15e: {  	p2 =	slt.s32 s14, $0x10;
	s15 =	sadd.s32 $0x1, s15;
	s18 =	sand.u32 $0xF, s14  }
.LBB2_21:
0x15f: {  	_ =	sdelay $0x1  }
0x160: {  	s7 =	sadd.s32 @!p2 $0x9, s18;
	[tilespmem:s12+$0x14230] =	vst @p0 v10  }
0x161: {  	[hbm4b:s13+s5] =	stream.linear.scatter @p0 [tilespmem:s19], [sflag:s6], $0x40, $0x38;
	[tilespmem:$0x14B80] =	vst v63  }
0x162: {  	_ =	swait.ge @!p2 [sflag:s7], $0x40  }
0x163: {  	[sflag:s7] =	ssyncset.done @!p2 $0x0  }
0x164: {  	[sflag:s7] =	ssyncadd.s32 @!p2 $0xFFFFFFC0  }
0x165: {  	s19 =	sld [smem:s16+$0x0];
	_ =	sdelay $0x1  }
0x166: {  	v6 =	vmul.u32 $0x80, v4  }
0x167: {  	s6 =	sand.u32 $0x7F, s19  }
0x168: {  	v7 =	vor.u32 s6, v6;
	_ =	sdelay $0x4  }
0x169: {  	v8 =	vor.u32 $0x800, v6;
	v7 =	vld.idx.msk [tilespmem:v7+s25+$0x0], $0xffff  }
0x16a: {  	v8 =	vor.u32 s6, v8;
	_ =	sdelay $0x2  }
0x16b: {  	s20 =	sshll.u32 s18, $0x7  }
0x16c: {  	[tilespmem:s20+$0x14200] =	vst v7  }
0x16d: {  	v63 =	vor.u32 $0x1000, v6;
	v7 =	vld.idx.msk [tilespmem:v8+s25+$0x0], $0xffff  }
0x16e: {  	v8 =	vor.u32 s6, v63;
	_ =	sdelay $0x3  }
0x16f: {  	[tilespmem:s20+$0x14210] =	vst v7  }
0x170: {  	v6 =	vor.u32 $0x1800, v6;
	v7 =	vld.idx.msk [tilespmem:v8+s25+$0x0], $0xffff  }
0x171: {  	v6 =	vor.u32 s6, v6;
	_ =	sdelay $0x3  }
0x172: {  	[tilespmem:s20+$0x14220] =	vst v7  }
0x173: {  	s22 =	sld [smem:s15+$0x0];
	v6 =	vld.idx.msk [tilespmem:v6+s25+$0x0], $0xffff;
	_ =	sdelay $0x2  }
0x174: {  	s6 =	sshll.u32 s22, $0x3  }
0x175: {  	s6 =	sand.u32 $0x1FFFFFF8, s6  }
0x176: {  	s11 =	sadd.s32 $0x9, s18;
	s23 =	sadd.s32 $0x14200, s20;
	s6 =	sadd.s32 s4, s6;
	[tilespmem:s20+$0x14230] =	vst v6  }
0x177: {  	[hbm4b:s6+s5] =	stream.linear.scatter [tilespmem:s23], [sflag:s11], $0x40, $0x38;
	[tilespmem:$0x14B80] =	vst v63  }
.LBB2_22:
0x178: {  	s10 =	sadd.s32 $0x8, s10;
	p0 =	seq.s32 s24, $0x1E  }
0x179: {  	s1 =	rddreg [dreg:$0x4];
	s6 =	sshll.u32 @!p0 s10, $0x5  }
0x17a: {  	s6 =	sor.u32 @!p0 s1, s6  }
0x17b: {  	s6 =	smin.u32 @!p0 s6, $0x1E84  }
0x17c: {  	s22 =	simm.s32 $0x2;
	s16 =	simm.s32 @!p0 $0x400;
	s6 =	sshll.u32 @!p0 s6, $0x7  }
0x17d: {  	s17 =	simm.s32 @!p0 $0x7A1400;
	s7 =	simm.s32 @!p0 $0x4200;
	s6 =	sadd.s32 @!p0 s3, s6  }
0x17e: {  	[tilespmem:s7], [sflag:$0x1] =	stream.strided.gather @!p0 [hbm4b:s6+s16], $0x2000, s17, s16, $0x38;
	[tilespmem:$0x14B80] =	vst v63  }
0x17f: {  	_ =	swait.ge [sflag:s22], $0x2000  }
0x180: {  	[sflag:s22] =	ssyncset.done $0x0  }
0x181: {  	[sflag:s22] =	ssyncadd.s32 $0xFFFFE000  }
0x182: {  	v6 =	vld [tilespmem:s9+$0x14A00];
	_ =	sdelay $0x3  }
0x183: {  	s23 =	sor.u32 $0x2, s21  }
0x184: {  	v7 =	vperm.xlane v6, v5;
	v5 =	vmov s23  }
0x185: {  	v6 =	vperm.xlane v6, v5  }
0x186: {  	(v2sf) =	vpush v7, $0x0  }
0x187: {  	(v2sf) =	vpush v6, $0x0;
	_ =	sdelay $0xd  }
0x188: {  	s6 =	spop (v2sf)  }
0x189: {  	s19 =	spop (v2sf)  }
0x18a: {  	p1 =	slt.s32 s19, $0x2BC  }
0x18b: {  	s19 =	simm.s32 @!p1 $0x2BC  }
0x18c: {  	p1 =	sge.s32 s6, s19  }
.Ltmp17:
0x18d: {  	_ = 	snop;
	(pc) =	sbr.rel @p1 .LBB2_28-.Ltmp17, $1  }
0x18e: {  	_ =	sdelay $0x3  }
0x18f: {  	s7 =	sshll.u32 s6, $0x2  }
0x190: {  	s18 =	sshra.s32 s7, $0x2;
	s7 =	sadd.s32 $0x1, s6  }
0x191: {  	p2 =	sne.s32 s19, s7  }
.Ltmp18:
0x192: {  	_ = 	snop;
	(pc) =	sbr.rel @!p2 .LBB2_24-.Ltmp18, $3  }
0x193: {  	_ =	sdelay $0x1  }
0x194: {  	s20 =	sand.u32 $0xF, s6  }
0x195: {  	p3 =	slt.s32 s6, $0x10;
	p1 =	por $0x0, $0x0;
	s15 =	sadd.s32 $0x300, s18  }
0x196: {  	s6 =	sadd.s32 @!p3 $0x9, s20  }
0x197: {  	_ =	swait.ge @!p3 [sflag:s6], $0x40  }
0x198: {  	[sflag:s6] =	ssyncset.done @!p3 $0x0  }
0x199: {  	[sflag:s6] =	ssyncadd.s32 @!p3 $0xFFFFFFC0  }
0x19a: {  	s6 =	sld [smem:s18+$0x0];
	_ =	sdelay $0x1  }
0x19b: {  	v6 =	vmul.u32 $0x80, v4  }
0x19c: {  	s6 =	sand.u32 $0x7F, s6  }
0x19d: {  	v7 =	vor.u32 s6, v6;
	_ =	sdelay $0x4  }
0x19e: {  	v8 =	vld.idx.msk [tilespmem:v7+s26+$0x0], $0xffff;
	v7 =	vor.u32 $0x800, v6  }
0x19f: {  	v9 =	vor.u32 s6, v7;
	_ =	sdelay $0x2  }
0x1a0: {  	s12 =	sshll.u32 s20, $0x7  }
0x1a1: {  	[tilespmem:s12+$0x14200] =	vst v8  }
0x1a2: {  	v8 =	vor.u32 $0x1000, v6;
	v9 =	vld.idx.msk [tilespmem:v9+s26+$0x0], $0xffff  }
0x1a3: {  	v10 =	vor.u32 s6, v8;
	_ =	sdelay $0x3  }
0x1a4: {  	s11 =	sld [smem:s15+$0x0];
	[tilespmem:s12+$0x14210] =	vst v9  }
0x1a5: {  	v9 =	vor.u32 $0x1800, v6;
	v10 =	vld.idx.msk [tilespmem:v10+s26+$0x0], $0xffff  }
0x1a6: {  	v11 =	vor.u32 s6, v9  }
0x1a7: {  	s23 =	sshll.u32 s11, $0x3;
	s11 =	sadd.s32 $0x1, s7  }
0x1a8: {  	p2 =	sne.s32 s19, s11  }
.Ltmp19:
0x1a9: {  	_ = 	snop;
	(pc) =	sbr.rel @!p2 .LBB2_27-.Ltmp19, $4  }
0x1aa: {  	[tilespmem:s12+$0x14220] =	vst v10  }
0x1ab: {  	p1 =	por $0x1, $0x1;
	s22 =	sadd.s32 $0x14200, s12;
	p3 =	slt.s32 s7, $0x10;
	v10 =	vld.idx.msk [tilespmem:v11+s26+$0x0], $0xffff  }
0x1ac: {  	s18 =	sadd.s32 $0x1, s18;
	s15 =	sadd.s32 $0x1, s15;
	s13 =	sand.u32 $0x1FFFFFF8, s23  }
0x1ad: {  	s13 =	sadd.s32 s4, s13;
	s6 =	sadd.s32 $0x9, s20;
	s20 =	sand.u32 $0xF, s7  }
.LBB2_26:
0x1ae: {  	s7 =	sadd.s32 @!p3 $0x9, s20  }
0x1af: {  	s1 =	sadd.s32 $0x9, s20;
	s14 =	smov.u32 s11;
	s11 =	sadd.s32 $0x1, s11  }
0x1b0: {  	p2 =	sne.s32 s19, s11;
	[tilespmem:s12+$0x14230] =	vst v10  }
0x1b1: {  	[hbm4b:s13+s5] =	stream.linear.scatter [tilespmem:s22], [sflag:s6], $0x40, $0x38;
	[tilespmem:$0x14B80] =	vst v63  }
0x1b2: {  	s6 =	smov.u32 s1;
	_ =	swait.ge @!p3 [sflag:s7], $0x40  }
0x1b3: {  	[sflag:s7] =	ssyncset.done @!p3 $0x0  }
0x1b4: {  	[sflag:s7] =	ssyncadd.s32 @!p3 $0xFFFFFFC0  }
0x1b5: {  	s1 =	sld [smem:s18+$0x0]  }
0x1b6: {  	s7 =	sld [smem:s15+$0x0];
	_ =	sdelay $0x1  }
0x1b7: {  	s1 =	sand.u32 $0x7F, s1  }
0x1b8: {  	v10 =	vor.u32 s1, v6;
	s7 =	sshll.u32 s7, $0x3  }
0x1b9: {  	s7 =	sand.u32 $0x1FFFFFF8, s7  }
0x1ba: {  	s13 =	sadd.s32 s4, s7;
	_ =	sdelay $0x2  }
0x1bb: {  	v10 =	vld.idx.msk [tilespmem:v10+s26+$0x0], $0xffff  }
0x1bc: {  	v11 =	vor.u32 s1, v7;
	_ =	sdelay $0x2  }
0x1bd: {  	s12 =	sshll.u32 s20, $0x7  }
0x1be: {  	s22 =	sadd.s32 $0x14200, s12  }
0x1bf: {  	[tilespmem:s12+$0x14200] =	vst v10  }
0x1c0: {  	v10 =	vld.idx.msk [tilespmem:v11+s26+$0x0], $0xffff  }
0x1c1: {  	v11 =	vor.u32 s1, v8;
	_ =	sdelay $0x4  }
0x1c2: {  	[tilespmem:s12+$0x14210] =	vst v10  }
0x1c3: {  	v10 =	vld.idx.msk [tilespmem:v11+s26+$0x0], $0xffff  }
0x1c4: {  	v11 =	vor.u32 s1, v9;
	_ =	sdelay $0x4  }
0x1c5: {  	[tilespmem:s12+$0x14220] =	vst v10  }
.Ltmp20:
0x1c6: {  	v10 =	vld.idx.msk [tilespmem:v11+s26+$0x0], $0xffff;
	(pc) =	sbr.rel @p2 .LBB2_26-.Ltmp20, $3  }
0x1c7: {  	_ =	sdelay $0x1  }
0x1c8: {  	s18 =	sadd.s32 $0x1, s18  }
0x1c9: {  	s20 =	sand.u32 $0xF, s14;
	p3 =	slt.s32 s14, $0x10;
	s15 =	sadd.s32 $0x1, s15  }
.LBB2_27:
0x1ca: {  	_ =	sdelay $0x1  }
0x1cb: {  	s1 =	sadd.s32 @!p3 $0x9, s20;
	[tilespmem:s12+$0x14230] =	vst @p1 v10  }
0x1cc: {  	[hbm4b:s13+s5] =	stream.linear.scatter @p1 [tilespmem:s22], [sflag:s6], $0x40, $0x38;
	[tilespmem:$0x14B80] =	vst v63  }
0x1cd: {  	_ =	swait.ge @!p3 [sflag:s1], $0x40  }
0x1ce: {  	[sflag:s1] =	ssyncset.done @!p3 $0x0  }
0x1cf: {  	[sflag:s1] =	ssyncadd.s32 @!p3 $0xFFFFFFC0  }
0x1d0: {  	s1 =	sld [smem:s18+$0x0];
	_ =	sdelay $0x1  }
0x1d1: {  	v6 =	vmul.u32 $0x80, v4  }
0x1d2: {  	s1 =	sand.u32 $0x7F, s1  }
0x1d3: {  	v7 =	vor.u32 s1, v6;
	_ =	sdelay $0x4  }
0x1d4: {  	v8 =	vor.u32 $0x800, v6;
	v7 =	vld.idx.msk [tilespmem:v7+s26+$0x0], $0xffff  }
0x1d5: {  	v8 =	vor.u32 s1, v8;
	_ =	sdelay $0x2  }
0x1d6: {  	s22 =	sshll.u32 s20, $0x7  }
0x1d7: {  	[tilespmem:s22+$0x14200] =	vst v7  }
0x1d8: {  	v63 =	vor.u32 $0x1000, v6;
	v7 =	vld.idx.msk [tilespmem:v8+s26+$0x0], $0xffff  }
0x1d9: {  	v8 =	vor.u32 s1, v63;
	_ =	sdelay $0x3  }
0x1da: {  	[tilespmem:s22+$0x14210] =	vst v7  }
0x1db: {  	v6 =	vor.u32 $0x1800, v6;
	v7 =	vld.idx.msk [tilespmem:v8+s26+$0x0], $0xffff  }
0x1dc: {  	v6 =	vor.u32 s1, v6;
	_ =	sdelay $0x3  }
0x1dd: {  	[tilespmem:s22+$0x14220] =	vst v7  }
0x1de: {  	s23 =	sld [smem:s15+$0x0];
	v6 =	vld.idx.msk [tilespmem:v6+s26+$0x0], $0xffff;
	_ =	sdelay $0x2  }
0x1df: {  	s1 =	sshll.u32 s23, $0x3  }
0x1e0: {  	s1 =	sand.u32 $0x1FFFFFF8, s1  }
0x1e1: {  	s7 =	sadd.s32 $0x9, s20;
	s11 =	sadd.s32 $0x14200, s22;
	s1 =	sadd.s32 s4, s1;
	[tilespmem:s22+$0x14230] =	vst v6  }
0x1e2: {  	[hbm4b:s1+s5] =	stream.linear.scatter [tilespmem:s11], [sflag:s7], $0x40, $0x38;
	[tilespmem:$0x14B80] =	vst v63  }
.LBB2_28:
0x1e3: {  	s15 =	sshll.u32 @!p0 s24, $0x8;
	s1 =	rddreg [dreg:$0xd]  }
0x1e4: {  	s1 =	sadd.s32 @!p0 s1, s15  }
0x1e5: {  	s1 =	smin.u32 @!p0 s1, $0x1E84  }
0x1e6: {  	s1 =	sshll.u32 @!p0 s1, $0x7  }
0x1e7: {  	s6 =	simm.s32 @!p0 $0x6200;
	s22 =	simm.s32 $0x3;
	s1 =	sadd.s32 @!p0 s3, s1  }
0x1e8: {  	[tilespmem:s6], [sflag:$0x2] =	stream.strided.gather @!p0 [hbm4b:s1+s16], $0x2000, s17, s16, $0x38;
	[tilespmem:$0x14B80] =	vst v63  }
0x1e9: {  	_ =	swait.ge [sflag:s22], $0x2000  }
0x1ea: {  	[sflag:s22] =	ssyncset.done $0x0  }
0x1eb: {  	[sflag:s22] =	ssyncadd.s32 $0xFFFFE000  }
0x1ec: {  	v6 =	vld [tilespmem:s9+$0x14A00];
	_ =	sdelay $0x3  }
0x1ed: {  	s23 =	sor.u32 $0x3, s21  }
0x1ee: {  	v7 =	vperm.xlane v6, v5;
	v5 =	vmov s23  }
0x1ef: {  	v6 =	vperm.xlane v6, v5  }
0x1f0: {  	(v2sf) =	vpush v7, $0x0  }
0x1f1: {  	(v2sf) =	vpush v6, $0x0;
	_ =	sdelay $0xd  }
0x1f2: {  	s6 =	spop (v2sf)  }
0x1f3: {  	s18 =	spop (v2sf)  }
0x1f4: {  	p1 =	slt.s32 s18, $0x2BC  }
0x1f5: {  	s18 =	simm.s32 @!p1 $0x2BC  }
0x1f6: {  	p1 =	sge.s32 s6, s18  }
.Ltmp21:
0x1f7: {  	_ = 	snop;
	(pc) =	sbr.rel @p1 .LBB2_34-.Ltmp21, $1  }
0x1f8: {  	_ =	sdelay $0x3  }
0x1f9: {  	s7 =	sadd.s32 $0x1, s6  }
0x1fa: {  	p2 =	sne.s32 s18, s7  }
.Ltmp22:
0x1fb: {  	_ = 	snop;
	(pc) =	sbr.rel @!p2 .LBB2_30-.Ltmp22, $4  }
0x1fc: {  	_ = 	snop  }
0x1fd: {  	s1 =	sshll.u32 s6, $0x2  }
0x1fe: {  	s19 =	sand.u32 $0xF, s6;
	s17 =	sshra.s32 s1, $0x2  }
0x1ff: {  	p3 =	slt.s32 s6, $0x10;
	p1 =	por $0x0, $0x0;
	s16 =	sadd.s32 $0x300, s17  }
0x200: {  	s1 =	sadd.s32 @!p3 $0x9, s19  }
0x201: {  	_ =	swait.ge @!p3 [sflag:s1], $0x40  }
0x202: {  	[sflag:s1] =	ssyncset.done @!p3 $0x0  }
0x203: {  	[sflag:s1] =	ssyncadd.s32 @!p3 $0xFFFFFFC0  }
0x204: {  	s1 =	sld [smem:s17+$0x0];
	_ =	sdelay $0x1  }
0x205: {  	v6 =	vmul.u32 $0x80, v4  }
0x206: {  	s1 =	sand.u32 $0x7F, s1  }
0x207: {  	v7 =	vor.u32 s1, v6;
	_ =	sdelay $0x4  }
0x208: {  	v8 =	vld.idx.msk [tilespmem:v7+s28+$0x0], $0xffff;
	v7 =	vor.u32 $0x800, v6  }
0x209: {  	v9 =	vor.u32 s1, v7;
	_ =	sdelay $0x2  }
0x20a: {  	s12 =	sshll.u32 s19, $0x7  }
0x20b: {  	[tilespmem:s12+$0x14200] =	vst v8  }
0x20c: {  	v8 =	vor.u32 $0x1000, v6;
	v9 =	vld.idx.msk [tilespmem:v9+s28+$0x0], $0xffff  }
0x20d: {  	v10 =	vor.u32 s1, v8;
	_ =	sdelay $0x3  }
0x20e: {  	[tilespmem:s12+$0x14210] =	vst v9  }
0x20f: {  	v9 =	vor.u32 $0x1800, v6;
	v10 =	vld.idx.msk [tilespmem:v10+s28+$0x0], $0xffff  }
0x210: {  	v11 =	vor.u32 s1, v9  }
0x211: {  	s11 =	sadd.s32 $0x1, s7  }
0x212: {  	p2 =	sne.s32 s18, s11;
	s6 =	sld [smem:s16+$0x0]  }
.Ltmp23:
0x213: {  	_ = 	snop;
	(pc) =	sbr.rel @!p2 .LBB2_33-.Ltmp23, $4  }
0x214: {  	p1 =	por $0x1, $0x1;
	[tilespmem:s12+$0x14220] =	vst v10  }
0x215: {  	s20 =	sadd.s32 $0x14200, s12;
	p3 =	slt.s32 s7, $0x10;
	s23 =	sshll.u32 s6, $0x3;
	v10 =	vld.idx.msk [tilespmem:v11+s28+$0x0], $0xffff  }
0x216: {  	s17 =	sadd.s32 $0x1, s17;
	s16 =	sadd.s32 $0x1, s16;
	s1 =	sand.u32 $0x1FFFFFF8, s23  }
0x217: {  	s6 =	sadd.s32 $0x9, s19;
	s19 =	sand.u32 $0xF, s7;
	s13 =	sadd.s32 s4, s1  }
.LBB2_32:
0x218: {  	s1 =	sadd.s32 @!p3 $0x9, s19  }
0x219: {  	s7 =	sadd.s32 $0x9, s19;
	s14 =	smov.u32 s11;
	s11 =	sadd.s32 $0x1, s11  }
0x21a: {  	p2 =	sne.s32 s18, s11;
	[tilespmem:s12+$0x14230] =	vst v10  }
0x21b: {  	[hbm4b:s13+s5] =	stream.linear.scatter [tilespmem:s20], [sflag:s6], $0x40, $0x38;
	[tilespmem:$0x14B80] =	vst v63  }
0x21c: {  	s6 =	smov.u32 s7;
	_ =	swait.ge @!p3 [sflag:s1], $0x40  }
0x21d: {  	[sflag:s1] =	ssyncset.done @!p3 $0x0  }
0x21e: {  	[sflag:s1] =	ssyncadd.s32 @!p3 $0xFFFFFFC0  }
0x21f: {  	s1 =	sld [smem:s17+$0x0]  }
0x220: {  	s7 =	sld [smem:s16+$0x0];
	_ =	sdelay $0x1  }
0x221: {  	s1 =	sand.u32 $0x7F, s1  }
0x222: {  	v10 =	vor.u32 s1, v6;
	s7 =	sshll.u32 s7, $0x3  }
0x223: {  	s7 =	sand.u32 $0x1FFFFFF8, s7  }
0x224: {  	s13 =	sadd.s32 s4, s7;
	_ =	sdelay $0x2  }
0x225: {  	v10 =	vld.idx.msk [tilespmem:v10+s28+$0x0], $0xffff  }
0x226: {  	v11 =	vor.u32 s1, v7;
	_ =	sdelay $0x2  }
0x227: {  	s12 =	sshll.u32 s19, $0x7  }
0x228: {  	s20 =	sadd.s32 $0x14200, s12  }
0x229: {  	[tilespmem:s12+$0x14200] =	vst v10  }
0x22a: {  	v10 =	vld.idx.msk [tilespmem:v11+s28+$0x0], $0xffff  }
0x22b: {  	v11 =	vor.u32 s1, v8;
	_ =	sdelay $0x4  }
0x22c: {  	[tilespmem:s12+$0x14210] =	vst v10  }
0x22d: {  	v10 =	vld.idx.msk [tilespmem:v11+s28+$0x0], $0xffff  }
0x22e: {  	v11 =	vor.u32 s1, v9;
	_ =	sdelay $0x4  }
0x22f: {  	[tilespmem:s12+$0x14220] =	vst v10  }
.Ltmp24:
0x230: {  	v10 =	vld.idx.msk [tilespmem:v11+s28+$0x0], $0xffff;
	(pc) =	sbr.rel @p2 .LBB2_32-.Ltmp24, $3  }
0x231: {  	_ =	sdelay $0x1  }
0x232: {  	s17 =	sadd.s32 $0x1, s17  }
0x233: {  	s19 =	sand.u32 $0xF, s14;
	p3 =	slt.s32 s14, $0x10;
	s16 =	sadd.s32 $0x1, s16  }
.LBB2_33:
0x234: {  	_ =	sdelay $0x1  }
0x235: {  	s1 =	sadd.s32 @!p3 $0x9, s19;
	[tilespmem:s12+$0x14230] =	vst @p1 v10  }
0x236: {  	[hbm4b:s13+s5] =	stream.linear.scatter @p1 [tilespmem:s20], [sflag:s6], $0x40, $0x38;
	[tilespmem:$0x14B80] =	vst v63  }
0x237: {  	_ =	swait.ge @!p3 [sflag:s1], $0x40  }
0x238: {  	[sflag:s1] =	ssyncset.done @!p3 $0x0  }
0x239: {  	[sflag:s1] =	ssyncadd.s32 @!p3 $0xFFFFFFC0  }
0x23a: {  	s1 =	sld [smem:s17+$0x0];
	_ =	sdelay $0x1  }
0x23b: {  	v6 =	vmul.u32 $0x80, v4  }
0x23c: {  	s1 =	sand.u32 $0x7F, s1  }
0x23d: {  	v7 =	vor.u32 s1, v6;
	_ =	sdelay $0x4  }
0x23e: {  	v8 =	vor.u32 $0x800, v6;
	v7 =	vld.idx.msk [tilespmem:v7+s28+$0x0], $0xffff  }
0x23f: {  	v8 =	vor.u32 s1, v8;
	_ =	sdelay $0x2  }
0x240: {  	s22 =	sshll.u32 s19, $0x7  }
0x241: {  	[tilespmem:s22+$0x14200] =	vst v7  }
0x242: {  	v63 =	vor.u32 $0x1000, v6;
	v7 =	vld.idx.msk [tilespmem:v8+s28+$0x0], $0xffff  }
0x243: {  	v8 =	vor.u32 s1, v63;
	_ =	sdelay $0x3  }
0x244: {  	[tilespmem:s22+$0x14210] =	vst v7  }
0x245: {  	v6 =	vor.u32 $0x1800, v6;
	v7 =	vld.idx.msk [tilespmem:v8+s28+$0x0], $0xffff  }
0x246: {  	v6 =	vor.u32 s1, v6;
	_ =	sdelay $0x3  }
0x247: {  	[tilespmem:s22+$0x14220] =	vst v7  }
0x248: {  	s23 =	sld [smem:s16+$0x0];
	v6 =	vld.idx.msk [tilespmem:v6+s28+$0x0], $0xffff;
	_ =	sdelay $0x2  }
0x249: {  	s1 =	sshll.u32 s23, $0x3  }
0x24a: {  	s1 =	sand.u32 $0x1FFFFFF8, s1  }
0x24b: {  	s7 =	sadd.s32 $0x9, s19;
	s11 =	sadd.s32 $0x14200, s22;
	s1 =	sadd.s32 s4, s1;
	[tilespmem:s22+$0x14230] =	vst v6  }
0x24c: {  	[hbm4b:s1+s5] =	stream.linear.scatter [tilespmem:s11], [sflag:s7], $0x40, $0x38;
	[tilespmem:$0x14B80] =	vst v63  }
.LBB2_34:
0x24d: {  	s1 =	rddreg [dreg:$0xe]  }
0x24e: {  	s1 =	sadd.s32 @!p0 s1, s15  }
0x24f: {  	s1 =	smin.u32 @!p0 s1, $0x1E84  }
0x250: {  	s16 =	simm.s32 @!p0 $0x400;
	s17 =	simm.s32 @!p0 $0x7A1400;
	s1 =	sshll.u32 @!p0 s1, $0x7  }
0x251: {  	s6 =	simm.s32 @!p0 $0x8200;
	s22 =	simm.s32 $0x4;
	s1 =	sadd.s32 @!p0 s3, s1  }
0x252: {  	[tilespmem:s6], [sflag:$0x3] =	stream.strided.gather @!p0 [hbm4b:s1+s16], $0x2000, s17, s16, $0x38;
	[tilespmem:$0x14B80] =	vst v63  }
0x253: {  	_ =	swait.ge [sflag:s22], $0x2000  }
0x254: {  	[sflag:s22] =	ssyncset.done $0x0  }
0x255: {  	[sflag:s22] =	ssyncadd.s32 $0xFFFFE000  }
0x256: {  	v6 =	vld [tilespmem:s9+$0x14A00];
	_ =	sdelay $0x3  }
0x257: {  	s23 =	sor.u32 $0x4, s21  }
0x258: {  	v7 =	vperm.xlane v6, v5;
	v5 =	vmov s23  }
0x259: {  	v6 =	vperm.xlane v6, v5  }
0x25a: {  	(v2sf) =	vpush v7, $0x0  }
0x25b: {  	(v2sf) =	vpush v6, $0x0;
	_ =	sdelay $0xd  }
0x25c: {  	s7 =	spop (v2sf)  }
0x25d: {  	s20 =	spop (v2sf)  }
0x25e: {  	p1 =	slt.s32 s20, $0x2BC  }
0x25f: {  	s20 =	simm.s32 @!p1 $0x2BC  }
0x260: {  	p1 =	sge.s32 s7, s20  }
.Ltmp25:
0x261: {  	_ = 	snop;
	(pc) =	sbr.rel @p1 .LBB2_40-.Ltmp25, $1  }
0x262: {  	_ =	sdelay $0x3  }
0x263: {  	s22 =	sadd.s32 $0x1, s7  }
0x264: {  	p2 =	sne.s32 s20, s22  }
.Ltmp26:
0x265: {  	_ = 	snop;
	(pc) =	sbr.rel @!p2 .LBB2_36-.Ltmp26, $4  }
0x266: {  	_ = 	snop  }
0x267: {  	s1 =	sshll.u32 s7, $0x2  }
0x268: {  	s6 =	sand.u32 $0xF, s7;
	s19 =	sshra.s32 s1, $0x2  }
0x269: {  	p3 =	slt.s32 s7, $0x10;
	p1 =	por $0x0, $0x0;
	s18 =	sadd.s32 $0x300, s19  }
0x26a: {  	s1 =	sadd.s32 @!p3 $0x9, s6  }
0x26b: {  	_ =	swait.ge @!p3 [sflag:s1], $0x40  }
0x26c: {  	[sflag:s1] =	ssyncset.done @!p3 $0x0  }
0x26d: {  	[sflag:s1] =	ssyncadd.s32 @!p3 $0xFFFFFFC0  }
0x26e: {  	s1 =	sld [smem:s19+$0x0];
	_ =	sdelay $0x1  }
0x26f: {  	v6 =	vmul.u32 $0x80, v4  }
0x270: {  	s1 =	sand.u32 $0x7F, s1  }
0x271: {  	v7 =	vor.u32 s1, v6;
	_ =	sdelay $0x4  }
0x272: {  	v8 =	vld.idx.msk [tilespmem:v7+s29+$0x0], $0xffff;
	v7 =	vor.u32 $0x800, v6  }
0x273: {  	v9 =	vor.u32 s1, v7;
	_ =	sdelay $0x2  }
0x274: {  	s13 =	sshll.u32 s6, $0x7  }
0x275: {  	[tilespmem:s13+$0x14200] =	vst v8  }
0x276: {  	v8 =	vor.u32 $0x1000, v6;
	v9 =	vld.idx.msk [tilespmem:v9+s29+$0x0], $0xffff  }
0x277: {  	v10 =	vor.u32 s1, v8;
	_ =	sdelay $0x3  }
0x278: {  	[tilespmem:s13+$0x14210] =	vst v9  }
0x279: {  	v9 =	vor.u32 $0x1800, v6;
	v10 =	vld.idx.msk [tilespmem:v10+s29+$0x0], $0xffff  }
0x27a: {  	v11 =	vor.u32 s1, v9  }
0x27b: {  	s12 =	sadd.s32 $0x1, s22  }
0x27c: {  	p2 =	sne.s32 s20, s12;
	s7 =	sld [smem:s18+$0x0]  }
.Ltmp27:
0x27d: {  	_ = 	snop;
	(pc) =	sbr.rel @!p2 .LBB2_39-.Ltmp27, $4  }
0x27e: {  	s11 =	sadd.s32 $0x9, s6;
	[tilespmem:s13+$0x14220] =	vst v10  }
0x27f: {  	s6 =	sand.u32 $0xF, s22;
	p1 =	por $0x1, $0x1;
	s23 =	sshll.u32 s7, $0x3;
	v10 =	vld.idx.msk [tilespmem:v11+s29+$0x0], $0xffff  }
0x280: {  	p3 =	slt.s32 s22, $0x10;
	s19 =	sadd.s32 $0x1, s19;
	s1 =	sand.u32 $0x1FFFFFF8, s23  }
0x281: {  	s18 =	sadd.s32 $0x1, s18;
	s7 =	sadd.s32 $0x14200, s13;
	s14 =	sadd.s32 s4, s1  }
.LBB2_38:
0x282: {  	s1 =	sadd.s32 @!p3 $0x9, s6  }
0x283: {  	s23 =	sadd.s32 $0x9, s6;
	s22 =	smov.u32 s12;
	s12 =	sadd.s32 $0x1, s12  }
0x284: {  	p2 =	sne.s32 s20, s12;
	[tilespmem:s13+$0x14230] =	vst v10  }
0x285: {  	[hbm4b:s14+s5] =	stream.linear.scatter [tilespmem:s7], [sflag:s11], $0x40, $0x38;
	[tilespmem:$0x14B80] =	vst v63  }
0x286: {  	s11 =	smov.u32 s23;
	_ =	swait.ge @!p3 [sflag:s1], $0x40  }
0x287: {  	[sflag:s1] =	ssyncset.done @!p3 $0x0  }
0x288: {  	[sflag:s1] =	ssyncadd.s32 @!p3 $0xFFFFFFC0  }
0x289: {  	s1 =	sld [smem:s19+$0x0]  }
0x28a: {  	s7 =	sld [smem:s18+$0x0];
	_ =	sdelay $0x1  }
0x28b: {  	s1 =	sand.u32 $0x7F, s1  }
0x28c: {  	v10 =	vor.u32 s1, v6;
	s7 =	sshll.u32 s7, $0x3  }
0x28d: {  	s7 =	sand.u32 $0x1FFFFFF8, s7  }
0x28e: {  	s14 =	sadd.s32 s4, s7;
	_ =	sdelay $0x2  }
0x28f: {  	v10 =	vld.idx.msk [tilespmem:v10+s29+$0x0], $0xffff  }
0x290: {  	v11 =	vor.u32 s1, v7;
	_ =	sdelay $0x2  }
0x291: {  	s13 =	sshll.u32 s6, $0x7  }
0x292: {  	s7 =	sadd.s32 $0x14200, s13  }
0x293: {  	[tilespmem:s13+$0x14200] =	vst v10  }
0x294: {  	v10 =	vld.idx.msk [tilespmem:v11+s29+$0x0], $0xffff  }
0x295: {  	v11 =	vor.u32 s1, v8;
	_ =	sdelay $0x4  }
0x296: {  	[tilespmem:s13+$0x14210] =	vst v10  }
0x297: {  	v10 =	vld.idx.msk [tilespmem:v11+s29+$0x0], $0xffff  }
0x298: {  	v11 =	vor.u32 s1, v9;
	_ =	sdelay $0x4  }
0x299: {  	[tilespmem:s13+$0x14220] =	vst v10  }
.Ltmp28:
0x29a: {  	v10 =	vld.idx.msk [tilespmem:v11+s29+$0x0], $0xffff;
	(pc) =	sbr.rel @p2 .LBB2_38-.Ltmp28, $3  }
0x29b: {  	_ =	sdelay $0x1  }
0x29c: {  	s19 =	sadd.s32 $0x1, s19  }
0x29d: {  	s6 =	sand.u32 $0xF, s22;
	p3 =	slt.s32 s22, $0x10;
	s18 =	sadd.s32 $0x1, s18  }
.LBB2_39:
0x29e: {  	_ =	sdelay $0x1  }
0x29f: {  	s1 =	sadd.s32 @!p3 $0x9, s6;
	[tilespmem:s13+$0x14230] =	vst @p1 v10  }
0x2a0: {  	[hbm4b:s14+s5] =	stream.linear.scatter @p1 [tilespmem:s7], [sflag:s11], $0x40, $0x38;
	[tilespmem:$0x14B80] =	vst v63  }
0x2a1: {  	_ =	swait.ge @!p3 [sflag:s1], $0x40  }
0x2a2: {  	[sflag:s1] =	ssyncset.done @!p3 $0x0  }
0x2a3: {  	[sflag:s1] =	ssyncadd.s32 @!p3 $0xFFFFFFC0  }
0x2a4: {  	s1 =	sld [smem:s19+$0x0];
	_ =	sdelay $0x1  }
0x2a5: {  	v6 =	vmul.u32 $0x80, v4  }
0x2a6: {  	s1 =	sand.u32 $0x7F, s1  }
0x2a7: {  	v7 =	vor.u32 s1, v6;
	_ =	sdelay $0x4  }
0x2a8: {  	v8 =	vor.u32 $0x800, v6;
	v7 =	vld.idx.msk [tilespmem:v7+s29+$0x0], $0xffff  }
0x2a9: {  	v8 =	vor.u32 s1, v8;
	_ =	sdelay $0x2  }
0x2aa: {  	s19 =	sshll.u32 s6, $0x7  }
0x2ab: {  	[tilespmem:s19+$0x14200] =	vst v7  }
0x2ac: {  	v63 =	vor.u32 $0x1000, v6;
	v7 =	vld.idx.msk [tilespmem:v8+s29+$0x0], $0xffff  }
0x2ad: {  	v8 =	vor.u32 s1, v63;
	_ =	sdelay $0x3  }
0x2ae: {  	[tilespmem:s19+$0x14210] =	vst v7  }
0x2af: {  	v6 =	vor.u32 $0x1800, v6;
	v7 =	vld.idx.msk [tilespmem:v8+s29+$0x0], $0xffff  }
0x2b0: {  	v6 =	vor.u32 s1, v6;
	_ =	sdelay $0x3  }
0x2b1: {  	[tilespmem:s19+$0x14220] =	vst v7  }
0x2b2: {  	s20 =	sld [smem:s18+$0x0];
	v6 =	vld.idx.msk [tilespmem:v6+s29+$0x0], $0xffff;
	_ =	sdelay $0x2  }
0x2b3: {  	s1 =	sshll.u32 s20, $0x3  }
0x2b4: {  	s1 =	sand.u32 $0x1FFFFFF8, s1  }
0x2b5: {  	s22 =	sadd.s32 $0x9, s6;
	s23 =	sadd.s32 $0x14200, s19;
	s1 =	sadd.s32 s4, s1;
	[tilespmem:s19+$0x14230] =	vst v6  }
0x2b6: {  	[hbm4b:s1+s5] =	stream.linear.scatter [tilespmem:s23], [sflag:s22], $0x40, $0x38;
	[tilespmem:$0x14B80] =	vst v63  }
.LBB2_40:
0x2b7: {  	s1 =	rddreg [dreg:$0xf]  }
0x2b8: {  	s1 =	sadd.s32 @!p0 s1, s15  }
0x2b9: {  	s1 =	smin.u32 @!p0 s1, $0x1E84  }
0x2ba: {  	s1 =	sshll.u32 @!p0 s1, $0x7  }
0x2bb: {  	s6 =	simm.s32 @!p0 $0xA200;
	s22 =	simm.s32 $0x5;
	s1 =	sadd.s32 @!p0 s3, s1  }
0x2bc: {  	[tilespmem:s6], [sflag:$0x4] =	stream.strided.gather @!p0 [hbm4b:s1+s16], $0x2000, s17, s16, $0x38;
	[tilespmem:$0x14B80] =	vst v63  }
0x2bd: {  	_ =	swait.ge [sflag:s22], $0x2000  }
0x2be: {  	[sflag:s22] =	ssyncset.done $0x0  }
0x2bf: {  	[sflag:s22] =	ssyncadd.s32 $0xFFFFE000  }
0x2c0: {  	v6 =	vld [tilespmem:s9+$0x14A00];
	_ =	sdelay $0x3  }
0x2c1: {  	s23 =	sor.u32 $0x5, s21  }
0x2c2: {  	v7 =	vperm.xlane v6, v5;
	v5 =	vmov s23  }
0x2c3: {  	v6 =	vperm.xlane v6, v5  }
0x2c4: {  	(v2sf) =	vpush v7, $0x0  }
0x2c5: {  	(v2sf) =	vpush v6, $0x0;
	_ =	sdelay $0xd  }
0x2c6: {  	s7 =	spop (v2sf)  }
0x2c7: {  	s18 =	spop (v2sf)  }
0x2c8: {  	p1 =	slt.s32 s18, $0x2BC  }
0x2c9: {  	s18 =	simm.s32 @!p1 $0x2BC  }
0x2ca: {  	p1 =	sge.s32 s7, s18  }
.Ltmp29:
0x2cb: {  	_ = 	snop;
	(pc) =	sbr.rel @p1 .LBB2_46-.Ltmp29, $1  }
0x2cc: {  	_ =	sdelay $0x3  }
0x2cd: {  	s19 =	sadd.s32 $0x1, s7  }
0x2ce: {  	p2 =	sne.s32 s18, s19  }
.Ltmp30:
0x2cf: {  	_ = 	snop;
	(pc) =	sbr.rel @!p2 .LBB2_42-.Ltmp30, $4  }
0x2d0: {  	_ = 	snop  }
0x2d1: {  	s1 =	sshll.u32 s7, $0x2  }
0x2d2: {  	s6 =	sand.u32 $0xF, s7;
	s17 =	sshra.s32 s1, $0x2  }
0x2d3: {  	p3 =	slt.s32 s7, $0x10;
	p1 =	por $0x0, $0x0;
	s16 =	sadd.s32 $0x300, s17  }
0x2d4: {  	s1 =	sadd.s32 @!p3 $0x9, s6  }
0x2d5: {  	_ =	swait.ge @!p3 [sflag:s1], $0x40  }
0x2d6: {  	[sflag:s1] =	ssyncset.done @!p3 $0x0  }
0x2d7: {  	[sflag:s1] =	ssyncadd.s32 @!p3 $0xFFFFFFC0  }
0x2d8: {  	s1 =	sld [smem:s17+$0x0];
	_ =	sdelay $0x1  }
0x2d9: {  	v6 =	vmul.u32 $0x80, v4  }
0x2da: {  	s1 =	sand.u32 $0x7F, s1  }
0x2db: {  	v7 =	vor.u32 s1, v6;
	_ =	sdelay $0x4  }
0x2dc: {  	v8 =	vld.idx.msk [tilespmem:v7+s30+$0x0], $0xffff;
	v7 =	vor.u32 $0x800, v6  }
0x2dd: {  	v9 =	vor.u32 s1, v7;
	_ =	sdelay $0x2  }
0x2de: {  	s13 =	sshll.u32 s6, $0x7  }
0x2df: {  	[tilespmem:s13+$0x14200] =	vst v8  }
0x2e0: {  	v8 =	vor.u32 $0x1000, v6;
	v9 =	vld.idx.msk [tilespmem:v9+s30+$0x0], $0xffff  }
0x2e1: {  	v10 =	vor.u32 s1, v8;
	_ =	sdelay $0x3  }
0x2e2: {  	[tilespmem:s13+$0x14210] =	vst v9  }
0x2e3: {  	v9 =	vor.u32 $0x1800, v6;
	v10 =	vld.idx.msk [tilespmem:v10+s30+$0x0], $0xffff  }
0x2e4: {  	v11 =	vor.u32 s1, v9  }
0x2e5: {  	s12 =	sadd.s32 $0x1, s19  }
0x2e6: {  	p2 =	sne.s32 s18, s12;
	s7 =	sld [smem:s16+$0x0]  }
.Ltmp31:
0x2e7: {  	_ = 	snop;
	(pc) =	sbr.rel @!p2 .LBB2_45-.Ltmp31, $4  }
0x2e8: {  	s11 =	sadd.s32 $0x9, s6;
	[tilespmem:s13+$0x14220] =	vst v10  }
0x2e9: {  	s6 =	sand.u32 $0xF, s19;
	p1 =	por $0x1, $0x1;
	s23 =	sshll.u32 s7, $0x3;
	v10 =	vld.idx.msk [tilespmem:v11+s30+$0x0], $0xffff  }
0x2ea: {  	p3 =	slt.s32 s19, $0x10;
	s17 =	sadd.s32 $0x1, s17;
	s1 =	sand.u32 $0x1FFFFFF8, s23  }
0x2eb: {  	s16 =	sadd.s32 $0x1, s16;
	s7 =	sadd.s32 $0x14200, s13;
	s14 =	sadd.s32 s4, s1  }
.LBB2_44:
0x2ec: {  	s1 =	sadd.s32 @!p3 $0x9, s6  }
0x2ed: {  	s20 =	sadd.s32 $0x9, s6;
	s19 =	smov.u32 s12;
	s12 =	sadd.s32 $0x1, s12  }
0x2ee: {  	p2 =	sne.s32 s18, s12;
	[tilespmem:s13+$0x14230] =	vst v10  }
0x2ef: {  	[hbm4b:s14+s5] =	stream.linear.scatter [tilespmem:s7], [sflag:s11], $0x40, $0x38;
	[tilespmem:$0x14B80] =	vst v63  }
0x2f0: {  	s11 =	smov.u32 s20;
	_ =	swait.ge @!p3 [sflag:s1], $0x40  }
0x2f1: {  	[sflag:s1] =	ssyncset.done @!p3 $0x0  }
0x2f2: {  	[sflag:s1] =	ssyncadd.s32 @!p3 $0xFFFFFFC0  }
0x2f3: {  	s1 =	sld [smem:s17+$0x0]  }
0x2f4: {  	s7 =	sld [smem:s16+$0x0];
	_ =	sdelay $0x1  }
0x2f5: {  	s1 =	sand.u32 $0x7F, s1  }
0x2f6: {  	v10 =	vor.u32 s1, v6;
	s7 =	sshll.u32 s7, $0x3  }
0x2f7: {  	s7 =	sand.u32 $0x1FFFFFF8, s7  }
0x2f8: {  	s14 =	sadd.s32 s4, s7;
	_ =	sdelay $0x2  }
0x2f9: {  	v10 =	vld.idx.msk [tilespmem:v10+s30+$0x0], $0xffff  }
0x2fa: {  	v11 =	vor.u32 s1, v7;
	_ =	sdelay $0x2  }
0x2fb: {  	s13 =	sshll.u32 s6, $0x7  }
0x2fc: {  	s7 =	sadd.s32 $0x14200, s13  }
0x2fd: {  	[tilespmem:s13+$0x14200] =	vst v10  }
0x2fe: {  	v10 =	vld.idx.msk [tilespmem:v11+s30+$0x0], $0xffff  }
0x2ff: {  	v11 =	vor.u32 s1, v8;
	_ =	sdelay $0x4  }
0x300: {  	[tilespmem:s13+$0x14210] =	vst v10  }
0x301: {  	v10 =	vld.idx.msk [tilespmem:v11+s30+$0x0], $0xffff  }
0x302: {  	v11 =	vor.u32 s1, v9;
	_ =	sdelay $0x4  }
0x303: {  	[tilespmem:s13+$0x14220] =	vst v10  }
.Ltmp32:
0x304: {  	v10 =	vld.idx.msk [tilespmem:v11+s30+$0x0], $0xffff;
	(pc) =	sbr.rel @p2 .LBB2_44-.Ltmp32, $3  }
0x305: {  	_ =	sdelay $0x1  }
0x306: {  	s17 =	sadd.s32 $0x1, s17  }
0x307: {  	s6 =	sand.u32 $0xF, s19;
	p3 =	slt.s32 s19, $0x10;
	s16 =	sadd.s32 $0x1, s16  }
.LBB2_45:
0x308: {  	_ =	sdelay $0x1  }
0x309: {  	s1 =	sadd.s32 @!p3 $0x9, s6;
	[tilespmem:s13+$0x14230] =	vst @p1 v10  }
0x30a: {  	[hbm4b:s14+s5] =	stream.linear.scatter @p1 [tilespmem:s7], [sflag:s11], $0x40, $0x38;
	[tilespmem:$0x14B80] =	vst v63  }
0x30b: {  	_ =	swait.ge @!p3 [sflag:s1], $0x40  }
0x30c: {  	[sflag:s1] =	ssyncset.done @!p3 $0x0  }
0x30d: {  	[sflag:s1] =	ssyncadd.s32 @!p3 $0xFFFFFFC0  }
0x30e: {  	s1 =	sld [smem:s17+$0x0];
	_ =	sdelay $0x1  }
0x30f: {  	v6 =	vmul.u32 $0x80, v4  }
0x310: {  	s1 =	sand.u32 $0x7F, s1  }
0x311: {  	v7 =	vor.u32 s1, v6;
	_ =	sdelay $0x4  }
0x312: {  	v8 =	vor.u32 $0x800, v6;
	v7 =	vld.idx.msk [tilespmem:v7+s30+$0x0], $0xffff  }
0x313: {  	v8 =	vor.u32 s1, v8;
	_ =	sdelay $0x2  }
0x314: {  	s19 =	sshll.u32 s6, $0x7  }
0x315: {  	[tilespmem:s19+$0x14200] =	vst v7  }
0x316: {  	v63 =	vor.u32 $0x1000, v6;
	v7 =	vld.idx.msk [tilespmem:v8+s30+$0x0], $0xffff  }
0x317: {  	v8 =	vor.u32 s1, v63;
	_ =	sdelay $0x3  }
0x318: {  	[tilespmem:s19+$0x14210] =	vst v7  }
0x319: {  	v6 =	vor.u32 $0x1800, v6;
	v7 =	vld.idx.msk [tilespmem:v8+s30+$0x0], $0xffff  }
0x31a: {  	v6 =	vor.u32 s1, v6;
	_ =	sdelay $0x3  }
0x31b: {  	[tilespmem:s19+$0x14220] =	vst v7  }
0x31c: {  	s20 =	sld [smem:s16+$0x0];
	v6 =	vld.idx.msk [tilespmem:v6+s30+$0x0], $0xffff;
	_ =	sdelay $0x2  }
0x31d: {  	s1 =	sshll.u32 s20, $0x3  }
0x31e: {  	s1 =	sand.u32 $0x1FFFFFF8, s1  }
0x31f: {  	s22 =	sadd.s32 $0x9, s6;
	s23 =	sadd.s32 $0x14200, s19;
	s1 =	sadd.s32 s4, s1;
	[tilespmem:s19+$0x14230] =	vst v6  }
0x320: {  	[hbm4b:s1+s5] =	stream.linear.scatter [tilespmem:s23], [sflag:s22], $0x40, $0x38;
	[tilespmem:$0x14B80] =	vst v63  }
.LBB2_46:
0x321: {  	s1 =	rddreg [dreg:$0x10]  }
0x322: {  	s1 =	sadd.s32 @!p0 s1, s15  }
0x323: {  	s1 =	smin.u32 @!p0 s1, $0x1E84  }
0x324: {  	s16 =	simm.s32 @!p0 $0x400;
	s17 =	simm.s32 @!p0 $0x7A1400;
	s1 =	sshll.u32 @!p0 s1, $0x7  }
0x325: {  	s6 =	simm.s32 @!p0 $0xC200;
	s22 =	simm.s32 $0x6;
	s1 =	sadd.s32 @!p0 s3, s1  }
0x326: {  	[tilespmem:s6], [sflag:$0x5] =	stream.strided.gather @!p0 [hbm4b:s1+s16], $0x2000, s17, s16, $0x38;
	[tilespmem:$0x14B80] =	vst v63  }
0x327: {  	_ =	swait.ge [sflag:s22], $0x2000  }
0x328: {  	[sflag:s22] =	ssyncset.done $0x0  }
0x329: {  	[sflag:s22] =	ssyncadd.s32 $0xFFFFE000  }
0x32a: {  	v6 =	vld [tilespmem:s9+$0x14A00];
	_ =	sdelay $0x3  }
0x32b: {  	s23 =	sor.u32 $0x6, s21  }
0x32c: {  	v7 =	vperm.xlane v6, v5;
	v5 =	vmov s23  }
0x32d: {  	v6 =	vperm.xlane v6, v5  }
0x32e: {  	(v2sf) =	vpush v7, $0x0  }
0x32f: {  	(v2sf) =	vpush v6, $0x0;
	_ =	sdelay $0xd  }
0x330: {  	s7 =	spop (v2sf)  }
0x331: {  	s20 =	spop (v2sf)  }
0x332: {  	p1 =	slt.s32 s20, $0x2BC  }
0x333: {  	s20 =	simm.s32 @!p1 $0x2BC  }
0x334: {  	p1 =	sge.s32 s7, s20  }
.Ltmp33:
0x335: {  	_ = 	snop;
	(pc) =	sbr.rel @p1 .LBB2_52-.Ltmp33, $1  }
0x336: {  	_ =	sdelay $0x3  }
0x337: {  	s22 =	sadd.s32 $0x1, s7  }
0x338: {  	p2 =	sne.s32 s20, s22  }
.Ltmp34:
0x339: {  	_ = 	snop;
	(pc) =	sbr.rel @!p2 .LBB2_48-.Ltmp34, $4  }
0x33a: {  	_ = 	snop  }
0x33b: {  	s1 =	sshll.u32 s7, $0x2  }
0x33c: {  	s6 =	sand.u32 $0xF, s7;
	s19 =	sshra.s32 s1, $0x2  }
0x33d: {  	p3 =	slt.s32 s7, $0x10;
	p1 =	por $0x0, $0x0;
	s18 =	sadd.s32 $0x300, s19  }
0x33e: {  	s1 =	sadd.s32 @!p3 $0x9, s6  }
0x33f: {  	_ =	swait.ge @!p3 [sflag:s1], $0x40  }
0x340: {  	[sflag:s1] =	ssyncset.done @!p3 $0x0  }
0x341: {  	[sflag:s1] =	ssyncadd.s32 @!p3 $0xFFFFFFC0  }
0x342: {  	s1 =	sld [smem:s19+$0x0];
	_ =	sdelay $0x1  }
0x343: {  	v6 =	vmul.u32 $0x80, v4  }
0x344: {  	s1 =	sand.u32 $0x7F, s1  }
0x345: {  	v7 =	vor.u32 s1, v6;
	_ =	sdelay $0x4  }
0x346: {  	v8 =	vld.idx.msk [tilespmem:v7+s31+$0x0], $0xffff;
	v7 =	vor.u32 $0x800, v6  }
0x347: {  	v9 =	vor.u32 s1, v7;
	_ =	sdelay $0x2  }
0x348: {  	s13 =	sshll.u32 s6, $0x7  }
0x349: {  	[tilespmem:s13+$0x14200] =	vst v8  }
0x34a: {  	v8 =	vor.u32 $0x1000, v6;
	v9 =	vld.idx.msk [tilespmem:v9+s31+$0x0], $0xffff  }
0x34b: {  	v10 =	vor.u32 s1, v8;
	_ =	sdelay $0x3  }
0x34c: {  	[tilespmem:s13+$0x14210] =	vst v9  }
0x34d: {  	v9 =	vor.u32 $0x1800, v6;
	v10 =	vld.idx.msk [tilespmem:v10+s31+$0x0], $0xffff  }
0x34e: {  	v11 =	vor.u32 s1, v9  }
0x34f: {  	s12 =	sadd.s32 $0x1, s22  }
0x350: {  	p2 =	sne.s32 s20, s12;
	s7 =	sld [smem:s18+$0x0]  }
.Ltmp35:
0x351: {  	_ = 	snop;
	(pc) =	sbr.rel @!p2 .LBB2_51-.Ltmp35, $4  }
0x352: {  	s11 =	sadd.s32 $0x9, s6;
	[tilespmem:s13+$0x14220] =	vst v10  }
0x353: {  	s6 =	sand.u32 $0xF, s22;
	p1 =	por $0x1, $0x1;
	s23 =	sshll.u32 s7, $0x3;
	v10 =	vld.idx.msk [tilespmem:v11+s31+$0x0], $0xffff  }
0x354: {  	p3 =	slt.s32 s22, $0x10;
	s19 =	sadd.s32 $0x1, s19;
	s1 =	sand.u32 $0x1FFFFFF8, s23  }
0x355: {  	s18 =	sadd.s32 $0x1, s18;
	s7 =	sadd.s32 $0x14200, s13;
	s14 =	sadd.s32 s4, s1  }
.LBB2_50:
0x356: {  	s1 =	sadd.s32 @!p3 $0x9, s6  }
0x357: {  	s23 =	sadd.s32 $0x9, s6;
	s22 =	smov.u32 s12;
	s12 =	sadd.s32 $0x1, s12  }
0x358: {  	p2 =	sne.s32 s20, s12;
	[tilespmem:s13+$0x14230] =	vst v10  }
0x359: {  	[hbm4b:s14+s5] =	stream.linear.scatter [tilespmem:s7], [sflag:s11], $0x40, $0x38;
	[tilespmem:$0x14B80] =	vst v63  }
0x35a: {  	s11 =	smov.u32 s23;
	_ =	swait.ge @!p3 [sflag:s1], $0x40  }
0x35b: {  	[sflag:s1] =	ssyncset.done @!p3 $0x0  }
0x35c: {  	[sflag:s1] =	ssyncadd.s32 @!p3 $0xFFFFFFC0  }
0x35d: {  	s1 =	sld [smem:s19+$0x0]  }
0x35e: {  	s7 =	sld [smem:s18+$0x0];
	_ =	sdelay $0x1  }
0x35f: {  	s1 =	sand.u32 $0x7F, s1  }
0x360: {  	v10 =	vor.u32 s1, v6;
	s7 =	sshll.u32 s7, $0x3  }
0x361: {  	s7 =	sand.u32 $0x1FFFFFF8, s7  }
0x362: {  	s14 =	sadd.s32 s4, s7;
	_ =	sdelay $0x2  }
0x363: {  	v10 =	vld.idx.msk [tilespmem:v10+s31+$0x0], $0xffff  }
0x364: {  	v11 =	vor.u32 s1, v7;
	_ =	sdelay $0x2  }
0x365: {  	s13 =	sshll.u32 s6, $0x7  }
0x366: {  	s7 =	sadd.s32 $0x14200, s13  }
0x367: {  	[tilespmem:s13+$0x14200] =	vst v10  }
0x368: {  	v10 =	vld.idx.msk [tilespmem:v11+s31+$0x0], $0xffff  }
0x369: {  	v11 =	vor.u32 s1, v8;
	_ =	sdelay $0x4  }
0x36a: {  	[tilespmem:s13+$0x14210] =	vst v10  }
0x36b: {  	v10 =	vld.idx.msk [tilespmem:v11+s31+$0x0], $0xffff  }
0x36c: {  	v11 =	vor.u32 s1, v9;
	_ =	sdelay $0x4  }
0x36d: {  	[tilespmem:s13+$0x14220] =	vst v10  }
.Ltmp36:
0x36e: {  	v10 =	vld.idx.msk [tilespmem:v11+s31+$0x0], $0xffff;
	(pc) =	sbr.rel @p2 .LBB2_50-.Ltmp36, $3  }
0x36f: {  	_ =	sdelay $0x1  }
0x370: {  	s19 =	sadd.s32 $0x1, s19  }
0x371: {  	s6 =	sand.u32 $0xF, s22;
	p3 =	slt.s32 s22, $0x10;
	s18 =	sadd.s32 $0x1, s18  }
.LBB2_51:
0x372: {  	_ =	sdelay $0x1  }
0x373: {  	s1 =	sadd.s32 @!p3 $0x9, s6;
	[tilespmem:s13+$0x14230] =	vst @p1 v10  }
0x374: {  	[hbm4b:s14+s5] =	stream.linear.scatter @p1 [tilespmem:s7], [sflag:s11], $0x40, $0x38;
	[tilespmem:$0x14B80] =	vst v63  }
0x375: {  	_ =	swait.ge @!p3 [sflag:s1], $0x40  }
0x376: {  	[sflag:s1] =	ssyncset.done @!p3 $0x0  }
0x377: {  	[sflag:s1] =	ssyncadd.s32 @!p3 $0xFFFFFFC0  }
0x378: {  	s1 =	sld [smem:s19+$0x0];
	_ =	sdelay $0x1  }
0x379: {  	v6 =	vmul.u32 $0x80, v4  }
0x37a: {  	s1 =	sand.u32 $0x7F, s1  }
0x37b: {  	v7 =	vor.u32 s1, v6;
	_ =	sdelay $0x4  }
0x37c: {  	v8 =	vor.u32 $0x800, v6;
	v7 =	vld.idx.msk [tilespmem:v7+s31+$0x0], $0xffff  }
0x37d: {  	v8 =	vor.u32 s1, v8;
	_ =	sdelay $0x2  }
0x37e: {  	s19 =	sshll.u32 s6, $0x7  }
0x37f: {  	[tilespmem:s19+$0x14200] =	vst v7  }
0x380: {  	v63 =	vor.u32 $0x1000, v6;
	v7 =	vld.idx.msk [tilespmem:v8+s31+$0x0], $0xffff  }
0x381: {  	v8 =	vor.u32 s1, v63;
	_ =	sdelay $0x3  }
0x382: {  	[tilespmem:s19+$0x14210] =	vst v7  }
0x383: {  	v6 =	vor.u32 $0x1800, v6;
	v7 =	vld.idx.msk [tilespmem:v8+s31+$0x0], $0xffff  }
0x384: {  	v6 =	vor.u32 s1, v6;
	_ =	sdelay $0x3  }
0x385: {  	[tilespmem:s19+$0x14220] =	vst v7  }
0x386: {  	s20 =	sld [smem:s18+$0x0];
	v6 =	vld.idx.msk [tilespmem:v6+s31+$0x0], $0xffff;
	_ =	sdelay $0x2  }
0x387: {  	s1 =	sshll.u32 s20, $0x3  }
0x388: {  	s1 =	sand.u32 $0x1FFFFFF8, s1  }
0x389: {  	s22 =	sadd.s32 $0x9, s6;
	s23 =	sadd.s32 $0x14200, s19;
	s1 =	sadd.s32 s4, s1;
	[tilespmem:s19+$0x14230] =	vst v6  }
0x38a: {  	[hbm4b:s1+s5] =	stream.linear.scatter [tilespmem:s23], [sflag:s22], $0x40, $0x38;
	[tilespmem:$0x14B80] =	vst v63  }
.LBB2_52:
0x38b: {  	s1 =	rddreg [dreg:$0x11]  }
0x38c: {  	s1 =	sadd.s32 @!p0 s1, s15  }
0x38d: {  	s1 =	smin.u32 @!p0 s1, $0x1E84  }
0x38e: {  	s1 =	sshll.u32 @!p0 s1, $0x7  }
0x38f: {  	s6 =	simm.s32 @!p0 $0xE200;
	s22 =	simm.s32 $0x7;
	s1 =	sadd.s32 @!p0 s3, s1  }
0x390: {  	[tilespmem:s6], [sflag:$0x6] =	stream.strided.gather @!p0 [hbm4b:s1+s16], $0x2000, s17, s16, $0x38;
	[tilespmem:$0x14B80] =	vst v63  }
0x391: {  	_ =	swait.ge [sflag:s22], $0x2000  }
0x392: {  	[sflag:s22] =	ssyncset.done $0x0  }
0x393: {  	[sflag:s22] =	ssyncadd.s32 $0xFFFFE000  }
0x394: {  	v6 =	vld [tilespmem:s9+$0x14A00];
	_ =	sdelay $0x3  }
0x395: {  	s23 =	sor.u32 $0x7, s21  }
0x396: {  	v7 =	vperm.xlane v6, v5;
	v5 =	vmov s23  }
0x397: {  	v6 =	vperm.xlane v6, v5  }
0x398: {  	(v2sf) =	vpush v7, $0x0  }
0x399: {  	(v2sf) =	vpush v6, $0x0;
	_ =	sdelay $0xd  }
0x39a: {  	s7 =	spop (v2sf)  }
0x39b: {  	s18 =	spop (v2sf)  }
0x39c: {  	p1 =	slt.s32 s18, $0x2BC  }
0x39d: {  	s18 =	simm.s32 @!p1 $0x2BC  }
0x39e: {  	p1 =	sge.s32 s7, s18  }
.Ltmp37:
0x39f: {  	_ = 	snop;
	(pc) =	sbr.rel @p1 .LBB2_58-.Ltmp37, $1  }
0x3a0: {  	_ =	sdelay $0x3  }
0x3a1: {  	s19 =	sadd.s32 $0x1, s7  }
0x3a2: {  	p2 =	sne.s32 s18, s19  }
.Ltmp38:
0x3a3: {  	_ = 	snop;
	(pc) =	sbr.rel @!p2 .LBB2_54-.Ltmp38, $4  }
0x3a4: {  	_ = 	snop  }
0x3a5: {  	s1 =	sshll.u32 s7, $0x2  }
0x3a6: {  	s6 =	sand.u32 $0xF, s7;
	s17 =	sshra.s32 s1, $0x2  }
0x3a7: {  	p3 =	slt.s32 s7, $0x10;
	p1 =	por $0x0, $0x0;
	s16 =	sadd.s32 $0x300, s17  }
0x3a8: {  	s1 =	sadd.s32 @!p3 $0x9, s6  }
0x3a9: {  	_ =	swait.ge @!p3 [sflag:s1], $0x40  }
0x3aa: {  	[sflag:s1] =	ssyncset.done @!p3 $0x0  }
0x3ab: {  	[sflag:s1] =	ssyncadd.s32 @!p3 $0xFFFFFFC0  }
0x3ac: {  	s1 =	sld [smem:s17+$0x0];
	_ =	sdelay $0x1  }
0x3ad: {  	v6 =	vmul.u32 $0x80, v4  }
0x3ae: {  	s1 =	sand.u32 $0x7F, s1  }
0x3af: {  	v7 =	vor.u32 s1, v6;
	_ =	sdelay $0x4  }
0x3b0: {  	v8 =	vld.idx.msk [tilespmem:v7+s2+$0x0], $0xffff;
	v7 =	vor.u32 $0x800, v6  }
0x3b1: {  	v9 =	vor.u32 s1, v7;
	_ =	sdelay $0x2  }
0x3b2: {  	s13 =	sshll.u32 s6, $0x7  }
0x3b3: {  	[tilespmem:s13+$0x14200] =	vst v8  }
0x3b4: {  	v8 =	vor.u32 $0x1000, v6;
	v9 =	vld.idx.msk [tilespmem:v9+s2+$0x0], $0xffff  }
0x3b5: {  	v10 =	vor.u32 s1, v8;
	_ =	sdelay $0x3  }
0x3b6: {  	[tilespmem:s13+$0x14210] =	vst v9  }
0x3b7: {  	v9 =	vor.u32 $0x1800, v6;
	v10 =	vld.idx.msk [tilespmem:v10+s2+$0x0], $0xffff  }
0x3b8: {  	v11 =	vor.u32 s1, v9  }
0x3b9: {  	s12 =	sadd.s32 $0x1, s19  }
0x3ba: {  	p2 =	sne.s32 s18, s12;
	s7 =	sld [smem:s16+$0x0]  }
.Ltmp39:
0x3bb: {  	_ = 	snop;
	(pc) =	sbr.rel @!p2 .LBB2_57-.Ltmp39, $4  }
0x3bc: {  	s11 =	sadd.s32 $0x9, s6;
	[tilespmem:s13+$0x14220] =	vst v10  }
0x3bd: {  	s6 =	sand.u32 $0xF, s19;
	p1 =	por $0x1, $0x1;
	s23 =	sshll.u32 s7, $0x3;
	v10 =	vld.idx.msk [tilespmem:v11+s2+$0x0], $0xffff  }
0x3be: {  	p3 =	slt.s32 s19, $0x10;
	s17 =	sadd.s32 $0x1, s17;
	s1 =	sand.u32 $0x1FFFFFF8, s23  }
0x3bf: {  	s16 =	sadd.s32 $0x1, s16;
	s7 =	sadd.s32 $0x14200, s13;
	s14 =	sadd.s32 s4, s1  }
.LBB2_56:
0x3c0: {  	s1 =	sadd.s32 @!p3 $0x9, s6  }
0x3c1: {  	s20 =	sadd.s32 $0x9, s6;
	s19 =	smov.u32 s12;
	s12 =	sadd.s32 $0x1, s12  }
0x3c2: {  	p2 =	sne.s32 s18, s12;
	[tilespmem:s13+$0x14230] =	vst v10  }
0x3c3: {  	[hbm4b:s14+s5] =	stream.linear.scatter [tilespmem:s7], [sflag:s11], $0x40, $0x38;
	[tilespmem:$0x14B80] =	vst v63  }
0x3c4: {  	s11 =	smov.u32 s20;
	_ =	swait.ge @!p3 [sflag:s1], $0x40  }
0x3c5: {  	[sflag:s1] =	ssyncset.done @!p3 $0x0  }
0x3c6: {  	[sflag:s1] =	ssyncadd.s32 @!p3 $0xFFFFFFC0  }
0x3c7: {  	s1 =	sld [smem:s17+$0x0]  }
0x3c8: {  	s7 =	sld [smem:s16+$0x0];
	_ =	sdelay $0x1  }
0x3c9: {  	s1 =	sand.u32 $0x7F, s1  }
0x3ca: {  	v10 =	vor.u32 s1, v6;
	s7 =	sshll.u32 s7, $0x3  }
0x3cb: {  	s7 =	sand.u32 $0x1FFFFFF8, s7  }
0x3cc: {  	s14 =	sadd.s32 s4, s7;
	_ =	sdelay $0x2  }
0x3cd: {  	v10 =	vld.idx.msk [tilespmem:v10+s2+$0x0], $0xffff  }
0x3ce: {  	v11 =	vor.u32 s1, v7;
	_ =	sdelay $0x2  }
0x3cf: {  	s13 =	sshll.u32 s6, $0x7  }
0x3d0: {  	s7 =	sadd.s32 $0x14200, s13  }
0x3d1: {  	[tilespmem:s13+$0x14200] =	vst v10  }
0x3d2: {  	v10 =	vld.idx.msk [tilespmem:v11+s2+$0x0], $0xffff  }
0x3d3: {  	v11 =	vor.u32 s1, v8;
	_ =	sdelay $0x4  }
0x3d4: {  	[tilespmem:s13+$0x14210] =	vst v10  }
0x3d5: {  	v10 =	vld.idx.msk [tilespmem:v11+s2+$0x0], $0xffff  }
0x3d6: {  	v11 =	vor.u32 s1, v9;
	_ =	sdelay $0x4  }
0x3d7: {  	[tilespmem:s13+$0x14220] =	vst v10  }
.Ltmp40:
0x3d8: {  	v10 =	vld.idx.msk [tilespmem:v11+s2+$0x0], $0xffff;
	(pc) =	sbr.rel @p2 .LBB2_56-.Ltmp40, $3  }
0x3d9: {  	_ =	sdelay $0x1  }
0x3da: {  	s17 =	sadd.s32 $0x1, s17  }
0x3db: {  	s6 =	sand.u32 $0xF, s19;
	p3 =	slt.s32 s19, $0x10;
	s16 =	sadd.s32 $0x1, s16  }
.LBB2_57:
0x3dc: {  	_ =	sdelay $0x1  }
0x3dd: {  	s1 =	sadd.s32 @!p3 $0x9, s6;
	[tilespmem:s13+$0x14230] =	vst @p1 v10  }
0x3de: {  	[hbm4b:s14+s5] =	stream.linear.scatter @p1 [tilespmem:s7], [sflag:s11], $0x40, $0x38;
	[tilespmem:$0x14B80] =	vst v63  }
0x3df: {  	_ =	swait.ge @!p3 [sflag:s1], $0x40  }
0x3e0: {  	[sflag:s1] =	ssyncset.done @!p3 $0x0  }
0x3e1: {  	[sflag:s1] =	ssyncadd.s32 @!p3 $0xFFFFFFC0  }
0x3e2: {  	s1 =	sld [smem:s17+$0x0];
	_ =	sdelay $0x1  }
0x3e3: {  	v6 =	vmul.u32 $0x80, v4  }
0x3e4: {  	s1 =	sand.u32 $0x7F, s1  }
0x3e5: {  	v7 =	vor.u32 s1, v6;
	_ =	sdelay $0x4  }
0x3e6: {  	v8 =	vor.u32 $0x800, v6;
	v7 =	vld.idx.msk [tilespmem:v7+s2+$0x0], $0xffff  }
0x3e7: {  	v8 =	vor.u32 s1, v8;
	_ =	sdelay $0x2  }
0x3e8: {  	s20 =	sshll.u32 s6, $0x7  }
0x3e9: {  	[tilespmem:s20+$0x14200] =	vst v7  }
0x3ea: {  	v63 =	vor.u32 $0x1000, v6;
	v7 =	vld.idx.msk [tilespmem:v8+s2+$0x0], $0xffff  }
0x3eb: {  	v8 =	vor.u32 s1, v63;
	_ =	sdelay $0x3  }
0x3ec: {  	[tilespmem:s20+$0x14210] =	vst v7  }
0x3ed: {  	v6 =	vor.u32 $0x1800, v6;
	v7 =	vld.idx.msk [tilespmem:v8+s2+$0x0], $0xffff  }
0x3ee: {  	v6 =	vor.u32 s1, v6;
	_ =	sdelay $0x3  }
0x3ef: {  	[tilespmem:s20+$0x14220] =	vst v7  }
0x3f0: {  	s21 =	sld [smem:s16+$0x0];
	v6 =	vld.idx.msk [tilespmem:v6+s2+$0x0], $0xffff;
	_ =	sdelay $0x2  }
0x3f1: {  	s1 =	sshll.u32 s21, $0x3  }
0x3f2: {  	s1 =	sand.u32 $0x1FFFFFF8, s1  }
0x3f3: {  	s22 =	sadd.s32 $0x9, s6;
	s23 =	sadd.s32 $0x14200, s20;
	s1 =	sadd.s32 s4, s1;
	[tilespmem:s20+$0x14230] =	vst v6  }
0x3f4: {  	[hbm4b:s1+s5] =	stream.linear.scatter [tilespmem:s23], [sflag:s22], $0x40, $0x38;
	[tilespmem:$0x14B80] =	vst v63  }
.LBB2_58:
0x3f5: {  	s1 =	rddreg [dreg:$0x12]  }
0x3f6: {  	s1 =	sadd.s32 @!p0 s1, s15  }
0x3f7: {  	s1 =	smin.u32 @!p0 s1, $0x1E84  }
0x3f8: {  	s6 =	simm.s32 @!p0 $0x400;
	s7 =	simm.s32 @!p0 $0x7A1400;
	s1 =	sshll.u32 @!p0 s1, $0x7  }
0x3f9: {  	s11 =	simm.s32 @!p0 $0x10200;
	s21 =	simm.s32 $0x8;
	s1 =	sadd.s32 @!p0 s3, s1  }
0x3fa: {  	[tilespmem:s11], [sflag:$0x7] =	stream.strided.gather @!p0 [hbm4b:s1+s6], $0x2000, s7, s6, $0x38;
	[tilespmem:$0x14B80] =	vst v63  }
0x3fb: {  	_ =	swait.ge [sflag:s21], $0x2000  }
0x3fc: {  	[sflag:s21] =	ssyncset.done $0x0  }
0x3fd: {  	[sflag:s21] =	ssyncadd.s32 $0xFFFFE000  }
0x3fe: {  	s22 =	sand.u32 $0x1F0, s10;
	v6 =	vld [tilespmem:s9+$0x14A00]  }
0x3ff: {  	v7 =	vld [tilespmem:s22+$0x14A00];
	_ =	sdelay $0x2  }
0x400: {  	s23 =	sand.u32 $0x8, s10  }
0x401: {  	v5 =	vperm.xlane v6, v5;
	v6 =	vmov s23  }
0x402: {  	v6 =	vperm.xlane v7, v6  }
0x403: {  	(v2sf) =	vpush v5, $0x0  }
0x404: {  	(v2sf) =	vpush v6, $0x0;
	_ =	sdelay $0xd  }
0x405: {  	s7 =	spop (v2sf)  }
0x406: {  	s15 =	spop (v2sf)  }
0x407: {  	p1 =	slt.s32 s15, $0x2BC  }
0x408: {  	s15 =	simm.s32 @!p1 $0x2BC  }
0x409: {  	p1 =	sge.s32 s7, s15  }
.Ltmp41:
0x40a: {  	_ = 	snop;
	(pc) =	sbr.rel @p1 .LBB2_64-.Ltmp41, $1  }
0x40b: {  	_ =	sdelay $0x3  }
0x40c: {  	s16 =	sadd.s32 $0x1, s7  }
0x40d: {  	p2 =	sne.s32 s15, s16  }
.Ltmp42:
0x40e: {  	_ = 	snop;
	(pc) =	sbr.rel @!p2 .LBB2_60-.Ltmp42, $4  }
0x40f: {  	_ = 	snop  }
0x410: {  	s1 =	sshll.u32 s7, $0x2  }
0x411: {  	s6 =	sand.u32 $0xF, s7;
	s10 =	sshra.s32 s1, $0x2  }
0x412: {  	p3 =	slt.s32 s7, $0x10;
	p1 =	por $0x0, $0x0;
	s9 =	sadd.s32 $0x300, s10  }
0x413: {  	s1 =	sadd.s32 @!p3 $0x9, s6  }
0x414: {  	_ =	swait.ge @!p3 [sflag:s1], $0x40  }
0x415: {  	[sflag:s1] =	ssyncset.done @!p3 $0x0  }
0x416: {  	[sflag:s1] =	ssyncadd.s32 @!p3 $0xFFFFFFC0  }
0x417: {  	s1 =	sld [smem:s10+$0x0];
	_ =	sdelay $0x1  }
0x418: {  	v5 =	vmul.u32 $0x80, v4  }
0x419: {  	s1 =	sand.u32 $0x7F, s1  }
0x41a: {  	v6 =	vor.u32 s1, v5;
	_ =	sdelay $0x4  }
0x41b: {  	v7 =	vld.idx.msk [tilespmem:v6+s0+$0x0], $0xffff;
	v6 =	vor.u32 $0x800, v5  }
0x41c: {  	v8 =	vor.u32 s1, v6;
	_ =	sdelay $0x2  }
0x41d: {  	s13 =	sshll.u32 s6, $0x7  }
0x41e: {  	[tilespmem:s13+$0x14200] =	vst v7  }
0x41f: {  	v7 =	vor.u32 $0x1000, v5;
	v8 =	vld.idx.msk [tilespmem:v8+s0+$0x0], $0xffff  }
0x420: {  	v9 =	vor.u32 s1, v7;
	_ =	sdelay $0x3  }
0x421: {  	[tilespmem:s13+$0x14210] =	vst v8  }
0x422: {  	v8 =	vor.u32 $0x1800, v5;
	v9 =	vld.idx.msk [tilespmem:v9+s0+$0x0], $0xffff  }
0x423: {  	v10 =	vor.u32 s1, v8  }
0x424: {  	s12 =	sadd.s32 $0x1, s16  }
0x425: {  	p2 =	sne.s32 s15, s12;
	s7 =	sld [smem:s9+$0x0]  }
.Ltmp43:
0x426: {  	_ = 	snop;
	(pc) =	sbr.rel @!p2 .LBB2_63-.Ltmp43, $4  }
0x427: {  	s11 =	sadd.s32 $0x9, s6;
	[tilespmem:s13+$0x14220] =	vst v9  }
0x428: {  	s6 =	sand.u32 $0xF, s16;
	p1 =	por $0x1, $0x1;
	s23 =	sshll.u32 s7, $0x3;
	v9 =	vld.idx.msk [tilespmem:v10+s0+$0x0], $0xffff  }
0x429: {  	p3 =	slt.s32 s16, $0x10;
	s10 =	sadd.s32 $0x1, s10;
	s1 =	sand.u32 $0x1FFFFFF8, s23  }
0x42a: {  	s9 =	sadd.s32 $0x1, s9;
	s7 =	sadd.s32 $0x14200, s13;
	s14 =	sadd.s32 s4, s1  }
.LBB2_62:
0x42b: {  	s1 =	sadd.s32 @!p3 $0x9, s6  }
0x42c: {  	s17 =	sadd.s32 $0x9, s6;
	s16 =	smov.u32 s12;
	s12 =	sadd.s32 $0x1, s12  }
0x42d: {  	p2 =	sne.s32 s15, s12;
	[tilespmem:s13+$0x14230] =	vst v9  }
0x42e: {  	[hbm4b:s14+s5] =	stream.linear.scatter [tilespmem:s7], [sflag:s11], $0x40, $0x38;
	[tilespmem:$0x14B80] =	vst v63  }
0x42f: {  	s11 =	smov.u32 s17;
	_ =	swait.ge @!p3 [sflag:s1], $0x40  }
0x430: {  	[sflag:s1] =	ssyncset.done @!p3 $0x0  }
0x431: {  	[sflag:s1] =	ssyncadd.s32 @!p3 $0xFFFFFFC0  }
0x432: {  	s1 =	sld [smem:s10+$0x0]  }
0x433: {  	s7 =	sld [smem:s9+$0x0];
	_ =	sdelay $0x1  }
0x434: {  	s1 =	sand.u32 $0x7F, s1  }
0x435: {  	v9 =	vor.u32 s1, v5;
	s7 =	sshll.u32 s7, $0x3  }
0x436: {  	s7 =	sand.u32 $0x1FFFFFF8, s7  }
0x437: {  	s14 =	sadd.s32 s4, s7;
	_ =	sdelay $0x2  }
0x438: {  	v9 =	vld.idx.msk [tilespmem:v9+s0+$0x0], $0xffff  }
0x439: {  	v10 =	vor.u32 s1, v6;
	_ =	sdelay $0x2  }
0x43a: {  	s13 =	sshll.u32 s6, $0x7  }
0x43b: {  	s7 =	sadd.s32 $0x14200, s13  }
0x43c: {  	[tilespmem:s13+$0x14200] =	vst v9  }
0x43d: {  	v9 =	vld.idx.msk [tilespmem:v10+s0+$0x0], $0xffff  }
0x43e: {  	v10 =	vor.u32 s1, v7;
	_ =	sdelay $0x4  }
0x43f: {  	[tilespmem:s13+$0x14210] =	vst v9  }
0x440: {  	v9 =	vld.idx.msk [tilespmem:v10+s0+$0x0], $0xffff  }
0x441: {  	v10 =	vor.u32 s1, v8;
	_ =	sdelay $0x4  }
0x442: {  	[tilespmem:s13+$0x14220] =	vst v9  }
.Ltmp44:
0x443: {  	v9 =	vld.idx.msk [tilespmem:v10+s0+$0x0], $0xffff;
	(pc) =	sbr.rel @p2 .LBB2_62-.Ltmp44, $3  }
0x444: {  	_ =	sdelay $0x1  }
0x445: {  	s10 =	sadd.s32 $0x1, s10  }
0x446: {  	s6 =	sand.u32 $0xF, s16;
	p3 =	slt.s32 s16, $0x10;
	s9 =	sadd.s32 $0x1, s9  }
.LBB2_63:
0x447: {  	_ =	sdelay $0x1  }
0x448: {  	s1 =	sadd.s32 @!p3 $0x9, s6;
	[tilespmem:s13+$0x14230] =	vst @p1 v9  }
0x449: {  	[hbm4b:s14+s5] =	stream.linear.scatter @p1 [tilespmem:s7], [sflag:s11], $0x40, $0x38;
	[tilespmem:$0x14B80] =	vst v63  }
0x44a: {  	_ =	swait.ge @!p3 [sflag:s1], $0x40  }
0x44b: {  	[sflag:s1] =	ssyncset.done @!p3 $0x0  }
0x44c: {  	[sflag:s1] =	ssyncadd.s32 @!p3 $0xFFFFFFC0  }
0x44d: {  	s1 =	sld [smem:s10+$0x0];
	_ =	sdelay $0x1  }
0x44e: {  	v5 =	vmul.u32 $0x80, v4  }
0x44f: {  	s1 =	sand.u32 $0x7F, s1  }
0x450: {  	v6 =	vor.u32 s1, v5;
	_ =	sdelay $0x4  }
0x451: {  	v7 =	vor.u32 $0x800, v5;
	v6 =	vld.idx.msk [tilespmem:v6+s0+$0x0], $0xffff  }
0x452: {  	v7 =	vor.u32 s1, v7;
	_ =	sdelay $0x2  }
0x453: {  	s20 =	sshll.u32 s6, $0x7  }
0x454: {  	[tilespmem:s20+$0x14200] =	vst v6  }
0x455: {  	v6 =	vld.idx.msk [tilespmem:v7+s0+$0x0], $0xffff;
	v7 =	vor.u32 $0x1000, v5  }
0x456: {  	v7 =	vor.u32 s1, v7;
	_ =	sdelay $0x3  }
0x457: {  	[tilespmem:s20+$0x14210] =	vst v6  }
0x458: {  	v5 =	vor.u32 $0x1800, v5;
	v6 =	vld.idx.msk [tilespmem:v7+s0+$0x0], $0xffff  }
0x459: {  	v5 =	vor.u32 s1, v5;
	_ =	sdelay $0x3  }
0x45a: {  	[tilespmem:s20+$0x14220] =	vst v6  }
0x45b: {  	s21 =	sld [smem:s9+$0x0];
	v5 =	vld.idx.msk [tilespmem:v5+s0+$0x0], $0xffff;
	_ =	sdelay $0x2  }
0x45c: {  	s1 =	sshll.u32 s21, $0x3  }
0x45d: {  	s1 =	sand.u32 $0x1FFFFFF8, s1  }
0x45e: {  	s22 =	sadd.s32 $0x9, s6;
	s23 =	sadd.s32 $0x14200, s20;
	s1 =	sadd.s32 s4, s1;
	[tilespmem:s20+$0x14230] =	vst v5  }
0x45f: {  	[hbm4b:s1+s5] =	stream.linear.scatter [tilespmem:s23], [sflag:s22], $0x40, $0x38;
	[tilespmem:$0x14B80] =	vst v63  }
.LBB2_64:
.Ltmp45:
0x460: {  	(pc) =	sbr.rel @p0 .LBB2_66-.Ltmp45, $1  }
0x461: {  	_ =	sdelay $0x3  }
0x462: {  	s1 =	sshll.u32 s24, $0x8;
	s6 =	rddreg [dreg:$0x13]  }
.Ltmp46:
0x463: {  	s1 =	sadd.s32 s6, s1;
	(pc) =	sbr.rel .LBB2_16-.Ltmp46, $4  }
0x464: {  	s1 =	smin.u32 s1, $0x1E84  }
0x465: {  	s23 =	simm.s32 $0x400;
	s1 =	sshll.u32 s1, $0x7  }
0x466: {  	s7 =	simm.s32 $0x7A1400;
	s24 =	sadd.s32 $0x1, s24;
	s1 =	sadd.s32 s3, s1  }
0x467: {  	[tilespmem:s0], [sflag:$0x8] =	stream.strided.gather [hbm4b:s1+s23], $0x2000, s7, s23, $0x38;
	[tilespmem:$0x14B80] =	vst v63  }
.LBB2_18:
.Ltmp47:
0x468: {  	(pc) =	sbr.rel .LBB2_21-.Ltmp47, $2  }
0x469: {  	_ =	sdelay $0x2  }
0x46a: {  	_ = 	snop  }
.LBB2_24:
.Ltmp48:
0x46b: {  	(pc) =	sbr.rel .LBB2_27-.Ltmp48, $2  }
0x46c: {  	_ =	sdelay $0x2  }
0x46d: {  	_ = 	snop  }
.LBB2_30:
.Ltmp49:
0x46e: {  	(pc) =	sbr.rel .LBB2_33-.Ltmp49, $2  }
0x46f: {  	_ =	sdelay $0x2  }
0x470: {  	_ = 	snop  }
.LBB2_36:
.Ltmp50:
0x471: {  	(pc) =	sbr.rel .LBB2_39-.Ltmp50, $2  }
0x472: {  	_ =	sdelay $0x2  }
0x473: {  	_ = 	snop  }
.LBB2_42:
.Ltmp51:
0x474: {  	(pc) =	sbr.rel .LBB2_45-.Ltmp51, $2  }
0x475: {  	_ =	sdelay $0x2  }
0x476: {  	_ = 	snop  }
.LBB2_48:
.Ltmp52:
0x477: {  	(pc) =	sbr.rel .LBB2_51-.Ltmp52, $2  }
0x478: {  	_ =	sdelay $0x2  }
0x479: {  	_ = 	snop  }
.LBB2_54:
.Ltmp53:
0x47a: {  	(pc) =	sbr.rel .LBB2_57-.Ltmp53, $2  }
0x47b: {  	_ =	sdelay $0x2  }
0x47c: {  	_ = 	snop  }
.LBB2_60:
.Ltmp54:
0x47d: {  	(pc) =	sbr.rel .LBB2_63-.Ltmp54, $2  }
0x47e: {  	_ =	sdelay $0x2  }
0x47f: {  	_ = 	snop  }
.LBB2_66:
0x480: {  	s9 =	sld [smem:$0x7FD];
	_ =	sdelay $0x2  }
0x481: {  	p0 =	slt.s32 s9, $0x1  }
.Ltmp55:
0x482: {  	_ = 	snop;
	(pc) =	sbr.rel @p0 .LBB2_80-.Ltmp55, $2  }
0x483: {  	_ =	sdelay $0x2  }
0x484: {  	s17 =	simm.s32 $0x4100;
	s18 =	simm.s32 $0x4180  }
0x485: {  	s1 =	rddreg [dreg:$0x16]  }
0x486: {  	s6 =	rddreg [dreg:$0x17]  }
0x487: {  	s10 =	rddreg [dreg:$0x18]  }
0x488: {  	s11 =	rddreg [dreg:$0x19]  }
0x489: {  	s12 =	rddreg [dreg:$0x1a];
	s1 =	sadd.s32 s1, s6  }
0x48a: {  	s13 =	rddreg [dreg:$0x1b];
	s1 =	sadd.s32 s10, s1  }
0x48b: {  	s14 =	rddreg [dreg:$0x1c];
	s1 =	sadd.s32 s11, s1  }
0x48c: {  	s15 =	rddreg [dreg:$0x1d];
	s1 =	sadd.s32 s12, s1  }
0x48d: {  	s16 =	rddreg [dreg:$0x1e];
	s1 =	sadd.s32 s13, s1  }
0x48e: {  	s19 =	rddreg [dreg:$0x1f];
	s1 =	sadd.s32 s14, s1  }
0x48f: {  	s20 =	sld [smem:$0x7F8];
	s1 =	sadd.s32 s15, s1  }
0x490: {  	s21 =	sld [smem:$0x7F9];
	s1 =	sadd.s32 s16, s1  }
0x491: {  	s22 =	sld [smem:$0x7FA];
	s1 =	sadd.s32 s19, s1  }
0x492: {  	s23 =	sld [smem:$0x7FB];
	s1 =	sadd.s32 s20, s1  }
0x493: {  	s24 =	sld [smem:$0x7FC];
	s1 =	sadd.s32 s21, s1  }
0x494: {  	s1 =	sadd.s32 s22, s1  }
0x495: {  	s1 =	sadd.s32 s23, s1  }
0x496: {  	s1 =	sadd.s32 s24, s1  }
0x497: {  	s1 =	smin.u32 s1, $0x10  }
0x498: {  	p0 =	sne.s32 s1, $0x1  }
.Ltmp56:
0x499: {  	_ = 	snop;
	(pc) =	sbr.rel @!p0 .LBB2_69-.Ltmp56, $4  }
0x49a: {  	_ = 	snop  }
0x49b: {  	s6 =	simm.s32 $0x9  }
0x49c: {  	_ =	swait.ge [sflag:s6], $0x40  }
0x49d: {  	[sflag:s6] =	ssyncset.done $0x0;
	s7 =	sadd.s32 $0xFFFFFFFF, s1  }
.LBB2_68:
0x49e: {  	p0 =	sne.s32 s7, $0x1;
	[sflag:s6] =	ssyncadd.s32 $0xFFFFFFC0;
	s6 =	sadd.s32 $0x1, s6  }
.Ltmp57:
0x49f: {  	s7 =	sadd.s32 $0xFFFFFFFF, s7;
	(pc) =	sbr.rel @p0 .LBB2_68-.Ltmp57, $3  }
0x4a0: {  	_ =	sdelay $0x1  }
0x4a1: {  	_ =	swait.ge [sflag:s6], $0x40  }
0x4a2: {  	[sflag:s6] =	ssyncset.done $0x0  }
.LBB2_69:
0x4a3: {  	p0 =	slt.u32 s9, $0x2BD  }
.Ltmp58:
0x4a4: {  	_ = 	snop;
	(pc) =	sbr.rel @p0 .LBB2_80-.Ltmp58, $2  }
0x4a5: {  	_ =	sdelay $0x2  }
0x4a6: {  	[sflag:s6] =	ssyncadd.s32 $0xFFFFFFC0;
	s9 =	simm.s32 $0x0;
	s6 =	simm.s32 $0x600  }
0x4a7: {  	s1 =	sand.u32 $0x1F0, s9  }
0x4a8: {  	v5 =	vld [tilespmem:s1+$0x14A00];
	_ =	sdelay $0x3  }
0x4a9: {  	v6 =	vmov s9  }
0x4aa: {  	v5 =	vperm.xlane v5, v6;
	_ =	sdelay $0x1  }
0x4ab: {  	(v2sf) =	vpush v5, $0x0;
	_ =	sdelay $0x3  }
0x4ac: {  	s20 =	simm.s32 $0x1  }
0x4ad: {  	s10 =	simm.s32 $0x2;
	s7 =	sand.u32 $0x1F0, s20  }
0x4ae: {  	s11 =	simm.s32 $0x3;
	s21 =	sand.u32 $0x1F0, s10;
	v5 =	vld [tilespmem:s7+$0x14A00]  }
0x4af: {  	s22 =	sand.u32 $0x1F0, s11;
	v6 =	vld [tilespmem:s21+$0x14A00]  }
0x4b0: {  	v7 =	vld [tilespmem:s22+$0x14A00];
	_ =	sdelay $0x1  }
0x4b1: {  	v8 =	vmov s20  }
0x4b2: {  	v62 =	vmov s10;
	v5 =	vperm.xlane v5, v8  }
0x4b3: {  	v63 =	vmov s11;
	v6 =	vperm.xlane v6, v62  }
0x4b4: {  	v7 =	vperm.xlane v7, v63;
	(v2sf) =	vpush v5, $0x0  }
0x4b5: {  	(v2sf) =	vpush v6, $0x0  }
0x4b6: {  	s24 =	spop (v2sf);
	(v2sf) =	vpush v7, $0x0;
	_ =	sdelay $0x5  }
0x4b7: {  	s7 =	simm.s32 $0x4  }
0x4b8: {  	s23 =	sand.u32 $0x1F0, s7  }
0x4b9: {  	s10 =	simm.s32 $0x5;
	v5 =	vld [tilespmem:s23+$0x14A00];
	[smem:s6] =	sst s24  }
.LBB2_71:
0x4ba: {  	_ = 	snop  }
0x4bb: {  	p0 =	sne.s32 s10, $0x101  }
.Ltmp59:
0x4bc: {  	_ = 	snop;
	(pc) =	sbr.rel @p0 .LBB2_71-.Ltmp59, $4  }
0x4bd: {  	v6 =	vmov s7  }
0x4be: {  	v6 =	vperm.xlane v5, v6  }
0x4bf: {  	s1 =	sand.u32 $0x1F0, s10;
	s11 =	spop (v2sf);
	s6 =	sadd.s32 $0x1, s6  }
0x4c0: {  	s7 =	smov.u32 s10;
	s10 =	sadd.s32 $0x1, s10;
	[smem:s6] =	sst s11;
	v5 =	vld [tilespmem:s1+$0x14A00];
	(v2sf) =	vpush v6, $0x0  }
0x4c1: {  	_ =	sdelay $0x2  }
0x4c2: {  	v6 =	vmov s7  }
0x4c3: {  	v5 =	vperm.xlane v5, v6;
	_ =	sdelay $0x1  }
0x4c4: {  	(v2sf) =	vpush v5, $0x0;
	_ =	sdelay $0xb  }
.Ltmp60:
0x4c5: {  	s1 =	spop (v2sf);
	s6 =	sadd.s32 $0x1, s6;
	(pc) =	sbr.rel .LBB2_73-.Ltmp60, $4  }
0x4c6: {  	[smem:s6] =	sst s1;
	s22 =	spop (v2sf);
	s6 =	sadd.s32 $0x1, s6  }
0x4c7: {  	[smem:s6] =	sst s22;
	s6 =	sadd.s32 $0x1, s6;
	s23 =	spop (v2sf)  }
0x4c8: {  	[smem:s6] =	sst s23;
	s6 =	sadd.s32 $0x1, s6;
	s24 =	spop (v2sf)  }
0x4c9: {  	[smem:s6] =	sst s24  }
.LBB2_75:
0x4ca: {  	_ = 	snop  }
.LBB2_78:
0x4cb: {  	p0 =	por p0, !p1  }
0x4cc: {  	s1 =	sshra.s32 s7, $0xC;
	[sflag:s11] =	ssyncadd.s32 @!p0 $0xFFFFFFC0  }
0x4cd: {  	s6 =	sld [smem:s1+$0x600];
	_ =	sdelay $0x2  }
0x4ce: {  	p0 =	slt.s32 s6, $0x2BC  }
0x4cf: {  	v6 =	vlaneseq.u32 @!p0  }
0x4d0: {  	s6 =	sadd.s32 $0x1, s6;
	s10 =	sand.u32 @!p0 $0xFFFFF80, s7;
	s11 =	simm.s32 @!p0 $0x400;
	v6 =	vmul.u32 @!p0 $0x80, v6  }
0x4d1: {  	s7 =	sand.u32 @!p0 $0x7F, s7;
	v5 =	vperm.xlane @!p0 v5, v7;
	s12 =	simm.s32 @!p0 $0x7A1400;
	s13 =	simm.s32 @!p0 $0x4200  }
0x4d2: {  	[smem:s1+$0x600] =	sst s6;
	s1 =	simm.s32 @!p0 $0x1;
	s10 =	sadd.s32 @!p0 s3, s10;
	v7 =	vor.u32 @!p0 s7, v6  }
0x4d3: {  	[tilespmem:s13], [sflag:$0x1] =	stream.strided.gather @!p0 [hbm4b:s10+s11], $0x2000, s12, s11, $0x38;
	(v2sf) =	vpush @!p0 v5, $0x0;
	[tilespmem:$0x14B80] =	vst v63  }
0x4d4: {  	_ =	swait.ge @!p0 [sflag:s1], $0x2000  }
0x4d5: {  	[sflag:s1] =	ssyncset.done @!p0 $0x0  }
0x4d6: {  	[sflag:s1] =	ssyncadd.s32 @!p0 $0xFFFFE000  }
0x4d7: {  	v5 =	vor.u32 @!p0 $0x800, v6;
	v7 =	vld.idx.msk @!p0 [tilespmem:v7+s13+$0x0], $0xffff  }
0x4d8: {  	v5 =	vor.u32 @!p0 s7, v5;
	_ =	sdelay $0x3  }
0x4d9: {  	[tilespmem:$0x14200] =	vst @!p0 v7  }
0x4da: {  	v7 =	vor.u32 @!p0 $0x1000, v6;
	v5 =	vld.idx.msk @!p0 [tilespmem:v5+s13+$0x0], $0xffff  }
0x4db: {  	v7 =	vor.u32 @!p0 s7, v7;
	_ =	sdelay $0x3  }
0x4dc: {  	[tilespmem:$0x14210] =	vst @!p0 v5  }
0x4dd: {  	v5 =	vor.u32 @!p0 $0x1800, v6;
	v6 =	vld.idx.msk @!p0 [tilespmem:v7+s13+$0x0], $0xffff  }
0x4de: {  	v5 =	vor.u32 @!p0 s7, v5;
	_ =	sdelay $0x3  }
0x4df: {  	[tilespmem:$0x14220] =	vst @!p0 v6  }
0x4e0: {  	v5 =	vld.idx.msk @!p0 [tilespmem:v5+s13+$0x0], $0xffff;
	_ =	sdelay $0x1  }
0x4e1: {  	s1 =	spop @!p0 (v2sf)  }
0x4e2: {  	s1 =	sshll.u32 @!p0 s1, $0x3  }
0x4e3: {  	s6 =	simm.s32 @!p0 $0x0;
	s1 =	sand.u32 @!p0 $0x1FFFFFF8, s1  }
0x4e4: {  	s10 =	simm.s32 @!p0 $0x9;
	s1 =	sadd.s32 @!p0 s4, s1;
	s7 =	simm.s32 @!p0 $0x14200;
	[tilespmem:$0x14230] =	vst @!p0 v5  }
0x4e5: {  	[hbm4b:s1+s6] =	stream.linear.scatter @!p0 [tilespmem:s7], [sflag:$0x9], $0x40, $0x38;
	[tilespmem:$0x14B80] =	vst v63  }
0x4e6: {  	_ =	swait.ge @!p0 [sflag:s10], $0x40  }
0x4e7: {  	[sflag:s10] =	ssyncset.done @!p0 $0x0  }
0x4e8: {  	[sflag:s10] =	ssyncadd.s32 @!p0 $0xFFFFFFC0  }
.LBB2_79:
0x4e9: {  	s9 =	sadd.s32 $0x1, s9  }
0x4ea: {  	p0 =	sne.s32 s9, $0x400  }
.Ltmp61:
0x4eb: {  	_ = 	snop;
	(pc) =	sbr.rel @!p0 .LBB2_80-.Ltmp61, $1  }
0x4ec: {  	_ =	sdelay $0x3  }
.LBB2_73:
0x4ed: {  	s6 =	sshll.u32 s9, $0x4  }
0x4ee: {  	v5 =	vld [tilespmem:s6+$0x0];
	_ =	sdelay $0x4  }
0x4ef: {  	v6 =	vshrl.u32 v5, $0x7  }
0x4f0: {  	v6 =	vand.u32 $0x1F, v6  }
0x4f1: {  	vm0 =	veq.s32 v6, v0  }
0x4f2: {  	v6 =	vmpcnt.ones.xlane vm0;
	_ =	sdelay $0x1  }
0x4f3: {  	v6 =	vperm.xlane v6, v1;
	_ =	sdelay $0x1  }
0x4f4: {  	(v2sf) =	vpush v6, $0x0;
	_ =	sdelay $0xe  }
0x4f5: {  	s10 =	spop (v2sf)  }
0x4f6: {  	p0 =	slt.s32 s10, $0x1  }
.Ltmp62:
0x4f7: {  	_ = 	snop;
	(pc) =	sbr.rel @p0 .LBB2_79-.Ltmp62, $1  }
0x4f8: {  	_ =	sdelay $0x3  }
0x4f9: {  	[tilespmem:s17+$0x0] =	vst.msk vm0, v5;
	v5 =	vor.u32 s6, v4  }
0x4fa: {  	[tilespmem:s18+$0x0] =	vst.msk vm0, v5  }
0x4fb: {  	v6 =	vld [tilespmem:$0x4100];
	_ =	sdelay $0x2  }
0x4fc: {  	s1 =	simm.s32 $0x0  }
0x4fd: {  	v7 =	vmov s1  }
0x4fe: {  	v5 =	vperm.xlane v6, v7;
	_ =	sdelay $0x1  }
0x4ff: {  	(v2sf) =	vpush v5, $0x0;
	_ =	sdelay $0x9  }
0x500: {  	p0 =	sne.s32 s10, $0x1  }
.Ltmp63:
0x501: {  	_ = 	snop;
	(pc) =	sbr.rel @!p0 .LBB2_75-.Ltmp63, $2  }
0x502: {  	_ =	sdelay $0x2  }
0x503: {  	s6 =	simm.s32 $0x1;
	p1 =	por $0x0, $0x0;
	v5 =	vld [tilespmem:$0x4180];
	s7 =	spop (v2sf)  }
0x504: {  	s1 =	sshra.s32 s7, $0xC  }
0x505: {  	s11 =	sld [smem:s1+$0x600];
	_ =	sdelay $0x2  }
0x506: {  	p0 =	slt.s32 s11, $0x2BC  }
0x507: {  	v8 =	vlaneseq.u32 @!p0  }
0x508: {  	s11 =	sadd.s32 $0x1, s11;
	s12 =	sand.u32 @!p0 $0xFFFFF80, s7;
	s13 =	simm.s32 @!p0 $0x400;
	v8 =	vmul.u32 @!p0 $0x80, v8  }
0x509: {  	s7 =	sand.u32 @!p0 $0x7F, s7;
	v7 =	vperm.xlane @!p0 v5, v7;
	s14 =	simm.s32 @!p0 $0x7A1400;
	s15 =	simm.s32 @!p0 $0x4200  }
0x50a: {  	[smem:s1+$0x600] =	sst s11;
	s1 =	simm.s32 @!p0 $0x1;
	s12 =	sadd.s32 @!p0 s3, s12;
	v9 =	vor.u32 @!p0 s7, v8  }
0x50b: {  	[tilespmem:s15], [sflag:$0x1] =	stream.strided.gather @!p0 [hbm4b:s12+s13], $0x2000, s14, s13, $0x38;
	(v2sf) =	vpush @!p0 v7, $0x0;
	[tilespmem:$0x14B80] =	vst v63  }
0x50c: {  	_ =	swait.ge @!p0 [sflag:s1], $0x2000  }
0x50d: {  	[sflag:s1] =	ssyncset.done @!p0 $0x0  }
0x50e: {  	[sflag:s1] =	ssyncadd.s32 @!p0 $0xFFFFE000  }
0x50f: {  	v7 =	vor.u32 @!p0 $0x800, v8;
	v9 =	vld.idx.msk @!p0 [tilespmem:v9+s15+$0x0], $0xffff  }
0x510: {  	v7 =	vor.u32 @!p0 s7, v7;
	_ =	sdelay $0x3  }
0x511: {  	[tilespmem:$0x14200] =	vst @!p0 v9  }
0x512: {  	v9 =	vor.u32 @!p0 $0x1000, v8;
	v10 =	vld.idx.msk @!p0 [tilespmem:v7+s15+$0x0], $0xffff  }
0x513: {  	v9 =	vor.u32 @!p0 s7, v9  }
0x514: {  	v7 =	vmov s6  }
0x515: {  	v11 =	vperm.xlane v6, v7;
	_ =	sdelay $0x1  }
0x516: {  	(v2sf) =	vpush v11, $0x0;
	[tilespmem:$0x14210] =	vst @!p0 v10  }
0x517: {  	v8 =	vor.u32 @!p0 $0x1800, v8;
	v9 =	vld.idx.msk @!p0 [tilespmem:v9+s15+$0x0], $0xffff  }
0x518: {  	v8 =	vor.u32 @!p0 s7, v8;
	_ =	sdelay $0x3  }
0x519: {  	[tilespmem:$0x14220] =	vst @!p0 v9  }
0x51a: {  	v8 =	vld.idx.msk @!p0 [tilespmem:v8+s15+$0x0], $0xffff;
	_ =	sdelay $0x1  }
0x51b: {  	s1 =	spop @!p0 (v2sf)  }
0x51c: {  	p2 =	sne.s32 s10, $0x2;
	s1 =	sshll.u32 @!p0 s1, $0x3  }
.Ltmp64:
0x51d: {  	s11 =	simm.s32 @!p0 $0x9;
	s1 =	sand.u32 @!p0 $0x1FFFFFF8, s1;
	(pc) =	sbr.rel @!p2 .LBB2_78-.Ltmp64, $4  }
0x51e: {  	s6 =	simm.s32 @!p0 $0x0;
	s7 =	simm.s32 @!p0 $0x14200;
	s1 =	sadd.s32 @!p0 s4, s1;
	[tilespmem:$0x14230] =	vst @!p0 v8  }
0x51f: {  	[hbm4b:s1+s6] =	stream.linear.scatter @!p0 [tilespmem:s7], [sflag:$0x9], $0x40, $0x38;
	[tilespmem:$0x14B80] =	vst v63  }
0x520: {  	p1 =	por $0x1, $0x1;
	_ =	swait.ge @!p0 [sflag:s11], $0x40  }
0x521: {  	s6 =	simm.s32 $0x2;
	s7 =	spop (v2sf);
	[sflag:s11] =	ssyncset.done @!p0 $0x0  }
.LBB2_77:
0x522: {  	s1 =	sshra.s32 s7, $0xC  }
0x523: {  	[sflag:s11] =	ssyncadd.s32 @!p0 $0xFFFFFFC0;
	s11 =	smov.u32 s6;
	s6 =	sadd.s32 $0x1, s6  }
0x524: {  	p2 =	sne.s32 s10, s6;
	s12 =	sld [smem:s1+$0x600];
	_ =	sdelay $0x2  }
0x525: {  	s13 =	sadd.s32 $0x1, s12;
	p0 =	slt.s32 s12, $0x2BC  }
0x526: {  	s12 =	sand.u32 @!p0 $0xFFFFF80, s7;
	s14 =	simm.s32 @!p0 $0x400;
	s7 =	sand.u32 @!p0 $0x7F, s7;
	v8 =	vlaneseq.u32 @!p0;
	v7 =	vperm.xlane @!p0 v5, v7  }
0x527: {  	s15 =	simm.s32 @!p0 $0x7A1400;
	s16 =	simm.s32 @!p0 $0x4200;
	s12 =	sadd.s32 @!p0 s3, s12;
	v8 =	vmul.u32 @!p0 $0x80, v8  }
0x528: {  	[tilespmem:s16], [sflag:$0x1] =	stream.strided.gather @!p0 [hbm4b:s12+s14], $0x2000, s15, s14, $0x38;
	(v2sf) =	vpush @!p0 v7, $0x0;
	[tilespmem:$0x14B80] =	vst v63  }
0x529: {  	[smem:s1+$0x600] =	sst s13;
	v7 =	vor.u32 @!p0 s7, v8;
	v9 =	vor.u32 @!p0 $0x800, v8;
	v10 =	vor.u32 @!p0 $0x1000, v8  }
0x52a: {  	s1 =	simm.s32 @!p0 $0x1;
	v8 =	vor.u32 @!p0 $0x1800, v8;
	v9 =	vor.u32 @!p0 s7, v9;
	v10 =	vor.u32 @!p0 s7, v10  }
0x52b: {  	v8 =	vor.u32 @!p0 s7, v8;
	_ =	swait.ge @!p0 [sflag:s1], $0x2000  }
0x52c: {  	[sflag:s1] =	ssyncset.done @!p0 $0x0  }
0x52d: {  	[sflag:s1] =	ssyncadd.s32 @!p0 $0xFFFFE000  }
0x52e: {  	v7 =	vld.idx.msk @!p0 [tilespmem:v7+s16+$0x0], $0xffff;
	_ =	sdelay $0x5  }
0x52f: {  	[tilespmem:$0x14200] =	vst @!p0 v7  }
0x530: {  	v9 =	vld.idx.msk @!p0 [tilespmem:v9+s16+$0x0], $0xffff;
	_ =	sdelay $0x1  }
0x531: {  	s1 =	spop @!p0 (v2sf)  }
0x532: {  	s1 =	sshll.u32 @!p0 s1, $0x3  }
0x533: {  	s1 =	sand.u32 @!p0 $0x1FFFFFF8, s1  }
0x534: {  	v7 =	vmov s11;
	s1 =	sadd.s32 @!p0 s4, s1  }
0x535: {  	v11 =	vperm.xlane v6, v7;
	[tilespmem:$0x14210] =	vst @!p0 v9  }
0x536: {  	v9 =	vld.idx.msk @!p0 [tilespmem:v10+s16+$0x0], $0xffff  }
0x537: {  	(v2sf) =	vpush v11, $0x0;
	_ =	sdelay $0x4  }
0x538: {  	[tilespmem:$0x14220] =	vst @!p0 v9  }
0x539: {  	v8 =	vld.idx.msk @!p0 [tilespmem:v8+s16+$0x0], $0xffff;
	_ =	sdelay $0x4  }
.Ltmp65:
0x53a: {  	(pc) =	sbr.rel @p2 .LBB2_77-.Ltmp65, $4  }
0x53b: {  	s12 =	simm.s32 @!p0 $0x14200;
	s7 =	simm.s32 @!p0 $0x0;
	s11 =	simm.s32 @!p0 $0x9;
	[tilespmem:$0x14230] =	vst @!p0 v8  }
0x53c: {  	[hbm4b:s1+s7] =	stream.linear.scatter @!p0 [tilespmem:s12], [sflag:$0x9], $0x40, $0x38;
	[tilespmem:$0x14B80] =	vst v63  }
0x53d: {  	_ =	swait.ge @!p0 [sflag:s11], $0x40  }
0x53e: {  	s7 =	spop (v2sf);
	[sflag:s11] =	ssyncset.done @!p0 $0x0  }
.Ltmp66:
0x53f: {  	_ = 	snop;
	(pc) =	sbr.rel .LBB2_78-.Ltmp66, $1  }
0x540: {  	_ =	sdelay $0x3  }
.LBB2_81:
0x541: {  	_ =	sfence.sel $0x180000  }
0x542: {  	[bflag:$0x0] =	sbarrier.arrive $0xFFFF  }
0x543: {  	_ =	strace $0x90000047  }
0x544: {  	s0 =	stileid.u32;
	[bflag:$0x2] =	sbarrier.arrive $0xFFFF  }
0x545: {  	p0 =	sne.s32 s0, $0x0;
	s0 =	rddreg [dreg:$0x3]  }
0x546: {  	s0 =	sadd.s32 @!p0 $0x100000, s0  }
0x547: {  	[sflag:s0] =	ssyncadd.tile.s32 @!p0 $0x1;
	_ =	shalt  }
.Lfunc_end2:
_tile_overlayer_lowered:
.L_overlay_start_2:
0x548: {  	(tag) =	ssettag $0x2  }
0x549: {  	s0 =	rddreg [dreg:$0x0];
	s2 =	stileid.u32  }
0x54a: {  	s1 =	rddreg [dreg:$0x1];
	p0 =	sne.s32 s2, $0x0  }
0x54b: {  	s3 =	rddreg [dreg:$0x2];
	[bflag:$0x3] =	sbarrier.arrive $0xFFFF;
	s2 =	simm.s32 @!p0 $0x1C19  }
0x54c: {  	[timem:s3], [sflag:s2] =	dma.local @!p0 [hbm:s0], s1  }
0x54d: {  	s0 =	simm.s32 @!p0 $0x19  }
0x54e: {  	_ =	swait.ge @!p0 [sflag:s0], s1  }
0x54f: {  	s1 =	ssub.s32 @!p0 $0x0, s1;
	[sflag:s0] =	ssyncset.done @!p0 $0x0  }
0x550: {  	[sflag:s0] =	ssyncadd.s32 @!p0 s1  }
0x551: {  	[bflag:$0x3] =	sbarrier.arrive $0xFFFF  }
0x552: {  	_ =	shalt  }

</sc_bundles>
